<compile_context>
chip_gen: v7x
topology: tpu7x:2x2x1
jax: 0.10.2.dev20260603
libtpu: 0.0.44.dev20260713+nightly
codegen_flags: <defaults>
</compile_context>

<pallas_src>
import functools

import jax
import jax.numpy as jnp
import numpy as np
from jax import lax
from jax.experimental import pallas as pl
from jax.experimental.pallas import tpu as pltpu
from jax.experimental.pallas import tpu_sc as plsc

_F32 = jnp.float32
_L = 128


def _mesh():
    return plsc.VectorSubcoreMesh(core_axis_name="c", subcore_axis_name="s")




def _gather_pair(table, src, dst):
    E = src.shape[0]
    CHR = 2
    CH = CHR * _L
    NCHUNK = E // CH
    NW = 32
    NIT = (NCHUNK + NW - 1) // NW

    @functools.partial(
        pl.kernel,
        out_type=(
            jax.ShapeDtypeStruct((E, 128), _F32),
            jax.ShapeDtypeStruct((E, 128), _F32),
        ),
        mesh=_mesh(),
        scratch_types=(
            [pltpu.VMEM((_L,), jnp.int32) for _ in range(2 * CHR)]
            + [pltpu.VMEM((CH, 128), _F32), pltpu.VMEM((CH, 128), _F32),
               pltpu.SemaphoreType.DMA]
        ),
    )
    def k(src_h, dst_h, t_h, xs_h, xd_h, *scr):
        si = scr[:CHR]
        di = scr[CHR:2 * CHR]
        xsv, xdv, sem = scr[2 * CHR:]
        wid = lax.axis_index("s") * 2 + lax.axis_index("c")

        def body(i, carry):
            chunk = wid + NW * i

            @pl.when(chunk < NCHUNK)
            def _():
                e0 = chunk * CH
                ds = []
                for j in range(CHR):
                    ds.append(pltpu.async_copy(
                        src_h.at[pl.ds(e0 + j * _L, _L)], si[j], sem))
                    ds.append(pltpu.async_copy(
                        dst_h.at[pl.ds(e0 + j * _L, _L)], di[j], sem))
                for d in ds:
                    d.wait()
                ds = []
                for j in range(CHR):
                    sl = pl.ds(j * _L, _L)
                    ds.append(pltpu.async_copy(t_h.at[si[j]], xsv.at[sl], sem))
                    ds.append(pltpu.async_copy(t_h.at[di[j]], xdv.at[sl], sem))
                for d in ds:
                    d.wait()
                pltpu.sync_copy(xsv, xs_h.at[pl.ds(e0, CH)])
                pltpu.sync_copy(xdv, xd_h.at[pl.ds(e0, CH)])

            return carry

        lax.fori_loop(0, NIT, body, 0)

    return k(src, dst, table)




def _scatter_add(msg_slabs, dst, zer, n_nodes):
    NCH = len(msg_slabs)
    E = dst.shape[0]
    CH = _L
    NCHUNK = E // CH
    NT = 16
    NIT = (NCHUNK + NT - 1) // NT
    RA = (-(-n_nodes // NT) + 7) // 8 * 8
    RB = n_nodes - (NT - 1) * RA

    @functools.partial(
        pl.kernel,
        out_type=tuple(jax.ShapeDtypeStruct((n_nodes, 32), _F32)
                       for _ in range(NCH)),
        mesh=_mesh(),
        scratch_types=[
            pltpu.VMEM((CH,), jnp.int32),
            pltpu.VMEM((CH, 32), _F32),
            pltpu.VMEM_SHARED((n_nodes, 32), _F32),
            pltpu.SemaphoreType.DMA,
        ],
        compiler_params=pltpu.CompilerParams(use_tc_tiling_on_sc=False),
    )
    def k(*refs):
        msg_h = refs[:NCH]
        dst_h = refs[NCH]
        z_h = refs[NCH + 1]
        out_h = refs[NCH + 2:2 * NCH + 2]
        dj, mv, acc, sem = refs[2 * NCH + 2:]

        c = lax.axis_index("c")
        s = lax.axis_index("s")
        for q in range(NCH):
            mine = (q % 2) == c

            @pl.when(mine & (s < NT - 1))
            def _():
                pltpu.sync_copy(z_h.at[pl.ds(s * RA, RA)],
                                acc.at[pl.ds(s * RA, RA)])

            @pl.when(mine & (s == NT - 1))
            def _():
                pltpu.sync_copy(z_h.at[pl.ds((NT - 1) * RA, RB)],
                                acc.at[pl.ds((NT - 1) * RA, RB)])

            plsc.subcore_barrier()

            @pl.when(mine)
            def _():
                def body(i, carry):
                    chunk = s + NT * i

                    @pl.when(chunk < NCHUNK)
                    def _():
                        e0 = chunk * CH
                        d1 = pltpu.async_copy(
                            msg_h[q].at[pl.ds(e0, CH)], mv, sem)
                        d2 = pltpu.async_copy(
                            dst_h.at[pl.ds(e0, CH)], dj, sem)
                        d1.wait()
                        d2.wait()
                        pltpu.sync_copy(mv, acc.at[dj], add=True)

                    return carry

                lax.fori_loop(0, NIT, body, 0)

            plsc.subcore_barrier()

            @pl.when(mine & (s < NT - 1))
            def _():
                pltpu.sync_copy(acc.at[pl.ds(s * RA, RA)],
                                out_h[q].at[pl.ds(s * RA, RA)])

            @pl.when(mine & (s == NT - 1))
            def _():
                pltpu.sync_copy(acc.at[pl.ds((NT - 1) * RA, RB)],
                                out_h[q].at[pl.ds((NT - 1) * RA, RB)])

            plsc.subcore_barrier()

    return k(*msg_slabs, dst, zer)




def _edge_tc(ev8, eta, xs, xd, F,
             We1, be1, We2, be2, W1e, W1t, W1s, W1d, b1, W2, b2, Ax, As):
    first = ev8 is None
    E = xs.shape[0]
    Dop = W2.shape[1]
    NCH = Dop // 32
    B = 2000
    grid = (E // B,)

    def body(*refs):
        i = 0
        if not first:
            ev8_r = refs[0]
            i = 1
        (eta_r, xs_r, xd_r, We1_r, be1_r, We2_r, be2_r,
         W1e_r, W1t_r, W1s_r, W1d_r, b1_r, W2_r, b2_r, Ax_r, As_r) = \
            refs[i:i + 16]
        outs = refs[i + 16:]
        msg_rs = outs[:NCH]
        xs_v = xs_r[...]
        xd_v = xd_r[...]
        if first:
            ev = xd_v[:, 48:56] - xs_v[:, 48:56]
            outs[NCH][...] = ev
        else:
            ev = ev8_r[...]
        d2 = jnp.sum(ev * ev, axis=1, keepdims=True) + 1e-12
        n = jnp.sqrt(d2)
        inv = 1.0 / n
        step = 20.0 / 31.0
        off = lax.broadcasted_iota(jnp.int32, (1, 32), 1).astype(_F32) * step
        g = jnp.exp((-0.5 / (step * step)) * (n - off) ** 2)
        ee = jnp.maximum(g @ We1_r[...] + be1_r[...], 0.0) @ We2_r[...] \
            + be2_r[...]
        v = ev * inv
        x = v[:, 0:1]; y = v[:, 1:2]; z = v[:, 2:3]
        s3 = float(np.sqrt(3.0)); s15 = float(np.sqrt(15.0))
        s5 = float(np.sqrt(5.0))
        sh = jnp.concatenate([
            jnp.ones_like(x), s3 * x, s3 * y, s3 * z,
            s15 * x * y, s15 * y * z, (s5 / 2.0) * (3.0 * z * z - 1.0),
            s15 * x * z, (s15 / 2.0) * (x * x - y * y),
            jnp.zeros((B, 7), _F32),
        ], axis=1)
        xs_f = xs_v[:, :F]
        h = ee @ W1e_r[...] + eta_r[...] @ W1t_r[...] \
            + xs_v[:, :48] @ W1s_r[...] + xd_v[:, :48] @ W1d_r[...] + b1_r[...]
        h = jnp.maximum(h, 0.0)
        w = h @ W2_r[...] + b2_r[...]
        msg = (xs_f @ Ax_r[...] + sh @ As_r[...]) * w
        for q in range(NCH):
            msg_rs[q][...] = msg[:, q * 32:(q + 1) * 32]

    def eb(d):
        return pl.BlockSpec((B, d), lambda i: (i, 0))

    def wb(shape):
        return pl.BlockSpec(shape, lambda i: (0,) * len(shape))

    in_specs = ([] if first else [eb(8)]) + [
        eb(32), eb(128), eb(128),
        wb(We1.shape), wb(be1.shape), wb(We2.shape), wb(be2.shape),
        wb(W1e.shape), wb(W1t.shape), wb(W1s.shape), wb(W1d.shape),
        wb(b1.shape), wb(W2.shape), wb(b2.shape),
        wb(Ax.shape), wb(As.shape),
    ]
    out_specs = [eb(32) for _ in range(NCH)] + ([eb(8)] if first else [])
    out_shape = [jax.ShapeDtypeStruct((E, 32), _F32) for _ in range(NCH)] \
        + ([jax.ShapeDtypeStruct((E, 8), _F32)] if first else [])
    args = ([] if first else [ev8]) + [eta, xs, xd, We1, be1, We2, be2,
                                       W1e, W1t, W1s, W1d, b1, W2, b2, Ax, As]
    res = pl.pallas_call(
        body, grid=grid, in_specs=in_specs,
        out_specs=out_specs, out_shape=out_shape,
    )(*args)
    if first:
        return tuple(res[:NCH]), res[NCH]
    return tuple(res), None




def _node_update0(agg_slabs, nattr):
    N = nattr.shape[0]
    Bn = 1000
    grid = (N // Bn,)

    def body(*refs):
        agg_rs = refs[:4]
        na_r = refs[4]
        x1_r, x1a_r = refs[5], refs[6]
        u = jnp.concatenate([r[...] for r in agg_rs], axis=1) * 0.25
        m = jnp.mean(u, axis=1, keepdims=True)
        v = jnp.mean((u - m) ** 2, axis=1, keepdims=True)
        upd = (u - m) * lax.rsqrt(v + 1e-5)
        x1 = jnp.concatenate(
            [na_r[...], jnp.zeros((Bn, 80), _F32)], axis=1) + upd
        x1_r[...] = x1
        x1a_r[...] = x1[:, :48]

    def eb(d):
        return pl.BlockSpec((Bn, d), lambda i: (i, 0))

    return pl.pallas_call(
        body,
        grid=grid,
        in_specs=[eb(32)] * 4 + [eb(48)],
        out_specs=[eb(128), eb(48)],
        out_shape=[jax.ShapeDtypeStruct((N, 128), _F32),
                   jax.ShapeDtypeStruct((N, 48), _F32)],
    )(*agg_slabs, nattr)


def _node_update1(agg_slabs, x1a, Wf1, bf1, Wf2, bf2):
    N = x1a.shape[0]
    Bn = 1000
    grid = (N // Bn,)

    def body(*refs):
        agg_rs = refs[:7]
        x1a_r = refs[7]
        Wf1_r, bf1_r, Wf2_r, bf2_r = refs[8:12]
        out_r = refs[12]
        u = jnp.concatenate([r[...] for r in agg_rs], axis=1)[:, :208] * 0.25
        m = jnp.mean(u, axis=1, keepdims=True)
        v = jnp.mean((u - m) ** 2, axis=1, keepdims=True)
        upd = (u - m) * lax.rsqrt(v + 1e-5)
        ne = x1a_r[...] + upd[:, :48]
        h = jnp.maximum(ne @ Wf1_r[...] + bf1_r[...], 0.0)
        out_r[...] = h @ Wf2_r[...] + bf2_r[...]

    def eb(d):
        return pl.BlockSpec((Bn, d), lambda i: (i, 0))

    def wb(shape):
        return pl.BlockSpec(shape, lambda i: (0,) * len(shape))

    return pl.pallas_call(
        body,
        grid=grid,
        in_specs=[eb(32)] * 7 + [eb(48),
                                 wb(Wf1.shape), wb(bf1.shape),
                                 wb(Wf2.shape), wb(bf2.shape)],
        out_specs=eb(48),
        out_shape=jax.ShapeDtypeStruct((N, 48), _F32),
    )(*agg_slabs, x1a, Wf1, bf1, Wf2, bf2)




def kernel(node_attr, coords, batch_id, perturb_mask, edges, edge_type_attr,
           We1, be1, We2, be2,
           L0_We1, L0_be1, L0_We2, L0_be2, L0_A,
           L1_We1, L1_be1, L1_We2, L1_be2, L1_A,
           Wf1, bf1, Wf2, bf2):
    N, ns = node_attr.shape
    E = edges.shape[1]

    src = edges[0].astype(jnp.int32)
    dst = edges[1].astype(jnp.int32)
    table0 = jnp.concatenate(
        [node_attr, coords, jnp.zeros((N, 77), _F32)], axis=1)
    zer = jnp.zeros((N, 32), _F32)

    def r1(b):
        return b.reshape(1, -1)

    W1e0, W1t0 = L0_We1[0:32], L0_We1[32:64]
    W1s0, W1d0 = L0_We1[64:112], L0_We1[112:160]
    A0x = L0_A[:48]
    A0s = jnp.pad(L0_A[48:57], ((0, 7), (0, 0)))

    W1e1, W1t1 = L1_We1[0:32], L1_We1[32:64]
    W1s1, W1d1 = L1_We1[64:112], L1_We1[112:160]
    W2_1 = jnp.pad(L1_We2, ((0, 0), (0, 16)))
    b2_1 = jnp.pad(L1_be2, ((0, 16),))
    A1x = jnp.pad(L1_A[:128], ((0, 0), (0, 16)))
    A1s = jnp.pad(L1_A[128:137], ((0, 7), (0, 16)))

    xs0, xd0 = _gather_pair(table0, src, dst)
    msg0, ev8 = _edge_tc(None, edge_type_attr, xs0, xd0, 48,
                         We1, r1(be1), We2, r1(be2),
                         W1e0, W1t0, W1s0, W1d0, r1(L0_be1),
                         L0_We2, r1(L0_be2), A0x, A0s)
    agg0 = _scatter_add(msg0, dst, zer, N)
    x1, x1a = _node_update0(agg0, node_attr)

    xs1, xd1 = _gather_pair(x1, src, dst)
    msg1, _ = _edge_tc(ev8, edge_type_attr, xs1, xd1, 128,
                       We1, r1(be1), We2, r1(be2),
                       W1e1, W1t1, W1s1, W1d1, r1(L1_be1),
                       W2_1, r1(b2_1), A1x, A1s)
    agg1 = _scatter_add(msg1, dst, zer, N)
    return _node_update1(agg1, x1a, Wf1, r1(bf1), Wf2, r1(bf2))

# --- scband reference (transcript-rebuilt; emitter-appended) ---
"""Pipeline reference for scband-interaction-module-52750788329787 (READ-ONLY COPY).

The authoritative reference and input builder live on the scoring server;
editing this copy changes nothing except your own understanding.
"""

import jax, jax.numpy as jnp
import numpy as np

NS = 48
ES = 32
N_NODES = 50000
N_EDGES = 800000

def gaussian_embed(d, num=32, stop=20.0):
    offsets = jnp.linspace(0.0, stop, num)
    coeff = -0.5 / (offsets[1] - offsets[0]) ** 2
    return jnp.exp(coeff * (d[:, None] - offsets[None, :]) ** 2)

def sph_harm(vec):
    # real spherical harmonics lmax=2, 'component' normalization, on normalized vectors
    n = jnp.sqrt(jnp.sum(vec ** 2, axis=-1, keepdims=True) + 1e-12)
    v = vec / n
    x, y, z = v[:, 0], v[:, 1], v[:, 2]
    s3 = np.sqrt(3.0); s15 = np.sqrt(15.0); s5 = np.sqrt(5.0)
    return jnp.stack([
        jnp.ones_like(x),
        s3 * x, s3 * y, s3 * z,
        s15 * x * y, s15 * y * z, (s5 / 2.0) * (3 * z * z - 1.0), s15 * x * z, (s15 / 2.0) * (x * x - y * y)
    ], axis=-1)

def layernorm(u):
    m = jnp.mean(u, axis=-1, keepdims=True)
    v = jnp.var(u, axis=-1, keepdims=True)
    return (u - m) / jnp.sqrt(v + 1e-5)

def mlp2(x, W1, b1, W2, b2):
    return jax.nn.relu(x @ W1 + b1) @ W2 + b2

def setup_inputs(seed: int = 0) -> dict:
    key = jax.random.key(seed)
    ks = jax.random.split(key, 24)
    N, E, ns, es = N_NODES, N_EDGES, NS, ES
    inp = {}
    inp["node_attr"] = jax.random.normal(ks[0], (N, ns), dtype=jnp.float32)
    inp["coords"] = jax.random.normal(ks[1], (N, 3), dtype=jnp.float32)
    inp["batch_id"] = jnp.sort(jax.random.randint(ks[2], (N,), 0, 64))
    inp["perturb_mask"] = jnp.ones((N,), dtype=bool)
    inp["edges"] = jax.random.randint(ks[3], (2, E), 0, N)
    inp["edge_type_attr"] = jax.random.normal(ks[4], (E, es), dtype=jnp.float32)
    def lin(k, i, o):
        return jax.random.normal(k, (i, o), dtype=jnp.float32) / np.sqrt(i)
    inp["We1"] = lin(ks[5], es, es); inp["be1"] = jnp.zeros((es,), jnp.float32)
    inp["We2"] = lin(ks[6], es, es); inp["be2"] = jnp.zeros((es,), jnp.float32)
    nef = 2 * ns + 2 * es  # 160
    dims = [(ns, 128), (128, 208)]  # irrep dims: 48x0e -> 48+30+50 -> 48+30+50+30+50
    for l, (di, do) in enumerate(dims):
        inp[f"L{l}_We1"] = lin(ks[7 + 3 * l], nef, nef); inp[f"L{l}_be1"] = jnp.zeros((nef,), jnp.float32)
        inp[f"L{l}_We2"] = lin(ks[8 + 3 * l], nef, do); inp[f"L{l}_be2"] = jnp.zeros((do,), jnp.float32)
        inp[f"L{l}_A"] = lin(ks[9 + 3 * l], di + 9, do)
    inp["Wf1"] = lin(ks[15], ns, ns); inp["bf1"] = jnp.zeros((ns,), jnp.float32)
    inp["Wf2"] = lin(ks[16], ns, ns); inp["bf2"] = jnp.zeros((ns,), jnp.float32)
    return inp

def reference(node_attr, coords, batch_id, perturb_mask, edges, edge_type_attr,
              We1, be1, We2, be2,
              L0_We1, L0_be1, L0_We2, L0_be2, L0_A,
              L1_We1, L1_be1, L1_We2, L1_be2, L1_A,
              Wf1, bf1, Wf2, bf2):
    ns = NS
    N = node_attr.shape[0]
    src = edges[0]; dst = edges[1]
    edge_vec = coords[dst] - coords[src]
    edge_sh = sph_harm(edge_vec)
    edge_len = jnp.sqrt(jnp.sum(edge_vec ** 2, axis=-1) + 1e-12)
    elen_emb = mlp2(gaussian_embed(edge_len), We1, be1, We2, be2)
    layers = [(L0_We1, L0_be1, L0_We2, L0_be2, L0_A), (L1_We1, L1_be1, L1_We2, L1_be2, L1_A)]
    x = node_attr
    for (W1, b1, W2, b2, A) in layers:
        edge_attr = jnp.concatenate([elen_emb, edge_type_attr, x[src, :ns], x[dst, :ns]], axis=1)
        w = mlp2(edge_attr, W1, b1, W2, b2)  # per-edge tensor-product weights
        feat = jnp.concatenate([x[src], edge_sh], axis=1)
        msg = (feat @ A) * w
        agg = jax.ops.segment_sum(msg, dst, num_segments=N) / jnp.sqrt(16.0)
        upd = layernorm(agg)
        x = jnp.pad(x, ((0, 0), (0, upd.shape[-1] - x.shape[-1]))) + upd
    node_emb = x[:, :ns]  # num_conv_layers < 3
    out = mlp2(node_emb, Wf1, bf1, Wf2, bf2)
    return out

if __name__ == "__main__":
    import jax
    _d = setup_inputs()
    print(jax.jit(kernel)(*tuple(_d.values())))

</pallas_src>

<mosaic_0001>
#map = affine_map<(d0, d1) -> (0)>
#map1 = affine_map<(d0, d1) -> (0, 0)>
module attributes {stable_mosaic.version = 14 : i64} {
  func.func @k(%arg0: i32, %arg1: i32, %arg2: memref<800000xi32, #tpu.memory_space<hbm>>, %arg3: memref<800000xi32, #tpu.memory_space<hbm>>, %arg4: memref<50000x128xf32, #tpu.memory_space<hbm>>, %arg5: memref<800000x128xf32, #tpu.memory_space<hbm>>, %arg6: memref<800000x128xf32, #tpu.memory_space<hbm>>, %arg7: memref<128xi32, #tpu.memory_space<vmem>>, %arg8: memref<128xi32, #tpu.memory_space<vmem>>, %arg9: memref<128xi32, #tpu.memory_space<vmem>>, %arg10: memref<128xi32, #tpu.memory_space<vmem>>, %arg11: memref<256x128xf32, #tpu.memory_space<vmem>>, %arg12: memref<256x128xf32, #tpu.memory_space<vmem>>, %arg13: memref<!tpu.dma_semaphore, #tpu.memory_space<semaphore_mem>>) attributes {dimension_semantics = [#tpu.dimension_semantics<core_parallel>, #tpu.dimension_semantics<subcore_parallel>], iteration_bounds = array<i64: 2, 16>, scalar_prefetch = 0 : i64, scratch_operands = 7 : i64, tpu.core_type = #tpu.core_type<sc_vector_subcore>, window_params = [{transform_indices = #map}, {transform_indices = #map}, {transform_indices = #map1}, {transform_indices = #map1}, {transform_indices = #map1}]} {
    %mul3A = arith.constant 2 : i32
    %mul3A_0 = arith.muli %arg1, %mul3A : i32
    %add3A = arith.addi %mul3A_0, %arg0 : i32
    %scan3A = arith.constant 0 : i32
    %scan3A_1 = arith.constant 0 : i32
    %scan3A_2 = arith.constant 98 : i32
    %scan3A_3 = arith.addi %scan3A_1, %scan3A_2 : i32
    %scan3A_4 = arith.constant 1 : i32
    scf.for %scan3A_6 = %scan3A_1 to %scan3A_3 step %scan3A_4  : i32 {
      %mul3A_7 = arith.constant 32 : i32
      %mul3A_8 = arith.muli %mul3A_7, %scan3A_6 : i32
      %add3A_9 = arith.addi %add3A, %mul3A_8 : i32
      %lt3A = arith.constant 3125 : i32
      %lt3A_10 = arith.cmpi slt, %add3A_9, %lt3A : i32
      %convert_element_type3A = arith.extui %lt3A_10 : i1 to i32
      %cond3A = arith.constant 0 : i32
      %cond3A_11 = arith.cmpi ne, %convert_element_type3A, %cond3A : i32
      scf.if %cond3A_11 {
        %mul3A_12 = arith.constant 256 : i32
        %mul3A_13 = arith.muli %add3A_9, %mul3A_12 : i32
        %add3A_14 = arith.constant 0 : i32
        %add3A_15 = arith.addi %mul3A_13, %add3A_14 : i32
        %dma_start3A = tpu.memref_slice %arg2[%add3A_15] : memref<800000xi32, #tpu.memory_space<hbm>> -> memref<128xi32, #tpu.memory_space<hbm>>
        %dma_start3A_16 = tpu.memref_slice %arg2[%add3A_15] : memref<800000xi32, #tpu.memory_space<hbm>> -> memref<128xi32, #tpu.memory_space<hbm>>
        tpu.enqueue_dma source(%dma_start3A_16 : memref<128xi32, #tpu.memory_space<hbm>>) target(%arg7 : memref<128xi32, #tpu.memory_space<vmem>>) target_semaphore(%arg13 : memref<!tpu.dma_semaphore, #tpu.memory_space<semaphore_mem>>)
        %add3A_17 = arith.constant 0 : i32
        %add3A_18 = arith.addi %mul3A_13, %add3A_17 : i32
        %dma_start3A_19 = tpu.memref_slice %arg3[%add3A_18] : memref<800000xi32, #tpu.memory_space<hbm>> -> memref<128xi32, #tpu.memory_space<hbm>>
        %dma_start3A_20 = tpu.memref_slice %arg3[%add3A_18] : memref<800000xi32, #tpu.memory_space<hbm>> -> memref<128xi32, #tpu.memory_space<hbm>>
        tpu.enqueue_dma source(%dma_start3A_20 : memref<128xi32, #tpu.memory_space<hbm>>) target(%arg9 : memref<128xi32, #tpu.memory_space<vmem>>) target_semaphore(%arg13 : memref<!tpu.dma_semaphore, #tpu.memory_space<semaphore_mem>>)
        %add3A_21 = arith.constant 128 : i32
        %add3A_22 = arith.addi %mul3A_13, %add3A_21 : i32
        %dma_start3A_23 = tpu.memref_slice %arg2[%add3A_22] : memref<800000xi32, #tpu.memory_space<hbm>> -> memref<128xi32, #tpu.memory_space<hbm>>
        %dma_start3A_24 = tpu.memref_slice %arg2[%add3A_22] : memref<800000xi32, #tpu.memory_space<hbm>> -> memref<128xi32, #tpu.memory_space<hbm>>
        tpu.enqueue_dma source(%dma_start3A_24 : memref<128xi32, #tpu.memory_space<hbm>>) target(%arg8 : memref<128xi32, #tpu.memory_space<vmem>>) target_semaphore(%arg13 : memref<!tpu.dma_semaphore, #tpu.memory_space<semaphore_mem>>)
        %add3A_25 = arith.constant 128 : i32
        %add3A_26 = arith.addi %mul3A_13, %add3A_25 : i32
        %dma_start3A_27 = tpu.memref_slice %arg3[%add3A_26] : memref<800000xi32, #tpu.memory_space<hbm>> -> memref<128xi32, #tpu.memory_space<hbm>>
        %dma_start3A_28 = tpu.memref_slice %arg3[%add3A_26] : memref<800000xi32, #tpu.memory_space<hbm>> -> memref<128xi32, #tpu.memory_space<hbm>>
        tpu.enqueue_dma source(%dma_start3A_28 : memref<128xi32, #tpu.memory_space<hbm>>) target(%arg10 : memref<128xi32, #tpu.memory_space<vmem>>) target_semaphore(%arg13 : memref<!tpu.dma_semaphore, #tpu.memory_space<semaphore_mem>>)
        %dma_wait3A = tpu.memref_slice %arg2[%add3A_15] : memref<800000xi32, #tpu.memory_space<hbm>> -> memref<128xi32, #tpu.memory_space<hbm>>
        %dma_wait3A_29 = tpu.memref_slice %arg2[%add3A_15] : memref<800000xi32, #tpu.memory_space<hbm>> -> memref<128xi32, #tpu.memory_space<hbm>>
        tpu.wait_dma2 semaphore(%arg13 : memref<!tpu.dma_semaphore, #tpu.memory_space<semaphore_mem>>) src(%dma_wait3A_29 : memref<128xi32, #tpu.memory_space<hbm>>) dst(%arg7 : memref<128xi32, #tpu.memory_space<vmem>>)
        %dma_wait3A_30 = tpu.memref_slice %arg3[%add3A_18] : memref<800000xi32, #tpu.memory_space<hbm>> -> memref<128xi32, #tpu.memory_space<hbm>>
        %dma_wait3A_31 = tpu.memref_slice %arg3[%add3A_18] : memref<800000xi32, #tpu.memory_space<hbm>> -> memref<128xi32, #tpu.memory_space<hbm>>
        tpu.wait_dma2 semaphore(%arg13 : memref<!tpu.dma_semaphore, #tpu.memory_space<semaphore_mem>>) src(%dma_wait3A_31 : memref<128xi32, #tpu.memory_space<hbm>>) dst(%arg9 : memref<128xi32, #tpu.memory_space<vmem>>)
        %dma_wait3A_32 = tpu.memref_slice %arg2[%add3A_22] : memref<800000xi32, #tpu.memory_space<hbm>> -> memref<128xi32, #tpu.memory_space<hbm>>
        %dma_wait3A_33 = tpu.memref_slice %arg2[%add3A_22] : memref<800000xi32, #tpu.memory_space<hbm>> -> memref<128xi32, #tpu.memory_space<hbm>>
        tpu.wait_dma2 semaphore(%arg13 : memref<!tpu.dma_semaphore, #tpu.memory_space<semaphore_mem>>) src(%dma_wait3A_33 : memref<128xi32, #tpu.memory_space<hbm>>) dst(%arg8 : memref<128xi32, #tpu.memory_space<vmem>>)
        %dma_wait3A_34 = tpu.memref_slice %arg3[%add3A_26] : memref<800000xi32, #tpu.memory_space<hbm>> -> memref<128xi32, #tpu.memory_space<hbm>>
        %dma_wait3A_35 = tpu.memref_slice %arg3[%add3A_26] : memref<800000xi32, #tpu.memory_space<hbm>> -> memref<128xi32, #tpu.memory_space<hbm>>
        tpu.wait_dma2 semaphore(%arg13 : memref<!tpu.dma_semaphore, #tpu.memory_space<semaphore_mem>>) src(%dma_wait3A_35 : memref<128xi32, #tpu.memory_space<hbm>>) dst(%arg10 : memref<128xi32, #tpu.memory_space<vmem>>)
        %dma_start3A_36 = arith.constant 0 : i32
        %dma_start3A_37 = arith.constant 0 : i32
        %dma_start3A_38 = tpu.memref_slice %arg11[%dma_start3A_36, %dma_start3A_37] : memref<256x128xf32, #tpu.memory_space<vmem>> -> memref<128x128xf32, #tpu.memory_space<vmem>>
        %dma_start3A_39 = arith.constant 0 : i32
        %dma_start3A_40 = arith.constant 0 : i32
        %dma_start3A_41 = tpu.memref_slice %arg4[%dma_start3A_39, %dma_start3A_40] : memref<50000x128xf32, #tpu.memory_space<hbm>> -> memref<50000x128xf32, #tpu.memory_space<hbm>>
        tpu.enqueue_indirect_dma source(%dma_start3A_41 : memref<50000x128xf32, #tpu.memory_space<hbm>>) target(%dma_start3A_38 : memref<128x128xf32, #tpu.memory_space<vmem>>) offsets(%arg7 : memref<128xi32, #tpu.memory_space<vmem>>) semaphore(%arg13 : memref<!tpu.dma_semaphore, #tpu.memory_space<semaphore_mem>>)
        %dma_start3A_42 = arith.constant 0 : i32
        %dma_start3A_43 = arith.constant 0 : i32
        %dma_start3A_44 = tpu.memref_slice %arg12[%dma_start3A_42, %dma_start3A_43] : memref<256x128xf32, #tpu.memory_space<vmem>> -> memref<128x128xf32, #tpu.memory_space<vmem>>
        %dma_start3A_45 = arith.constant 0 : i32
        %dma_start3A_46 = arith.constant 0 : i32
        %dma_start3A_47 = tpu.memref_slice %arg4[%dma_start3A_45, %dma_start3A_46] : memref<50000x128xf32, #tpu.memory_space<hbm>> -> memref<50000x128xf32, #tpu.memory_space<hbm>>
        tpu.enqueue_indirect_dma source(%dma_start3A_47 : memref<50000x128xf32, #tpu.memory_space<hbm>>) target(%dma_start3A_44 : memref<128x128xf32, #tpu.memory_space<vmem>>) offsets(%arg9 : memref<128xi32, #tpu.memory_space<vmem>>) semaphore(%arg13 : memref<!tpu.dma_semaphore, #tpu.memory_space<semaphore_mem>>)
        %dma_start3A_48 = arith.constant 128 : i32
        %dma_start3A_49 = arith.constant 0 : i32
        %dma_start3A_50 = tpu.memref_slice %arg11[%dma_start3A_48, %dma_start3A_49] : memref<256x128xf32, #tpu.memory_space<vmem>> -> memref<128x128xf32, #tpu.memory_space<vmem>>
        %dma_start3A_51 = arith.constant 0 : i32
        %dma_start3A_52 = arith.constant 0 : i32
        %dma_start3A_53 = tpu.memref_slice %arg4[%dma_start3A_51, %dma_start3A_52] : memref<50000x128xf32, #tpu.memory_space<hbm>> -> memref<50000x128xf32, #tpu.memory_space<hbm>>
        tpu.enqueue_indirect_dma source(%dma_start3A_53 : memref<50000x128xf32, #tpu.memory_space<hbm>>) target(%dma_start3A_50 : memref<128x128xf32, #tpu.memory_space<vmem>>) offsets(%arg8 : memref<128xi32, #tpu.memory_space<vmem>>) semaphore(%arg13 : memref<!tpu.dma_semaphore, #tpu.memory_space<semaphore_mem>>)
        %dma_start3A_54 = arith.constant 128 : i32
        %dma_start3A_55 = arith.constant 0 : i32
        %dma_start3A_56 = tpu.memref_slice %arg12[%dma_start3A_54, %dma_start3A_55] : memref<256x128xf32, #tpu.memory_space<vmem>> -> memref<128x128xf32, #tpu.memory_space<vmem>>
        %dma_start3A_57 = arith.constant 0 : i32
        %dma_start3A_58 = arith.constant 0 : i32
        %dma_start3A_59 = tpu.memref_slice %arg4[%dma_start3A_57, %dma_start3A_58] : memref<50000x128xf32, #tpu.memory_space<hbm>> -> memref<50000x128xf32, #tpu.memory_space<hbm>>
        tpu.enqueue_indirect_dma source(%dma_start3A_59 : memref<50000x128xf32, #tpu.memory_space<hbm>>) target(%dma_start3A_56 : memref<128x128xf32, #tpu.memory_space<vmem>>) offsets(%arg10 : memref<128xi32, #tpu.memory_space<vmem>>) semaphore(%arg13 : memref<!tpu.dma_semaphore, #tpu.memory_space<semaphore_mem>>)
        %dma_wait3A_60 = arith.constant 0 : i32
        %dma_wait3A_61 = arith.constant 0 : i32
        %dma_wait3A_62 = tpu.memref_slice %arg11[%dma_wait3A_60, %dma_wait3A_61] : memref<256x128xf32, #tpu.memory_space<vmem>> -> memref<128x128xf32, #tpu.memory_space<vmem>>
        %dma_wait3A_63 = arith.constant 0 : i32
        %dma_wait3A_64 = arith.constant 0 : i32
        %dma_wait3A_65 = tpu.memref_slice %arg4[%dma_wait3A_63, %dma_wait3A_64] : memref<50000x128xf32, #tpu.memory_space<hbm>> -> memref<50000x128xf32, #tpu.memory_space<hbm>>
        tpu.wait_indirect_dma semaphore(%arg13 : memref<!tpu.dma_semaphore, #tpu.memory_space<semaphore_mem>>) src(%dma_wait3A_65 : memref<50000x128xf32, #tpu.memory_space<hbm>>) dst(%dma_wait3A_62 : memref<128x128xf32, #tpu.memory_space<vmem>>)
        %dma_wait3A_66 = arith.constant 0 : i32
        %dma_wait3A_67 = arith.constant 0 : i32
        %dma_wait3A_68 = tpu.memref_slice %arg12[%dma_wait3A_66, %dma_wait3A_67] : memref<256x128xf32, #tpu.memory_space<vmem>> -> memref<128x128xf32, #tpu.memory_space<vmem>>
        %dma_wait3A_69 = arith.constant 0 : i32
        %dma_wait3A_70 = arith.constant 0 : i32
        %dma_wait3A_71 = tpu.memref_slice %arg4[%dma_wait3A_69, %dma_wait3A_70] : memref<50000x128xf32, #tpu.memory_space<hbm>> -> memref<50000x128xf32, #tpu.memory_space<hbm>>
        tpu.wait_indirect_dma semaphore(%arg13 : memref<!tpu.dma_semaphore, #tpu.memory_space<semaphore_mem>>) src(%dma_wait3A_71 : memref<50000x128xf32, #tpu.memory_space<hbm>>) dst(%dma_wait3A_68 : memref<128x128xf32, #tpu.memory_space<vmem>>)
        %dma_wait3A_72 = arith.constant 128 : i32
        %dma_wait3A_73 = arith.constant 0 : i32
        %dma_wait3A_74 = tpu.memref_slice %arg11[%dma_wait3A_72, %dma_wait3A_73] : memref<256x128xf32, #tpu.memory_space<vmem>> -> memref<128x128xf32, #tpu.memory_space<vmem>>
        %dma_wait3A_75 = arith.constant 0 : i32
        %dma_wait3A_76 = arith.constant 0 : i32
        %dma_wait3A_77 = tpu.memref_slice %arg4[%dma_wait3A_75, %dma_wait3A_76] : memref<50000x128xf32, #tpu.memory_space<hbm>> -> memref<50000x128xf32, #tpu.memory_space<hbm>>
        tpu.wait_indirect_dma semaphore(%arg13 : memref<!tpu.dma_semaphore, #tpu.memory_space<semaphore_mem>>) src(%dma_wait3A_77 : memref<50000x128xf32, #tpu.memory_space<hbm>>) dst(%dma_wait3A_74 : memref<128x128xf32, #tpu.memory_space<vmem>>)
        %dma_wait3A_78 = arith.constant 128 : i32
        %dma_wait3A_79 = arith.constant 0 : i32
        %dma_wait3A_80 = tpu.memref_slice %arg12[%dma_wait3A_78, %dma_wait3A_79] : memref<256x128xf32, #tpu.memory_space<vmem>> -> memref<128x128xf32, #tpu.memory_space<vmem>>
        %dma_wait3A_81 = arith.constant 0 : i32
        %dma_wait3A_82 = arith.constant 0 : i32
        %dma_wait3A_83 = tpu.memref_slice %arg4[%dma_wait3A_81, %dma_wait3A_82] : memref<50000x128xf32, #tpu.memory_space<hbm>> -> memref<50000x128xf32, #tpu.memory_space<hbm>>
        tpu.wait_indirect_dma semaphore(%arg13 : memref<!tpu.dma_semaphore, #tpu.memory_space<semaphore_mem>>) src(%dma_wait3A_83 : memref<50000x128xf32, #tpu.memory_space<hbm>>) dst(%dma_wait3A_80 : memref<128x128xf32, #tpu.memory_space<vmem>>)
        "tpu.region"() ({
          %run_scoped3A = tpu.sem_alloc : memref<!tpu.dma_semaphore, #tpu.memory_space<semaphore_mem>>
          %dma_start3A_84 = arith.constant 0 : i32
          %dma_start3A_85 = tpu.memref_slice %arg5[%mul3A_13, %dma_start3A_84] : memref<800000x128xf32, #tpu.memory_space<hbm>> -> memref<256x128xf32, #tpu.memory_space<hbm>>
          %dma_start3A_86 = arith.constant 0 : i32
          %dma_start3A_87 = tpu.memref_slice %arg5[%mul3A_13, %dma_start3A_86] : memref<800000x128xf32, #tpu.memory_space<hbm>> -> memref<256x128xf32, #tpu.memory_space<hbm>>
          tpu.enqueue_dma source(%arg11 : memref<256x128xf32, #tpu.memory_space<vmem>>) target(%dma_start3A_87 : memref<256x128xf32, #tpu.memory_space<hbm>>) target_semaphore(%run_scoped3A : memref<!tpu.dma_semaphore, #tpu.memory_space<semaphore_mem>>)
          %dma_wait3A_88 = arith.constant 0 : i32
          %dma_wait3A_89 = tpu.memref_slice %arg5[%mul3A_13, %dma_wait3A_88] : memref<800000x128xf32, #tpu.memory_space<hbm>> -> memref<256x128xf32, #tpu.memory_space<hbm>>
          %dma_wait3A_90 = arith.constant 0 : i32
          %dma_wait3A_91 = tpu.memref_slice %arg5[%mul3A_13, %dma_wait3A_90] : memref<800000x128xf32, #tpu.memory_space<hbm>> -> memref<256x128xf32, #tpu.memory_space<hbm>>
          tpu.wait_dma2 semaphore(%run_scoped3A : memref<!tpu.dma_semaphore, #tpu.memory_space<semaphore_mem>>) src(%arg11 : memref<256x128xf32, #tpu.memory_space<vmem>>) dst(%dma_wait3A_91 : memref<256x128xf32, #tpu.memory_space<hbm>>)
          tpu.yield
        }) : () -> ()
        "tpu.region"() ({
          %run_scoped3A = tpu.sem_alloc : memref<!tpu.dma_semaphore, #tpu.memory_space<semaphore_mem>>
          %dma_start3A_84 = arith.constant 0 : i32
          %dma_start3A_85 = tpu.memref_slice %arg6[%mul3A_13, %dma_start3A_84] : memref<800000x128xf32, #tpu.memory_space<hbm>> -> memref<256x128xf32, #tpu.memory_space<hbm>>
          %dma_start3A_86 = arith.constant 0 : i32
          %dma_start3A_87 = tpu.memref_slice %arg6[%mul3A_13, %dma_start3A_86] : memref<800000x128xf32, #tpu.memory_space<hbm>> -> memref<256x128xf32, #tpu.memory_space<hbm>>
          tpu.enqueue_dma source(%arg12 : memref<256x128xf32, #tpu.memory_space<vmem>>) target(%dma_start3A_87 : memref<256x128xf32, #tpu.memory_space<hbm>>) target_semaphore(%run_scoped3A : memref<!tpu.dma_semaphore, #tpu.memory_space<semaphore_mem>>)
          %dma_wait3A_88 = arith.constant 0 : i32
          %dma_wait3A_89 = tpu.memref_slice %arg6[%mul3A_13, %dma_wait3A_88] : memref<800000x128xf32, #tpu.memory_space<hbm>> -> memref<256x128xf32, #tpu.memory_space<hbm>>
          %dma_wait3A_90 = arith.constant 0 : i32
          %dma_wait3A_91 = tpu.memref_slice %arg6[%mul3A_13, %dma_wait3A_90] : memref<800000x128xf32, #tpu.memory_space<hbm>> -> memref<256x128xf32, #tpu.memory_space<hbm>>
          tpu.wait_dma2 semaphore(%run_scoped3A : memref<!tpu.dma_semaphore, #tpu.memory_space<semaphore_mem>>) src(%arg12 : memref<256x128xf32, #tpu.memory_space<vmem>>) dst(%dma_wait3A_91 : memref<256x128xf32, #tpu.memory_space<hbm>>)
          tpu.yield
        }) : () -> ()
      } else {
      }
    }
    %scan3A_5 = arith.constant 98 : i32
    return
  }
}

#map = affine_map<(d0, d1) -> (0, 0)>
#map1 = affine_map<(d0, d1) -> (0)>
module attributes {stable_mosaic.version = 14 : i64} {
  func.func @k(%arg0: i32, %arg1: i32, %arg2: memref<800000x32xf32, #tpu.memory_space<hbm>>, %arg3: memref<800000x32xf32, #tpu.memory_space<hbm>>, %arg4: memref<800000x32xf32, #tpu.memory_space<hbm>>, %arg5: memref<800000x32xf32, #tpu.memory_space<hbm>>, %arg6: memref<800000x32xf32, #tpu.memory_space<hbm>>, %arg7: memref<800000x32xf32, #tpu.memory_space<hbm>>, %arg8: memref<800000x32xf32, #tpu.memory_space<hbm>>, %arg9: memref<800000xi32, #tpu.memory_space<hbm>>, %arg10: memref<50000x32xf32, #tpu.memory_space<hbm>>, %arg11: memref<50000x32xf32, #tpu.memory_space<hbm>>, %arg12: memref<50000x32xf32, #tpu.memory_space<hbm>>, %arg13: memref<50000x32xf32, #tpu.memory_space<hbm>>, %arg14: memref<50000x32xf32, #tpu.memory_space<hbm>>, %arg15: memref<50000x32xf32, #tpu.memory_space<hbm>>, %arg16: memref<50000x32xf32, #tpu.memory_space<hbm>>, %arg17: memref<50000x32xf32, #tpu.memory_space<hbm>>, %arg18: memref<128xi32, #tpu.memory_space<vmem>>, %arg19: memref<128x32xf32, #tpu.memory_space<vmem>>, %arg20: memref<50000x32xf32, #tpu.memory_space<vmem_shared>>, %arg21: memref<!tpu.dma_semaphore, #tpu.memory_space<semaphore_mem>>) attributes {dimension_semantics = [#tpu.dimension_semantics<core_parallel>, #tpu.dimension_semantics<subcore_parallel>], iteration_bounds = array<i64: 2, 16>, scalar_prefetch = 0 : i64, scratch_operands = 4 : i64, tpu.core_type = #tpu.core_type<sc_vector_subcore>, window_params = [{transform_indices = #map}, {transform_indices = #map}, {transform_indices = #map}, {transform_indices = #map}, {transform_indices = #map}, {transform_indices = #map}, {transform_indices = #map}, {transform_indices = #map1}, {transform_indices = #map}, {transform_indices = #map}, {transform_indices = #map}, {transform_indices = #map}, {transform_indices = #map}, {transform_indices = #map}, {transform_indices = #map}, {transform_indices = #map}]} {
    %eq3A = arith.constant 0 : i32
    %eq3A_0 = arith.cmpi eq, %arg0, %eq3A : i32
    %lt3A = arith.constant 15 : i32
    %lt3A_1 = arith.cmpi slt, %arg1, %lt3A : i32
    %and3A = arith.andi %eq3A_0, %lt3A_1 : i1
    %convert_element_type3A = arith.extui %and3A : i1 to i32
    %cond3A = arith.constant 0 : i32
    %cond3A_2 = arith.cmpi ne, %convert_element_type3A, %cond3A : i32
    scf.if %cond3A_2 {
      %mul3A = arith.constant 3128 : i32
      %mul3A_218 = arith.muli %arg1, %mul3A : i32
      %mul3A_219 = arith.constant 3128 : i32
      %mul3A_220 = arith.muli %arg1, %mul3A_219 : i32
      "tpu.region"() ({
        %run_scoped3A = tpu.sem_alloc : memref<!tpu.dma_semaphore, #tpu.memory_space<semaphore_mem>>
        %dma_start3A = arith.constant 0 : i32
        %dma_start3A_221 = tpu.memref_slice %arg20[%mul3A_220, %dma_start3A] : memref<50000x32xf32, #tpu.memory_space<vmem_shared>> -> memref<3128x32xf32, #tpu.memory_space<vmem_shared>>
        %dma_start3A_222 = arith.constant 0 : i32
        %dma_start3A_223 = tpu.memref_slice %arg10[%mul3A_218, %dma_start3A_222] : memref<50000x32xf32, #tpu.memory_space<hbm>> -> memref<3128x32xf32, #tpu.memory_space<hbm>>
        tpu.enqueue_dma source(%dma_start3A_223 : memref<3128x32xf32, #tpu.memory_space<hbm>>) target(%dma_start3A_221 : memref<3128x32xf32, #tpu.memory_space<vmem_shared>>) target_semaphore(%run_scoped3A : memref<!tpu.dma_semaphore, #tpu.memory_space<semaphore_mem>>)
        %dma_wait3A = arith.constant 0 : i32
        %dma_wait3A_224 = tpu.memref_slice %arg20[%mul3A_220, %dma_wait3A] : memref<50000x32xf32, #tpu.memory_space<vmem_shared>> -> memref<3128x32xf32, #tpu.memory_space<vmem_shared>>
        %dma_wait3A_225 = arith.constant 0 : i32
        %dma_wait3A_226 = tpu.memref_slice %arg10[%mul3A_218, %dma_wait3A_225] : memref<50000x32xf32, #tpu.memory_space<hbm>> -> memref<3128x32xf32, #tpu.memory_space<hbm>>
        tpu.wait_dma2 semaphore(%run_scoped3A : memref<!tpu.dma_semaphore, #tpu.memory_space<semaphore_mem>>) src(%dma_wait3A_226 : memref<3128x32xf32, #tpu.memory_space<hbm>>) dst(%dma_wait3A_224 : memref<3128x32xf32, #tpu.memory_space<vmem_shared>>)
        tpu.yield
      }) : () -> ()
    } else {
    }
    %eq3A_3 = arith.constant 15 : i32
    %eq3A_4 = arith.cmpi eq, %arg1, %eq3A_3 : i32
    %and3A_5 = arith.andi %eq3A_0, %eq3A_4 : i1
    %convert_element_type3A_6 = arith.extui %and3A_5 : i1 to i32
    %cond3A_7 = arith.constant 0 : i32
    %cond3A_8 = arith.cmpi ne, %convert_element_type3A_6, %cond3A_7 : i32
    scf.if %cond3A_8 {
      "tpu.region"() ({
        %run_scoped3A = tpu.sem_alloc : memref<!tpu.dma_semaphore, #tpu.memory_space<semaphore_mem>>
        %dma_start3A = arith.constant 46920 : i32
        %dma_start3A_218 = arith.constant 0 : i32
        %dma_start3A_219 = tpu.memref_slice %arg20[%dma_start3A, %dma_start3A_218] : memref<50000x32xf32, #tpu.memory_space<vmem_shared>> -> memref<3080x32xf32, #tpu.memory_space<vmem_shared>>
        %dma_start3A_220 = arith.constant 46920 : i32
        %dma_start3A_221 = arith.constant 0 : i32
        %dma_start3A_222 = tpu.memref_slice %arg10[%dma_start3A_220, %dma_start3A_221] : memref<50000x32xf32, #tpu.memory_space<hbm>> -> memref<3080x32xf32, #tpu.memory_space<hbm>>
        tpu.enqueue_dma source(%dma_start3A_222 : memref<3080x32xf32, #tpu.memory_space<hbm>>) target(%dma_start3A_219 : memref<3080x32xf32, #tpu.memory_space<vmem_shared>>) target_semaphore(%run_scoped3A : memref<!tpu.dma_semaphore, #tpu.memory_space<semaphore_mem>>)
        %dma_wait3A = arith.constant 46920 : i32
        %dma_wait3A_223 = arith.constant 0 : i32
        %dma_wait3A_224 = tpu.memref_slice %arg20[%dma_wait3A, %dma_wait3A_223] : memref<50000x32xf32, #tpu.memory_space<vmem_shared>> -> memref<3080x32xf32, #tpu.memory_space<vmem_shared>>
        %dma_wait3A_225 = arith.constant 46920 : i32
        %dma_wait3A_226 = arith.constant 0 : i32
        %dma_wait3A_227 = tpu.memref_slice %arg10[%dma_wait3A_225, %dma_wait3A_226] : memref<50000x32xf32, #tpu.memory_space<hbm>> -> memref<3080x32xf32, #tpu.memory_space<hbm>>
        tpu.wait_dma2 semaphore(%run_scoped3A : memref<!tpu.dma_semaphore, #tpu.memory_space<semaphore_mem>>) src(%dma_wait3A_227 : memref<3080x32xf32, #tpu.memory_space<hbm>>) dst(%dma_wait3A_224 : memref<3080x32xf32, #tpu.memory_space<vmem_shared>>)
        tpu.yield
      }) : () -> ()
    } else {
    }
    %barrier3A = arith.constant 0 : index
    tpu.barrier barrier_id(%barrier3A)
    %convert_element_type3A_9 = arith.extui %eq3A_0 : i1 to i32
    %cond3A_10 = arith.constant 0 : i32
    %cond3A_11 = arith.cmpi ne, %convert_element_type3A_9, %cond3A_10 : i32
    scf.if %cond3A_11 {
      %scan3A = arith.constant 0 : i32
      %scan3A_218 = arith.constant 0 : i32
      %scan3A_219 = arith.constant 391 : i32
      %scan3A_220 = arith.addi %scan3A_218, %scan3A_219 : i32
      %scan3A_221 = arith.constant 1 : i32
      scf.for %scan3A_223 = %scan3A_218 to %scan3A_220 step %scan3A_221  : i32 {
        %mul3A = arith.constant 16 : i32
        %mul3A_224 = arith.muli %mul3A, %scan3A_223 : i32
        %add3A = arith.addi %arg1, %mul3A_224 : i32
        %lt3A_225 = arith.constant 6250 : i32
        %lt3A_226 = arith.cmpi slt, %add3A, %lt3A_225 : i32
        %convert_element_type3A_227 = arith.extui %lt3A_226 : i1 to i32
        %cond3A_228 = arith.constant 0 : i32
        %cond3A_229 = arith.cmpi ne, %convert_element_type3A_227, %cond3A_228 : i32
        scf.if %cond3A_229 {
          %mul3A_230 = arith.constant 128 : i32
          %mul3A_231 = arith.muli %add3A, %mul3A_230 : i32
          %dma_start3A = arith.constant 0 : i32
          %dma_start3A_232 = tpu.memref_slice %arg2[%mul3A_231, %dma_start3A] : memref<800000x32xf32, #tpu.memory_space<hbm>> -> memref<128x32xf32, #tpu.memory_space<hbm>>
          %dma_start3A_233 = arith.constant 0 : i32
          %dma_start3A_234 = tpu.memref_slice %arg2[%mul3A_231, %dma_start3A_233] : memref<800000x32xf32, #tpu.memory_space<hbm>> -> memref<128x32xf32, #tpu.memory_space<hbm>>
          tpu.enqueue_dma source(%dma_start3A_234 : memref<128x32xf32, #tpu.memory_space<hbm>>) target(%arg19 : memref<128x32xf32, #tpu.memory_space<vmem>>) target_semaphore(%arg21 : memref<!tpu.dma_semaphore, #tpu.memory_space<semaphore_mem>>)
          %dma_start3A_235 = tpu.memref_slice %arg9[%mul3A_231] : memref<800000xi32, #tpu.memory_space<hbm>> -> memref<128xi32, #tpu.memory_space<hbm>>
          %dma_start3A_236 = tpu.memref_slice %arg9[%mul3A_231] : memref<800000xi32, #tpu.memory_space<hbm>> -> memref<128xi32, #tpu.memory_space<hbm>>
          tpu.enqueue_dma source(%dma_start3A_236 : memref<128xi32, #tpu.memory_space<hbm>>) target(%arg18 : memref<128xi32, #tpu.memory_space<vmem>>) target_semaphore(%arg21 : memref<!tpu.dma_semaphore, #tpu.memory_space<semaphore_mem>>)
          %dma_wait3A = arith.constant 0 : i32
          %dma_wait3A_237 = tpu.memref_slice %arg2[%mul3A_231, %dma_wait3A] : memref<800000x32xf32, #tpu.memory_space<hbm>> -> memref<128x32xf32, #tpu.memory_space<hbm>>
          %dma_wait3A_238 = arith.constant 0 : i32
          %dma_wait3A_239 = tpu.memref_slice %arg2[%mul3A_231, %dma_wait3A_238] : memref<800000x32xf32, #tpu.memory_space<hbm>> -> memref<128x32xf32, #tpu.memory_space<hbm>>
          tpu.wait_dma2 semaphore(%arg21 : memref<!tpu.dma_semaphore, #tpu.memory_space<semaphore_mem>>) src(%dma_wait3A_239 : memref<128x32xf32, #tpu.memory_space<hbm>>) dst(%arg19 : memref<128x32xf32, #tpu.memory_space<vmem>>)
          %dma_wait3A_240 = tpu.memref_slice %arg9[%mul3A_231] : memref<800000xi32, #tpu.memory_space<hbm>> -> memref<128xi32, #tpu.memory_space<hbm>>
          %dma_wait3A_241 = tpu.memref_slice %arg9[%mul3A_231] : memref<800000xi32, #tpu.memory_space<hbm>> -> memref<128xi32, #tpu.memory_space<hbm>>
          tpu.wait_dma2 semaphore(%arg21 : memref<!tpu.dma_semaphore, #tpu.memory_space<semaphore_mem>>) src(%dma_wait3A_241 : memref<128xi32, #tpu.memory_space<hbm>>) dst(%arg18 : memref<128xi32, #tpu.memory_space<vmem>>)
          "tpu.region"() ({
            %run_scoped3A = tpu.sem_alloc : memref<!tpu.dma_semaphore, #tpu.memory_space<semaphore_mem>>
            %dma_start3A_242 = arith.constant 0 : i32
            %dma_start3A_243 = arith.constant 0 : i32
            %dma_start3A_244 = tpu.memref_slice %arg20[%dma_start3A_242, %dma_start3A_243] : memref<50000x32xf32, #tpu.memory_space<vmem_shared>> -> memref<50000x32xf32, #tpu.memory_space<vmem_shared>>
            tpu.enqueue_indirect_dma source(%arg19 : memref<128x32xf32, #tpu.memory_space<vmem>>) target(%dma_start3A_244 : memref<50000x32xf32, #tpu.memory_space<vmem_shared>>) offsets(%arg18 : memref<128xi32, #tpu.memory_space<vmem>>) semaphore(%run_scoped3A : memref<!tpu.dma_semaphore, #tpu.memory_space<semaphore_mem>>) {add = true}
            %dma_wait3A_245 = arith.constant 0 : i32
            %dma_wait3A_246 = arith.constant 0 : i32
            %dma_wait3A_247 = tpu.memref_slice %arg20[%dma_wait3A_245, %dma_wait3A_246] : memref<50000x32xf32, #tpu.memory_space<vmem_shared>> -> memref<50000x32xf32, #tpu.memory_space<vmem_shared>>
            tpu.wait_indirect_dma semaphore(%run_scoped3A : memref<!tpu.dma_semaphore, #tpu.memory_space<semaphore_mem>>) src(%arg19 : memref<128x32xf32, #tpu.memory_space<vmem>>) dst(%dma_wait3A_247 : memref<50000x32xf32, #tpu.memory_space<vmem_shared>>)
            tpu.yield
          }) : () -> ()
        } else {
        }
      }
      %scan3A_222 = arith.constant 391 : i32
    } else {
    }
    %barrier3A_12 = arith.constant 0 : index
    tpu.barrier barrier_id(%barrier3A_12)
    %lt3A_13 = arith.constant 15 : i32
    %lt3A_14 = arith.cmpi slt, %arg1, %lt3A_13 : i32
    %and3A_15 = arith.andi %eq3A_0, %lt3A_14 : i1
    %convert_element_type3A_16 = arith.extui %and3A_15 : i1 to i32
    %cond3A_17 = arith.constant 0 : i32
    %cond3A_18 = arith.cmpi ne, %convert_element_type3A_16, %cond3A_17 : i32
    scf.if %cond3A_18 {
      %mul3A = arith.constant 3128 : i32
      %mul3A_218 = arith.muli %arg1, %mul3A : i32
      %mul3A_219 = arith.constant 3128 : i32
      %mul3A_220 = arith.muli %arg1, %mul3A_219 : i32
      "tpu.region"() ({
        %run_scoped3A = tpu.sem_alloc : memref<!tpu.dma_semaphore, #tpu.memory_space<semaphore_mem>>
        %dma_start3A = arith.constant 0 : i32
        %dma_start3A_221 = tpu.memref_slice %arg11[%mul3A_220, %dma_start3A] : memref<50000x32xf32, #tpu.memory_space<hbm>> -> memref<3128x32xf32, #tpu.memory_space<hbm>>
        %dma_start3A_222 = arith.constant 0 : i32
        %dma_start3A_223 = tpu.memref_slice %arg20[%mul3A_218, %dma_start3A_222] : memref<50000x32xf32, #tpu.memory_space<vmem_shared>> -> memref<3128x32xf32, #tpu.memory_space<vmem_shared>>
        tpu.enqueue_dma source(%dma_start3A_223 : memref<3128x32xf32, #tpu.memory_space<vmem_shared>>) target(%dma_start3A_221 : memref<3128x32xf32, #tpu.memory_space<hbm>>) target_semaphore(%run_scoped3A : memref<!tpu.dma_semaphore, #tpu.memory_space<semaphore_mem>>)
        %dma_wait3A = arith.constant 0 : i32
        %dma_wait3A_224 = tpu.memref_slice %arg11[%mul3A_220, %dma_wait3A] : memref<50000x32xf32, #tpu.memory_space<hbm>> -> memref<3128x32xf32, #tpu.memory_space<hbm>>
        %dma_wait3A_225 = arith.constant 0 : i32
        %dma_wait3A_226 = tpu.memref_slice %arg20[%mul3A_218, %dma_wait3A_225] : memref<50000x32xf32, #tpu.memory_space<vmem_shared>> -> memref<3128x32xf32, #tpu.memory_space<vmem_shared>>
        tpu.wait_dma2 semaphore(%run_scoped3A : memref<!tpu.dma_semaphore, #tpu.memory_space<semaphore_mem>>) src(%dma_wait3A_226 : memref<3128x32xf32, #tpu.memory_space<vmem_shared>>) dst(%dma_wait3A_224 : memref<3128x32xf32, #tpu.memory_space<hbm>>)
        tpu.yield
      }) : () -> ()
    } else {
    }
    %eq3A_19 = arith.constant 15 : i32
    %eq3A_20 = arith.cmpi eq, %arg1, %eq3A_19 : i32
    %and3A_21 = arith.andi %eq3A_0, %eq3A_20 : i1
    %convert_element_type3A_22 = arith.extui %and3A_21 : i1 to i32
    %cond3A_23 = arith.constant 0 : i32
    %cond3A_24 = arith.cmpi ne, %convert_element_type3A_22, %cond3A_23 : i32
    scf.if %cond3A_24 {
      "tpu.region"() ({
        %run_scoped3A = tpu.sem_alloc : memref<!tpu.dma_semaphore, #tpu.memory_space<semaphore_mem>>
        %dma_start3A = arith.constant 46920 : i32
        %dma_start3A_218 = arith.constant 0 : i32
        %dma_start3A_219 = tpu.memref_slice %arg11[%dma_start3A, %dma_start3A_218] : memref<50000x32xf32, #tpu.memory_space<hbm>> -> memref<3080x32xf32, #tpu.memory_space<hbm>>
        %dma_start3A_220 = arith.constant 46920 : i32
        %dma_start3A_221 = arith.constant 0 : i32
        %dma_start3A_222 = tpu.memref_slice %arg20[%dma_start3A_220, %dma_start3A_221] : memref<50000x32xf32, #tpu.memory_space<vmem_shared>> -> memref<3080x32xf32, #tpu.memory_space<vmem_shared>>
        tpu.enqueue_dma source(%dma_start3A_222 : memref<3080x32xf32, #tpu.memory_space<vmem_shared>>) target(%dma_start3A_219 : memref<3080x32xf32, #tpu.memory_space<hbm>>) target_semaphore(%run_scoped3A : memref<!tpu.dma_semaphore, #tpu.memory_space<semaphore_mem>>)
        %dma_wait3A = arith.constant 46920 : i32
        %dma_wait3A_223 = arith.constant 0 : i32
        %dma_wait3A_224 = tpu.memref_slice %arg11[%dma_wait3A, %dma_wait3A_223] : memref<50000x32xf32, #tpu.memory_space<hbm>> -> memref<3080x32xf32, #tpu.memory_space<hbm>>
        %dma_wait3A_225 = arith.constant 46920 : i32
        %dma_wait3A_226 = arith.constant 0 : i32
        %dma_wait3A_227 = tpu.memref_slice %arg20[%dma_wait3A_225, %dma_wait3A_226] : memref<50000x32xf32, #tpu.memory_space<vmem_shared>> -> memref<3080x32xf32, #tpu.memory_space<vmem_shared>>
        tpu.wait_dma2 semaphore(%run_scoped3A : memref<!tpu.dma_semaphore, #tpu.memory_space<semaphore_mem>>) src(%dma_wait3A_227 : memref<3080x32xf32, #tpu.memory_space<vmem_shared>>) dst(%dma_wait3A_224 : memref<3080x32xf32, #tpu.memory_space<hbm>>)
        tpu.yield
      }) : () -> ()
    } else {
    }
    %barrier3A_25 = arith.constant 0 : index
    tpu.barrier barrier_id(%barrier3A_25)
    %eq3A_26 = arith.constant 1 : i32
    %eq3A_27 = arith.cmpi eq, %arg0, %eq3A_26 : i32
    %lt3A_28 = arith.constant 15 : i32
    %lt3A_29 = arith.cmpi slt, %arg1, %lt3A_28 : i32
    %and3A_30 = arith.andi %eq3A_27, %lt3A_29 : i1
    %convert_element_type3A_31 = arith.extui %and3A_30 : i1 to i32
    %cond3A_32 = arith.constant 0 : i32
    %cond3A_33 = arith.cmpi ne, %convert_element_type3A_31, %cond3A_32 : i32
    scf.if %cond3A_33 {
      %mul3A = arith.constant 3128 : i32
      %mul3A_218 = arith.muli %arg1, %mul3A : i32
      %mul3A_219 = arith.constant 3128 : i32
      %mul3A_220 = arith.muli %arg1, %mul3A_219 : i32
      "tpu.region"() ({
        %run_scoped3A = tpu.sem_alloc : memref<!tpu.dma_semaphore, #tpu.memory_space<semaphore_mem>>
        %dma_start3A = arith.constant 0 : i32
        %dma_start3A_221 = tpu.memref_slice %arg20[%mul3A_220, %dma_start3A] : memref<50000x32xf32, #tpu.memory_space<vmem_shared>> -> memref<3128x32xf32, #tpu.memory_space<vmem_shared>>
        %dma_start3A_222 = arith.constant 0 : i32
        %dma_start3A_223 = tpu.memref_slice %arg10[%mul3A_218, %dma_start3A_222] : memref<50000x32xf32, #tpu.memory_space<hbm>> -> memref<3128x32xf32, #tpu.memory_space<hbm>>
        tpu.enqueue_dma source(%dma_start3A_223 : memref<3128x32xf32, #tpu.memory_space<hbm>>) target(%dma_start3A_221 : memref<3128x32xf32, #tpu.memory_space<vmem_shared>>) target_semaphore(%run_scoped3A : memref<!tpu.dma_semaphore, #tpu.memory_space<semaphore_mem>>)
        %dma_wait3A = arith.constant 0 : i32
        %dma_wait3A_224 = tpu.memref_slice %arg20[%mul3A_220, %dma_wait3A] : memref<50000x32xf32, #tpu.memory_space<vmem_shared>> -> memref<3128x32xf32, #tpu.memory_space<vmem_shared>>
        %dma_wait3A_225 = arith.constant 0 : i32
        %dma_wait3A_226 = tpu.memref_slice %arg10[%mul3A_218, %dma_wait3A_225] : memref<50000x32xf32, #tpu.memory_space<hbm>> -> memref<3128x32xf32, #tpu.memory_space<hbm>>
        tpu.wait_dma2 semaphore(%run_scoped3A : memref<!tpu.dma_semaphore, #tpu.memory_space<semaphore_mem>>) src(%dma_wait3A_226 : memref<3128x32xf32, #tpu.memory_space<hbm>>) dst(%dma_wait3A_224 : memref<3128x32xf32, #tpu.memory_space<vmem_shared>>)
        tpu.yield
      }) : () -> ()
    } else {
    }
    %eq3A_34 = arith.constant 15 : i32
    %eq3A_35 = arith.cmpi eq, %arg1, %eq3A_34 : i32
    %and3A_36 = arith.andi %eq3A_27, %eq3A_35 : i1
    %convert_element_type3A_37 = arith.extui %and3A_36 : i1 to i32
    %cond3A_38 = arith.constant 0 : i32
    %cond3A_39 = arith.cmpi ne, %convert_element_type3A_37, %cond3A_38 : i32
    scf.if %cond3A_39 {
      "tpu.region"() ({
        %run_scoped3A = tpu.sem_alloc : memref<!tpu.dma_semaphore, #tpu.memory_space<semaphore_mem>>
        %dma_start3A = arith.constant 46920 : i32
        %dma_start3A_218 = arith.constant 0 : i32
        %dma_start3A_219 = tpu.memref_slice %arg20[%dma_start3A, %dma_start3A_218] : memref<50000x32xf32, #tpu.memory_space<vmem_shared>> -> memref<3080x32xf32, #tpu.memory_space<vmem_shared>>
        %dma_start3A_220 = arith.constant 46920 : i32
        %dma_start3A_221 = arith.constant 0 : i32
        %dma_start3A_222 = tpu.memref_slice %arg10[%dma_start3A_220, %dma_start3A_221] : memref<50000x32xf32, #tpu.memory_space<hbm>> -> memref<3080x32xf32, #tpu.memory_space<hbm>>
        tpu.enqueue_dma source(%dma_start3A_222 : memref<3080x32xf32, #tpu.memory_space<hbm>>) target(%dma_start3A_219 : memref<3080x32xf32, #tpu.memory_space<vmem_shared>>) target_semaphore(%run_scoped3A : memref<!tpu.dma_semaphore, #tpu.memory_space<semaphore_mem>>)
        %dma_wait3A = arith.constant 46920 : i32
        %dma_wait3A_223 = arith.constant 0 : i32
        %dma_wait3A_224 = tpu.memref_slice %arg20[%dma_wait3A, %dma_wait3A_223] : memref<50000x32xf32, #tpu.memory_space<vmem_shared>> -> memref<3080x32xf32, #tpu.memory_space<vmem_shared>>
        %dma_wait3A_225 = arith.constant 46920 : i32
        %dma_wait3A_226 = arith.constant 0 : i32
        %dma_wait3A_227 = tpu.memref_slice %arg10[%dma_wait3A_225, %dma_wait3A_226] : memref<50000x32xf32, #tpu.memory_space<hbm>> -> memref<3080x32xf32, #tpu.memory_space<hbm>>
        tpu.wait_dma2 semaphore(%run_scoped3A : memref<!tpu.dma_semaphore, #tpu.memory_space<semaphore_mem>>) src(%dma_wait3A_227 : memref<3080x32xf32, #tpu.memory_space<hbm>>) dst(%dma_wait3A_224 : memref<3080x32xf32, #tpu.memory_space<vmem_shared>>)
        tpu.yield
      }) : () -> ()
    } else {
    }
    %barrier3A_40 = arith.constant 0 : index
    tpu.barrier barrier_id(%barrier3A_40)
    %convert_element_type3A_41 = arith.extui %eq3A_27 : i1 to i32
    %cond3A_42 = arith.constant 0 : i32
    %cond3A_43 = arith.cmpi ne, %convert_element_type3A_41, %cond3A_42 : i32
    scf.if %cond3A_43 {
      %scan3A = arith.constant 0 : i32
      %scan3A_218 = arith.constant 0 : i32
      %scan3A_219 = arith.constant 391 : i32
      %scan3A_220 = arith.addi %scan3A_218, %scan3A_219 : i32
      %scan3A_221 = arith.constant 1 : i32
      scf.for %scan3A_223 = %scan3A_218 to %scan3A_220 step %scan3A_221  : i32 {
        %mul3A = arith.constant 16 : i32
        %mul3A_224 = arith.muli %mul3A, %scan3A_223 : i32
        %add3A = arith.addi %arg1, %mul3A_224 : i32
        %lt3A_225 = arith.constant 6250 : i32
        %lt3A_226 = arith.cmpi slt, %add3A, %lt3A_225 : i32
        %convert_element_type3A_227 = arith.extui %lt3A_226 : i1 to i32
        %cond3A_228 = arith.constant 0 : i32
        %cond3A_229 = arith.cmpi ne, %convert_element_type3A_227, %cond3A_228 : i32
        scf.if %cond3A_229 {
          %mul3A_230 = arith.constant 128 : i32
          %mul3A_231 = arith.muli %add3A, %mul3A_230 : i32
          %dma_start3A = arith.constant 0 : i32
          %dma_start3A_232 = tpu.memref_slice %arg3[%mul3A_231, %dma_start3A] : memref<800000x32xf32, #tpu.memory_space<hbm>> -> memref<128x32xf32, #tpu.memory_space<hbm>>
          %dma_start3A_233 = arith.constant 0 : i32
          %dma_start3A_234 = tpu.memref_slice %arg3[%mul3A_231, %dma_start3A_233] : memref<800000x32xf32, #tpu.memory_space<hbm>> -> memref<128x32xf32, #tpu.memory_space<hbm>>
          tpu.enqueue_dma source(%dma_start3A_234 : memref<128x32xf32, #tpu.memory_space<hbm>>) target(%arg19 : memref<128x32xf32, #tpu.memory_space<vmem>>) target_semaphore(%arg21 : memref<!tpu.dma_semaphore, #tpu.memory_space<semaphore_mem>>)
          %dma_start3A_235 = tpu.memref_slice %arg9[%mul3A_231] : memref<800000xi32, #tpu.memory_space<hbm>> -> memref<128xi32, #tpu.memory_space<hbm>>
          %dma_start3A_236 = tpu.memref_slice %arg9[%mul3A_231] : memref<800000xi32, #tpu.memory_space<hbm>> -> memref<128xi32, #tpu.memory_space<hbm>>
          tpu.enqueue_dma source(%dma_start3A_236 : memref<128xi32, #tpu.memory_space<hbm>>) target(%arg18 : memref<128xi32, #tpu.memory_space<vmem>>) target_semaphore(%arg21 : memref<!tpu.dma_semaphore, #tpu.memory_space<semaphore_mem>>)
          %dma_wait3A = arith.constant 0 : i32
          %dma_wait3A_237 = tpu.memref_slice %arg3[%mul3A_231, %dma_wait3A] : memref<800000x32xf32, #tpu.memory_space<hbm>> -> memref<128x32xf32, #tpu.memory_space<hbm>>
          %dma_wait3A_238 = arith.constant 0 : i32
          %dma_wait3A_239 = tpu.memref_slice %arg3[%mul3A_231, %dma_wait3A_238] : memref<800000x32xf32, #tpu.memory_space<hbm>> -> memref<128x32xf32, #tpu.memory_space<hbm>>
          tpu.wait_dma2 semaphore(%arg21 : memref<!tpu.dma_semaphore, #tpu.memory_space<semaphore_mem>>) src(%dma_wait3A_239 : memref<128x32xf32, #tpu.memory_space<hbm>>) dst(%arg19 : memref<128x32xf32, #tpu.memory_space<vmem>>)
          %dma_wait3A_240 = tpu.memref_slice %arg9[%mul3A_231] : memref<800000xi32, #tpu.memory_space<hbm>> -> memref<128xi32, #tpu.memory_space<hbm>>
          %dma_wait3A_241 = tpu.memref_slice %arg9[%mul3A_231] : memref<800000xi32, #tpu.memory_space<hbm>> -> memref<128xi32, #tpu.memory_space<hbm>>
          tpu.wait_dma2 semaphore(%arg21 : memref<!tpu.dma_semaphore, #tpu.memory_space<semaphore_mem>>) src(%dma_wait3A_241 : memref<128xi32, #tpu.memory_space<hbm>>) dst(%arg18 : memref<128xi32, #tpu.memory_space<vmem>>)
          "tpu.region"() ({
            %run_scoped3A = tpu.sem_alloc : memref<!tpu.dma_semaphore, #tpu.memory_space<semaphore_mem>>
            %dma_start3A_242 = arith.constant 0 : i32
            %dma_start3A_243 = arith.constant 0 : i32
            %dma_start3A_244 = tpu.memref_slice %arg20[%dma_start3A_242, %dma_start3A_243] : memref<50000x32xf32, #tpu.memory_space<vmem_shared>> -> memref<50000x32xf32, #tpu.memory_space<vmem_shared>>
            tpu.enqueue_indirect_dma source(%arg19 : memref<128x32xf32, #tpu.memory_space<vmem>>) target(%dma_start3A_244 : memref<50000x32xf32, #tpu.memory_space<vmem_shared>>) offsets(%arg18 : memref<128xi32, #tpu.memory_space<vmem>>) semaphore(%run_scoped3A : memref<!tpu.dma_semaphore, #tpu.memory_space<semaphore_mem>>) {add = true}
            %dma_wait3A_245 = arith.constant 0 : i32
            %dma_wait3A_246 = arith.constant 0 : i32
            %dma_wait3A_247 = tpu.memref_slice %arg20[%dma_wait3A_245, %dma_wait3A_246] : memref<50000x32xf32, #tpu.memory_space<vmem_shared>> -> memref<50000x32xf32, #tpu.memory_space<vmem_shared>>
            tpu.wait_indirect_dma semaphore(%run_scoped3A : memref<!tpu.dma_semaphore, #tpu.memory_space<semaphore_mem>>) src(%arg19 : memref<128x32xf32, #tpu.memory_space<vmem>>) dst(%dma_wait3A_247 : memref<50000x32xf32, #tpu.memory_space<vmem_shared>>)
            tpu.yield
          }) : () -> ()
        } else {
        }
      }
      %scan3A_222 = arith.constant 391 : i32
    } else {
    }
    %barrier3A_44 = arith.constant 0 : index
    tpu.barrier barrier_id(%barrier3A_44)
    %lt3A_45 = arith.constant 15 : i32
    %lt3A_46 = arith.cmpi slt, %arg1, %lt3A_45 : i32
    %and3A_47 = arith.andi %eq3A_27, %lt3A_46 : i1
    %convert_element_type3A_48 = arith.extui %and3A_47 : i1 to i32
    %cond3A_49 = arith.constant 0 : i32
    %cond3A_50 = arith.cmpi ne, %convert_element_type3A_48, %cond3A_49 : i32
    scf.if %cond3A_50 {
      %mul3A = arith.constant 3128 : i32
      %mul3A_218 = arith.muli %arg1, %mul3A : i32
      %mul3A_219 = arith.constant 3128 : i32
      %mul3A_220 = arith.muli %arg1, %mul3A_219 : i32
      "tpu.region"() ({
        %run_scoped3A = tpu.sem_alloc : memref<!tpu.dma_semaphore, #tpu.memory_space<semaphore_mem>>
        %dma_start3A = arith.constant 0 : i32
        %dma_start3A_221 = tpu.memref_slice %arg12[%mul3A_220, %dma_start3A] : memref<50000x32xf32, #tpu.memory_space<hbm>> -> memref<3128x32xf32, #tpu.memory_space<hbm>>
        %dma_start3A_222 = arith.constant 0 : i32
        %dma_start3A_223 = tpu.memref_slice %arg20[%mul3A_218, %dma_start3A_222] : memref<50000x32xf32, #tpu.memory_space<vmem_shared>> -> memref<3128x32xf32, #tpu.memory_space<vmem_shared>>
        tpu.enqueue_dma source(%dma_start3A_223 : memref<3128x32xf32, #tpu.memory_space<vmem_shared>>) target(%dma_start3A_221 : memref<3128x32xf32, #tpu.memory_space<hbm>>) target_semaphore(%run_scoped3A : memref<!tpu.dma_semaphore, #tpu.memory_space<semaphore_mem>>)
        %dma_wait3A = arith.constant 0 : i32
        %dma_wait3A_224 = tpu.memref_slice %arg12[%mul3A_220, %dma_wait3A] : memref<50000x32xf32, #tpu.memory_space<hbm>> -> memref<3128x32xf32, #tpu.memory_space<hbm>>
        %dma_wait3A_225 = arith.constant 0 : i32
        %dma_wait3A_226 = tpu.memref_slice %arg20[%mul3A_218, %dma_wait3A_225] : memref<50000x32xf32, #tpu.memory_space<vmem_shared>> -> memref<3128x32xf32, #tpu.memory_space<vmem_shared>>
        tpu.wait_dma2 semaphore(%run_scoped3A : memref<!tpu.dma_semaphore, #tpu.memory_space<semaphore_mem>>) src(%dma_wait3A_226 : memref<3128x32xf32, #tpu.memory_space<vmem_shared>>) dst(%dma_wait3A_224 : memref<3128x32xf32, #tpu.memory_space<hbm>>)
        tpu.yield
      }) : () -> ()
    } else {
    }
    %eq3A_51 = arith.constant 15 : i32
    %eq3A_52 = arith.cmpi eq, %arg1, %eq3A_51 : i32
    %and3A_53 = arith.andi %eq3A_27, %eq3A_52 : i1
    %convert_element_type3A_54 = arith.extui %and3A_53 : i1 to i32
    %cond3A_55 = arith.constant 0 : i32
    %cond3A_56 = arith.cmpi ne, %convert_element_type3A_54, %cond3A_55 : i32
    scf.if %cond3A_56 {
      "tpu.region"() ({
        %run_scoped3A = tpu.sem_alloc : memref<!tpu.dma_semaphore, #tpu.memory_space<semaphore_mem>>
        %dma_start3A = arith.constant 46920 : i32
        %dma_start3A_218 = arith.constant 0 : i32
        %dma_start3A_219 = tpu.memref_slice %arg12[%dma_start3A, %dma_start3A_218] : memref<50000x32xf32, #tpu.memory_space<hbm>> -> memref<3080x32xf32, #tpu.memory_space<hbm>>
        %dma_start3A_220 = arith.constant 46920 : i32
        %dma_start3A_221 = arith.constant 0 : i32
        %dma_start3A_222 = tpu.memref_slice %arg20[%dma_start3A_220, %dma_start3A_221] : memref<50000x32xf32, #tpu.memory_space<vmem_shared>> -> memref<3080x32xf32, #tpu.memory_space<vmem_shared>>
        tpu.enqueue_dma source(%dma_start3A_222 : memref<3080x32xf32, #tpu.memory_space<vmem_shared>>) target(%dma_start3A_219 : memref<3080x32xf32, #tpu.memory_space<hbm>>) target_semaphore(%run_scoped3A : memref<!tpu.dma_semaphore, #tpu.memory_space<semaphore_mem>>)
        %dma_wait3A = arith.constant 46920 : i32
        %dma_wait3A_223 = arith.constant 0 : i32
        %dma_wait3A_224 = tpu.memref_slice %arg12[%dma_wait3A, %dma_wait3A_223] : memref<50000x32xf32, #tpu.memory_space<hbm>> -> memref<3080x32xf32, #tpu.memory_space<hbm>>
        %dma_wait3A_225 = arith.constant 46920 : i32
        %dma_wait3A_226 = arith.constant 0 : i32
        %dma_wait3A_227 = tpu.memref_slice %arg20[%dma_wait3A_225, %dma_wait3A_226] : memref<50000x32xf32, #tpu.memory_space<vmem_shared>> -> memref<3080x32xf32, #tpu.memory_space<vmem_shared>>
        tpu.wait_dma2 semaphore(%run_scoped3A : memref<!tpu.dma_semaphore, #tpu.memory_space<semaphore_mem>>) src(%dma_wait3A_227 : memref<3080x32xf32, #tpu.memory_space<vmem_shared>>) dst(%dma_wait3A_224 : memref<3080x32xf32, #tpu.memory_space<hbm>>)
        tpu.yield
      }) : () -> ()
    } else {
    }
    %barrier3A_57 = arith.constant 0 : index
    tpu.barrier barrier_id(%barrier3A_57)
    %eq3A_58 = arith.constant 0 : i32
    %eq3A_59 = arith.cmpi eq, %arg0, %eq3A_58 : i32
    %lt3A_60 = arith.constant 15 : i32
    %lt3A_61 = arith.cmpi slt, %arg1, %lt3A_60 : i32
    %and3A_62 = arith.andi %eq3A_59, %lt3A_61 : i1
    %convert_element_type3A_63 = arith.extui %and3A_62 : i1 to i32
    %cond3A_64 = arith.constant 0 : i32
    %cond3A_65 = arith.cmpi ne, %convert_element_type3A_63, %cond3A_64 : i32
    scf.if %cond3A_65 {
      %mul3A = arith.constant 3128 : i32
      %mul3A_218 = arith.muli %arg1, %mul3A : i32
      %mul3A_219 = arith.constant 3128 : i32
      %mul3A_220 = arith.muli %arg1, %mul3A_219 : i32
      "tpu.region"() ({
        %run_scoped3A = tpu.sem_alloc : memref<!tpu.dma_semaphore, #tpu.memory_space<semaphore_mem>>
        %dma_start3A = arith.constant 0 : i32
        %dma_start3A_221 = tpu.memref_slice %arg20[%mul3A_220, %dma_start3A] : memref<50000x32xf32, #tpu.memory_space<vmem_shared>> -> memref<3128x32xf32, #tpu.memory_space<vmem_shared>>
        %dma_start3A_222 = arith.constant 0 : i32
        %dma_start3A_223 = tpu.memref_slice %arg10[%mul3A_218, %dma_start3A_222] : memref<50000x32xf32, #tpu.memory_space<hbm>> -> memref<3128x32xf32, #tpu.memory_space<hbm>>
        tpu.enqueue_dma source(%dma_start3A_223 : memref<3128x32xf32, #tpu.memory_space<hbm>>) target(%dma_start3A_221 : memref<3128x32xf32, #tpu.memory_space<vmem_shared>>) target_semaphore(%run_scoped3A : memref<!tpu.dma_semaphore, #tpu.memory_space<semaphore_mem>>)
        %dma_wait3A = arith.constant 0 : i32
        %dma_wait3A_224 = tpu.memref_slice %arg20[%mul3A_220, %dma_wait3A] : memref<50000x32xf32, #tpu.memory_space<vmem_shared>> -> memref<3128x32xf32, #tpu.memory_space<vmem_shared>>
        %dma_wait3A_225 = arith.constant 0 : i32
        %dma_wait3A_226 = tpu.memref_slice %arg10[%mul3A_218, %dma_wait3A_225] : memref<50000x32xf32, #tpu.memory_space<hbm>> -> memref<3128x32xf32, #tpu.memory_space<hbm>>
        tpu.wait_dma2 semaphore(%run_scoped3A : memref<!tpu.dma_semaphore, #tpu.memory_space<semaphore_mem>>) src(%dma_wait3A_226 : memref<3128x32xf32, #tpu.memory_space<hbm>>) dst(%dma_wait3A_224 : memref<3128x32xf32, #tpu.memory_space<vmem_shared>>)
        tpu.yield
      }) : () -> ()
    } else {
    }
    %eq3A_66 = arith.constant 15 : i32
    %eq3A_67 = arith.cmpi eq, %arg1, %eq3A_66 : i32
    %and3A_68 = arith.andi %eq3A_59, %eq3A_67 : i1
    %convert_element_type3A_69 = arith.extui %and3A_68 : i1 to i32
    %cond3A_70 = arith.constant 0 : i32
    %cond3A_71 = arith.cmpi ne, %convert_element_type3A_69, %cond3A_70 : i32
    scf.if %cond3A_71 {
      "tpu.region"() ({
        %run_scoped3A = tpu.sem_alloc : memref<!tpu.dma_semaphore, #tpu.memory_space<semaphore_mem>>
        %dma_start3A = arith.constant 46920 : i32
        %dma_start3A_218 = arith.constant 0 : i32
        %dma_start3A_219 = tpu.memref_slice %arg20[%dma_start3A, %dma_start3A_218] : memref<50000x32xf32, #tpu.memory_space<vmem_shared>> -> memref<3080x32xf32, #tpu.memory_space<vmem_shared>>
        %dma_start3A_220 = arith.constant 46920 : i32
        %dma_start3A_221 = arith.constant 0 : i32
        %dma_start3A_222 = tpu.memref_slice %arg10[%dma_start3A_220, %dma_start3A_221] : memref<50000x32xf32, #tpu.memory_space<hbm>> -> memref<3080x32xf32, #tpu.memory_space<hbm>>
        tpu.enqueue_dma source(%dma_start3A_222 : memref<3080x32xf32, #tpu.memory_space<hbm>>) target(%dma_start3A_219 : memref<3080x32xf32, #tpu.memory_space<vmem_shared>>) target_semaphore(%run_scoped3A : memref<!tpu.dma_semaphore, #tpu.memory_space<semaphore_mem>>)
        %dma_wait3A = arith.constant 46920 : i32
        %dma_wait3A_223 = arith.constant 0 : i32
        %dma_wait3A_224 = tpu.memref_slice %arg20[%dma_wait3A, %dma_wait3A_223] : memref<50000x32xf32, #tpu.memory_space<vmem_shared>> -> memref<3080x32xf32, #tpu.memory_space<vmem_shared>>
        %dma_wait3A_225 = arith.constant 46920 : i32
        %dma_wait3A_226 = arith.constant 0 : i32
        %dma_wait3A_227 = tpu.memref_slice %arg10[%dma_wait3A_225, %dma_wait3A_226] : memref<50000x32xf32, #tpu.memory_space<hbm>> -> memref<3080x32xf32, #tpu.memory_space<hbm>>
        tpu.wait_dma2 semaphore(%run_scoped3A : memref<!tpu.dma_semaphore, #tpu.memory_space<semaphore_mem>>) src(%dma_wait3A_227 : memref<3080x32xf32, #tpu.memory_space<hbm>>) dst(%dma_wait3A_224 : memref<3080x32xf32, #tpu.memory_space<vmem_shared>>)
        tpu.yield
      }) : () -> ()
    } else {
    }
    %barrier3A_72 = arith.constant 0 : index
    tpu.barrier barrier_id(%barrier3A_72)
    %convert_element_type3A_73 = arith.extui %eq3A_59 : i1 to i32
    %cond3A_74 = arith.constant 0 : i32
    %cond3A_75 = arith.cmpi ne, %convert_element_type3A_73, %cond3A_74 : i32
    scf.if %cond3A_75 {
      %scan3A = arith.constant 0 : i32
      %scan3A_218 = arith.constant 0 : i32
      %scan3A_219 = arith.constant 391 : i32
      %scan3A_220 = arith.addi %scan3A_218, %scan3A_219 : i32
      %scan3A_221 = arith.constant 1 : i32
      scf.for %scan3A_223 = %scan3A_218 to %scan3A_220 step %scan3A_221  : i32 {
        %mul3A = arith.constant 16 : i32
        %mul3A_224 = arith.muli %mul3A, %scan3A_223 : i32
        %add3A = arith.addi %arg1, %mul3A_224 : i32
        %lt3A_225 = arith.constant 6250 : i32
        %lt3A_226 = arith.cmpi slt, %add3A, %lt3A_225 : i32
        %convert_element_type3A_227 = arith.extui %lt3A_226 : i1 to i32
        %cond3A_228 = arith.constant 0 : i32
        %cond3A_229 = arith.cmpi ne, %convert_element_type3A_227, %cond3A_228 : i32
        scf.if %cond3A_229 {
          %mul3A_230 = arith.constant 128 : i32
          %mul3A_231 = arith.muli %add3A, %mul3A_230 : i32
          %dma_start3A = arith.constant 0 : i32
          %dma_start3A_232 = tpu.memref_slice %arg4[%mul3A_231, %dma_start3A] : memref<800000x32xf32, #tpu.memory_space<hbm>> -> memref<128x32xf32, #tpu.memory_space<hbm>>
          %dma_start3A_233 = arith.constant 0 : i32
          %dma_start3A_234 = tpu.memref_slice %arg4[%mul3A_231, %dma_start3A_233] : memref<800000x32xf32, #tpu.memory_space<hbm>> -> memref<128x32xf32, #tpu.memory_space<hbm>>
          tpu.enqueue_dma source(%dma_start3A_234 : memref<128x32xf32, #tpu.memory_space<hbm>>) target(%arg19 : memref<128x32xf32, #tpu.memory_space<vmem>>) target_semaphore(%arg21 : memref<!tpu.dma_semaphore, #tpu.memory_space<semaphore_mem>>)
          %dma_start3A_235 = tpu.memref_slice %arg9[%mul3A_231] : memref<800000xi32, #tpu.memory_space<hbm>> -> memref<128xi32, #tpu.memory_space<hbm>>
          %dma_start3A_236 = tpu.memref_slice %arg9[%mul3A_231] : memref<800000xi32, #tpu.memory_space<hbm>> -> memref<128xi32, #tpu.memory_space<hbm>>
          tpu.enqueue_dma source(%dma_start3A_236 : memref<128xi32, #tpu.memory_space<hbm>>) target(%arg18 : memref<128xi32, #tpu.memory_space<vmem>>) target_semaphore(%arg21 : memref<!tpu.dma_semaphore, #tpu.memory_space<semaphore_mem>>)
          %dma_wait3A = arith.constant 0 : i32
          %dma_wait3A_237 = tpu.memref_slice %arg4[%mul3A_231, %dma_wait3A] : memref<800000x32xf32, #tpu.memory_space<hbm>> -> memref<128x32xf32, #tpu.memory_space<hbm>>
          %dma_wait3A_238 = arith.constant 0 : i32
          %dma_wait3A_239 = tpu.memref_slice %arg4[%mul3A_231, %dma_wait3A_238] : memref<800000x32xf32, #tpu.memory_space<hbm>> -> memref<128x32xf32, #tpu.memory_space<hbm>>
          tpu.wait_dma2 semaphore(%arg21 : memref<!tpu.dma_semaphore, #tpu.memory_space<semaphore_mem>>) src(%dma_wait3A_239 : memref<128x32xf32, #tpu.memory_space<hbm>>) dst(%arg19 : memref<128x32xf32, #tpu.memory_space<vmem>>)
          %dma_wait3A_240 = tpu.memref_slice %arg9[%mul3A_231] : memref<800000xi32, #tpu.memory_space<hbm>> -> memref<128xi32, #tpu.memory_space<hbm>>
          %dma_wait3A_241 = tpu.memref_slice %arg9[%mul3A_231] : memref<800000xi32, #tpu.memory_space<hbm>> -> memref<128xi32, #tpu.memory_space<hbm>>
          tpu.wait_dma2 semaphore(%arg21 : memref<!tpu.dma_semaphore, #tpu.memory_space<semaphore_mem>>) src(%dma_wait3A_241 : memref<128xi32, #tpu.memory_space<hbm>>) dst(%arg18 : memref<128xi32, #tpu.memory_space<vmem>>)
          "tpu.region"() ({
            %run_scoped3A = tpu.sem_alloc : memref<!tpu.dma_semaphore, #tpu.memory_space<semaphore_mem>>
            %dma_start3A_242 = arith.constant 0 : i32
            %dma_start3A_243 = arith.constant 0 : i32
            %dma_start3A_244 = tpu.memref_slice %arg20[%dma_start3A_242, %dma_start3A_243] : memref<50000x32xf32, #tpu.memory_space<vmem_shared>> -> memref<50000x32xf32, #tpu.memory_space<vmem_shared>>
            tpu.enqueue_indirect_dma source(%arg19 : memref<128x32xf32, #tpu.memory_space<vmem>>) target(%dma_start3A_244 : memref<50000x32xf32, #tpu.memory_space<vmem_shared>>) offsets(%arg18 : memref<128xi32, #tpu.memory_space<vmem>>) semaphore(%run_scoped3A : memref<!tpu.dma_semaphore, #tpu.memory_space<semaphore_mem>>) {add = true}
            %dma_wait3A_245 = arith.constant 0 : i32
            %dma_wait3A_246 = arith.constant 0 : i32
            %dma_wait3A_247 = tpu.memref_slice %arg20[%dma_wait3A_245, %dma_wait3A_246] : memref<50000x32xf32, #tpu.memory_space<vmem_shared>> -> memref<50000x32xf32, #tpu.memory_space<vmem_shared>>
            tpu.wait_indirect_dma semaphore(%run_scoped3A : memref<!tpu.dma_semaphore, #tpu.memory_space<semaphore_mem>>) src(%arg19 : memref<128x32xf32, #tpu.memory_space<vmem>>) dst(%dma_wait3A_247 : memref<50000x32xf32, #tpu.memory_space<vmem_shared>>)
            tpu.yield
          }) : () -> ()
        } else {
        }
      }
      %scan3A_222 = arith.constant 391 : i32
    } else {
    }
    %barrier3A_76 = arith.constant 0 : index
    tpu.barrier barrier_id(%barrier3A_76)
    %lt3A_77 = arith.constant 15 : i32
    %lt3A_78 = arith.cmpi slt, %arg1, %lt3A_77 : i32
    %and3A_79 = arith.andi %eq3A_59, %lt3A_78 : i1
    %convert_element_type3A_80 = arith.extui %and3A_79 : i1 to i32
    %cond3A_81 = arith.constant 0 : i32
    %cond3A_82 = arith.cmpi ne, %convert_element_type3A_80, %cond3A_81 : i32
    scf.if %cond3A_82 {
      %mul3A = arith.constant 3128 : i32
      %mul3A_218 = arith.muli %arg1, %mul3A : i32
      %mul3A_219 = arith.constant 3128 : i32
      %mul3A_220 = arith.muli %arg1, %mul3A_219 : i32
      "tpu.region"() ({
        %run_scoped3A = tpu.sem_alloc : memref<!tpu.dma_semaphore, #tpu.memory_space<semaphore_mem>>
        %dma_start3A = arith.constant 0 : i32
        %dma_start3A_221 = tpu.memref_slice %arg13[%mul3A_220, %dma_start3A] : memref<50000x32xf32, #tpu.memory_space<hbm>> -> memref<3128x32xf32, #tpu.memory_space<hbm>>
        %dma_start3A_222 = arith.constant 0 : i32
        %dma_start3A_223 = tpu.memref_slice %arg20[%mul3A_218, %dma_start3A_222] : memref<50000x32xf32, #tpu.memory_space<vmem_shared>> -> memref<3128x32xf32, #tpu.memory_space<vmem_shared>>
        tpu.enqueue_dma source(%dma_start3A_223 : memref<3128x32xf32, #tpu.memory_space<vmem_shared>>) target(%dma_start3A_221 : memref<3128x32xf32, #tpu.memory_space<hbm>>) target_semaphore(%run_scoped3A : memref<!tpu.dma_semaphore, #tpu.memory_space<semaphore_mem>>)
        %dma_wait3A = arith.constant 0 : i32
        %dma_wait3A_224 = tpu.memref_slice %arg13[%mul3A_220, %dma_wait3A] : memref<50000x32xf32, #tpu.memory_space<hbm>> -> memref<3128x32xf32, #tpu.memory_space<hbm>>
        %dma_wait3A_225 = arith.constant 0 : i32
        %dma_wait3A_226 = tpu.memref_slice %arg20[%mul3A_218, %dma_wait3A_225] : memref<50000x32xf32, #tpu.memory_space<vmem_shared>> -> memref<3128x32xf32, #tpu.memory_space<vmem_shared>>
        tpu.wait_dma2 semaphore(%run_scoped3A : memref<!tpu.dma_semaphore, #tpu.memory_space<semaphore_mem>>) src(%dma_wait3A_226 : memref<3128x32xf32, #tpu.memory_space<vmem_shared>>) dst(%dma_wait3A_224 : memref<3128x32xf32, #tpu.memory_space<hbm>>)
        tpu.yield
      }) : () -> ()
    } else {
    }
    %eq3A_83 = arith.constant 15 : i32
    %eq3A_84 = arith.cmpi eq, %arg1, %eq3A_83 : i32
    %and3A_85 = arith.andi %eq3A_59, %eq3A_84 : i1
    %convert_element_type3A_86 = arith.extui %and3A_85 : i1 to i32
    %cond3A_87 = arith.constant 0 : i32
    %cond3A_88 = arith.cmpi ne, %convert_element_type3A_86, %cond3A_87 : i32
    scf.if %cond3A_88 {
      "tpu.region"() ({
        %run_scoped3A = tpu.sem_alloc : memref<!tpu.dma_semaphore, #tpu.memory_space<semaphore_mem>>
        %dma_start3A = arith.constant 46920 : i32
        %dma_start3A_218 = arith.constant 0 : i32
        %dma_start3A_219 = tpu.memref_slice %arg13[%dma_start3A, %dma_start3A_218] : memref<50000x32xf32, #tpu.memory_space<hbm>> -> memref<3080x32xf32, #tpu.memory_space<hbm>>
        %dma_start3A_220 = arith.constant 46920 : i32
        %dma_start3A_221 = arith.constant 0 : i32
        %dma_start3A_222 = tpu.memref_slice %arg20[%dma_start3A_220, %dma_start3A_221] : memref<50000x32xf32, #tpu.memory_space<vmem_shared>> -> memref<3080x32xf32, #tpu.memory_space<vmem_shared>>
        tpu.enqueue_dma source(%dma_start3A_222 : memref<3080x32xf32, #tpu.memory_space<vmem_shared>>) target(%dma_start3A_219 : memref<3080x32xf32, #tpu.memory_space<hbm>>) target_semaphore(%run_scoped3A : memref<!tpu.dma_semaphore, #tpu.memory_space<semaphore_mem>>)
        %dma_wait3A = arith.constant 46920 : i32
        %dma_wait3A_223 = arith.constant 0 : i32
        %dma_wait3A_224 = tpu.memref_slice %arg13[%dma_wait3A, %dma_wait3A_223] : memref<50000x32xf32, #tpu.memory_space<hbm>> -> memref<3080x32xf32, #tpu.memory_space<hbm>>
        %dma_wait3A_225 = arith.constant 46920 : i32
        %dma_wait3A_226 = arith.constant 0 : i32
        %dma_wait3A_227 = tpu.memref_slice %arg20[%dma_wait3A_225, %dma_wait3A_226] : memref<50000x32xf32, #tpu.memory_space<vmem_shared>> -> memref<3080x32xf32, #tpu.memory_space<vmem_shared>>
        tpu.wait_dma2 semaphore(%run_scoped3A : memref<!tpu.dma_semaphore, #tpu.memory_space<semaphore_mem>>) src(%dma_wait3A_227 : memref<3080x32xf32, #tpu.memory_space<vmem_shared>>) dst(%dma_wait3A_224 : memref<3080x32xf32, #tpu.memory_space<hbm>>)
        tpu.yield
      }) : () -> ()
    } else {
    }
    %barrier3A_89 = arith.constant 0 : index
    tpu.barrier barrier_id(%barrier3A_89)
    %eq3A_90 = arith.constant 1 : i32
    %eq3A_91 = arith.cmpi eq, %arg0, %eq3A_90 : i32
    %lt3A_92 = arith.constant 15 : i32
    %lt3A_93 = arith.cmpi slt, %arg1, %lt3A_92 : i32
    %and3A_94 = arith.andi %eq3A_91, %lt3A_93 : i1
    %convert_element_type3A_95 = arith.extui %and3A_94 : i1 to i32
    %cond3A_96 = arith.constant 0 : i32
    %cond3A_97 = arith.cmpi ne, %convert_element_type3A_95, %cond3A_96 : i32
    scf.if %cond3A_97 {
      %mul3A = arith.constant 3128 : i32
      %mul3A_218 = arith.muli %arg1, %mul3A : i32
      %mul3A_219 = arith.constant 3128 : i32
      %mul3A_220 = arith.muli %arg1, %mul3A_219 : i32
      "tpu.region"() ({
        %run_scoped3A = tpu.sem_alloc : memref<!tpu.dma_semaphore, #tpu.memory_space<semaphore_mem>>
        %dma_start3A = arith.constant 0 : i32
        %dma_start3A_221 = tpu.memref_slice %arg20[%mul3A_220, %dma_start3A] : memref<50000x32xf32, #tpu.memory_space<vmem_shared>> -> memref<3128x32xf32, #tpu.memory_space<vmem_shared>>
        %dma_start3A_222 = arith.constant 0 : i32
        %dma_start3A_223 = tpu.memref_slice %arg10[%mul3A_218, %dma_start3A_222] : memref<50000x32xf32, #tpu.memory_space<hbm>> -> memref<3128x32xf32, #tpu.memory_space<hbm>>
        tpu.enqueue_dma source(%dma_start3A_223 : memref<3128x32xf32, #tpu.memory_space<hbm>>) target(%dma_start3A_221 : memref<3128x32xf32, #tpu.memory_space<vmem_shared>>) target_semaphore(%run_scoped3A : memref<!tpu.dma_semaphore, #tpu.memory_space<semaphore_mem>>)
        %dma_wait3A = arith.constant 0 : i32
        %dma_wait3A_224 = tpu.memref_slice %arg20[%mul3A_220, %dma_wait3A] : memref<50000x32xf32, #tpu.memory_space<vmem_shared>> -> memref<3128x32xf32, #tpu.memory_space<vmem_shared>>
        %dma_wait3A_225 = arith.constant 0 : i32
        %dma_wait3A_226 = tpu.memref_slice %arg10[%mul3A_218, %dma_wait3A_225] : memref<50000x32xf32, #tpu.memory_space<hbm>> -> memref<3128x32xf32, #tpu.memory_space<hbm>>
        tpu.wait_dma2 semaphore(%run_scoped3A : memref<!tpu.dma_semaphore, #tpu.memory_space<semaphore_mem>>) src(%dma_wait3A_226 : memref<3128x32xf32, #tpu.memory_space<hbm>>) dst(%dma_wait3A_224 : memref<3128x32xf32, #tpu.memory_space<vmem_shared>>)
        tpu.yield
      }) : () -> ()
    } else {
    }
    %eq3A_98 = arith.constant 15 : i32
    %eq3A_99 = arith.cmpi eq, %arg1, %eq3A_98 : i32
    %and3A_100 = arith.andi %eq3A_91, %eq3A_99 : i1
    %convert_element_type3A_101 = arith.extui %and3A_100 : i1 to i32
    %cond3A_102 = arith.constant 0 : i32
    %cond3A_103 = arith.cmpi ne, %convert_element_type3A_101, %cond3A_102 : i32
    scf.if %cond3A_103 {
      "tpu.region"() ({
        %run_scoped3A = tpu.sem_alloc : memref<!tpu.dma_semaphore, #tpu.memory_space<semaphore_mem>>
        %dma_start3A = arith.constant 46920 : i32
        %dma_start3A_218 = arith.constant 0 : i32
        %dma_start3A_219 = tpu.memref_slice %arg20[%dma_start3A, %dma_start3A_218] : memref<50000x32xf32, #tpu.memory_space<vmem_shared>> -> memref<3080x32xf32, #tpu.memory_space<vmem_shared>>
        %dma_start3A_220 = arith.constant 46920 : i32
        %dma_start3A_221 = arith.constant 0 : i32
        %dma_start3A_222 = tpu.memref_slice %arg10[%dma_start3A_220, %dma_start3A_221] : memref<50000x32xf32, #tpu.memory_space<hbm>> -> memref<3080x32xf32, #tpu.memory_space<hbm>>
        tpu.enqueue_dma source(%dma_start3A_222 : memref<3080x32xf32, #tpu.memory_space<hbm>>) target(%dma_start3A_219 : memref<3080x32xf32, #tpu.memory_space<vmem_shared>>) target_semaphore(%run_scoped3A : memref<!tpu.dma_semaphore, #tpu.memory_space<semaphore_mem>>)
        %dma_wait3A = arith.constant 46920 : i32
        %dma_wait3A_223 = arith.constant 0 : i32
        %dma_wait3A_224 = tpu.memref_slice %arg20[%dma_wait3A, %dma_wait3A_223] : memref<50000x32xf32, #tpu.memory_space<vmem_shared>> -> memref<3080x32xf32, #tpu.memory_space<vmem_shared>>
        %dma_wait3A_225 = arith.constant 46920 : i32
        %dma_wait3A_226 = arith.constant 0 : i32
        %dma_wait3A_227 = tpu.memref_slice %arg10[%dma_wait3A_225, %dma_wait3A_226] : memref<50000x32xf32, #tpu.memory_space<hbm>> -> memref<3080x32xf32, #tpu.memory_space<hbm>>
        tpu.wait_dma2 semaphore(%run_scoped3A : memref<!tpu.dma_semaphore, #tpu.memory_space<semaphore_mem>>) src(%dma_wait3A_227 : memref<3080x32xf32, #tpu.memory_space<hbm>>) dst(%dma_wait3A_224 : memref<3080x32xf32, #tpu.memory_space<vmem_shared>>)
        tpu.yield
      }) : () -> ()
    } else {
    }
    %barrier3A_104 = arith.constant 0 : index
    tpu.barrier barrier_id(%barrier3A_104)
    %convert_element_type3A_105 = arith.extui %eq3A_91 : i1 to i32
    %cond3A_106 = arith.constant 0 : i32
    %cond3A_107 = arith.cmpi ne, %convert_element_type3A_105, %cond3A_106 : i32
    scf.if %cond3A_107 {
      %scan3A = arith.constant 0 : i32
      %scan3A_218 = arith.constant 0 : i32
      %scan3A_219 = arith.constant 391 : i32
      %scan3A_220 = arith.addi %scan3A_218, %scan3A_219 : i32
      %scan3A_221 = arith.constant 1 : i32
      scf.for %scan3A_223 = %scan3A_218 to %scan3A_220 step %scan3A_221  : i32 {
        %mul3A = arith.constant 16 : i32
        %mul3A_224 = arith.muli %mul3A, %scan3A_223 : i32
        %add3A = arith.addi %arg1, %mul3A_224 : i32
        %lt3A_225 = arith.constant 6250 : i32
        %lt3A_226 = arith.cmpi slt, %add3A, %lt3A_225 : i32
        %convert_element_type3A_227 = arith.extui %lt3A_226 : i1 to i32
        %cond3A_228 = arith.constant 0 : i32
        %cond3A_229 = arith.cmpi ne, %convert_element_type3A_227, %cond3A_228 : i32
        scf.if %cond3A_229 {
          %mul3A_230 = arith.constant 128 : i32
          %mul3A_231 = arith.muli %add3A, %mul3A_230 : i32
          %dma_start3A = arith.constant 0 : i32
          %dma_start3A_232 = tpu.memref_slice %arg5[%mul3A_231, %dma_start3A] : memref<800000x32xf32, #tpu.memory_space<hbm>> -> memref<128x32xf32, #tpu.memory_space<hbm>>
          %dma_start3A_233 = arith.constant 0 : i32
          %dma_start3A_234 = tpu.memref_slice %arg5[%mul3A_231, %dma_start3A_233] : memref<800000x32xf32, #tpu.memory_space<hbm>> -> memref<128x32xf32, #tpu.memory_space<hbm>>
          tpu.enqueue_dma source(%dma_start3A_234 : memref<128x32xf32, #tpu.memory_space<hbm>>) target(%arg19 : memref<128x32xf32, #tpu.memory_space<vmem>>) target_semaphore(%arg21 : memref<!tpu.dma_semaphore, #tpu.memory_space<semaphore_mem>>)
          %dma_start3A_235 = tpu.memref_slice %arg9[%mul3A_231] : memref<800000xi32, #tpu.memory_space<hbm>> -> memref<128xi32, #tpu.memory_space<hbm>>
          %dma_start3A_236 = tpu.memref_slice %arg9[%mul3A_231] : memref<800000xi32, #tpu.memory_space<hbm>> -> memref<128xi32, #tpu.memory_space<hbm>>
          tpu.enqueue_dma source(%dma_start3A_236 : memref<128xi32, #tpu.memory_space<hbm>>) target(%arg18 : memref<128xi32, #tpu.memory_space<vmem>>) target_semaphore(%arg21 : memref<!tpu.dma_semaphore, #tpu.memory_space<semaphore_mem>>)
          %dma_wait3A = arith.constant 0 : i32
          %dma_wait3A_237 = tpu.memref_slice %arg5[%mul3A_231, %dma_wait3A] : memref<800000x32xf32, #tpu.memory_space<hbm>> -> memref<128x32xf32, #tpu.memory_space<hbm>>
          %dma_wait3A_238 = arith.constant 0 : i32
          %dma_wait3A_239 = tpu.memref_slice %arg5[%mul3A_231, %dma_wait3A_238] : memref<800000x32xf32, #tpu.memory_space<hbm>> -> memref<128x32xf32, #tpu.memory_space<hbm>>
          tpu.wait_dma2 semaphore(%arg21 : memref<!tpu.dma_semaphore, #tpu.memory_space<semaphore_mem>>) src(%dma_wait3A_239 : memref<128x32xf32, #tpu.memory_space<hbm>>) dst(%arg19 : memref<128x32xf32, #tpu.memory_space<vmem>>)
          %dma_wait3A_240 = tpu.memref_slice %arg9[%mul3A_231] : memref<800000xi32, #tpu.memory_space<hbm>> -> memref<128xi32, #tpu.memory_space<hbm>>
          %dma_wait3A_241 = tpu.memref_slice %arg9[%mul3A_231] : memref<800000xi32, #tpu.memory_space<hbm>> -> memref<128xi32, #tpu.memory_space<hbm>>
          tpu.wait_dma2 semaphore(%arg21 : memref<!tpu.dma_semaphore, #tpu.memory_space<semaphore_mem>>) src(%dma_wait3A_241 : memref<128xi32, #tpu.memory_space<hbm>>) dst(%arg18 : memref<128xi32, #tpu.memory_space<vmem>>)
          "tpu.region"() ({
            %run_scoped3A = tpu.sem_alloc : memref<!tpu.dma_semaphore, #tpu.memory_space<semaphore_mem>>
            %dma_start3A_242 = arith.constant 0 : i32
            %dma_start3A_243 = arith.constant 0 : i32
            %dma_start3A_244 = tpu.memref_slice %arg20[%dma_start3A_242, %dma_start3A_243] : memref<50000x32xf32, #tpu.memory_space<vmem_shared>> -> memref<50000x32xf32, #tpu.memory_space<vmem_shared>>
            tpu.enqueue_indirect_dma source(%arg19 : memref<128x32xf32, #tpu.memory_space<vmem>>) target(%dma_start3A_244 : memref<50000x32xf32, #tpu.memory_space<vmem_shared>>) offsets(%arg18 : memref<128xi32, #tpu.memory_space<vmem>>) semaphore(%run_scoped3A : memref<!tpu.dma_semaphore, #tpu.memory_space<semaphore_mem>>) {add = true}
            %dma_wait3A_245 = arith.constant 0 : i32
            %dma_wait3A_246 = arith.constant 0 : i32
            %dma_wait3A_247 = tpu.memref_slice %arg20[%dma_wait3A_245, %dma_wait3A_246] : memref<50000x32xf32, #tpu.memory_space<vmem_shared>> -> memref<50000x32xf32, #tpu.memory_space<vmem_shared>>
            tpu.wait_indirect_dma semaphore(%run_scoped3A : memref<!tpu.dma_semaphore, #tpu.memory_space<semaphore_mem>>) src(%arg19 : memref<128x32xf32, #tpu.memory_space<vmem>>) dst(%dma_wait3A_247 : memref<50000x32xf32, #tpu.memory_space<vmem_shared>>)
            tpu.yield
          }) : () -> ()
        } else {
        }
      }
      %scan3A_222 = arith.constant 391 : i32
    } else {
    }
    %barrier3A_108 = arith.constant 0 : index
    tpu.barrier barrier_id(%barrier3A_108)
    %lt3A_109 = arith.constant 15 : i32
    %lt3A_110 = arith.cmpi slt, %arg1, %lt3A_109 : i32
    %and3A_111 = arith.andi %eq3A_91, %lt3A_110 : i1
    %convert_element_type3A_112 = arith.extui %and3A_111 : i1 to i32
    %cond3A_113 = arith.constant 0 : i32
    %cond3A_114 = arith.cmpi ne, %convert_element_type3A_112, %cond3A_113 : i32
    scf.if %cond3A_114 {
      %mul3A = arith.constant 3128 : i32
      %mul3A_218 = arith.muli %arg1, %mul3A : i32
      %mul3A_219 = arith.constant 3128 : i32
      %mul3A_220 = arith.muli %arg1, %mul3A_219 : i32
      "tpu.region"() ({
        %run_scoped3A = tpu.sem_alloc : memref<!tpu.dma_semaphore, #tpu.memory_space<semaphore_mem>>
        %dma_start3A = arith.constant 0 : i32
        %dma_start3A_221 = tpu.memref_slice %arg14[%mul3A_220, %dma_start3A] : memref<50000x32xf32, #tpu.memory_space<hbm>> -> memref<3128x32xf32, #tpu.memory_space<hbm>>
        %dma_start3A_222 = arith.constant 0 : i32
        %dma_start3A_223 = tpu.memref_slice %arg20[%mul3A_218, %dma_start3A_222] : memref<50000x32xf32, #tpu.memory_space<vmem_shared>> -> memref<3128x32xf32, #tpu.memory_space<vmem_shared>>
        tpu.enqueue_dma source(%dma_start3A_223 : memref<3128x32xf32, #tpu.memory_space<vmem_shared>>) target(%dma_start3A_221 : memref<3128x32xf32, #tpu.memory_space<hbm>>) target_semaphore(%run_scoped3A : memref<!tpu.dma_semaphore, #tpu.memory_space<semaphore_mem>>)
        %dma_wait3A = arith.constant 0 : i32
        %dma_wait3A_224 = tpu.memref_slice %arg14[%mul3A_220, %dma_wait3A] : memref<50000x32xf32, #tpu.memory_space<hbm>> -> memref<3128x32xf32, #tpu.memory_space<hbm>>
        %dma_wait3A_225 = arith.constant 0 : i32
        %dma_wait3A_226 = tpu.memref_slice %arg20[%mul3A_218, %dma_wait3A_225] : memref<50000x32xf32, #tpu.memory_space<vmem_shared>> -> memref<3128x32xf32, #tpu.memory_space<vmem_shared>>
        tpu.wait_dma2 semaphore(%run_scoped3A : memref<!tpu.dma_semaphore, #tpu.memory_space<semaphore_mem>>) src(%dma_wait3A_226 : memref<3128x32xf32, #tpu.memory_space<vmem_shared>>) dst(%dma_wait3A_224 : memref<3128x32xf32, #tpu.memory_space<hbm>>)
        tpu.yield
      }) : () -> ()
    } else {
    }
    %eq3A_115 = arith.constant 15 : i32
    %eq3A_116 = arith.cmpi eq, %arg1, %eq3A_115 : i32
    %and3A_117 = arith.andi %eq3A_91, %eq3A_116 : i1
    %convert_element_type3A_118 = arith.extui %and3A_117 : i1 to i32
    %cond3A_119 = arith.constant 0 : i32
    %cond3A_120 = arith.cmpi ne, %convert_element_type3A_118, %cond3A_119 : i32
    scf.if %cond3A_120 {
      "tpu.region"() ({
        %run_scoped3A = tpu.sem_alloc : memref<!tpu.dma_semaphore, #tpu.memory_space<semaphore_mem>>
        %dma_start3A = arith.constant 46920 : i32
        %dma_start3A_218 = arith.constant 0 : i32
        %dma_start3A_219 = tpu.memref_slice %arg14[%dma_start3A, %dma_start3A_218] : memref<50000x32xf32, #tpu.memory_space<hbm>> -> memref<3080x32xf32, #tpu.memory_space<hbm>>
        %dma_start3A_220 = arith.constant 46920 : i32
        %dma_start3A_221 = arith.constant 0 : i32
        %dma_start3A_222 = tpu.memref_slice %arg20[%dma_start3A_220, %dma_start3A_221] : memref<50000x32xf32, #tpu.memory_space<vmem_shared>> -> memref<3080x32xf32, #tpu.memory_space<vmem_shared>>
        tpu.enqueue_dma source(%dma_start3A_222 : memref<3080x32xf32, #tpu.memory_space<vmem_shared>>) target(%dma_start3A_219 : memref<3080x32xf32, #tpu.memory_space<hbm>>) target_semaphore(%run_scoped3A : memref<!tpu.dma_semaphore, #tpu.memory_space<semaphore_mem>>)
        %dma_wait3A = arith.constant 46920 : i32
        %dma_wait3A_223 = arith.constant 0 : i32
        %dma_wait3A_224 = tpu.memref_slice %arg14[%dma_wait3A, %dma_wait3A_223] : memref<50000x32xf32, #tpu.memory_space<hbm>> -> memref<3080x32xf32, #tpu.memory_space<hbm>>
        %dma_wait3A_225 = arith.constant 46920 : i32
        %dma_wait3A_226 = arith.constant 0 : i32
        %dma_wait3A_227 = tpu.memref_slice %arg20[%dma_wait3A_225, %dma_wait3A_226] : memref<50000x32xf32, #tpu.memory_space<vmem_shared>> -> memref<3080x32xf32, #tpu.memory_space<vmem_shared>>
        tpu.wait_dma2 semaphore(%run_scoped3A : memref<!tpu.dma_semaphore, #tpu.memory_space<semaphore_mem>>) src(%dma_wait3A_227 : memref<3080x32xf32, #tpu.memory_space<vmem_shared>>) dst(%dma_wait3A_224 : memref<3080x32xf32, #tpu.memory_space<hbm>>)
        tpu.yield
      }) : () -> ()
    } else {
    }
    %barrier3A_121 = arith.constant 0 : index
    tpu.barrier barrier_id(%barrier3A_121)
    %eq3A_122 = arith.constant 0 : i32
    %eq3A_123 = arith.cmpi eq, %arg0, %eq3A_122 : i32
    %lt3A_124 = arith.constant 15 : i32
    %lt3A_125 = arith.cmpi slt, %arg1, %lt3A_124 : i32
    %and3A_126 = arith.andi %eq3A_123, %lt3A_125 : i1
    %convert_element_type3A_127 = arith.extui %and3A_126 : i1 to i32
    %cond3A_128 = arith.constant 0 : i32
    %cond3A_129 = arith.cmpi ne, %convert_element_type3A_127, %cond3A_128 : i32
    scf.if %cond3A_129 {
      %mul3A = arith.constant 3128 : i32
      %mul3A_218 = arith.muli %arg1, %mul3A : i32
      %mul3A_219 = arith.constant 3128 : i32
      %mul3A_220 = arith.muli %arg1, %mul3A_219 : i32
      "tpu.region"() ({
        %run_scoped3A = tpu.sem_alloc : memref<!tpu.dma_semaphore, #tpu.memory_space<semaphore_mem>>
        %dma_start3A = arith.constant 0 : i32
        %dma_start3A_221 = tpu.memref_slice %arg20[%mul3A_220, %dma_start3A] : memref<50000x32xf32, #tpu.memory_space<vmem_shared>> -> memref<3128x32xf32, #tpu.memory_space<vmem_shared>>
        %dma_start3A_222 = arith.constant 0 : i32
        %dma_start3A_223 = tpu.memref_slice %arg10[%mul3A_218, %dma_start3A_222] : memref<50000x32xf32, #tpu.memory_space<hbm>> -> memref<3128x32xf32, #tpu.memory_space<hbm>>
        tpu.enqueue_dma source(%dma_start3A_223 : memref<3128x32xf32, #tpu.memory_space<hbm>>) target(%dma_start3A_221 : memref<3128x32xf32, #tpu.memory_space<vmem_shared>>) target_semaphore(%run_scoped3A : memref<!tpu.dma_semaphore, #tpu.memory_space<semaphore_mem>>)
        %dma_wait3A = arith.constant 0 : i32
        %dma_wait3A_224 = tpu.memref_slice %arg20[%mul3A_220, %dma_wait3A] : memref<50000x32xf32, #tpu.memory_space<vmem_shared>> -> memref<3128x32xf32, #tpu.memory_space<vmem_shared>>
        %dma_wait3A_225 = arith.constant 0 : i32
        %dma_wait3A_226 = tpu.memref_slice %arg10[%mul3A_218, %dma_wait3A_225] : memref<50000x32xf32, #tpu.memory_space<hbm>> -> memref<3128x32xf32, #tpu.memory_space<hbm>>
        tpu.wait_dma2 semaphore(%run_scoped3A : memref<!tpu.dma_semaphore, #tpu.memory_space<semaphore_mem>>) src(%dma_wait3A_226 : memref<3128x32xf32, #tpu.memory_space<hbm>>) dst(%dma_wait3A_224 : memref<3128x32xf32, #tpu.memory_space<vmem_shared>>)
        tpu.yield
      }) : () -> ()
    } else {
    }
    %eq3A_130 = arith.constant 15 : i32
    %eq3A_131 = arith.cmpi eq, %arg1, %eq3A_130 : i32
    %and3A_132 = arith.andi %eq3A_123, %eq3A_131 : i1
    %convert_element_type3A_133 = arith.extui %and3A_132 : i1 to i32
    %cond3A_134 = arith.constant 0 : i32
    %cond3A_135 = arith.cmpi ne, %convert_element_type3A_133, %cond3A_134 : i32
    scf.if %cond3A_135 {
      "tpu.region"() ({
        %run_scoped3A = tpu.sem_alloc : memref<!tpu.dma_semaphore, #tpu.memory_space<semaphore_mem>>
        %dma_start3A = arith.constant 46920 : i32
        %dma_start3A_218 = arith.constant 0 : i32
        %dma_start3A_219 = tpu.memref_slice %arg20[%dma_start3A, %dma_start3A_218] : memref<50000x32xf32, #tpu.memory_space<vmem_shared>> -> memref<3080x32xf32, #tpu.memory_space<vmem_shared>>
        %dma_start3A_220 = arith.constant 46920 : i32
        %dma_start3A_221 = arith.constant 0 : i32
        %dma_start3A_222 = tpu.memref_slice %arg10[%dma_start3A_220, %dma_start3A_221] : memref<50000x32xf32, #tpu.memory_space<hbm>> -> memref<3080x32xf32, #tpu.memory_space<hbm>>
        tpu.enqueue_dma source(%dma_start3A_222 : memref<3080x32xf32, #tpu.memory_space<hbm>>) target(%dma_start3A_219 : memref<3080x32xf32, #tpu.memory_space<vmem_shared>>) target_semaphore(%run_scoped3A : memref<!tpu.dma_semaphore, #tpu.memory_space<semaphore_mem>>)
        %dma_wait3A = arith.constant 46920 : i32
        %dma_wait3A_223 = arith.constant 0 : i32
        %dma_wait3A_224 = tpu.memref_slice %arg20[%dma_wait3A, %dma_wait3A_223] : memref<50000x32xf32, #tpu.memory_space<vmem_shared>> -> memref<3080x32xf32, #tpu.memory_space<vmem_shared>>
        %dma_wait3A_225 = arith.constant 46920 : i32
        %dma_wait3A_226 = arith.constant 0 : i32
        %dma_wait3A_227 = tpu.memref_slice %arg10[%dma_wait3A_225, %dma_wait3A_226] : memref<50000x32xf32, #tpu.memory_space<hbm>> -> memref<3080x32xf32, #tpu.memory_space<hbm>>
        tpu.wait_dma2 semaphore(%run_scoped3A : memref<!tpu.dma_semaphore, #tpu.memory_space<semaphore_mem>>) src(%dma_wait3A_227 : memref<3080x32xf32, #tpu.memory_space<hbm>>) dst(%dma_wait3A_224 : memref<3080x32xf32, #tpu.memory_space<vmem_shared>>)
        tpu.yield
      }) : () -> ()
    } else {
    }
    %barrier3A_136 = arith.constant 0 : index
    tpu.barrier barrier_id(%barrier3A_136)
    %convert_element_type3A_137 = arith.extui %eq3A_123 : i1 to i32
    %cond3A_138 = arith.constant 0 : i32
    %cond3A_139 = arith.cmpi ne, %convert_element_type3A_137, %cond3A_138 : i32
    scf.if %cond3A_139 {
      %scan3A = arith.constant 0 : i32
      %scan3A_218 = arith.constant 0 : i32
      %scan3A_219 = arith.constant 391 : i32
      %scan3A_220 = arith.addi %scan3A_218, %scan3A_219 : i32
      %scan3A_221 = arith.constant 1 : i32
      scf.for %scan3A_223 = %scan3A_218 to %scan3A_220 step %scan3A_221  : i32 {
        %mul3A = arith.constant 16 : i32
        %mul3A_224 = arith.muli %mul3A, %scan3A_223 : i32
        %add3A = arith.addi %arg1, %mul3A_224 : i32
        %lt3A_225 = arith.constant 6250 : i32
        %lt3A_226 = arith.cmpi slt, %add3A, %lt3A_225 : i32
        %convert_element_type3A_227 = arith.extui %lt3A_226 : i1 to i32
        %cond3A_228 = arith.constant 0 : i32
        %cond3A_229 = arith.cmpi ne, %convert_element_type3A_227, %cond3A_228 : i32
        scf.if %cond3A_229 {
          %mul3A_230 = arith.constant 128 : i32
          %mul3A_231 = arith.muli %add3A, %mul3A_230 : i32
          %dma_start3A = arith.constant 0 : i32
          %dma_start3A_232 = tpu.memref_slice %arg6[%mul3A_231, %dma_start3A] : memref<800000x32xf32, #tpu.memory_space<hbm>> -> memref<128x32xf32, #tpu.memory_space<hbm>>
          %dma_start3A_233 = arith.constant 0 : i32
          %dma_start3A_234 = tpu.memref_slice %arg6[%mul3A_231, %dma_start3A_233] : memref<800000x32xf32, #tpu.memory_space<hbm>> -> memref<128x32xf32, #tpu.memory_space<hbm>>
          tpu.enqueue_dma source(%dma_start3A_234 : memref<128x32xf32, #tpu.memory_space<hbm>>) target(%arg19 : memref<128x32xf32, #tpu.memory_space<vmem>>) target_semaphore(%arg21 : memref<!tpu.dma_semaphore, #tpu.memory_space<semaphore_mem>>)
          %dma_start3A_235 = tpu.memref_slice %arg9[%mul3A_231] : memref<800000xi32, #tpu.memory_space<hbm>> -> memref<128xi32, #tpu.memory_space<hbm>>
          %dma_start3A_236 = tpu.memref_slice %arg9[%mul3A_231] : memref<800000xi32, #tpu.memory_space<hbm>> -> memref<128xi32, #tpu.memory_space<hbm>>
          tpu.enqueue_dma source(%dma_start3A_236 : memref<128xi32, #tpu.memory_space<hbm>>) target(%arg18 : memref<128xi32, #tpu.memory_space<vmem>>) target_semaphore(%arg21 : memref<!tpu.dma_semaphore, #tpu.memory_space<semaphore_mem>>)
          %dma_wait3A = arith.constant 0 : i32
          %dma_wait3A_237 = tpu.memref_slice %arg6[%mul3A_231, %dma_wait3A] : memref<800000x32xf32, #tpu.memory_space<hbm>> -> memref<128x32xf32, #tpu.memory_space<hbm>>
          %dma_wait3A_238 = arith.constant 0 : i32
          %dma_wait3A_239 = tpu.memref_slice %arg6[%mul3A_231, %dma_wait3A_238] : memref<800000x32xf32, #tpu.memory_space<hbm>> -> memref<128x32xf32, #tpu.memory_space<hbm>>
          tpu.wait_dma2 semaphore(%arg21 : memref<!tpu.dma_semaphore, #tpu.memory_space<semaphore_mem>>) src(%dma_wait3A_239 : memref<128x32xf32, #tpu.memory_space<hbm>>) dst(%arg19 : memref<128x32xf32, #tpu.memory_space<vmem>>)
          %dma_wait3A_240 = tpu.memref_slice %arg9[%mul3A_231] : memref<800000xi32, #tpu.memory_space<hbm>> -> memref<128xi32, #tpu.memory_space<hbm>>
          %dma_wait3A_241 = tpu.memref_slice %arg9[%mul3A_231] : memref<800000xi32, #tpu.memory_space<hbm>> -> memref<128xi32, #tpu.memory_space<hbm>>
          tpu.wait_dma2 semaphore(%arg21 : memref<!tpu.dma_semaphore, #tpu.memory_space<semaphore_mem>>) src(%dma_wait3A_241 : memref<128xi32, #tpu.memory_space<hbm>>) dst(%arg18 : memref<128xi32, #tpu.memory_space<vmem>>)
          "tpu.region"() ({
            %run_scoped3A = tpu.sem_alloc : memref<!tpu.dma_semaphore, #tpu.memory_space<semaphore_mem>>
            %dma_start3A_242 = arith.constant 0 : i32
            %dma_start3A_243 = arith.constant 0 : i32
            %dma_start3A_244 = tpu.memref_slice %arg20[%dma_start3A_242, %dma_start3A_243] : memref<50000x32xf32, #tpu.memory_space<vmem_shared>> -> memref<50000x32xf32, #tpu.memory_space<vmem_shared>>
            tpu.enqueue_indirect_dma source(%arg19 : memref<128x32xf32, #tpu.memory_space<vmem>>) target(%dma_start3A_244 : memref<50000x32xf32, #tpu.memory_space<vmem_shared>>) offsets(%arg18 : memref<128xi32, #tpu.memory_space<vmem>>) semaphore(%run_scoped3A : memref<!tpu.dma_semaphore, #tpu.memory_space<semaphore_mem>>) {add = true}
            %dma_wait3A_245 = arith.constant 0 : i32
            %dma_wait3A_246 = arith.constant 0 : i32
            %dma_wait3A_247 = tpu.memref_slice %arg20[%dma_wait3A_245, %dma_wait3A_246] : memref<50000x32xf32, #tpu.memory_space<vmem_shared>> -> memref<50000x32xf32, #tpu.memory_space<vmem_shared>>
            tpu.wait_indirect_dma semaphore(%run_scoped3A : memref<!tpu.dma_semaphore, #tpu.memory_space<semaphore_mem>>) src(%arg19 : memref<128x32xf32, #tpu.memory_space<vmem>>) dst(%dma_wait3A_247 : memref<50000x32xf32, #tpu.memory_space<vmem_shared>>)
            tpu.yield
          }) : () -> ()
        } else {
        }
      }
      %scan3A_222 = arith.constant 391 : i32
    } else {
    }
    %barrier3A_140 = arith.constant 0 : index
    tpu.barrier barrier_id(%barrier3A_140)
    %lt3A_141 = arith.constant 15 : i32
    %lt3A_142 = arith.cmpi slt, %arg1, %lt3A_141 : i32
    %and3A_143 = arith.andi %eq3A_123, %lt3A_142 : i1
    %convert_element_type3A_144 = arith.extui %and3A_143 : i1 to i32
    %cond3A_145 = arith.constant 0 : i32
    %cond3A_146 = arith.cmpi ne, %convert_element_type3A_144, %cond3A_145 : i32
    scf.if %cond3A_146 {
      %mul3A = arith.constant 3128 : i32
      %mul3A_218 = arith.muli %arg1, %mul3A : i32
      %mul3A_219 = arith.constant 3128 : i32
      %mul3A_220 = arith.muli %arg1, %mul3A_219 : i32
      "tpu.region"() ({
        %run_scoped3A = tpu.sem_alloc : memref<!tpu.dma_semaphore, #tpu.memory_space<semaphore_mem>>
        %dma_start3A = arith.constant 0 : i32
        %dma_start3A_221 = tpu.memref_slice %arg15[%mul3A_220, %dma_start3A] : memref<50000x32xf32, #tpu.memory_space<hbm>> -> memref<3128x32xf32, #tpu.memory_space<hbm>>
        %dma_start3A_222 = arith.constant 0 : i32
        %dma_start3A_223 = tpu.memref_slice %arg20[%mul3A_218, %dma_start3A_222] : memref<50000x32xf32, #tpu.memory_space<vmem_shared>> -> memref<3128x32xf32, #tpu.memory_space<vmem_shared>>
        tpu.enqueue_dma source(%dma_start3A_223 : memref<3128x32xf32, #tpu.memory_space<vmem_shared>>) target(%dma_start3A_221 : memref<3128x32xf32, #tpu.memory_space<hbm>>) target_semaphore(%run_scoped3A : memref<!tpu.dma_semaphore, #tpu.memory_space<semaphore_mem>>)
        %dma_wait3A = arith.constant 0 : i32
        %dma_wait3A_224 = tpu.memref_slice %arg15[%mul3A_220, %dma_wait3A] : memref<50000x32xf32, #tpu.memory_space<hbm>> -> memref<3128x32xf32, #tpu.memory_space<hbm>>
        %dma_wait3A_225 = arith.constant 0 : i32
        %dma_wait3A_226 = tpu.memref_slice %arg20[%mul3A_218, %dma_wait3A_225] : memref<50000x32xf32, #tpu.memory_space<vmem_shared>> -> memref<3128x32xf32, #tpu.memory_space<vmem_shared>>
        tpu.wait_dma2 semaphore(%run_scoped3A : memref<!tpu.dma_semaphore, #tpu.memory_space<semaphore_mem>>) src(%dma_wait3A_226 : memref<3128x32xf32, #tpu.memory_space<vmem_shared>>) dst(%dma_wait3A_224 : memref<3128x32xf32, #tpu.memory_space<hbm>>)
        tpu.yield
      }) : () -> ()
    } else {
    }
    %eq3A_147 = arith.constant 15 : i32
    %eq3A_148 = arith.cmpi eq, %arg1, %eq3A_147 : i32
    %and3A_149 = arith.andi %eq3A_123, %eq3A_148 : i1
    %convert_element_type3A_150 = arith.extui %and3A_149 : i1 to i32
    %cond3A_151 = arith.constant 0 : i32
    %cond3A_152 = arith.cmpi ne, %convert_element_type3A_150, %cond3A_151 : i32
    scf.if %cond3A_152 {
      "tpu.region"() ({
        %run_scoped3A = tpu.sem_alloc : memref<!tpu.dma_semaphore, #tpu.memory_space<semaphore_mem>>
        %dma_start3A = arith.constant 46920 : i32
        %dma_start3A_218 = arith.constant 0 : i32
        %dma_start3A_219 = tpu.memref_slice %arg15[%dma_start3A, %dma_start3A_218] : memref<50000x32xf32, #tpu.memory_space<hbm>> -> memref<3080x32xf32, #tpu.memory_space<hbm>>
        %dma_start3A_220 = arith.constant 46920 : i32
        %dma_start3A_221 = arith.constant 0 : i32
        %dma_start3A_222 = tpu.memref_slice %arg20[%dma_start3A_220, %dma_start3A_221] : memref<50000x32xf32, #tpu.memory_space<vmem_shared>> -> memref<3080x32xf32, #tpu.memory_space<vmem_shared>>
        tpu.enqueue_dma source(%dma_start3A_222 : memref<3080x32xf32, #tpu.memory_space<vmem_shared>>) target(%dma_start3A_219 : memref<3080x32xf32, #tpu.memory_space<hbm>>) target_semaphore(%run_scoped3A : memref<!tpu.dma_semaphore, #tpu.memory_space<semaphore_mem>>)
        %dma_wait3A = arith.constant 46920 : i32
        %dma_wait3A_223 = arith.constant 0 : i32
        %dma_wait3A_224 = tpu.memref_slice %arg15[%dma_wait3A, %dma_wait3A_223] : memref<50000x32xf32, #tpu.memory_space<hbm>> -> memref<3080x32xf32, #tpu.memory_space<hbm>>
        %dma_wait3A_225 = arith.constant 46920 : i32
        %dma_wait3A_226 = arith.constant 0 : i32
        %dma_wait3A_227 = tpu.memref_slice %arg20[%dma_wait3A_225, %dma_wait3A_226] : memref<50000x32xf32, #tpu.memory_space<vmem_shared>> -> memref<3080x32xf32, #tpu.memory_space<vmem_shared>>
        tpu.wait_dma2 semaphore(%run_scoped3A : memref<!tpu.dma_semaphore, #tpu.memory_space<semaphore_mem>>) src(%dma_wait3A_227 : memref<3080x32xf32, #tpu.memory_space<vmem_shared>>) dst(%dma_wait3A_224 : memref<3080x32xf32, #tpu.memory_space<hbm>>)
        tpu.yield
      }) : () -> ()
    } else {
    }
    %barrier3A_153 = arith.constant 0 : index
    tpu.barrier barrier_id(%barrier3A_153)
    %eq3A_154 = arith.constant 1 : i32
    %eq3A_155 = arith.cmpi eq, %arg0, %eq3A_154 : i32
    %lt3A_156 = arith.constant 15 : i32
    %lt3A_157 = arith.cmpi slt, %arg1, %lt3A_156 : i32
    %and3A_158 = arith.andi %eq3A_155, %lt3A_157 : i1
    %convert_element_type3A_159 = arith.extui %and3A_158 : i1 to i32
    %cond3A_160 = arith.constant 0 : i32
    %cond3A_161 = arith.cmpi ne, %convert_element_type3A_159, %cond3A_160 : i32
    scf.if %cond3A_161 {
      %mul3A = arith.constant 3128 : i32
      %mul3A_218 = arith.muli %arg1, %mul3A : i32
      %mul3A_219 = arith.constant 3128 : i32
      %mul3A_220 = arith.muli %arg1, %mul3A_219 : i32
      "tpu.region"() ({
        %run_scoped3A = tpu.sem_alloc : memref<!tpu.dma_semaphore, #tpu.memory_space<semaphore_mem>>
        %dma_start3A = arith.constant 0 : i32
        %dma_start3A_221 = tpu.memref_slice %arg20[%mul3A_220, %dma_start3A] : memref<50000x32xf32, #tpu.memory_space<vmem_shared>> -> memref<3128x32xf32, #tpu.memory_space<vmem_shared>>
        %dma_start3A_222 = arith.constant 0 : i32
        %dma_start3A_223 = tpu.memref_slice %arg10[%mul3A_218, %dma_start3A_222] : memref<50000x32xf32, #tpu.memory_space<hbm>> -> memref<3128x32xf32, #tpu.memory_space<hbm>>
        tpu.enqueue_dma source(%dma_start3A_223 : memref<3128x32xf32, #tpu.memory_space<hbm>>) target(%dma_start3A_221 : memref<3128x32xf32, #tpu.memory_space<vmem_shared>>) target_semaphore(%run_scoped3A : memref<!tpu.dma_semaphore, #tpu.memory_space<semaphore_mem>>)
        %dma_wait3A = arith.constant 0 : i32
        %dma_wait3A_224 = tpu.memref_slice %arg20[%mul3A_220, %dma_wait3A] : memref<50000x32xf32, #tpu.memory_space<vmem_shared>> -> memref<3128x32xf32, #tpu.memory_space<vmem_shared>>
        %dma_wait3A_225 = arith.constant 0 : i32
        %dma_wait3A_226 = tpu.memref_slice %arg10[%mul3A_218, %dma_wait3A_225] : memref<50000x32xf32, #tpu.memory_space<hbm>> -> memref<3128x32xf32, #tpu.memory_space<hbm>>
        tpu.wait_dma2 semaphore(%run_scoped3A : memref<!tpu.dma_semaphore, #tpu.memory_space<semaphore_mem>>) src(%dma_wait3A_226 : memref<3128x32xf32, #tpu.memory_space<hbm>>) dst(%dma_wait3A_224 : memref<3128x32xf32, #tpu.memory_space<vmem_shared>>)
        tpu.yield
      }) : () -> ()
    } else {
    }
    %eq3A_162 = arith.constant 15 : i32
    %eq3A_163 = arith.cmpi eq, %arg1, %eq3A_162 : i32
    %and3A_164 = arith.andi %eq3A_155, %eq3A_163 : i1
    %convert_element_type3A_165 = arith.extui %and3A_164 : i1 to i32
    %cond3A_166 = arith.constant 0 : i32
    %cond3A_167 = arith.cmpi ne, %convert_element_type3A_165, %cond3A_166 : i32
    scf.if %cond3A_167 {
      "tpu.region"() ({
        %run_scoped3A = tpu.sem_alloc : memref<!tpu.dma_semaphore, #tpu.memory_space<semaphore_mem>>
        %dma_start3A = arith.constant 46920 : i32
        %dma_start3A_218 = arith.constant 0 : i32
        %dma_start3A_219 = tpu.memref_slice %arg20[%dma_start3A, %dma_start3A_218] : memref<50000x32xf32, #tpu.memory_space<vmem_shared>> -> memref<3080x32xf32, #tpu.memory_space<vmem_shared>>
        %dma_start3A_220 = arith.constant 46920 : i32
        %dma_start3A_221 = arith.constant 0 : i32
        %dma_start3A_222 = tpu.memref_slice %arg10[%dma_start3A_220, %dma_start3A_221] : memref<50000x32xf32, #tpu.memory_space<hbm>> -> memref<3080x32xf32, #tpu.memory_space<hbm>>
        tpu.enqueue_dma source(%dma_start3A_222 : memref<3080x32xf32, #tpu.memory_space<hbm>>) target(%dma_start3A_219 : memref<3080x32xf32, #tpu.memory_space<vmem_shared>>) target_semaphore(%run_scoped3A : memref<!tpu.dma_semaphore, #tpu.memory_space<semaphore_mem>>)
        %dma_wait3A = arith.constant 46920 : i32
        %dma_wait3A_223 = arith.constant 0 : i32
        %dma_wait3A_224 = tpu.memref_slice %arg20[%dma_wait3A, %dma_wait3A_223] : memref<50000x32xf32, #tpu.memory_space<vmem_shared>> -> memref<3080x32xf32, #tpu.memory_space<vmem_shared>>
        %dma_wait3A_225 = arith.constant 46920 : i32
        %dma_wait3A_226 = arith.constant 0 : i32
        %dma_wait3A_227 = tpu.memref_slice %arg10[%dma_wait3A_225, %dma_wait3A_226] : memref<50000x32xf32, #tpu.memory_space<hbm>> -> memref<3080x32xf32, #tpu.memory_space<hbm>>
        tpu.wait_dma2 semaphore(%run_scoped3A : memref<!tpu.dma_semaphore, #tpu.memory_space<semaphore_mem>>) src(%dma_wait3A_227 : memref<3080x32xf32, #tpu.memory_space<hbm>>) dst(%dma_wait3A_224 : memref<3080x32xf32, #tpu.memory_space<vmem_shared>>)
        tpu.yield
      }) : () -> ()
    } else {
    }
    %barrier3A_168 = arith.constant 0 : index
    tpu.barrier barrier_id(%barrier3A_168)
    %convert_element_type3A_169 = arith.extui %eq3A_155 : i1 to i32
    %cond3A_170 = arith.constant 0 : i32
    %cond3A_171 = arith.cmpi ne, %convert_element_type3A_169, %cond3A_170 : i32
    scf.if %cond3A_171 {
      %scan3A = arith.constant 0 : i32
      %scan3A_218 = arith.constant 0 : i32
      %scan3A_219 = arith.constant 391 : i32
      %scan3A_220 = arith.addi %scan3A_218, %scan3A_219 : i32
      %scan3A_221 = arith.constant 1 : i32
      scf.for %scan3A_223 = %scan3A_218 to %scan3A_220 step %scan3A_221  : i32 {
        %mul3A = arith.constant 16 : i32
        %mul3A_224 = arith.muli %mul3A, %scan3A_223 : i32
        %add3A = arith.addi %arg1, %mul3A_224 : i32
        %lt3A_225 = arith.constant 6250 : i32
        %lt3A_226 = arith.cmpi slt, %add3A, %lt3A_225 : i32
        %convert_element_type3A_227 = arith.extui %lt3A_226 : i1 to i32
        %cond3A_228 = arith.constant 0 : i32
        %cond3A_229 = arith.cmpi ne, %convert_element_type3A_227, %cond3A_228 : i32
        scf.if %cond3A_229 {
          %mul3A_230 = arith.constant 128 : i32
          %mul3A_231 = arith.muli %add3A, %mul3A_230 : i32
          %dma_start3A = arith.constant 0 : i32
          %dma_start3A_232 = tpu.memref_slice %arg7[%mul3A_231, %dma_start3A] : memref<800000x32xf32, #tpu.memory_space<hbm>> -> memref<128x32xf32, #tpu.memory_space<hbm>>
          %dma_start3A_233 = arith.constant 0 : i32
          %dma_start3A_234 = tpu.memref_slice %arg7[%mul3A_231, %dma_start3A_233] : memref<800000x32xf32, #tpu.memory_space<hbm>> -> memref<128x32xf32, #tpu.memory_space<hbm>>
          tpu.enqueue_dma source(%dma_start3A_234 : memref<128x32xf32, #tpu.memory_space<hbm>>) target(%arg19 : memref<128x32xf32, #tpu.memory_space<vmem>>) target_semaphore(%arg21 : memref<!tpu.dma_semaphore, #tpu.memory_space<semaphore_mem>>)
          %dma_start3A_235 = tpu.memref_slice %arg9[%mul3A_231] : memref<800000xi32, #tpu.memory_space<hbm>> -> memref<128xi32, #tpu.memory_space<hbm>>
          %dma_start3A_236 = tpu.memref_slice %arg9[%mul3A_231] : memref<800000xi32, #tpu.memory_space<hbm>> -> memref<128xi32, #tpu.memory_space<hbm>>
          tpu.enqueue_dma source(%dma_start3A_236 : memref<128xi32, #tpu.memory_space<hbm>>) target(%arg18 : memref<128xi32, #tpu.memory_space<vmem>>) target_semaphore(%arg21 : memref<!tpu.dma_semaphore, #tpu.memory_space<semaphore_mem>>)
          %dma_wait3A = arith.constant 0 : i32
          %dma_wait3A_237 = tpu.memref_slice %arg7[%mul3A_231, %dma_wait3A] : memref<800000x32xf32, #tpu.memory_space<hbm>> -> memref<128x32xf32, #tpu.memory_space<hbm>>
          %dma_wait3A_238 = arith.constant 0 : i32
          %dma_wait3A_239 = tpu.memref_slice %arg7[%mul3A_231, %dma_wait3A_238] : memref<800000x32xf32, #tpu.memory_space<hbm>> -> memref<128x32xf32, #tpu.memory_space<hbm>>
          tpu.wait_dma2 semaphore(%arg21 : memref<!tpu.dma_semaphore, #tpu.memory_space<semaphore_mem>>) src(%dma_wait3A_239 : memref<128x32xf32, #tpu.memory_space<hbm>>) dst(%arg19 : memref<128x32xf32, #tpu.memory_space<vmem>>)
          %dma_wait3A_240 = tpu.memref_slice %arg9[%mul3A_231] : memref<800000xi32, #tpu.memory_space<hbm>> -> memref<128xi32, #tpu.memory_space<hbm>>
          %dma_wait3A_241 = tpu.memref_slice %arg9[%mul3A_231] : memref<800000xi32, #tpu.memory_space<hbm>> -> memref<128xi32, #tpu.memory_space<hbm>>
          tpu.wait_dma2 semaphore(%arg21 : memref<!tpu.dma_semaphore, #tpu.memory_space<semaphore_mem>>) src(%dma_wait3A_241 : memref<128xi32, #tpu.memory_space<hbm>>) dst(%arg18 : memref<128xi32, #tpu.memory_space<vmem>>)
          "tpu.region"() ({
            %run_scoped3A = tpu.sem_alloc : memref<!tpu.dma_semaphore, #tpu.memory_space<semaphore_mem>>
            %dma_start3A_242 = arith.constant 0 : i32
            %dma_start3A_243 = arith.constant 0 : i32
            %dma_start3A_244 = tpu.memref_slice %arg20[%dma_start3A_242, %dma_start3A_243] : memref<50000x32xf32, #tpu.memory_space<vmem_shared>> -> memref<50000x32xf32, #tpu.memory_space<vmem_shared>>
            tpu.enqueue_indirect_dma source(%arg19 : memref<128x32xf32, #tpu.memory_space<vmem>>) target(%dma_start3A_244 : memref<50000x32xf32, #tpu.memory_space<vmem_shared>>) offsets(%arg18 : memref<128xi32, #tpu.memory_space<vmem>>) semaphore(%run_scoped3A : memref<!tpu.dma_semaphore, #tpu.memory_space<semaphore_mem>>) {add = true}
            %dma_wait3A_245 = arith.constant 0 : i32
            %dma_wait3A_246 = arith.constant 0 : i32
            %dma_wait3A_247 = tpu.memref_slice %arg20[%dma_wait3A_245, %dma_wait3A_246] : memref<50000x32xf32, #tpu.memory_space<vmem_shared>> -> memref<50000x32xf32, #tpu.memory_space<vmem_shared>>
            tpu.wait_indirect_dma semaphore(%run_scoped3A : memref<!tpu.dma_semaphore, #tpu.memory_space<semaphore_mem>>) src(%arg19 : memref<128x32xf32, #tpu.memory_space<vmem>>) dst(%dma_wait3A_247 : memref<50000x32xf32, #tpu.memory_space<vmem_shared>>)
            tpu.yield
          }) : () -> ()
        } else {
        }
      }
      %scan3A_222 = arith.constant 391 : i32
    } else {
    }
    %barrier3A_172 = arith.constant 0 : index
    tpu.barrier barrier_id(%barrier3A_172)
    %lt3A_173 = arith.constant 15 : i32
    %lt3A_174 = arith.cmpi slt, %arg1, %lt3A_173 : i32
    %and3A_175 = arith.andi %eq3A_155, %lt3A_174 : i1
    %convert_element_type3A_176 = arith.extui %and3A_175 : i1 to i32
    %cond3A_177 = arith.constant 0 : i32
    %cond3A_178 = arith.cmpi ne, %convert_element_type3A_176, %cond3A_177 : i32
    scf.if %cond3A_178 {
      %mul3A = arith.constant 3128 : i32
      %mul3A_218 = arith.muli %arg1, %mul3A : i32
      %mul3A_219 = arith.constant 3128 : i32
      %mul3A_220 = arith.muli %arg1, %mul3A_219 : i32
      "tpu.region"() ({
        %run_scoped3A = tpu.sem_alloc : memref<!tpu.dma_semaphore, #tpu.memory_space<semaphore_mem>>
        %dma_start3A = arith.constant 0 : i32
        %dma_start3A_221 = tpu.memref_slice %arg16[%mul3A_220, %dma_start3A] : memref<50000x32xf32, #tpu.memory_space<hbm>> -> memref<3128x32xf32, #tpu.memory_space<hbm>>
        %dma_start3A_222 = arith.constant 0 : i32
        %dma_start3A_223 = tpu.memref_slice %arg20[%mul3A_218, %dma_start3A_222] : memref<50000x32xf32, #tpu.memory_space<vmem_shared>> -> memref<3128x32xf32, #tpu.memory_space<vmem_shared>>
        tpu.enqueue_dma source(%dma_start3A_223 : memref<3128x32xf32, #tpu.memory_space<vmem_shared>>) target(%dma_start3A_221 : memref<3128x32xf32, #tpu.memory_space<hbm>>) target_semaphore(%run_scoped3A : memref<!tpu.dma_semaphore, #tpu.memory_space<semaphore_mem>>)
        %dma_wait3A = arith.constant 0 : i32
        %dma_wait3A_224 = tpu.memref_slice %arg16[%mul3A_220, %dma_wait3A] : memref<50000x32xf32, #tpu.memory_space<hbm>> -> memref<3128x32xf32, #tpu.memory_space<hbm>>
        %dma_wait3A_225 = arith.constant 0 : i32
        %dma_wait3A_226 = tpu.memref_slice %arg20[%mul3A_218, %dma_wait3A_225] : memref<50000x32xf32, #tpu.memory_space<vmem_shared>> -> memref<3128x32xf32, #tpu.memory_space<vmem_shared>>
        tpu.wait_dma2 semaphore(%run_scoped3A : memref<!tpu.dma_semaphore, #tpu.memory_space<semaphore_mem>>) src(%dma_wait3A_226 : memref<3128x32xf32, #tpu.memory_space<vmem_shared>>) dst(%dma_wait3A_224 : memref<3128x32xf32, #tpu.memory_space<hbm>>)
        tpu.yield
      }) : () -> ()
    } else {
    }
    %eq3A_179 = arith.constant 15 : i32
    %eq3A_180 = arith.cmpi eq, %arg1, %eq3A_179 : i32
    %and3A_181 = arith.andi %eq3A_155, %eq3A_180 : i1
    %convert_element_type3A_182 = arith.extui %and3A_181 : i1 to i32
    %cond3A_183 = arith.constant 0 : i32
    %cond3A_184 = arith.cmpi ne, %convert_element_type3A_182, %cond3A_183 : i32
    scf.if %cond3A_184 {
      "tpu.region"() ({
        %run_scoped3A = tpu.sem_alloc : memref<!tpu.dma_semaphore, #tpu.memory_space<semaphore_mem>>
        %dma_start3A = arith.constant 46920 : i32
        %dma_start3A_218 = arith.constant 0 : i32
        %dma_start3A_219 = tpu.memref_slice %arg16[%dma_start3A, %dma_start3A_218] : memref<50000x32xf32, #tpu.memory_space<hbm>> -> memref<3080x32xf32, #tpu.memory_space<hbm>>
        %dma_start3A_220 = arith.constant 46920 : i32
        %dma_start3A_221 = arith.constant 0 : i32
        %dma_start3A_222 = tpu.memref_slice %arg20[%dma_start3A_220, %dma_start3A_221] : memref<50000x32xf32, #tpu.memory_space<vmem_shared>> -> memref<3080x32xf32, #tpu.memory_space<vmem_shared>>
        tpu.enqueue_dma source(%dma_start3A_222 : memref<3080x32xf32, #tpu.memory_space<vmem_shared>>) target(%dma_start3A_219 : memref<3080x32xf32, #tpu.memory_space<hbm>>) target_semaphore(%run_scoped3A : memref<!tpu.dma_semaphore, #tpu.memory_space<semaphore_mem>>)
        %dma_wait3A = arith.constant 46920 : i32
        %dma_wait3A_223 = arith.constant 0 : i32
        %dma_wait3A_224 = tpu.memref_slice %arg16[%dma_wait3A, %dma_wait3A_223] : memref<50000x32xf32, #tpu.memory_space<hbm>> -> memref<3080x32xf32, #tpu.memory_space<hbm>>
        %dma_wait3A_225 = arith.constant 46920 : i32
        %dma_wait3A_226 = arith.constant 0 : i32
        %dma_wait3A_227 = tpu.memref_slice %arg20[%dma_wait3A_225, %dma_wait3A_226] : memref<50000x32xf32, #tpu.memory_space<vmem_shared>> -> memref<3080x32xf32, #tpu.memory_space<vmem_shared>>
        tpu.wait_dma2 semaphore(%run_scoped3A : memref<!tpu.dma_semaphore, #tpu.memory_space<semaphore_mem>>) src(%dma_wait3A_227 : memref<3080x32xf32, #tpu.memory_space<vmem_shared>>) dst(%dma_wait3A_224 : memref<3080x32xf32, #tpu.memory_space<hbm>>)
        tpu.yield
      }) : () -> ()
    } else {
    }
    %barrier3A_185 = arith.constant 0 : index
    tpu.barrier barrier_id(%barrier3A_185)
    %eq3A_186 = arith.constant 0 : i32
    %eq3A_187 = arith.cmpi eq, %arg0, %eq3A_186 : i32
    %lt3A_188 = arith.constant 15 : i32
    %lt3A_189 = arith.cmpi slt, %arg1, %lt3A_188 : i32
    %and3A_190 = arith.andi %eq3A_187, %lt3A_189 : i1
    %convert_element_type3A_191 = arith.extui %and3A_190 : i1 to i32
    %cond3A_192 = arith.constant 0 : i32
    %cond3A_193 = arith.cmpi ne, %convert_element_type3A_191, %cond3A_192 : i32
    scf.if %cond3A_193 {
      %mul3A = arith.constant 3128 : i32
      %mul3A_218 = arith.muli %arg1, %mul3A : i32
      %mul3A_219 = arith.constant 3128 : i32
      %mul3A_220 = arith.muli %arg1, %mul3A_219 : i32
      "tpu.region"() ({
        %run_scoped3A = tpu.sem_alloc : memref<!tpu.dma_semaphore, #tpu.memory_space<semaphore_mem>>
        %dma_start3A = arith.constant 0 : i32
        %dma_start3A_221 = tpu.memref_slice %arg20[%mul3A_220, %dma_start3A] : memref<50000x32xf32, #tpu.memory_space<vmem_shared>> -> memref<3128x32xf32, #tpu.memory_space<vmem_shared>>
        %dma_start3A_222 = arith.constant 0 : i32
        %dma_start3A_223 = tpu.memref_slice %arg10[%mul3A_218, %dma_start3A_222] : memref<50000x32xf32, #tpu.memory_space<hbm>> -> memref<3128x32xf32, #tpu.memory_space<hbm>>
        tpu.enqueue_dma source(%dma_start3A_223 : memref<3128x32xf32, #tpu.memory_space<hbm>>) target(%dma_start3A_221 : memref<3128x32xf32, #tpu.memory_space<vmem_shared>>) target_semaphore(%run_scoped3A : memref<!tpu.dma_semaphore, #tpu.memory_space<semaphore_mem>>)
        %dma_wait3A = arith.constant 0 : i32
        %dma_wait3A_224 = tpu.memref_slice %arg20[%mul3A_220, %dma_wait3A] : memref<50000x32xf32, #tpu.memory_space<vmem_shared>> -> memref<3128x32xf32, #tpu.memory_space<vmem_shared>>
        %dma_wait3A_225 = arith.constant 0 : i32
        %dma_wait3A_226 = tpu.memref_slice %arg10[%mul3A_218, %dma_wait3A_225] : memref<50000x32xf32, #tpu.memory_space<hbm>> -> memref<3128x32xf32, #tpu.memory_space<hbm>>
        tpu.wait_dma2 semaphore(%run_scoped3A : memref<!tpu.dma_semaphore, #tpu.memory_space<semaphore_mem>>) src(%dma_wait3A_226 : memref<3128x32xf32, #tpu.memory_space<hbm>>) dst(%dma_wait3A_224 : memref<3128x32xf32, #tpu.memory_space<vmem_shared>>)
        tpu.yield
      }) : () -> ()
    } else {
    }
    %eq3A_194 = arith.constant 15 : i32
    %eq3A_195 = arith.cmpi eq, %arg1, %eq3A_194 : i32
    %and3A_196 = arith.andi %eq3A_187, %eq3A_195 : i1
    %convert_element_type3A_197 = arith.extui %and3A_196 : i1 to i32
    %cond3A_198 = arith.constant 0 : i32
    %cond3A_199 = arith.cmpi ne, %convert_element_type3A_197, %cond3A_198 : i32
    scf.if %cond3A_199 {
      "tpu.region"() ({
        %run_scoped3A = tpu.sem_alloc : memref<!tpu.dma_semaphore, #tpu.memory_space<semaphore_mem>>
        %dma_start3A = arith.constant 46920 : i32
        %dma_start3A_218 = arith.constant 0 : i32
        %dma_start3A_219 = tpu.memref_slice %arg20[%dma_start3A, %dma_start3A_218] : memref<50000x32xf32, #tpu.memory_space<vmem_shared>> -> memref<3080x32xf32, #tpu.memory_space<vmem_shared>>
        %dma_start3A_220 = arith.constant 46920 : i32
        %dma_start3A_221 = arith.constant 0 : i32
        %dma_start3A_222 = tpu.memref_slice %arg10[%dma_start3A_220, %dma_start3A_221] : memref<50000x32xf32, #tpu.memory_space<hbm>> -> memref<3080x32xf32, #tpu.memory_space<hbm>>
        tpu.enqueue_dma source(%dma_start3A_222 : memref<3080x32xf32, #tpu.memory_space<hbm>>) target(%dma_start3A_219 : memref<3080x32xf32, #tpu.memory_space<vmem_shared>>) target_semaphore(%run_scoped3A : memref<!tpu.dma_semaphore, #tpu.memory_space<semaphore_mem>>)
        %dma_wait3A = arith.constant 46920 : i32
        %dma_wait3A_223 = arith.constant 0 : i32
        %dma_wait3A_224 = tpu.memref_slice %arg20[%dma_wait3A, %dma_wait3A_223] : memref<50000x32xf32, #tpu.memory_space<vmem_shared>> -> memref<3080x32xf32, #tpu.memory_space<vmem_shared>>
        %dma_wait3A_225 = arith.constant 46920 : i32
        %dma_wait3A_226 = arith.constant 0 : i32
        %dma_wait3A_227 = tpu.memref_slice %arg10[%dma_wait3A_225, %dma_wait3A_226] : memref<50000x32xf32, #tpu.memory_space<hbm>> -> memref<3080x32xf32, #tpu.memory_space<hbm>>
        tpu.wait_dma2 semaphore(%run_scoped3A : memref<!tpu.dma_semaphore, #tpu.memory_space<semaphore_mem>>) src(%dma_wait3A_227 : memref<3080x32xf32, #tpu.memory_space<hbm>>) dst(%dma_wait3A_224 : memref<3080x32xf32, #tpu.memory_space<vmem_shared>>)
        tpu.yield
      }) : () -> ()
    } else {
    }
    %barrier3A_200 = arith.constant 0 : index
    tpu.barrier barrier_id(%barrier3A_200)
    %convert_element_type3A_201 = arith.extui %eq3A_187 : i1 to i32
    %cond3A_202 = arith.constant 0 : i32
    %cond3A_203 = arith.cmpi ne, %convert_element_type3A_201, %cond3A_202 : i32
    scf.if %cond3A_203 {
      %scan3A = arith.constant 0 : i32
      %scan3A_218 = arith.constant 0 : i32
      %scan3A_219 = arith.constant 391 : i32
      %scan3A_220 = arith.addi %scan3A_218, %scan3A_219 : i32
      %scan3A_221 = arith.constant 1 : i32
      scf.for %scan3A_223 = %scan3A_218 to %scan3A_220 step %scan3A_221  : i32 {
        %mul3A = arith.constant 16 : i32
        %mul3A_224 = arith.muli %mul3A, %scan3A_223 : i32
        %add3A = arith.addi %arg1, %mul3A_224 : i32
        %lt3A_225 = arith.constant 6250 : i32
        %lt3A_226 = arith.cmpi slt, %add3A, %lt3A_225 : i32
        %convert_element_type3A_227 = arith.extui %lt3A_226 : i1 to i32
        %cond3A_228 = arith.constant 0 : i32
        %cond3A_229 = arith.cmpi ne, %convert_element_type3A_227, %cond3A_228 : i32
        scf.if %cond3A_229 {
          %mul3A_230 = arith.constant 128 : i32
          %mul3A_231 = arith.muli %add3A, %mul3A_230 : i32
          %dma_start3A = arith.constant 0 : i32
          %dma_start3A_232 = tpu.memref_slice %arg8[%mul3A_231, %dma_start3A] : memref<800000x32xf32, #tpu.memory_space<hbm>> -> memref<128x32xf32, #tpu.memory_space<hbm>>
          %dma_start3A_233 = arith.constant 0 : i32
          %dma_start3A_234 = tpu.memref_slice %arg8[%mul3A_231, %dma_start3A_233] : memref<800000x32xf32, #tpu.memory_space<hbm>> -> memref<128x32xf32, #tpu.memory_space<hbm>>
          tpu.enqueue_dma source(%dma_start3A_234 : memref<128x32xf32, #tpu.memory_space<hbm>>) target(%arg19 : memref<128x32xf32, #tpu.memory_space<vmem>>) target_semaphore(%arg21 : memref<!tpu.dma_semaphore, #tpu.memory_space<semaphore_mem>>)
          %dma_start3A_235 = tpu.memref_slice %arg9[%mul3A_231] : memref<800000xi32, #tpu.memory_space<hbm>> -> memref<128xi32, #tpu.memory_space<hbm>>
          %dma_start3A_236 = tpu.memref_slice %arg9[%mul3A_231] : memref<800000xi32, #tpu.memory_space<hbm>> -> memref<128xi32, #tpu.memory_space<hbm>>
          tpu.enqueue_dma source(%dma_start3A_236 : memref<128xi32, #tpu.memory_space<hbm>>) target(%arg18 : memref<128xi32, #tpu.memory_space<vmem>>) target_semaphore(%arg21 : memref<!tpu.dma_semaphore, #tpu.memory_space<semaphore_mem>>)
          %dma_wait3A = arith.constant 0 : i32
          %dma_wait3A_237 = tpu.memref_slice %arg8[%mul3A_231, %dma_wait3A] : memref<800000x32xf32, #tpu.memory_space<hbm>> -> memref<128x32xf32, #tpu.memory_space<hbm>>
          %dma_wait3A_238 = arith.constant 0 : i32
          %dma_wait3A_239 = tpu.memref_slice %arg8[%mul3A_231, %dma_wait3A_238] : memref<800000x32xf32, #tpu.memory_space<hbm>> -> memref<128x32xf32, #tpu.memory_space<hbm>>
          tpu.wait_dma2 semaphore(%arg21 : memref<!tpu.dma_semaphore, #tpu.memory_space<semaphore_mem>>) src(%dma_wait3A_239 : memref<128x32xf32, #tpu.memory_space<hbm>>) dst(%arg19 : memref<128x32xf32, #tpu.memory_space<vmem>>)
          %dma_wait3A_240 = tpu.memref_slice %arg9[%mul3A_231] : memref<800000xi32, #tpu.memory_space<hbm>> -> memref<128xi32, #tpu.memory_space<hbm>>
          %dma_wait3A_241 = tpu.memref_slice %arg9[%mul3A_231] : memref<800000xi32, #tpu.memory_space<hbm>> -> memref<128xi32, #tpu.memory_space<hbm>>
          tpu.wait_dma2 semaphore(%arg21 : memref<!tpu.dma_semaphore, #tpu.memory_space<semaphore_mem>>) src(%dma_wait3A_241 : memref<128xi32, #tpu.memory_space<hbm>>) dst(%arg18 : memref<128xi32, #tpu.memory_space<vmem>>)
          "tpu.region"() ({
            %run_scoped3A = tpu.sem_alloc : memref<!tpu.dma_semaphore, #tpu.memory_space<semaphore_mem>>
            %dma_start3A_242 = arith.constant 0 : i32
            %dma_start3A_243 = arith.constant 0 : i32
            %dma_start3A_244 = tpu.memref_slice %arg20[%dma_start3A_242, %dma_start3A_243] : memref<50000x32xf32, #tpu.memory_space<vmem_shared>> -> memref<50000x32xf32, #tpu.memory_space<vmem_shared>>
            tpu.enqueue_indirect_dma source(%arg19 : memref<128x32xf32, #tpu.memory_space<vmem>>) target(%dma_start3A_244 : memref<50000x32xf32, #tpu.memory_space<vmem_shared>>) offsets(%arg18 : memref<128xi32, #tpu.memory_space<vmem>>) semaphore(%run_scoped3A : memref<!tpu.dma_semaphore, #tpu.memory_space<semaphore_mem>>) {add = true}
            %dma_wait3A_245 = arith.constant 0 : i32
            %dma_wait3A_246 = arith.constant 0 : i32
            %dma_wait3A_247 = tpu.memref_slice %arg20[%dma_wait3A_245, %dma_wait3A_246] : memref<50000x32xf32, #tpu.memory_space<vmem_shared>> -> memref<50000x32xf32, #tpu.memory_space<vmem_shared>>
            tpu.wait_indirect_dma semaphore(%run_scoped3A : memref<!tpu.dma_semaphore, #tpu.memory_space<semaphore_mem>>) src(%arg19 : memref<128x32xf32, #tpu.memory_space<vmem>>) dst(%dma_wait3A_247 : memref<50000x32xf32, #tpu.memory_space<vmem_shared>>)
            tpu.yield
          }) : () -> ()
        } else {
        }
      }
      %scan3A_222 = arith.constant 391 : i32
    } else {
    }
    %barrier3A_204 = arith.constant 0 : index
    tpu.barrier barrier_id(%barrier3A_204)
    %lt3A_205 = arith.constant 15 : i32
    %lt3A_206 = arith.cmpi slt, %arg1, %lt3A_205 : i32
    %and3A_207 = arith.andi %eq3A_187, %lt3A_206 : i1
    %convert_element_type3A_208 = arith.extui %and3A_207 : i1 to i32
    %cond3A_209 = arith.constant 0 : i32
    %cond3A_210 = arith.cmpi ne, %convert_element_type3A_208, %cond3A_209 : i32
    scf.if %cond3A_210 {
      %mul3A = arith.constant 3128 : i32
      %mul3A_218 = arith.muli %arg1, %mul3A : i32
      %mul3A_219 = arith.constant 3128 : i32
      %mul3A_220 = arith.muli %arg1, %mul3A_219 : i32
      "tpu.region"() ({
        %run_scoped3A = tpu.sem_alloc : memref<!tpu.dma_semaphore, #tpu.memory_space<semaphore_mem>>
        %dma_start3A = arith.constant 0 : i32
        %dma_start3A_221 = tpu.memref_slice %arg17[%mul3A_220, %dma_start3A] : memref<50000x32xf32, #tpu.memory_space<hbm>> -> memref<3128x32xf32, #tpu.memory_space<hbm>>
        %dma_start3A_222 = arith.constant 0 : i32
        %dma_start3A_223 = tpu.memref_slice %arg20[%mul3A_218, %dma_start3A_222] : memref<50000x32xf32, #tpu.memory_space<vmem_shared>> -> memref<3128x32xf32, #tpu.memory_space<vmem_shared>>
        tpu.enqueue_dma source(%dma_start3A_223 : memref<3128x32xf32, #tpu.memory_space<vmem_shared>>) target(%dma_start3A_221 : memref<3128x32xf32, #tpu.memory_space<hbm>>) target_semaphore(%run_scoped3A : memref<!tpu.dma_semaphore, #tpu.memory_space<semaphore_mem>>)
        %dma_wait3A = arith.constant 0 : i32
        %dma_wait3A_224 = tpu.memref_slice %arg17[%mul3A_220, %dma_wait3A] : memref<50000x32xf32, #tpu.memory_space<hbm>> -> memref<3128x32xf32, #tpu.memory_space<hbm>>
        %dma_wait3A_225 = arith.constant 0 : i32
        %dma_wait3A_226 = tpu.memref_slice %arg20[%mul3A_218, %dma_wait3A_225] : memref<50000x32xf32, #tpu.memory_space<vmem_shared>> -> memref<3128x32xf32, #tpu.memory_space<vmem_shared>>
        tpu.wait_dma2 semaphore(%run_scoped3A : memref<!tpu.dma_semaphore, #tpu.memory_space<semaphore_mem>>) src(%dma_wait3A_226 : memref<3128x32xf32, #tpu.memory_space<vmem_shared>>) dst(%dma_wait3A_224 : memref<3128x32xf32, #tpu.memory_space<hbm>>)
        tpu.yield
      }) : () -> ()
    } else {
    }
    %eq3A_211 = arith.constant 15 : i32
    %eq3A_212 = arith.cmpi eq, %arg1, %eq3A_211 : i32
    %and3A_213 = arith.andi %eq3A_187, %eq3A_212 : i1
    %convert_element_type3A_214 = arith.extui %and3A_213 : i1 to i32
    %cond3A_215 = arith.constant 0 : i32
    %cond3A_216 = arith.cmpi ne, %convert_element_type3A_214, %cond3A_215 : i32
    scf.if %cond3A_216 {
      "tpu.region"() ({
        %run_scoped3A = tpu.sem_alloc : memref<!tpu.dma_semaphore, #tpu.memory_space<semaphore_mem>>
        %dma_start3A = arith.constant 46920 : i32
        %dma_start3A_218 = arith.constant 0 : i32
        %dma_start3A_219 = tpu.memref_slice %arg17[%dma_start3A, %dma_start3A_218] : memref<50000x32xf32, #tpu.memory_space<hbm>> -> memref<3080x32xf32, #tpu.memory_space<hbm>>
        %dma_start3A_220 = arith.constant 46920 : i32
        %dma_start3A_221 = arith.constant 0 : i32
        %dma_start3A_222 = tpu.memref_slice %arg20[%dma_start3A_220, %dma_start3A_221] : memref<50000x32xf32, #tpu.memory_space<vmem_shared>> -> memref<3080x32xf32, #tpu.memory_space<vmem_shared>>
        tpu.enqueue_dma source(%dma_start3A_222 : memref<3080x32xf32, #tpu.memory_space<vmem_shared>>) target(%dma_start3A_219 : memref<3080x32xf32, #tpu.memory_space<hbm>>) target_semaphore(%run_scoped3A : memref<!tpu.dma_semaphore, #tpu.memory_space<semaphore_mem>>)
        %dma_wait3A = arith.constant 46920 : i32
        %dma_wait3A_223 = arith.constant 0 : i32
        %dma_wait3A_224 = tpu.memref_slice %arg17[%dma_wait3A, %dma_wait3A_223] : memref<50000x32xf32, #tpu.memory_space<hbm>> -> memref<3080x32xf32, #tpu.memory_space<hbm>>
        %dma_wait3A_225 = arith.constant 46920 : i32
        %dma_wait3A_226 = arith.constant 0 : i32
        %dma_wait3A_227 = tpu.memref_slice %arg20[%dma_wait3A_225, %dma_wait3A_226] : memref<50000x32xf32, #tpu.memory_space<vmem_shared>> -> memref<3080x32xf32, #tpu.memory_space<vmem_shared>>
        tpu.wait_dma2 semaphore(%run_scoped3A : memref<!tpu.dma_semaphore, #tpu.memory_space<semaphore_mem>>) src(%dma_wait3A_227 : memref<3080x32xf32, #tpu.memory_space<vmem_shared>>) dst(%dma_wait3A_224 : memref<3080x32xf32, #tpu.memory_space<hbm>>)
        tpu.yield
      }) : () -> ()
    } else {
    }
    %barrier3A_217 = arith.constant 0 : index
    tpu.barrier barrier_id(%barrier3A_217)
    return
  }
}

#map = affine_map<(d0, d1) -> (0, 0)>
#map1 = affine_map<(d0, d1) -> (0)>
module attributes {stable_mosaic.version = 14 : i64} {
  func.func @k(%arg0: i32, %arg1: i32, %arg2: memref<800000x32xf32, #tpu.memory_space<hbm>>, %arg3: memref<800000x32xf32, #tpu.memory_space<hbm>>, %arg4: memref<800000x32xf32, #tpu.memory_space<hbm>>, %arg5: memref<800000x32xf32, #tpu.memory_space<hbm>>, %arg6: memref<800000xi32, #tpu.memory_space<hbm>>, %arg7: memref<50000x32xf32, #tpu.memory_space<hbm>>, %arg8: memref<50000x32xf32, #tpu.memory_space<hbm>>, %arg9: memref<50000x32xf32, #tpu.memory_space<hbm>>, %arg10: memref<50000x32xf32, #tpu.memory_space<hbm>>, %arg11: memref<50000x32xf32, #tpu.memory_space<hbm>>, %arg12: memref<128xi32, #tpu.memory_space<vmem>>, %arg13: memref<128x32xf32, #tpu.memory_space<vmem>>, %arg14: memref<50000x32xf32, #tpu.memory_space<vmem_shared>>, %arg15: memref<!tpu.dma_semaphore, #tpu.memory_space<semaphore_mem>>) attributes {dimension_semantics = [#tpu.dimension_semantics<core_parallel>, #tpu.dimension_semantics<subcore_parallel>], iteration_bounds = array<i64: 2, 16>, scalar_prefetch = 0 : i64, scratch_operands = 4 : i64, tpu.core_type = #tpu.core_type<sc_vector_subcore>, window_params = [{transform_indices = #map}, {transform_indices = #map}, {transform_indices = #map}, {transform_indices = #map}, {transform_indices = #map1}, {transform_indices = #map}, {transform_indices = #map}, {transform_indices = #map}, {transform_indices = #map}, {transform_indices = #map}]} {
    %eq3A = arith.constant 0 : i32
    %eq3A_0 = arith.cmpi eq, %arg0, %eq3A : i32
    %lt3A = arith.constant 15 : i32
    %lt3A_1 = arith.cmpi slt, %arg1, %lt3A : i32
    %and3A = arith.andi %eq3A_0, %lt3A_1 : i1
    %convert_element_type3A = arith.extui %and3A : i1 to i32
    %cond3A = arith.constant 0 : i32
    %cond3A_2 = arith.cmpi ne, %convert_element_type3A, %cond3A : i32
    scf.if %cond3A_2 {
      %mul3A = arith.constant 3128 : i32
      %mul3A_122 = arith.muli %arg1, %mul3A : i32
      %mul3A_123 = arith.constant 3128 : i32
      %mul3A_124 = arith.muli %arg1, %mul3A_123 : i32
      "tpu.region"() ({
        %run_scoped3A = tpu.sem_alloc : memref<!tpu.dma_semaphore, #tpu.memory_space<semaphore_mem>>
        %dma_start3A = arith.constant 0 : i32
        %dma_start3A_125 = tpu.memref_slice %arg14[%mul3A_124, %dma_start3A] : memref<50000x32xf32, #tpu.memory_space<vmem_shared>> -> memref<3128x32xf32, #tpu.memory_space<vmem_shared>>
        %dma_start3A_126 = arith.constant 0 : i32
        %dma_start3A_127 = tpu.memref_slice %arg7[%mul3A_122, %dma_start3A_126] : memref<50000x32xf32, #tpu.memory_space<hbm>> -> memref<3128x32xf32, #tpu.memory_space<hbm>>
        tpu.enqueue_dma source(%dma_start3A_127 : memref<3128x32xf32, #tpu.memory_space<hbm>>) target(%dma_start3A_125 : memref<3128x32xf32, #tpu.memory_space<vmem_shared>>) target_semaphore(%run_scoped3A : memref<!tpu.dma_semaphore, #tpu.memory_space<semaphore_mem>>)
        %dma_wait3A = arith.constant 0 : i32
        %dma_wait3A_128 = tpu.memref_slice %arg14[%mul3A_124, %dma_wait3A] : memref<50000x32xf32, #tpu.memory_space<vmem_shared>> -> memref<3128x32xf32, #tpu.memory_space<vmem_shared>>
        %dma_wait3A_129 = arith.constant 0 : i32
        %dma_wait3A_130 = tpu.memref_slice %arg7[%mul3A_122, %dma_wait3A_129] : memref<50000x32xf32, #tpu.memory_space<hbm>> -> memref<3128x32xf32, #tpu.memory_space<hbm>>
        tpu.wait_dma2 semaphore(%run_scoped3A : memref<!tpu.dma_semaphore, #tpu.memory_space<semaphore_mem>>) src(%dma_wait3A_130 : memref<3128x32xf32, #tpu.memory_space<hbm>>) dst(%dma_wait3A_128 : memref<3128x32xf32, #tpu.memory_space<vmem_shared>>)
        tpu.yield
      }) : () -> ()
    } else {
    }
    %eq3A_3 = arith.constant 15 : i32
    %eq3A_4 = arith.cmpi eq, %arg1, %eq3A_3 : i32
    %and3A_5 = arith.andi %eq3A_0, %eq3A_4 : i1
    %convert_element_type3A_6 = arith.extui %and3A_5 : i1 to i32
    %cond3A_7 = arith.constant 0 : i32
    %cond3A_8 = arith.cmpi ne, %convert_element_type3A_6, %cond3A_7 : i32
    scf.if %cond3A_8 {
      "tpu.region"() ({
        %run_scoped3A = tpu.sem_alloc : memref<!tpu.dma_semaphore, #tpu.memory_space<semaphore_mem>>
        %dma_start3A = arith.constant 46920 : i32
        %dma_start3A_122 = arith.constant 0 : i32
        %dma_start3A_123 = tpu.memref_slice %arg14[%dma_start3A, %dma_start3A_122] : memref<50000x32xf32, #tpu.memory_space<vmem_shared>> -> memref<3080x32xf32, #tpu.memory_space<vmem_shared>>
        %dma_start3A_124 = arith.constant 46920 : i32
        %dma_start3A_125 = arith.constant 0 : i32
        %dma_start3A_126 = tpu.memref_slice %arg7[%dma_start3A_124, %dma_start3A_125] : memref<50000x32xf32, #tpu.memory_space<hbm>> -> memref<3080x32xf32, #tpu.memory_space<hbm>>
        tpu.enqueue_dma source(%dma_start3A_126 : memref<3080x32xf32, #tpu.memory_space<hbm>>) target(%dma_start3A_123 : memref<3080x32xf32, #tpu.memory_space<vmem_shared>>) target_semaphore(%run_scoped3A : memref<!tpu.dma_semaphore, #tpu.memory_space<semaphore_mem>>)
        %dma_wait3A = arith.constant 46920 : i32
        %dma_wait3A_127 = arith.constant 0 : i32
        %dma_wait3A_128 = tpu.memref_slice %arg14[%dma_wait3A, %dma_wait3A_127] : memref<50000x32xf32, #tpu.memory_space<vmem_shared>> -> memref<3080x32xf32, #tpu.memory_space<vmem_shared>>
        %dma_wait3A_129 = arith.constant 46920 : i32
        %dma_wait3A_130 = arith.constant 0 : i32
        %dma_wait3A_131 = tpu.memref_slice %arg7[%dma_wait3A_129, %dma_wait3A_130] : memref<50000x32xf32, #tpu.memory_space<hbm>> -> memref<3080x32xf32, #tpu.memory_space<hbm>>
        tpu.wait_dma2 semaphore(%run_scoped3A : memref<!tpu.dma_semaphore, #tpu.memory_space<semaphore_mem>>) src(%dma_wait3A_131 : memref<3080x32xf32, #tpu.memory_space<hbm>>) dst(%dma_wait3A_128 : memref<3080x32xf32, #tpu.memory_space<vmem_shared>>)
        tpu.yield
      }) : () -> ()
    } else {
    }
    %barrier3A = arith.constant 0 : index
    tpu.barrier barrier_id(%barrier3A)
    %convert_element_type3A_9 = arith.extui %eq3A_0 : i1 to i32
    %cond3A_10 = arith.constant 0 : i32
    %cond3A_11 = arith.cmpi ne, %convert_element_type3A_9, %cond3A_10 : i32
    scf.if %cond3A_11 {
      %scan3A = arith.constant 0 : i32
      %scan3A_122 = arith.constant 0 : i32
      %scan3A_123 = arith.constant 391 : i32
      %scan3A_124 = arith.addi %scan3A_122, %scan3A_123 : i32
      %scan3A_125 = arith.constant 1 : i32
      scf.for %scan3A_127 = %scan3A_122 to %scan3A_124 step %scan3A_125  : i32 {
        %mul3A = arith.constant 16 : i32
        %mul3A_128 = arith.muli %mul3A, %scan3A_127 : i32
        %add3A = arith.addi %arg1, %mul3A_128 : i32
        %lt3A_129 = arith.constant 6250 : i32
        %lt3A_130 = arith.cmpi slt, %add3A, %lt3A_129 : i32
        %convert_element_type3A_131 = arith.extui %lt3A_130 : i1 to i32
        %cond3A_132 = arith.constant 0 : i32
        %cond3A_133 = arith.cmpi ne, %convert_element_type3A_131, %cond3A_132 : i32
        scf.if %cond3A_133 {
          %mul3A_134 = arith.constant 128 : i32
          %mul3A_135 = arith.muli %add3A, %mul3A_134 : i32
          %dma_start3A = arith.constant 0 : i32
          %dma_start3A_136 = tpu.memref_slice %arg2[%mul3A_135, %dma_start3A] : memref<800000x32xf32, #tpu.memory_space<hbm>> -> memref<128x32xf32, #tpu.memory_space<hbm>>
          %dma_start3A_137 = arith.constant 0 : i32
          %dma_start3A_138 = tpu.memref_slice %arg2[%mul3A_135, %dma_start3A_137] : memref<800000x32xf32, #tpu.memory_space<hbm>> -> memref<128x32xf32, #tpu.memory_space<hbm>>
          tpu.enqueue_dma source(%dma_start3A_138 : memref<128x32xf32, #tpu.memory_space<hbm>>) target(%arg13 : memref<128x32xf32, #tpu.memory_space<vmem>>) target_semaphore(%arg15 : memref<!tpu.dma_semaphore, #tpu.memory_space<semaphore_mem>>)
          %dma_start3A_139 = tpu.memref_slice %arg6[%mul3A_135] : memref<800000xi32, #tpu.memory_space<hbm>> -> memref<128xi32, #tpu.memory_space<hbm>>
          %dma_start3A_140 = tpu.memref_slice %arg6[%mul3A_135] : memref<800000xi32, #tpu.memory_space<hbm>> -> memref<128xi32, #tpu.memory_space<hbm>>
          tpu.enqueue_dma source(%dma_start3A_140 : memref<128xi32, #tpu.memory_space<hbm>>) target(%arg12 : memref<128xi32, #tpu.memory_space<vmem>>) target_semaphore(%arg15 : memref<!tpu.dma_semaphore, #tpu.memory_space<semaphore_mem>>)
          %dma_wait3A = arith.constant 0 : i32
          %dma_wait3A_141 = tpu.memref_slice %arg2[%mul3A_135, %dma_wait3A] : memref<800000x32xf32, #tpu.memory_space<hbm>> -> memref<128x32xf32, #tpu.memory_space<hbm>>
          %dma_wait3A_142 = arith.constant 0 : i32
          %dma_wait3A_143 = tpu.memref_slice %arg2[%mul3A_135, %dma_wait3A_142] : memref<800000x32xf32, #tpu.memory_space<hbm>> -> memref<128x32xf32, #tpu.memory_space<hbm>>
          tpu.wait_dma2 semaphore(%arg15 : memref<!tpu.dma_semaphore, #tpu.memory_space<semaphore_mem>>) src(%dma_wait3A_143 : memref<128x32xf32, #tpu.memory_space<hbm>>) dst(%arg13 : memref<128x32xf32, #tpu.memory_space<vmem>>)
          %dma_wait3A_144 = tpu.memref_slice %arg6[%mul3A_135] : memref<800000xi32, #tpu.memory_space<hbm>> -> memref<128xi32, #tpu.memory_space<hbm>>
          %dma_wait3A_145 = tpu.memref_slice %arg6[%mul3A_135] : memref<800000xi32, #tpu.memory_space<hbm>> -> memref<128xi32, #tpu.memory_space<hbm>>
          tpu.wait_dma2 semaphore(%arg15 : memref<!tpu.dma_semaphore, #tpu.memory_space<semaphore_mem>>) src(%dma_wait3A_145 : memref<128xi32, #tpu.memory_space<hbm>>) dst(%arg12 : memref<128xi32, #tpu.memory_space<vmem>>)
          "tpu.region"() ({
            %run_scoped3A = tpu.sem_alloc : memref<!tpu.dma_semaphore, #tpu.memory_space<semaphore_mem>>
            %dma_start3A_146 = arith.constant 0 : i32
            %dma_start3A_147 = arith.constant 0 : i32
            %dma_start3A_148 = tpu.memref_slice %arg14[%dma_start3A_146, %dma_start3A_147] : memref<50000x32xf32, #tpu.memory_space<vmem_shared>> -> memref<50000x32xf32, #tpu.memory_space<vmem_shared>>
            tpu.enqueue_indirect_dma source(%arg13 : memref<128x32xf32, #tpu.memory_space<vmem>>) target(%dma_start3A_148 : memref<50000x32xf32, #tpu.memory_space<vmem_shared>>) offsets(%arg12 : memref<128xi32, #tpu.memory_space<vmem>>) semaphore(%run_scoped3A : memref<!tpu.dma_semaphore, #tpu.memory_space<semaphore_mem>>) {add = true}
            %dma_wait3A_149 = arith.constant 0 : i32
            %dma_wait3A_150 = arith.constant 0 : i32
            %dma_wait3A_151 = tpu.memref_slice %arg14[%dma_wait3A_149, %dma_wait3A_150] : memref<50000x32xf32, #tpu.memory_space<vmem_shared>> -> memref<50000x32xf32, #tpu.memory_space<vmem_shared>>
            tpu.wait_indirect_dma semaphore(%run_scoped3A : memref<!tpu.dma_semaphore, #tpu.memory_space<semaphore_mem>>) src(%arg13 : memref<128x32xf32, #tpu.memory_space<vmem>>) dst(%dma_wait3A_151 : memref<50000x32xf32, #tpu.memory_space<vmem_shared>>)
            tpu.yield
          }) : () -> ()
        } else {
        }
      }
      %scan3A_126 = arith.constant 391 : i32
    } else {
    }
    %barrier3A_12 = arith.constant 0 : index
    tpu.barrier barrier_id(%barrier3A_12)
    %lt3A_13 = arith.constant 15 : i32
    %lt3A_14 = arith.cmpi slt, %arg1, %lt3A_13 : i32
    %and3A_15 = arith.andi %eq3A_0, %lt3A_14 : i1
    %convert_element_type3A_16 = arith.extui %and3A_15 : i1 to i32
    %cond3A_17 = arith.constant 0 : i32
    %cond3A_18 = arith.cmpi ne, %convert_element_type3A_16, %cond3A_17 : i32
    scf.if %cond3A_18 {
      %mul3A = arith.constant 3128 : i32
      %mul3A_122 = arith.muli %arg1, %mul3A : i32
      %mul3A_123 = arith.constant 3128 : i32
      %mul3A_124 = arith.muli %arg1, %mul3A_123 : i32
      "tpu.region"() ({
        %run_scoped3A = tpu.sem_alloc : memref<!tpu.dma_semaphore, #tpu.memory_space<semaphore_mem>>
        %dma_start3A = arith.constant 0 : i32
        %dma_start3A_125 = tpu.memref_slice %arg8[%mul3A_124, %dma_start3A] : memref<50000x32xf32, #tpu.memory_space<hbm>> -> memref<3128x32xf32, #tpu.memory_space<hbm>>
        %dma_start3A_126 = arith.constant 0 : i32
        %dma_start3A_127 = tpu.memref_slice %arg14[%mul3A_122, %dma_start3A_126] : memref<50000x32xf32, #tpu.memory_space<vmem_shared>> -> memref<3128x32xf32, #tpu.memory_space<vmem_shared>>
        tpu.enqueue_dma source(%dma_start3A_127 : memref<3128x32xf32, #tpu.memory_space<vmem_shared>>) target(%dma_start3A_125 : memref<3128x32xf32, #tpu.memory_space<hbm>>) target_semaphore(%run_scoped3A : memref<!tpu.dma_semaphore, #tpu.memory_space<semaphore_mem>>)
        %dma_wait3A = arith.constant 0 : i32
        %dma_wait3A_128 = tpu.memref_slice %arg8[%mul3A_124, %dma_wait3A] : memref<50000x32xf32, #tpu.memory_space<hbm>> -> memref<3128x32xf32, #tpu.memory_space<hbm>>
        %dma_wait3A_129 = arith.constant 0 : i32
        %dma_wait3A_130 = tpu.memref_slice %arg14[%mul3A_122, %dma_wait3A_129] : memref<50000x32xf32, #tpu.memory_space<vmem_shared>> -> memref<3128x32xf32, #tpu.memory_space<vmem_shared>>
        tpu.wait_dma2 semaphore(%run_scoped3A : memref<!tpu.dma_semaphore, #tpu.memory_space<semaphore_mem>>) src(%dma_wait3A_130 : memref<3128x32xf32, #tpu.memory_space<vmem_shared>>) dst(%dma_wait3A_128 : memref<3128x32xf32, #tpu.memory_space<hbm>>)
        tpu.yield
      }) : () -> ()
    } else {
    }
    %eq3A_19 = arith.constant 15 : i32
    %eq3A_20 = arith.cmpi eq, %arg1, %eq3A_19 : i32
    %and3A_21 = arith.andi %eq3A_0, %eq3A_20 : i1
    %convert_element_type3A_22 = arith.extui %and3A_21 : i1 to i32
    %cond3A_23 = arith.constant 0 : i32
    %cond3A_24 = arith.cmpi ne, %convert_element_type3A_22, %cond3A_23 : i32
    scf.if %cond3A_24 {
      "tpu.region"() ({
        %run_scoped3A = tpu.sem_alloc : memref<!tpu.dma_semaphore, #tpu.memory_space<semaphore_mem>>
        %dma_start3A = arith.constant 46920 : i32
        %dma_start3A_122 = arith.constant 0 : i32
        %dma_start3A_123 = tpu.memref_slice %arg8[%dma_start3A, %dma_start3A_122] : memref<50000x32xf32, #tpu.memory_space<hbm>> -> memref<3080x32xf32, #tpu.memory_space<hbm>>
        %dma_start3A_124 = arith.constant 46920 : i32
        %dma_start3A_125 = arith.constant 0 : i32
        %dma_start3A_126 = tpu.memref_slice %arg14[%dma_start3A_124, %dma_start3A_125] : memref<50000x32xf32, #tpu.memory_space<vmem_shared>> -> memref<3080x32xf32, #tpu.memory_space<vmem_shared>>
        tpu.enqueue_dma source(%dma_start3A_126 : memref<3080x32xf32, #tpu.memory_space<vmem_shared>>) target(%dma_start3A_123 : memref<3080x32xf32, #tpu.memory_space<hbm>>) target_semaphore(%run_scoped3A : memref<!tpu.dma_semaphore, #tpu.memory_space<semaphore_mem>>)
        %dma_wait3A = arith.constant 46920 : i32
        %dma_wait3A_127 = arith.constant 0 : i32
        %dma_wait3A_128 = tpu.memref_slice %arg8[%dma_wait3A, %dma_wait3A_127] : memref<50000x32xf32, #tpu.memory_space<hbm>> -> memref<3080x32xf32, #tpu.memory_space<hbm>>
        %dma_wait3A_129 = arith.constant 46920 : i32
        %dma_wait3A_130 = arith.constant 0 : i32
        %dma_wait3A_131 = tpu.memref_slice %arg14[%dma_wait3A_129, %dma_wait3A_130] : memref<50000x32xf32, #tpu.memory_space<vmem_shared>> -> memref<3080x32xf32, #tpu.memory_space<vmem_shared>>
        tpu.wait_dma2 semaphore(%run_scoped3A : memref<!tpu.dma_semaphore, #tpu.memory_space<semaphore_mem>>) src(%dma_wait3A_131 : memref<3080x32xf32, #tpu.memory_space<vmem_shared>>) dst(%dma_wait3A_128 : memref<3080x32xf32, #tpu.memory_space<hbm>>)
        tpu.yield
      }) : () -> ()
    } else {
    }
    %barrier3A_25 = arith.constant 0 : index
    tpu.barrier barrier_id(%barrier3A_25)
    %eq3A_26 = arith.constant 1 : i32
    %eq3A_27 = arith.cmpi eq, %arg0, %eq3A_26 : i32
    %lt3A_28 = arith.constant 15 : i32
    %lt3A_29 = arith.cmpi slt, %arg1, %lt3A_28 : i32
    %and3A_30 = arith.andi %eq3A_27, %lt3A_29 : i1
    %convert_element_type3A_31 = arith.extui %and3A_30 : i1 to i32
    %cond3A_32 = arith.constant 0 : i32
    %cond3A_33 = arith.cmpi ne, %convert_element_type3A_31, %cond3A_32 : i32
    scf.if %cond3A_33 {
      %mul3A = arith.constant 3128 : i32
      %mul3A_122 = arith.muli %arg1, %mul3A : i32
      %mul3A_123 = arith.constant 3128 : i32
      %mul3A_124 = arith.muli %arg1, %mul3A_123 : i32
      "tpu.region"() ({
        %run_scoped3A = tpu.sem_alloc : memref<!tpu.dma_semaphore, #tpu.memory_space<semaphore_mem>>
        %dma_start3A = arith.constant 0 : i32
        %dma_start3A_125 = tpu.memref_slice %arg14[%mul3A_124, %dma_start3A] : memref<50000x32xf32, #tpu.memory_space<vmem_shared>> -> memref<3128x32xf32, #tpu.memory_space<vmem_shared>>
        %dma_start3A_126 = arith.constant 0 : i32
        %dma_start3A_127 = tpu.memref_slice %arg7[%mul3A_122, %dma_start3A_126] : memref<50000x32xf32, #tpu.memory_space<hbm>> -> memref<3128x32xf32, #tpu.memory_space<hbm>>
        tpu.enqueue_dma source(%dma_start3A_127 : memref<3128x32xf32, #tpu.memory_space<hbm>>) target(%dma_start3A_125 : memref<3128x32xf32, #tpu.memory_space<vmem_shared>>) target_semaphore(%run_scoped3A : memref<!tpu.dma_semaphore, #tpu.memory_space<semaphore_mem>>)
        %dma_wait3A = arith.constant 0 : i32
        %dma_wait3A_128 = tpu.memref_slice %arg14[%mul3A_124, %dma_wait3A] : memref<50000x32xf32, #tpu.memory_space<vmem_shared>> -> memref<3128x32xf32, #tpu.memory_space<vmem_shared>>
        %dma_wait3A_129 = arith.constant 0 : i32
        %dma_wait3A_130 = tpu.memref_slice %arg7[%mul3A_122, %dma_wait3A_129] : memref<50000x32xf32, #tpu.memory_space<hbm>> -> memref<3128x32xf32, #tpu.memory_space<hbm>>
        tpu.wait_dma2 semaphore(%run_scoped3A : memref<!tpu.dma_semaphore, #tpu.memory_space<semaphore_mem>>) src(%dma_wait3A_130 : memref<3128x32xf32, #tpu.memory_space<hbm>>) dst(%dma_wait3A_128 : memref<3128x32xf32, #tpu.memory_space<vmem_shared>>)
        tpu.yield
      }) : () -> ()
    } else {
    }
    %eq3A_34 = arith.constant 15 : i32
    %eq3A_35 = arith.cmpi eq, %arg1, %eq3A_34 : i32
    %and3A_36 = arith.andi %eq3A_27, %eq3A_35 : i1
    %convert_element_type3A_37 = arith.extui %and3A_36 : i1 to i32
    %cond3A_38 = arith.constant 0 : i32
    %cond3A_39 = arith.cmpi ne, %convert_element_type3A_37, %cond3A_38 : i32
    scf.if %cond3A_39 {
      "tpu.region"() ({
        %run_scoped3A = tpu.sem_alloc : memref<!tpu.dma_semaphore, #tpu.memory_space<semaphore_mem>>
        %dma_start3A = arith.constant 46920 : i32
        %dma_start3A_122 = arith.constant 0 : i32
        %dma_start3A_123 = tpu.memref_slice %arg14[%dma_start3A, %dma_start3A_122] : memref<50000x32xf32, #tpu.memory_space<vmem_shared>> -> memref<3080x32xf32, #tpu.memory_space<vmem_shared>>
        %dma_start3A_124 = arith.constant 46920 : i32
        %dma_start3A_125 = arith.constant 0 : i32
        %dma_start3A_126 = tpu.memref_slice %arg7[%dma_start3A_124, %dma_start3A_125] : memref<50000x32xf32, #tpu.memory_space<hbm>> -> memref<3080x32xf32, #tpu.memory_space<hbm>>
        tpu.enqueue_dma source(%dma_start3A_126 : memref<3080x32xf32, #tpu.memory_space<hbm>>) target(%dma_start3A_123 : memref<3080x32xf32, #tpu.memory_space<vmem_shared>>) target_semaphore(%run_scoped3A : memref<!tpu.dma_semaphore, #tpu.memory_space<semaphore_mem>>)
        %dma_wait3A = arith.constant 46920 : i32
        %dma_wait3A_127 = arith.constant 0 : i32
        %dma_wait3A_128 = tpu.memref_slice %arg14[%dma_wait3A, %dma_wait3A_127] : memref<50000x32xf32, #tpu.memory_space<vmem_shared>> -> memref<3080x32xf32, #tpu.memory_space<vmem_shared>>
        %dma_wait3A_129 = arith.constant 46920 : i32
        %dma_wait3A_130 = arith.constant 0 : i32
        %dma_wait3A_131 = tpu.memref_slice %arg7[%dma_wait3A_129, %dma_wait3A_130] : memref<50000x32xf32, #tpu.memory_space<hbm>> -> memref<3080x32xf32, #tpu.memory_space<hbm>>
        tpu.wait_dma2 semaphore(%run_scoped3A : memref<!tpu.dma_semaphore, #tpu.memory_space<semaphore_mem>>) src(%dma_wait3A_131 : memref<3080x32xf32, #tpu.memory_space<hbm>>) dst(%dma_wait3A_128 : memref<3080x32xf32, #tpu.memory_space<vmem_shared>>)
        tpu.yield
      }) : () -> ()
    } else {
    }
    %barrier3A_40 = arith.constant 0 : index
    tpu.barrier barrier_id(%barrier3A_40)
    %convert_element_type3A_41 = arith.extui %eq3A_27 : i1 to i32
    %cond3A_42 = arith.constant 0 : i32
    %cond3A_43 = arith.cmpi ne, %convert_element_type3A_41, %cond3A_42 : i32
    scf.if %cond3A_43 {
      %scan3A = arith.constant 0 : i32
      %scan3A_122 = arith.constant 0 : i32
      %scan3A_123 = arith.constant 391 : i32
      %scan3A_124 = arith.addi %scan3A_122, %scan3A_123 : i32
      %scan3A_125 = arith.constant 1 : i32
      scf.for %scan3A_127 = %scan3A_122 to %scan3A_124 step %scan3A_125  : i32 {
        %mul3A = arith.constant 16 : i32
        %mul3A_128 = arith.muli %mul3A, %scan3A_127 : i32
        %add3A = arith.addi %arg1, %mul3A_128 : i32
        %lt3A_129 = arith.constant 6250 : i32
        %lt3A_130 = arith.cmpi slt, %add3A, %lt3A_129 : i32
        %convert_element_type3A_131 = arith.extui %lt3A_130 : i1 to i32
        %cond3A_132 = arith.constant 0 : i32
        %cond3A_133 = arith.cmpi ne, %convert_element_type3A_131, %cond3A_132 : i32
        scf.if %cond3A_133 {
          %mul3A_134 = arith.constant 128 : i32
          %mul3A_135 = arith.muli %add3A, %mul3A_134 : i32
          %dma_start3A = arith.constant 0 : i32
          %dma_start3A_136 = tpu.memref_slice %arg3[%mul3A_135, %dma_start3A] : memref<800000x32xf32, #tpu.memory_space<hbm>> -> memref<128x32xf32, #tpu.memory_space<hbm>>
          %dma_start3A_137 = arith.constant 0 : i32
          %dma_start3A_138 = tpu.memref_slice %arg3[%mul3A_135, %dma_start3A_137] : memref<800000x32xf32, #tpu.memory_space<hbm>> -> memref<128x32xf32, #tpu.memory_space<hbm>>
          tpu.enqueue_dma source(%dma_start3A_138 : memref<128x32xf32, #tpu.memory_space<hbm>>) target(%arg13 : memref<128x32xf32, #tpu.memory_space<vmem>>) target_semaphore(%arg15 : memref<!tpu.dma_semaphore, #tpu.memory_space<semaphore_mem>>)
          %dma_start3A_139 = tpu.memref_slice %arg6[%mul3A_135] : memref<800000xi32, #tpu.memory_space<hbm>> -> memref<128xi32, #tpu.memory_space<hbm>>
          %dma_start3A_140 = tpu.memref_slice %arg6[%mul3A_135] : memref<800000xi32, #tpu.memory_space<hbm>> -> memref<128xi32, #tpu.memory_space<hbm>>
          tpu.enqueue_dma source(%dma_start3A_140 : memref<128xi32, #tpu.memory_space<hbm>>) target(%arg12 : memref<128xi32, #tpu.memory_space<vmem>>) target_semaphore(%arg15 : memref<!tpu.dma_semaphore, #tpu.memory_space<semaphore_mem>>)
          %dma_wait3A = arith.constant 0 : i32
          %dma_wait3A_141 = tpu.memref_slice %arg3[%mul3A_135, %dma_wait3A] : memref<800000x32xf32, #tpu.memory_space<hbm>> -> memref<128x32xf32, #tpu.memory_space<hbm>>
          %dma_wait3A_142 = arith.constant 0 : i32
          %dma_wait3A_143 = tpu.memref_slice %arg3[%mul3A_135, %dma_wait3A_142] : memref<800000x32xf32, #tpu.memory_space<hbm>> -> memref<128x32xf32, #tpu.memory_space<hbm>>
          tpu.wait_dma2 semaphore(%arg15 : memref<!tpu.dma_semaphore, #tpu.memory_space<semaphore_mem>>) src(%dma_wait3A_143 : memref<128x32xf32, #tpu.memory_space<hbm>>) dst(%arg13 : memref<128x32xf32, #tpu.memory_space<vmem>>)
          %dma_wait3A_144 = tpu.memref_slice %arg6[%mul3A_135] : memref<800000xi32, #tpu.memory_space<hbm>> -> memref<128xi32, #tpu.memory_space<hbm>>
          %dma_wait3A_145 = tpu.memref_slice %arg6[%mul3A_135] : memref<800000xi32, #tpu.memory_space<hbm>> -> memref<128xi32, #tpu.memory_space<hbm>>
          tpu.wait_dma2 semaphore(%arg15 : memref<!tpu.dma_semaphore, #tpu.memory_space<semaphore_mem>>) src(%dma_wait3A_145 : memref<128xi32, #tpu.memory_space<hbm>>) dst(%arg12 : memref<128xi32, #tpu.memory_space<vmem>>)
          "tpu.region"() ({
            %run_scoped3A = tpu.sem_alloc : memref<!tpu.dma_semaphore, #tpu.memory_space<semaphore_mem>>
            %dma_start3A_146 = arith.constant 0 : i32
            %dma_start3A_147 = arith.constant 0 : i32
            %dma_start3A_148 = tpu.memref_slice %arg14[%dma_start3A_146, %dma_start3A_147] : memref<50000x32xf32, #tpu.memory_space<vmem_shared>> -> memref<50000x32xf32, #tpu.memory_space<vmem_shared>>
            tpu.enqueue_indirect_dma source(%arg13 : memref<128x32xf32, #tpu.memory_space<vmem>>) target(%dma_start3A_148 : memref<50000x32xf32, #tpu.memory_space<vmem_shared>>) offsets(%arg12 : memref<128xi32, #tpu.memory_space<vmem>>) semaphore(%run_scoped3A : memref<!tpu.dma_semaphore, #tpu.memory_space<semaphore_mem>>) {add = true}
            %dma_wait3A_149 = arith.constant 0 : i32
            %dma_wait3A_150 = arith.constant 0 : i32
            %dma_wait3A_151 = tpu.memref_slice %arg14[%dma_wait3A_149, %dma_wait3A_150] : memref<50000x32xf32, #tpu.memory_space<vmem_shared>> -> memref<50000x32xf32, #tpu.memory_space<vmem_shared>>
            tpu.wait_indirect_dma semaphore(%run_scoped3A : memref<!tpu.dma_semaphore, #tpu.memory_space<semaphore_mem>>) src(%arg13 : memref<128x32xf32, #tpu.memory_space<vmem>>) dst(%dma_wait3A_151 : memref<50000x32xf32, #tpu.memory_space<vmem_shared>>)
            tpu.yield
          }) : () -> ()
        } else {
        }
      }
      %scan3A_126 = arith.constant 391 : i32
    } else {
    }
    %barrier3A_44 = arith.constant 0 : index
    tpu.barrier barrier_id(%barrier3A_44)
    %lt3A_45 = arith.constant 15 : i32
    %lt3A_46 = arith.cmpi slt, %arg1, %lt3A_45 : i32
    %and3A_47 = arith.andi %eq3A_27, %lt3A_46 : i1
    %convert_element_type3A_48 = arith.extui %and3A_47 : i1 to i32
    %cond3A_49 = arith.constant 0 : i32
    %cond3A_50 = arith.cmpi ne, %convert_element_type3A_48, %cond3A_49 : i32
    scf.if %cond3A_50 {
      %mul3A = arith.constant 3128 : i32
      %mul3A_122 = arith.muli %arg1, %mul3A : i32
      %mul3A_123 = arith.constant 3128 : i32
      %mul3A_124 = arith.muli %arg1, %mul3A_123 : i32
      "tpu.region"() ({
        %run_scoped3A = tpu.sem_alloc : memref<!tpu.dma_semaphore, #tpu.memory_space<semaphore_mem>>
        %dma_start3A = arith.constant 0 : i32
        %dma_start3A_125 = tpu.memref_slice %arg9[%mul3A_124, %dma_start3A] : memref<50000x32xf32, #tpu.memory_space<hbm>> -> memref<3128x32xf32, #tpu.memory_space<hbm>>
        %dma_start3A_126 = arith.constant 0 : i32
        %dma_start3A_127 = tpu.memref_slice %arg14[%mul3A_122, %dma_start3A_126] : memref<50000x32xf32, #tpu.memory_space<vmem_shared>> -> memref<3128x32xf32, #tpu.memory_space<vmem_shared>>
        tpu.enqueue_dma source(%dma_start3A_127 : memref<3128x32xf32, #tpu.memory_space<vmem_shared>>) target(%dma_start3A_125 : memref<3128x32xf32, #tpu.memory_space<hbm>>) target_semaphore(%run_scoped3A : memref<!tpu.dma_semaphore, #tpu.memory_space<semaphore_mem>>)
        %dma_wait3A = arith.constant 0 : i32
        %dma_wait3A_128 = tpu.memref_slice %arg9[%mul3A_124, %dma_wait3A] : memref<50000x32xf32, #tpu.memory_space<hbm>> -> memref<3128x32xf32, #tpu.memory_space<hbm>>
        %dma_wait3A_129 = arith.constant 0 : i32
        %dma_wait3A_130 = tpu.memref_slice %arg14[%mul3A_122, %dma_wait3A_129] : memref<50000x32xf32, #tpu.memory_space<vmem_shared>> -> memref<3128x32xf32, #tpu.memory_space<vmem_shared>>
        tpu.wait_dma2 semaphore(%run_scoped3A : memref<!tpu.dma_semaphore, #tpu.memory_space<semaphore_mem>>) src(%dma_wait3A_130 : memref<3128x32xf32, #tpu.memory_space<vmem_shared>>) dst(%dma_wait3A_128 : memref<3128x32xf32, #tpu.memory_space<hbm>>)
        tpu.yield
      }) : () -> ()
    } else {
    }
    %eq3A_51 = arith.constant 15 : i32
    %eq3A_52 = arith.cmpi eq, %arg1, %eq3A_51 : i32
    %and3A_53 = arith.andi %eq3A_27, %eq3A_52 : i1
    %convert_element_type3A_54 = arith.extui %and3A_53 : i1 to i32
    %cond3A_55 = arith.constant 0 : i32
    %cond3A_56 = arith.cmpi ne, %convert_element_type3A_54, %cond3A_55 : i32
    scf.if %cond3A_56 {
      "tpu.region"() ({
        %run_scoped3A = tpu.sem_alloc : memref<!tpu.dma_semaphore, #tpu.memory_space<semaphore_mem>>
        %dma_start3A = arith.constant 46920 : i32
        %dma_start3A_122 = arith.constant 0 : i32
        %dma_start3A_123 = tpu.memref_slice %arg9[%dma_start3A, %dma_start3A_122] : memref<50000x32xf32, #tpu.memory_space<hbm>> -> memref<3080x32xf32, #tpu.memory_space<hbm>>
        %dma_start3A_124 = arith.constant 46920 : i32
        %dma_start3A_125 = arith.constant 0 : i32
        %dma_start3A_126 = tpu.memref_slice %arg14[%dma_start3A_124, %dma_start3A_125] : memref<50000x32xf32, #tpu.memory_space<vmem_shared>> -> memref<3080x32xf32, #tpu.memory_space<vmem_shared>>
        tpu.enqueue_dma source(%dma_start3A_126 : memref<3080x32xf32, #tpu.memory_space<vmem_shared>>) target(%dma_start3A_123 : memref<3080x32xf32, #tpu.memory_space<hbm>>) target_semaphore(%run_scoped3A : memref<!tpu.dma_semaphore, #tpu.memory_space<semaphore_mem>>)
        %dma_wait3A = arith.constant 46920 : i32
        %dma_wait3A_127 = arith.constant 0 : i32
        %dma_wait3A_128 = tpu.memref_slice %arg9[%dma_wait3A, %dma_wait3A_127] : memref<50000x32xf32, #tpu.memory_space<hbm>> -> memref<3080x32xf32, #tpu.memory_space<hbm>>
        %dma_wait3A_129 = arith.constant 46920 : i32
        %dma_wait3A_130 = arith.constant 0 : i32
        %dma_wait3A_131 = tpu.memref_slice %arg14[%dma_wait3A_129, %dma_wait3A_130] : memref<50000x32xf32, #tpu.memory_space<vmem_shared>> -> memref<3080x32xf32, #tpu.memory_space<vmem_shared>>
        tpu.wait_dma2 semaphore(%run_scoped3A : memref<!tpu.dma_semaphore, #tpu.memory_space<semaphore_mem>>) src(%dma_wait3A_131 : memref<3080x32xf32, #tpu.memory_space<vmem_shared>>) dst(%dma_wait3A_128 : memref<3080x32xf32, #tpu.memory_space<hbm>>)
        tpu.yield
      }) : () -> ()
    } else {
    }
    %barrier3A_57 = arith.constant 0 : index
    tpu.barrier barrier_id(%barrier3A_57)
    %eq3A_58 = arith.constant 0 : i32
    %eq3A_59 = arith.cmpi eq, %arg0, %eq3A_58 : i32
    %lt3A_60 = arith.constant 15 : i32
    %lt3A_61 = arith.cmpi slt, %arg1, %lt3A_60 : i32
    %and3A_62 = arith.andi %eq3A_59, %lt3A_61 : i1
    %convert_element_type3A_63 = arith.extui %and3A_62 : i1 to i32
    %cond3A_64 = arith.constant 0 : i32
    %cond3A_65 = arith.cmpi ne, %convert_element_type3A_63, %cond3A_64 : i32
    scf.if %cond3A_65 {
      %mul3A = arith.constant 3128 : i32
      %mul3A_122 = arith.muli %arg1, %mul3A : i32
      %mul3A_123 = arith.constant 3128 : i32
      %mul3A_124 = arith.muli %arg1, %mul3A_123 : i32
      "tpu.region"() ({
        %run_scoped3A = tpu.sem_alloc : memref<!tpu.dma_semaphore, #tpu.memory_space<semaphore_mem>>
        %dma_start3A = arith.constant 0 : i32
        %dma_start3A_125 = tpu.memref_slice %arg14[%mul3A_124, %dma_start3A] : memref<50000x32xf32, #tpu.memory_space<vmem_shared>> -> memref<3128x32xf32, #tpu.memory_space<vmem_shared>>
        %dma_start3A_126 = arith.constant 0 : i32
        %dma_start3A_127 = tpu.memref_slice %arg7[%mul3A_122, %dma_start3A_126] : memref<50000x32xf32, #tpu.memory_space<hbm>> -> memref<3128x32xf32, #tpu.memory_space<hbm>>
        tpu.enqueue_dma source(%dma_start3A_127 : memref<3128x32xf32, #tpu.memory_space<hbm>>) target(%dma_start3A_125 : memref<3128x32xf32, #tpu.memory_space<vmem_shared>>) target_semaphore(%run_scoped3A : memref<!tpu.dma_semaphore, #tpu.memory_space<semaphore_mem>>)
        %dma_wait3A = arith.constant 0 : i32
        %dma_wait3A_128 = tpu.memref_slice %arg14[%mul3A_124, %dma_wait3A] : memref<50000x32xf32, #tpu.memory_space<vmem_shared>> -> memref<3128x32xf32, #tpu.memory_space<vmem_shared>>
        %dma_wait3A_129 = arith.constant 0 : i32
        %dma_wait3A_130 = tpu.memref_slice %arg7[%mul3A_122, %dma_wait3A_129] : memref<50000x32xf32, #tpu.memory_space<hbm>> -> memref<3128x32xf32, #tpu.memory_space<hbm>>
        tpu.wait_dma2 semaphore(%run_scoped3A : memref<!tpu.dma_semaphore, #tpu.memory_space<semaphore_mem>>) src(%dma_wait3A_130 : memref<3128x32xf32, #tpu.memory_space<hbm>>) dst(%dma_wait3A_128 : memref<3128x32xf32, #tpu.memory_space<vmem_shared>>)
        tpu.yield
      }) : () -> ()
    } else {
    }
    %eq3A_66 = arith.constant 15 : i32
    %eq3A_67 = arith.cmpi eq, %arg1, %eq3A_66 : i32
    %and3A_68 = arith.andi %eq3A_59, %eq3A_67 : i1
    %convert_element_type3A_69 = arith.extui %and3A_68 : i1 to i32
    %cond3A_70 = arith.constant 0 : i32
    %cond3A_71 = arith.cmpi ne, %convert_element_type3A_69, %cond3A_70 : i32
    scf.if %cond3A_71 {
      "tpu.region"() ({
        %run_scoped3A = tpu.sem_alloc : memref<!tpu.dma_semaphore, #tpu.memory_space<semaphore_mem>>
        %dma_start3A = arith.constant 46920 : i32
        %dma_start3A_122 = arith.constant 0 : i32
        %dma_start3A_123 = tpu.memref_slice %arg14[%dma_start3A, %dma_start3A_122] : memref<50000x32xf32, #tpu.memory_space<vmem_shared>> -> memref<3080x32xf32, #tpu.memory_space<vmem_shared>>
        %dma_start3A_124 = arith.constant 46920 : i32
        %dma_start3A_125 = arith.constant 0 : i32
        %dma_start3A_126 = tpu.memref_slice %arg7[%dma_start3A_124, %dma_start3A_125] : memref<50000x32xf32, #tpu.memory_space<hbm>> -> memref<3080x32xf32, #tpu.memory_space<hbm>>
        tpu.enqueue_dma source(%dma_start3A_126 : memref<3080x32xf32, #tpu.memory_space<hbm>>) target(%dma_start3A_123 : memref<3080x32xf32, #tpu.memory_space<vmem_shared>>) target_semaphore(%run_scoped3A : memref<!tpu.dma_semaphore, #tpu.memory_space<semaphore_mem>>)
        %dma_wait3A = arith.constant 46920 : i32
        %dma_wait3A_127 = arith.constant 0 : i32
        %dma_wait3A_128 = tpu.memref_slice %arg14[%dma_wait3A, %dma_wait3A_127] : memref<50000x32xf32, #tpu.memory_space<vmem_shared>> -> memref<3080x32xf32, #tpu.memory_space<vmem_shared>>
        %dma_wait3A_129 = arith.constant 46920 : i32
        %dma_wait3A_130 = arith.constant 0 : i32
        %dma_wait3A_131 = tpu.memref_slice %arg7[%dma_wait3A_129, %dma_wait3A_130] : memref<50000x32xf32, #tpu.memory_space<hbm>> -> memref<3080x32xf32, #tpu.memory_space<hbm>>
        tpu.wait_dma2 semaphore(%run_scoped3A : memref<!tpu.dma_semaphore, #tpu.memory_space<semaphore_mem>>) src(%dma_wait3A_131 : memref<3080x32xf32, #tpu.memory_space<hbm>>) dst(%dma_wait3A_128 : memref<3080x32xf32, #tpu.memory_space<vmem_shared>>)
        tpu.yield
      }) : () -> ()
    } else {
    }
    %barrier3A_72 = arith.constant 0 : index
    tpu.barrier barrier_id(%barrier3A_72)
    %convert_element_type3A_73 = arith.extui %eq3A_59 : i1 to i32
    %cond3A_74 = arith.constant 0 : i32
    %cond3A_75 = arith.cmpi ne, %convert_element_type3A_73, %cond3A_74 : i32
    scf.if %cond3A_75 {
      %scan3A = arith.constant 0 : i32
      %scan3A_122 = arith.constant 0 : i32
      %scan3A_123 = arith.constant 391 : i32
      %scan3A_124 = arith.addi %scan3A_122, %scan3A_123 : i32
      %scan3A_125 = arith.constant 1 : i32
      scf.for %scan3A_127 = %scan3A_122 to %scan3A_124 step %scan3A_125  : i32 {
        %mul3A = arith.constant 16 : i32
        %mul3A_128 = arith.muli %mul3A, %scan3A_127 : i32
        %add3A = arith.addi %arg1, %mul3A_128 : i32
        %lt3A_129 = arith.constant 6250 : i32
        %lt3A_130 = arith.cmpi slt, %add3A, %lt3A_129 : i32
        %convert_element_type3A_131 = arith.extui %lt3A_130 : i1 to i32
        %cond3A_132 = arith.constant 0 : i32
        %cond3A_133 = arith.cmpi ne, %convert_element_type3A_131, %cond3A_132 : i32
        scf.if %cond3A_133 {
          %mul3A_134 = arith.constant 128 : i32
          %mul3A_135 = arith.muli %add3A, %mul3A_134 : i32
          %dma_start3A = arith.constant 0 : i32
          %dma_start3A_136 = tpu.memref_slice %arg4[%mul3A_135, %dma_start3A] : memref<800000x32xf32, #tpu.memory_space<hbm>> -> memref<128x32xf32, #tpu.memory_space<hbm>>
          %dma_start3A_137 = arith.constant 0 : i32
          %dma_start3A_138 = tpu.memref_slice %arg4[%mul3A_135, %dma_start3A_137] : memref<800000x32xf32, #tpu.memory_space<hbm>> -> memref<128x32xf32, #tpu.memory_space<hbm>>
          tpu.enqueue_dma source(%dma_start3A_138 : memref<128x32xf32, #tpu.memory_space<hbm>>) target(%arg13 : memref<128x32xf32, #tpu.memory_space<vmem>>) target_semaphore(%arg15 : memref<!tpu.dma_semaphore, #tpu.memory_space<semaphore_mem>>)
          %dma_start3A_139 = tpu.memref_slice %arg6[%mul3A_135] : memref<800000xi32, #tpu.memory_space<hbm>> -> memref<128xi32, #tpu.memory_space<hbm>>
          %dma_start3A_140 = tpu.memref_slice %arg6[%mul3A_135] : memref<800000xi32, #tpu.memory_space<hbm>> -> memref<128xi32, #tpu.memory_space<hbm>>
          tpu.enqueue_dma source(%dma_start3A_140 : memref<128xi32, #tpu.memory_space<hbm>>) target(%arg12 : memref<128xi32, #tpu.memory_space<vmem>>) target_semaphore(%arg15 : memref<!tpu.dma_semaphore, #tpu.memory_space<semaphore_mem>>)
          %dma_wait3A = arith.constant 0 : i32
          %dma_wait3A_141 = tpu.memref_slice %arg4[%mul3A_135, %dma_wait3A] : memref<800000x32xf32, #tpu.memory_space<hbm>> -> memref<128x32xf32, #tpu.memory_space<hbm>>
          %dma_wait3A_142 = arith.constant 0 : i32
          %dma_wait3A_143 = tpu.memref_slice %arg4[%mul3A_135, %dma_wait3A_142] : memref<800000x32xf32, #tpu.memory_space<hbm>> -> memref<128x32xf32, #tpu.memory_space<hbm>>
          tpu.wait_dma2 semaphore(%arg15 : memref<!tpu.dma_semaphore, #tpu.memory_space<semaphore_mem>>) src(%dma_wait3A_143 : memref<128x32xf32, #tpu.memory_space<hbm>>) dst(%arg13 : memref<128x32xf32, #tpu.memory_space<vmem>>)
          %dma_wait3A_144 = tpu.memref_slice %arg6[%mul3A_135] : memref<800000xi32, #tpu.memory_space<hbm>> -> memref<128xi32, #tpu.memory_space<hbm>>
          %dma_wait3A_145 = tpu.memref_slice %arg6[%mul3A_135] : memref<800000xi32, #tpu.memory_space<hbm>> -> memref<128xi32, #tpu.memory_space<hbm>>
          tpu.wait_dma2 semaphore(%arg15 : memref<!tpu.dma_semaphore, #tpu.memory_space<semaphore_mem>>) src(%dma_wait3A_145 : memref<128xi32, #tpu.memory_space<hbm>>) dst(%arg12 : memref<128xi32, #tpu.memory_space<vmem>>)
          "tpu.region"() ({
            %run_scoped3A = tpu.sem_alloc : memref<!tpu.dma_semaphore, #tpu.memory_space<semaphore_mem>>
            %dma_start3A_146 = arith.constant 0 : i32
            %dma_start3A_147 = arith.constant 0 : i32
            %dma_start3A_148 = tpu.memref_slice %arg14[%dma_start3A_146, %dma_start3A_147] : memref<50000x32xf32, #tpu.memory_space<vmem_shared>> -> memref<50000x32xf32, #tpu.memory_space<vmem_shared>>
            tpu.enqueue_indirect_dma source(%arg13 : memref<128x32xf32, #tpu.memory_space<vmem>>) target(%dma_start3A_148 : memref<50000x32xf32, #tpu.memory_space<vmem_shared>>) offsets(%arg12 : memref<128xi32, #tpu.memory_space<vmem>>) semaphore(%run_scoped3A : memref<!tpu.dma_semaphore, #tpu.memory_space<semaphore_mem>>) {add = true}
            %dma_wait3A_149 = arith.constant 0 : i32
            %dma_wait3A_150 = arith.constant 0 : i32
            %dma_wait3A_151 = tpu.memref_slice %arg14[%dma_wait3A_149, %dma_wait3A_150] : memref<50000x32xf32, #tpu.memory_space<vmem_shared>> -> memref<50000x32xf32, #tpu.memory_space<vmem_shared>>
            tpu.wait_indirect_dma semaphore(%run_scoped3A : memref<!tpu.dma_semaphore, #tpu.memory_space<semaphore_mem>>) src(%arg13 : memref<128x32xf32, #tpu.memory_space<vmem>>) dst(%dma_wait3A_151 : memref<50000x32xf32, #tpu.memory_space<vmem_shared>>)
            tpu.yield
          }) : () -> ()
        } else {
        }
      }
      %scan3A_126 = arith.constant 391 : i32
    } else {
    }
    %barrier3A_76 = arith.constant 0 : index
    tpu.barrier barrier_id(%barrier3A_76)
    %lt3A_77 = arith.constant 15 : i32
    %lt3A_78 = arith.cmpi slt, %arg1, %lt3A_77 : i32
    %and3A_79 = arith.andi %eq3A_59, %lt3A_78 : i1
    %convert_element_type3A_80 = arith.extui %and3A_79 : i1 to i32
    %cond3A_81 = arith.constant 0 : i32
    %cond3A_82 = arith.cmpi ne, %convert_element_type3A_80, %cond3A_81 : i32
    scf.if %cond3A_82 {
      %mul3A = arith.constant 3128 : i32
      %mul3A_122 = arith.muli %arg1, %mul3A : i32
      %mul3A_123 = arith.constant 3128 : i32
      %mul3A_124 = arith.muli %arg1, %mul3A_123 : i32
      "tpu.region"() ({
        %run_scoped3A = tpu.sem_alloc : memref<!tpu.dma_semaphore, #tpu.memory_space<semaphore_mem>>
        %dma_start3A = arith.constant 0 : i32
        %dma_start3A_125 = tpu.memref_slice %arg10[%mul3A_124, %dma_start3A] : memref<50000x32xf32, #tpu.memory_space<hbm>> -> memref<3128x32xf32, #tpu.memory_space<hbm>>
        %dma_start3A_126 = arith.constant 0 : i32
        %dma_start3A_127 = tpu.memref_slice %arg14[%mul3A_122, %dma_start3A_126] : memref<50000x32xf32, #tpu.memory_space<vmem_shared>> -> memref<3128x32xf32, #tpu.memory_space<vmem_shared>>
        tpu.enqueue_dma source(%dma_start3A_127 : memref<3128x32xf32, #tpu.memory_space<vmem_shared>>) target(%dma_start3A_125 : memref<3128x32xf32, #tpu.memory_space<hbm>>) target_semaphore(%run_scoped3A : memref<!tpu.dma_semaphore, #tpu.memory_space<semaphore_mem>>)
        %dma_wait3A = arith.constant 0 : i32
        %dma_wait3A_128 = tpu.memref_slice %arg10[%mul3A_124, %dma_wait3A] : memref<50000x32xf32, #tpu.memory_space<hbm>> -> memref<3128x32xf32, #tpu.memory_space<hbm>>
        %dma_wait3A_129 = arith.constant 0 : i32
        %dma_wait3A_130 = tpu.memref_slice %arg14[%mul3A_122, %dma_wait3A_129] : memref<50000x32xf32, #tpu.memory_space<vmem_shared>> -> memref<3128x32xf32, #tpu.memory_space<vmem_shared>>
        tpu.wait_dma2 semaphore(%run_scoped3A : memref<!tpu.dma_semaphore, #tpu.memory_space<semaphore_mem>>) src(%dma_wait3A_130 : memref<3128x32xf32, #tpu.memory_space<vmem_shared>>) dst(%dma_wait3A_128 : memref<3128x32xf32, #tpu.memory_space<hbm>>)
        tpu.yield
      }) : () -> ()
    } else {
    }
    %eq3A_83 = arith.constant 15 : i32
    %eq3A_84 = arith.cmpi eq, %arg1, %eq3A_83 : i32
    %and3A_85 = arith.andi %eq3A_59, %eq3A_84 : i1
    %convert_element_type3A_86 = arith.extui %and3A_85 : i1 to i32
    %cond3A_87 = arith.constant 0 : i32
    %cond3A_88 = arith.cmpi ne, %convert_element_type3A_86, %cond3A_87 : i32
    scf.if %cond3A_88 {
      "tpu.region"() ({
        %run_scoped3A = tpu.sem_alloc : memref<!tpu.dma_semaphore, #tpu.memory_space<semaphore_mem>>
        %dma_start3A = arith.constant 46920 : i32
        %dma_start3A_122 = arith.constant 0 : i32
        %dma_start3A_123 = tpu.memref_slice %arg10[%dma_start3A, %dma_start3A_122] : memref<50000x32xf32, #tpu.memory_space<hbm>> -> memref<3080x32xf32, #tpu.memory_space<hbm>>
        %dma_start3A_124 = arith.constant 46920 : i32
        %dma_start3A_125 = arith.constant 0 : i32
        %dma_start3A_126 = tpu.memref_slice %arg14[%dma_start3A_124, %dma_start3A_125] : memref<50000x32xf32, #tpu.memory_space<vmem_shared>> -> memref<3080x32xf32, #tpu.memory_space<vmem_shared>>
        tpu.enqueue_dma source(%dma_start3A_126 : memref<3080x32xf32, #tpu.memory_space<vmem_shared>>) target(%dma_start3A_123 : memref<3080x32xf32, #tpu.memory_space<hbm>>) target_semaphore(%run_scoped3A : memref<!tpu.dma_semaphore, #tpu.memory_space<semaphore_mem>>)
        %dma_wait3A = arith.constant 46920 : i32
        %dma_wait3A_127 = arith.constant 0 : i32
        %dma_wait3A_128 = tpu.memref_slice %arg10[%dma_wait3A, %dma_wait3A_127] : memref<50000x32xf32, #tpu.memory_space<hbm>> -> memref<3080x32xf32, #tpu.memory_space<hbm>>
        %dma_wait3A_129 = arith.constant 46920 : i32
        %dma_wait3A_130 = arith.constant 0 : i32
        %dma_wait3A_131 = tpu.memref_slice %arg14[%dma_wait3A_129, %dma_wait3A_130] : memref<50000x32xf32, #tpu.memory_space<vmem_shared>> -> memref<3080x32xf32, #tpu.memory_space<vmem_shared>>
        tpu.wait_dma2 semaphore(%run_scoped3A : memref<!tpu.dma_semaphore, #tpu.memory_space<semaphore_mem>>) src(%dma_wait3A_131 : memref<3080x32xf32, #tpu.memory_space<vmem_shared>>) dst(%dma_wait3A_128 : memref<3080x32xf32, #tpu.memory_space<hbm>>)
        tpu.yield
      }) : () -> ()
    } else {
    }
    %barrier3A_89 = arith.constant 0 : index
    tpu.barrier barrier_id(%barrier3A_89)
    %eq3A_90 = arith.constant 1 : i32
    %eq3A_91 = arith.cmpi eq, %arg0, %eq3A_90 : i32
    %lt3A_92 = arith.constant 15 : i32
    %lt3A_93 = arith.cmpi slt, %arg1, %lt3A_92 : i32
    %and3A_94 = arith.andi %eq3A_91, %lt3A_93 : i1
    %convert_element_type3A_95 = arith.extui %and3A_94 : i1 to i32
    %cond3A_96 = arith.constant 0 : i32
    %cond3A_97 = arith.cmpi ne, %convert_element_type3A_95, %cond3A_96 : i32
    scf.if %cond3A_97 {
      %mul3A = arith.constant 3128 : i32
      %mul3A_122 = arith.muli %arg1, %mul3A : i32
      %mul3A_123 = arith.constant 3128 : i32
      %mul3A_124 = arith.muli %arg1, %mul3A_123 : i32
      "tpu.region"() ({
        %run_scoped3A = tpu.sem_alloc : memref<!tpu.dma_semaphore, #tpu.memory_space<semaphore_mem>>
        %dma_start3A = arith.constant 0 : i32
        %dma_start3A_125 = tpu.memref_slice %arg14[%mul3A_124, %dma_start3A] : memref<50000x32xf32, #tpu.memory_space<vmem_shared>> -> memref<3128x32xf32, #tpu.memory_space<vmem_shared>>
        %dma_start3A_126 = arith.constant 0 : i32
        %dma_start3A_127 = tpu.memref_slice %arg7[%mul3A_122, %dma_start3A_126] : memref<50000x32xf32, #tpu.memory_space<hbm>> -> memref<3128x32xf32, #tpu.memory_space<hbm>>
        tpu.enqueue_dma source(%dma_start3A_127 : memref<3128x32xf32, #tpu.memory_space<hbm>>) target(%dma_start3A_125 : memref<3128x32xf32, #tpu.memory_space<vmem_shared>>) target_semaphore(%run_scoped3A : memref<!tpu.dma_semaphore, #tpu.memory_space<semaphore_mem>>)
        %dma_wait3A = arith.constant 0 : i32
        %dma_wait3A_128 = tpu.memref_slice %arg14[%mul3A_124, %dma_wait3A] : memref<50000x32xf32, #tpu.memory_space<vmem_shared>> -> memref<3128x32xf32, #tpu.memory_space<vmem_shared>>
        %dma_wait3A_129 = arith.constant 0 : i32
        %dma_wait3A_130 = tpu.memref_slice %arg7[%mul3A_122, %dma_wait3A_129] : memref<50000x32xf32, #tpu.memory_space<hbm>> -> memref<3128x32xf32, #tpu.memory_space<hbm>>
        tpu.wait_dma2 semaphore(%run_scoped3A : memref<!tpu.dma_semaphore, #tpu.memory_space<semaphore_mem>>) src(%dma_wait3A_130 : memref<3128x32xf32, #tpu.memory_space<hbm>>) dst(%dma_wait3A_128 : memref<3128x32xf32, #tpu.memory_space<vmem_shared>>)
        tpu.yield
      }) : () -> ()
    } else {
    }
    %eq3A_98 = arith.constant 15 : i32
    %eq3A_99 = arith.cmpi eq, %arg1, %eq3A_98 : i32
    %and3A_100 = arith.andi %eq3A_91, %eq3A_99 : i1
    %convert_element_type3A_101 = arith.extui %and3A_100 : i1 to i32
    %cond3A_102 = arith.constant 0 : i32
    %cond3A_103 = arith.cmpi ne, %convert_element_type3A_101, %cond3A_102 : i32
    scf.if %cond3A_103 {
      "tpu.region"() ({
        %run_scoped3A = tpu.sem_alloc : memref<!tpu.dma_semaphore, #tpu.memory_space<semaphore_mem>>
        %dma_start3A = arith.constant 46920 : i32
        %dma_start3A_122 = arith.constant 0 : i32
        %dma_start3A_123 = tpu.memref_slice %arg14[%dma_start3A, %dma_start3A_122] : memref<50000x32xf32, #tpu.memory_space<vmem_shared>> -> memref<3080x32xf32, #tpu.memory_space<vmem_shared>>
        %dma_start3A_124 = arith.constant 46920 : i32
        %dma_start3A_125 = arith.constant 0 : i32
        %dma_start3A_126 = tpu.memref_slice %arg7[%dma_start3A_124, %dma_start3A_125] : memref<50000x32xf32, #tpu.memory_space<hbm>> -> memref<3080x32xf32, #tpu.memory_space<hbm>>
        tpu.enqueue_dma source(%dma_start3A_126 : memref<3080x32xf32, #tpu.memory_space<hbm>>) target(%dma_start3A_123 : memref<3080x32xf32, #tpu.memory_space<vmem_shared>>) target_semaphore(%run_scoped3A : memref<!tpu.dma_semaphore, #tpu.memory_space<semaphore_mem>>)
        %dma_wait3A = arith.constant 46920 : i32
        %dma_wait3A_127 = arith.constant 0 : i32
        %dma_wait3A_128 = tpu.memref_slice %arg14[%dma_wait3A, %dma_wait3A_127] : memref<50000x32xf32, #tpu.memory_space<vmem_shared>> -> memref<3080x32xf32, #tpu.memory_space<vmem_shared>>
        %dma_wait3A_129 = arith.constant 46920 : i32
        %dma_wait3A_130 = arith.constant 0 : i32
        %dma_wait3A_131 = tpu.memref_slice %arg7[%dma_wait3A_129, %dma_wait3A_130] : memref<50000x32xf32, #tpu.memory_space<hbm>> -> memref<3080x32xf32, #tpu.memory_space<hbm>>
        tpu.wait_dma2 semaphore(%run_scoped3A : memref<!tpu.dma_semaphore, #tpu.memory_space<semaphore_mem>>) src(%dma_wait3A_131 : memref<3080x32xf32, #tpu.memory_space<hbm>>) dst(%dma_wait3A_128 : memref<3080x32xf32, #tpu.memory_space<vmem_shared>>)
        tpu.yield
      }) : () -> ()
    } else {
    }
    %barrier3A_104 = arith.constant 0 : index
    tpu.barrier barrier_id(%barrier3A_104)
    %convert_element_type3A_105 = arith.extui %eq3A_91 : i1 to i32
    %cond3A_106 = arith.constant 0 : i32
    %cond3A_107 = arith.cmpi ne, %convert_element_type3A_105, %cond3A_106 : i32
    scf.if %cond3A_107 {
      %scan3A = arith.constant 0 : i32
      %scan3A_122 = arith.constant 0 : i32
      %scan3A_123 = arith.constant 391 : i32
      %scan3A_124 = arith.addi %scan3A_122, %scan3A_123 : i32
      %scan3A_125 = arith.constant 1 : i32
      scf.for %scan3A_127 = %scan3A_122 to %scan3A_124 step %scan3A_125  : i32 {
        %mul3A = arith.constant 16 : i32
        %mul3A_128 = arith.muli %mul3A, %scan3A_127 : i32
        %add3A = arith.addi %arg1, %mul3A_128 : i32
        %lt3A_129 = arith.constant 6250 : i32
        %lt3A_130 = arith.cmpi slt, %add3A, %lt3A_129 : i32
        %convert_element_type3A_131 = arith.extui %lt3A_130 : i1 to i32
        %cond3A_132 = arith.constant 0 : i32
        %cond3A_133 = arith.cmpi ne, %convert_element_type3A_131, %cond3A_132 : i32
        scf.if %cond3A_133 {
          %mul3A_134 = arith.constant 128 : i32
          %mul3A_135 = arith.muli %add3A, %mul3A_134 : i32
          %dma_start3A = arith.constant 0 : i32
          %dma_start3A_136 = tpu.memref_slice %arg5[%mul3A_135, %dma_start3A] : memref<800000x32xf32, #tpu.memory_space<hbm>> -> memref<128x32xf32, #tpu.memory_space<hbm>>
          %dma_start3A_137 = arith.constant 0 : i32
          %dma_start3A_138 = tpu.memref_slice %arg5[%mul3A_135, %dma_start3A_137] : memref<800000x32xf32, #tpu.memory_space<hbm>> -> memref<128x32xf32, #tpu.memory_space<hbm>>
          tpu.enqueue_dma source(%dma_start3A_138 : memref<128x32xf32, #tpu.memory_space<hbm>>) target(%arg13 : memref<128x32xf32, #tpu.memory_space<vmem>>) target_semaphore(%arg15 : memref<!tpu.dma_semaphore, #tpu.memory_space<semaphore_mem>>)
          %dma_start3A_139 = tpu.memref_slice %arg6[%mul3A_135] : memref<800000xi32, #tpu.memory_space<hbm>> -> memref<128xi32, #tpu.memory_space<hbm>>
          %dma_start3A_140 = tpu.memref_slice %arg6[%mul3A_135] : memref<800000xi32, #tpu.memory_space<hbm>> -> memref<128xi32, #tpu.memory_space<hbm>>
          tpu.enqueue_dma source(%dma_start3A_140 : memref<128xi32, #tpu.memory_space<hbm>>) target(%arg12 : memref<128xi32, #tpu.memory_space<vmem>>) target_semaphore(%arg15 : memref<!tpu.dma_semaphore, #tpu.memory_space<semaphore_mem>>)
          %dma_wait3A = arith.constant 0 : i32
          %dma_wait3A_141 = tpu.memref_slice %arg5[%mul3A_135, %dma_wait3A] : memref<800000x32xf32, #tpu.memory_space<hbm>> -> memref<128x32xf32, #tpu.memory_space<hbm>>
          %dma_wait3A_142 = arith.constant 0 : i32
          %dma_wait3A_143 = tpu.memref_slice %arg5[%mul3A_135, %dma_wait3A_142] : memref<800000x32xf32, #tpu.memory_space<hbm>> -> memref<128x32xf32, #tpu.memory_space<hbm>>
          tpu.wait_dma2 semaphore(%arg15 : memref<!tpu.dma_semaphore, #tpu.memory_space<semaphore_mem>>) src(%dma_wait3A_143 : memref<128x32xf32, #tpu.memory_space<hbm>>) dst(%arg13 : memref<128x32xf32, #tpu.memory_space<vmem>>)
          %dma_wait3A_144 = tpu.memref_slice %arg6[%mul3A_135] : memref<800000xi32, #tpu.memory_space<hbm>> -> memref<128xi32, #tpu.memory_space<hbm>>
          %dma_wait3A_145 = tpu.memref_slice %arg6[%mul3A_135] : memref<800000xi32, #tpu.memory_space<hbm>> -> memref<128xi32, #tpu.memory_space<hbm>>
          tpu.wait_dma2 semaphore(%arg15 : memref<!tpu.dma_semaphore, #tpu.memory_space<semaphore_mem>>) src(%dma_wait3A_145 : memref<128xi32, #tpu.memory_space<hbm>>) dst(%arg12 : memref<128xi32, #tpu.memory_space<vmem>>)
          "tpu.region"() ({
            %run_scoped3A = tpu.sem_alloc : memref<!tpu.dma_semaphore, #tpu.memory_space<semaphore_mem>>
            %dma_start3A_146 = arith.constant 0 : i32
            %dma_start3A_147 = arith.constant 0 : i32
            %dma_start3A_148 = tpu.memref_slice %arg14[%dma_start3A_146, %dma_start3A_147] : memref<50000x32xf32, #tpu.memory_space<vmem_shared>> -> memref<50000x32xf32, #tpu.memory_space<vmem_shared>>
            tpu.enqueue_indirect_dma source(%arg13 : memref<128x32xf32, #tpu.memory_space<vmem>>) target(%dma_start3A_148 : memref<50000x32xf32, #tpu.memory_space<vmem_shared>>) offsets(%arg12 : memref<128xi32, #tpu.memory_space<vmem>>) semaphore(%run_scoped3A : memref<!tpu.dma_semaphore, #tpu.memory_space<semaphore_mem>>) {add = true}
            %dma_wait3A_149 = arith.constant 0 : i32
            %dma_wait3A_150 = arith.constant 0 : i32
            %dma_wait3A_151 = tpu.memref_slice %arg14[%dma_wait3A_149, %dma_wait3A_150] : memref<50000x32xf32, #tpu.memory_space<vmem_shared>> -> memref<50000x32xf32, #tpu.memory_space<vmem_shared>>
            tpu.wait_indirect_dma semaphore(%run_scoped3A : memref<!tpu.dma_semaphore, #tpu.memory_space<semaphore_mem>>) src(%arg13 : memref<128x32xf32, #tpu.memory_space<vmem>>) dst(%dma_wait3A_151 : memref<50000x32xf32, #tpu.memory_space<vmem_shared>>)
            tpu.yield
          }) : () -> ()
        } else {
        }
      }
      %scan3A_126 = arith.constant 391 : i32
    } else {
    }
    %barrier3A_108 = arith.constant 0 : index
    tpu.barrier barrier_id(%barrier3A_108)
    %lt3A_109 = arith.constant 15 : i32
    %lt3A_110 = arith.cmpi slt, %arg1, %lt3A_109 : i32
    %and3A_111 = arith.andi %eq3A_91, %lt3A_110 : i1
    %convert_element_type3A_112 = arith.extui %and3A_111 : i1 to i32
    %cond3A_113 = arith.constant 0 : i32
    %cond3A_114 = arith.cmpi ne, %convert_element_type3A_112, %cond3A_113 : i32
    scf.if %cond3A_114 {
      %mul3A = arith.constant 3128 : i32
      %mul3A_122 = arith.muli %arg1, %mul3A : i32
      %mul3A_123 = arith.constant 3128 : i32
      %mul3A_124 = arith.muli %arg1, %mul3A_123 : i32
      "tpu.region"() ({
        %run_scoped3A = tpu.sem_alloc : memref<!tpu.dma_semaphore, #tpu.memory_space<semaphore_mem>>
        %dma_start3A = arith.constant 0 : i32
        %dma_start3A_125 = tpu.memref_slice %arg11[%mul3A_124, %dma_start3A] : memref<50000x32xf32, #tpu.memory_space<hbm>> -> memref<3128x32xf32, #tpu.memory_space<hbm>>
        %dma_start3A_126 = arith.constant 0 : i32
        %dma_start3A_127 = tpu.memref_slice %arg14[%mul3A_122, %dma_start3A_126] : memref<50000x32xf32, #tpu.memory_space<vmem_shared>> -> memref<3128x32xf32, #tpu.memory_space<vmem_shared>>
        tpu.enqueue_dma source(%dma_start3A_127 : memref<3128x32xf32, #tpu.memory_space<vmem_shared>>) target(%dma_start3A_125 : memref<3128x32xf32, #tpu.memory_space<hbm>>) target_semaphore(%run_scoped3A : memref<!tpu.dma_semaphore, #tpu.memory_space<semaphore_mem>>)
        %dma_wait3A = arith.constant 0 : i32
        %dma_wait3A_128 = tpu.memref_slice %arg11[%mul3A_124, %dma_wait3A] : memref<50000x32xf32, #tpu.memory_space<hbm>> -> memref<3128x32xf32, #tpu.memory_space<hbm>>
        %dma_wait3A_129 = arith.constant 0 : i32
        %dma_wait3A_130 = tpu.memref_slice %arg14[%mul3A_122, %dma_wait3A_129] : memref<50000x32xf32, #tpu.memory_space<vmem_shared>> -> memref<3128x32xf32, #tpu.memory_space<vmem_shared>>
        tpu.wait_dma2 semaphore(%run_scoped3A : memref<!tpu.dma_semaphore, #tpu.memory_space<semaphore_mem>>) src(%dma_wait3A_130 : memref<3128x32xf32, #tpu.memory_space<vmem_shared>>) dst(%dma_wait3A_128 : memref<3128x32xf32, #tpu.memory_space<hbm>>)
        tpu.yield
      }) : () -> ()
    } else {
    }
    %eq3A_115 = arith.constant 15 : i32
    %eq3A_116 = arith.cmpi eq, %arg1, %eq3A_115 : i32
    %and3A_117 = arith.andi %eq3A_91, %eq3A_116 : i1
    %convert_element_type3A_118 = arith.extui %and3A_117 : i1 to i32
    %cond3A_119 = arith.constant 0 : i32
    %cond3A_120 = arith.cmpi ne, %convert_element_type3A_118, %cond3A_119 : i32
    scf.if %cond3A_120 {
      "tpu.region"() ({
        %run_scoped3A = tpu.sem_alloc : memref<!tpu.dma_semaphore, #tpu.memory_space<semaphore_mem>>
        %dma_start3A = arith.constant 46920 : i32
        %dma_start3A_122 = arith.constant 0 : i32
        %dma_start3A_123 = tpu.memref_slice %arg11[%dma_start3A, %dma_start3A_122] : memref<50000x32xf32, #tpu.memory_space<hbm>> -> memref<3080x32xf32, #tpu.memory_space<hbm>>
        %dma_start3A_124 = arith.constant 46920 : i32
        %dma_start3A_125 = arith.constant 0 : i32
        %dma_start3A_126 = tpu.memref_slice %arg14[%dma_start3A_124, %dma_start3A_125] : memref<50000x32xf32, #tpu.memory_space<vmem_shared>> -> memref<3080x32xf32, #tpu.memory_space<vmem_shared>>
        tpu.enqueue_dma source(%dma_start3A_126 : memref<3080x32xf32, #tpu.memory_space<vmem_shared>>) target(%dma_start3A_123 : memref<3080x32xf32, #tpu.memory_space<hbm>>) target_semaphore(%run_scoped3A : memref<!tpu.dma_semaphore, #tpu.memory_space<semaphore_mem>>)
        %dma_wait3A = arith.constant 46920 : i32
        %dma_wait3A_127 = arith.constant 0 : i32
        %dma_wait3A_128 = tpu.memref_slice %arg11[%dma_wait3A, %dma_wait3A_127] : memref<50000x32xf32, #tpu.memory_space<hbm>> -> memref<3080x32xf32, #tpu.memory_space<hbm>>
        %dma_wait3A_129 = arith.constant 46920 : i32
        %dma_wait3A_130 = arith.constant 0 : i32
        %dma_wait3A_131 = tpu.memref_slice %arg14[%dma_wait3A_129, %dma_wait3A_130] : memref<50000x32xf32, #tpu.memory_space<vmem_shared>> -> memref<3080x32xf32, #tpu.memory_space<vmem_shared>>
        tpu.wait_dma2 semaphore(%run_scoped3A : memref<!tpu.dma_semaphore, #tpu.memory_space<semaphore_mem>>) src(%dma_wait3A_131 : memref<3080x32xf32, #tpu.memory_space<vmem_shared>>) dst(%dma_wait3A_128 : memref<3080x32xf32, #tpu.memory_space<hbm>>)
        tpu.yield
      }) : () -> ()
    } else {
    }
    %barrier3A_121 = arith.constant 0 : index
    tpu.barrier barrier_id(%barrier3A_121)
    return
  }
}

#map = affine_map<(d0, d1) -> (0)>
#map1 = affine_map<(d0, d1) -> (0, 0)>
module attributes {stable_mosaic.version = 14 : i64} {
  func.func @k(%arg0: i32, %arg1: i32, %arg2: memref<800000xi32, #tpu.memory_space<hbm>>, %arg3: memref<800000xi32, #tpu.memory_space<hbm>>, %arg4: memref<50000x128xf32, #tpu.memory_space<hbm>>, %arg5: memref<800000x128xf32, #tpu.memory_space<hbm>>, %arg6: memref<800000x128xf32, #tpu.memory_space<hbm>>, %arg7: memref<128xi32, #tpu.memory_space<vmem>>, %arg8: memref<128xi32, #tpu.memory_space<vmem>>, %arg9: memref<128xi32, #tpu.memory_space<vmem>>, %arg10: memref<128xi32, #tpu.memory_space<vmem>>, %arg11: memref<256x128xf32, #tpu.memory_space<vmem>>, %arg12: memref<256x128xf32, #tpu.memory_space<vmem>>, %arg13: memref<!tpu.dma_semaphore, #tpu.memory_space<semaphore_mem>>) attributes {dimension_semantics = [#tpu.dimension_semantics<core_parallel>, #tpu.dimension_semantics<subcore_parallel>], iteration_bounds = array<i64: 2, 16>, scalar_prefetch = 0 : i64, scratch_operands = 7 : i64, tpu.core_type = #tpu.core_type<sc_vector_subcore>, window_params = [{transform_indices = #map}, {transform_indices = #map}, {transform_indices = #map1}, {transform_indices = #map1}, {transform_indices = #map1}]} {
    %mul3A = arith.constant 2 : i32
    %mul3A_0 = arith.muli %arg1, %mul3A : i32
    %add3A = arith.addi %mul3A_0, %arg0 : i32
    %scan3A = arith.constant 0 : i32
    %scan3A_1 = arith.constant 0 : i32
    %scan3A_2 = arith.constant 98 : i32
    %scan3A_3 = arith.addi %scan3A_1, %scan3A_2 : i32
    %scan3A_4 = arith.constant 1 : i32
    scf.for %scan3A_6 = %scan3A_1 to %scan3A_3 step %scan3A_4  : i32 {
      %mul3A_7 = arith.constant 32 : i32
      %mul3A_8 = arith.muli %mul3A_7, %scan3A_6 : i32
      %add3A_9 = arith.addi %add3A, %mul3A_8 : i32
      %lt3A = arith.constant 3125 : i32
      %lt3A_10 = arith.cmpi slt, %add3A_9, %lt3A : i32
      %convert_element_type3A = arith.extui %lt3A_10 : i1 to i32
      %cond3A = arith.constant 0 : i32
      %cond3A_11 = arith.cmpi ne, %convert_element_type3A, %cond3A : i32
      scf.if %cond3A_11 {
        %mul3A_12 = arith.constant 256 : i32
        %mul3A_13 = arith.muli %add3A_9, %mul3A_12 : i32
        %add3A_14 = arith.constant 0 : i32
        %add3A_15 = arith.addi %mul3A_13, %add3A_14 : i32
        %dma_start3A = tpu.memref_slice %arg2[%add3A_15] : memref<800000xi32, #tpu.memory_space<hbm>> -> memref<128xi32, #tpu.memory_space<hbm>>
        %dma_start3A_16 = tpu.memref_slice %arg2[%add3A_15] : memref<800000xi32, #tpu.memory_space<hbm>> -> memref<128xi32, #tpu.memory_space<hbm>>
        tpu.enqueue_dma source(%dma_start3A_16 : memref<128xi32, #tpu.memory_space<hbm>>) target(%arg7 : memref<128xi32, #tpu.memory_space<vmem>>) target_semaphore(%arg13 : memref<!tpu.dma_semaphore, #tpu.memory_space<semaphore_mem>>)
        %add3A_17 = arith.constant 0 : i32
        %add3A_18 = arith.addi %mul3A_13, %add3A_17 : i32
        %dma_start3A_19 = tpu.memref_slice %arg3[%add3A_18] : memref<800000xi32, #tpu.memory_space<hbm>> -> memref<128xi32, #tpu.memory_space<hbm>>
        %dma_start3A_20 = tpu.memref_slice %arg3[%add3A_18] : memref<800000xi32, #tpu.memory_space<hbm>> -> memref<128xi32, #tpu.memory_space<hbm>>
        tpu.enqueue_dma source(%dma_start3A_20 : memref<128xi32, #tpu.memory_space<hbm>>) target(%arg9 : memref<128xi32, #tpu.memory_space<vmem>>) target_semaphore(%arg13 : memref<!tpu.dma_semaphore, #tpu.memory_space<semaphore_mem>>)
        %add3A_21 = arith.constant 128 : i32
        %add3A_22 = arith.addi %mul3A_13, %add3A_21 : i32
        %dma_start3A_23 = tpu.memref_slice %arg2[%add3A_22] : memref<800000xi32, #tpu.memory_space<hbm>> -> memref<128xi32, #tpu.memory_space<hbm>>
        %dma_start3A_24 = tpu.memref_slice %arg2[%add3A_22] : memref<800000xi32, #tpu.memory_space<hbm>> -> memref<128xi32, #tpu.memory_space<hbm>>
        tpu.enqueue_dma source(%dma_start3A_24 : memref<128xi32, #tpu.memory_space<hbm>>) target(%arg8 : memref<128xi32, #tpu.memory_space<vmem>>) target_semaphore(%arg13 : memref<!tpu.dma_semaphore, #tpu.memory_space<semaphore_mem>>)
        %add3A_25 = arith.constant 128 : i32
        %add3A_26 = arith.addi %mul3A_13, %add3A_25 : i32
        %dma_start3A_27 = tpu.memref_slice %arg3[%add3A_26] : memref<800000xi32, #tpu.memory_space<hbm>> -> memref<128xi32, #tpu.memory_space<hbm>>
        %dma_start3A_28 = tpu.memref_slice %arg3[%add3A_26] : memref<800000xi32, #tpu.memory_space<hbm>> -> memref<128xi32, #tpu.memory_space<hbm>>
        tpu.enqueue_dma source(%dma_start3A_28 : memref<128xi32, #tpu.memory_space<hbm>>) target(%arg10 : memref<128xi32, #tpu.memory_space<vmem>>) target_semaphore(%arg13 : memref<!tpu.dma_semaphore, #tpu.memory_space<semaphore_mem>>)
        %dma_wait3A = tpu.memref_slice %arg2[%add3A_15] : memref<800000xi32, #tpu.memory_space<hbm>> -> memref<128xi32, #tpu.memory_space<hbm>>
        %dma_wait3A_29 = tpu.memref_slice %arg2[%add3A_15] : memref<800000xi32, #tpu.memory_space<hbm>> -> memref<128xi32, #tpu.memory_space<hbm>>
        tpu.wait_dma2 semaphore(%arg13 : memref<!tpu.dma_semaphore, #tpu.memory_space<semaphore_mem>>) src(%dma_wait3A_29 : memref<128xi32, #tpu.memory_space<hbm>>) dst(%arg7 : memref<128xi32, #tpu.memory_space<vmem>>)
        %dma_wait3A_30 = tpu.memref_slice %arg3[%add3A_18] : memref<800000xi32, #tpu.memory_space<hbm>> -> memref<128xi32, #tpu.memory_space<hbm>>
        %dma_wait3A_31 = tpu.memref_slice %arg3[%add3A_18] : memref<800000xi32, #tpu.memory_space<hbm>> -> memref<128xi32, #tpu.memory_space<hbm>>
        tpu.wait_dma2 semaphore(%arg13 : memref<!tpu.dma_semaphore, #tpu.memory_space<semaphore_mem>>) src(%dma_wait3A_31 : memref<128xi32, #tpu.memory_space<hbm>>) dst(%arg9 : memref<128xi32, #tpu.memory_space<vmem>>)
        %dma_wait3A_32 = tpu.memref_slice %arg2[%add3A_22] : memref<800000xi32, #tpu.memory_space<hbm>> -> memref<128xi32, #tpu.memory_space<hbm>>
        %dma_wait3A_33 = tpu.memref_slice %arg2[%add3A_22] : memref<800000xi32, #tpu.memory_space<hbm>> -> memref<128xi32, #tpu.memory_space<hbm>>
        tpu.wait_dma2 semaphore(%arg13 : memref<!tpu.dma_semaphore, #tpu.memory_space<semaphore_mem>>) src(%dma_wait3A_33 : memref<128xi32, #tpu.memory_space<hbm>>) dst(%arg8 : memref<128xi32, #tpu.memory_space<vmem>>)
        %dma_wait3A_34 = tpu.memref_slice %arg3[%add3A_26] : memref<800000xi32, #tpu.memory_space<hbm>> -> memref<128xi32, #tpu.memory_space<hbm>>
        %dma_wait3A_35 = tpu.memref_slice %arg3[%add3A_26] : memref<800000xi32, #tpu.memory_space<hbm>> -> memref<128xi32, #tpu.memory_space<hbm>>
        tpu.wait_dma2 semaphore(%arg13 : memref<!tpu.dma_semaphore, #tpu.memory_space<semaphore_mem>>) src(%dma_wait3A_35 : memref<128xi32, #tpu.memory_space<hbm>>) dst(%arg10 : memref<128xi32, #tpu.memory_space<vmem>>)
        %dma_start3A_36 = arith.constant 0 : i32
        %dma_start3A_37 = arith.constant 0 : i32
        %dma_start3A_38 = tpu.memref_slice %arg11[%dma_start3A_36, %dma_start3A_37] : memref<256x128xf32, #tpu.memory_space<vmem>> -> memref<128x128xf32, #tpu.memory_space<vmem>>
        %dma_start3A_39 = arith.constant 0 : i32
        %dma_start3A_40 = arith.constant 0 : i32
        %dma_start3A_41 = tpu.memref_slice %arg4[%dma_start3A_39, %dma_start3A_40] : memref<50000x128xf32, #tpu.memory_space<hbm>> -> memref<50000x128xf32, #tpu.memory_space<hbm>>
        tpu.enqueue_indirect_dma source(%dma_start3A_41 : memref<50000x128xf32, #tpu.memory_space<hbm>>) target(%dma_start3A_38 : memref<128x128xf32, #tpu.memory_space<vmem>>) offsets(%arg7 : memref<128xi32, #tpu.memory_space<vmem>>) semaphore(%arg13 : memref<!tpu.dma_semaphore, #tpu.memory_space<semaphore_mem>>)
        %dma_start3A_42 = arith.constant 0 : i32
        %dma_start3A_43 = arith.constant 0 : i32
        %dma_start3A_44 = tpu.memref_slice %arg12[%dma_start3A_42, %dma_start3A_43] : memref<256x128xf32, #tpu.memory_space<vmem>> -> memref<128x128xf32, #tpu.memory_space<vmem>>
        %dma_start3A_45 = arith.constant 0 : i32
        %dma_start3A_46 = arith.constant 0 : i32
        %dma_start3A_47 = tpu.memref_slice %arg4[%dma_start3A_45, %dma_start3A_46] : memref<50000x128xf32, #tpu.memory_space<hbm>> -> memref<50000x128xf32, #tpu.memory_space<hbm>>
        tpu.enqueue_indirect_dma source(%dma_start3A_47 : memref<50000x128xf32, #tpu.memory_space<hbm>>) target(%dma_start3A_44 : memref<128x128xf32, #tpu.memory_space<vmem>>) offsets(%arg9 : memref<128xi32, #tpu.memory_space<vmem>>) semaphore(%arg13 : memref<!tpu.dma_semaphore, #tpu.memory_space<semaphore_mem>>)
        %dma_start3A_48 = arith.constant 128 : i32
        %dma_start3A_49 = arith.constant 0 : i32
        %dma_start3A_50 = tpu.memref_slice %arg11[%dma_start3A_48, %dma_start3A_49] : memref<256x128xf32, #tpu.memory_space<vmem>> -> memref<128x128xf32, #tpu.memory_space<vmem>>
        %dma_start3A_51 = arith.constant 0 : i32
        %dma_start3A_52 = arith.constant 0 : i32
        %dma_start3A_53 = tpu.memref_slice %arg4[%dma_start3A_51, %dma_start3A_52] : memref<50000x128xf32, #tpu.memory_space<hbm>> -> memref<50000x128xf32, #tpu.memory_space<hbm>>
        tpu.enqueue_indirect_dma source(%dma_start3A_53 : memref<50000x128xf32, #tpu.memory_space<hbm>>) target(%dma_start3A_50 : memref<128x128xf32, #tpu.memory_space<vmem>>) offsets(%arg8 : memref<128xi32, #tpu.memory_space<vmem>>) semaphore(%arg13 : memref<!tpu.dma_semaphore, #tpu.memory_space<semaphore_mem>>)
        %dma_start3A_54 = arith.constant 128 : i32
        %dma_start3A_55 = arith.constant 0 : i32
        %dma_start3A_56 = tpu.memref_slice %arg12[%dma_start3A_54, %dma_start3A_55] : memref<256x128xf32, #tpu.memory_space<vmem>> -> memref<128x128xf32, #tpu.memory_space<vmem>>
        %dma_start3A_57 = arith.constant 0 : i32
        %dma_start3A_58 = arith.constant 0 : i32
        %dma_start3A_59 = tpu.memref_slice %arg4[%dma_start3A_57, %dma_start3A_58] : memref<50000x128xf32, #tpu.memory_space<hbm>> -> memref<50000x128xf32, #tpu.memory_space<hbm>>
        tpu.enqueue_indirect_dma source(%dma_start3A_59 : memref<50000x128xf32, #tpu.memory_space<hbm>>) target(%dma_start3A_56 : memref<128x128xf32, #tpu.memory_space<vmem>>) offsets(%arg10 : memref<128xi32, #tpu.memory_space<vmem>>) semaphore(%arg13 : memref<!tpu.dma_semaphore, #tpu.memory_space<semaphore_mem>>)
        %dma_wait3A_60 = arith.constant 0 : i32
        %dma_wait3A_61 = arith.constant 0 : i32
        %dma_wait3A_62 = tpu.memref_slice %arg11[%dma_wait3A_60, %dma_wait3A_61] : memref<256x128xf32, #tpu.memory_space<vmem>> -> memref<128x128xf32, #tpu.memory_space<vmem>>
        %dma_wait3A_63 = arith.constant 0 : i32
        %dma_wait3A_64 = arith.constant 0 : i32
        %dma_wait3A_65 = tpu.memref_slice %arg4[%dma_wait3A_63, %dma_wait3A_64] : memref<50000x128xf32, #tpu.memory_space<hbm>> -> memref<50000x128xf32, #tpu.memory_space<hbm>>
        tpu.wait_indirect_dma semaphore(%arg13 : memref<!tpu.dma_semaphore, #tpu.memory_space<semaphore_mem>>) src(%dma_wait3A_65 : memref<50000x128xf32, #tpu.memory_space<hbm>>) dst(%dma_wait3A_62 : memref<128x128xf32, #tpu.memory_space<vmem>>)
        %dma_wait3A_66 = arith.constant 0 : i32
        %dma_wait3A_67 = arith.constant 0 : i32
        %dma_wait3A_68 = tpu.memref_slice %arg12[%dma_wait3A_66, %dma_wait3A_67] : memref<256x128xf32, #tpu.memory_space<vmem>> -> memref<128x128xf32, #tpu.memory_space<vmem>>
        %dma_wait3A_69 = arith.constant 0 : i32
        %dma_wait3A_70 = arith.constant 0 : i32
        %dma_wait3A_71 = tpu.memref_slice %arg4[%dma_wait3A_69, %dma_wait3A_70] : memref<50000x128xf32, #tpu.memory_space<hbm>> -> memref<50000x128xf32, #tpu.memory_space<hbm>>
        tpu.wait_indirect_dma semaphore(%arg13 : memref<!tpu.dma_semaphore, #tpu.memory_space<semaphore_mem>>) src(%dma_wait3A_71 : memref<50000x128xf32, #tpu.memory_space<hbm>>) dst(%dma_wait3A_68 : memref<128x128xf32, #tpu.memory_space<vmem>>)
        %dma_wait3A_72 = arith.constant 128 : i32
        %dma_wait3A_73 = arith.constant 0 : i32
        %dma_wait3A_74 = tpu.memref_slice %arg11[%dma_wait3A_72, %dma_wait3A_73] : memref<256x128xf32, #tpu.memory_space<vmem>> -> memref<128x128xf32, #tpu.memory_space<vmem>>
        %dma_wait3A_75 = arith.constant 0 : i32
        %dma_wait3A_76 = arith.constant 0 : i32
        %dma_wait3A_77 = tpu.memref_slice %arg4[%dma_wait3A_75, %dma_wait3A_76] : memref<50000x128xf32, #tpu.memory_space<hbm>> -> memref<50000x128xf32, #tpu.memory_space<hbm>>
        tpu.wait_indirect_dma semaphore(%arg13 : memref<!tpu.dma_semaphore, #tpu.memory_space<semaphore_mem>>) src(%dma_wait3A_77 : memref<50000x128xf32, #tpu.memory_space<hbm>>) dst(%dma_wait3A_74 : memref<128x128xf32, #tpu.memory_space<vmem>>)
        %dma_wait3A_78 = arith.constant 128 : i32
        %dma_wait3A_79 = arith.constant 0 : i32
        %dma_wait3A_80 = tpu.memref_slice %arg12[%dma_wait3A_78, %dma_wait3A_79] : memref<256x128xf32, #tpu.memory_space<vmem>> -> memref<128x128xf32, #tpu.memory_space<vmem>>
        %dma_wait3A_81 = arith.constant 0 : i32
        %dma_wait3A_82 = arith.constant 0 : i32
        %dma_wait3A_83 = tpu.memref_slice %arg4[%dma_wait3A_81, %dma_wait3A_82] : memref<50000x128xf32, #tpu.memory_space<hbm>> -> memref<50000x128xf32, #tpu.memory_space<hbm>>
        tpu.wait_indirect_dma semaphore(%arg13 : memref<!tpu.dma_semaphore, #tpu.memory_space<semaphore_mem>>) src(%dma_wait3A_83 : memref<50000x128xf32, #tpu.memory_space<hbm>>) dst(%dma_wait3A_80 : memref<128x128xf32, #tpu.memory_space<vmem>>)
        "tpu.region"() ({
          %run_scoped3A = tpu.sem_alloc : memref<!tpu.dma_semaphore, #tpu.memory_space<semaphore_mem>>
          %dma_start3A_84 = arith.constant 0 : i32
          %dma_start3A_85 = tpu.memref_slice %arg5[%mul3A_13, %dma_start3A_84] : memref<800000x128xf32, #tpu.memory_space<hbm>> -> memref<256x128xf32, #tpu.memory_space<hbm>>
          %dma_start3A_86 = arith.constant 0 : i32
          %dma_start3A_87 = tpu.memref_slice %arg5[%mul3A_13, %dma_start3A_86] : memref<800000x128xf32, #tpu.memory_space<hbm>> -> memref<256x128xf32, #tpu.memory_space<hbm>>
          tpu.enqueue_dma source(%arg11 : memref<256x128xf32, #tpu.memory_space<vmem>>) target(%dma_start3A_87 : memref<256x128xf32, #tpu.memory_space<hbm>>) target_semaphore(%run_scoped3A : memref<!tpu.dma_semaphore, #tpu.memory_space<semaphore_mem>>)
          %dma_wait3A_88 = arith.constant 0 : i32
          %dma_wait3A_89 = tpu.memref_slice %arg5[%mul3A_13, %dma_wait3A_88] : memref<800000x128xf32, #tpu.memory_space<hbm>> -> memref<256x128xf32, #tpu.memory_space<hbm>>
          %dma_wait3A_90 = arith.constant 0 : i32
          %dma_wait3A_91 = tpu.memref_slice %arg5[%mul3A_13, %dma_wait3A_90] : memref<800000x128xf32, #tpu.memory_space<hbm>> -> memref<256x128xf32, #tpu.memory_space<hbm>>
          tpu.wait_dma2 semaphore(%run_scoped3A : memref<!tpu.dma_semaphore, #tpu.memory_space<semaphore_mem>>) src(%arg11 : memref<256x128xf32, #tpu.memory_space<vmem>>) dst(%dma_wait3A_91 : memref<256x128xf32, #tpu.memory_space<hbm>>)
          tpu.yield
        }) : () -> ()
        "tpu.region"() ({
          %run_scoped3A = tpu.sem_alloc : memref<!tpu.dma_semaphore, #tpu.memory_space<semaphore_mem>>
          %dma_start3A_84 = arith.constant 0 : i32
          %dma_start3A_85 = tpu.memref_slice %arg6[%mul3A_13, %dma_start3A_84] : memref<800000x128xf32, #tpu.memory_space<hbm>> -> memref<256x128xf32, #tpu.memory_space<hbm>>
          %dma_start3A_86 = arith.constant 0 : i32
          %dma_start3A_87 = tpu.memref_slice %arg6[%mul3A_13, %dma_start3A_86] : memref<800000x128xf32, #tpu.memory_space<hbm>> -> memref<256x128xf32, #tpu.memory_space<hbm>>
          tpu.enqueue_dma source(%arg12 : memref<256x128xf32, #tpu.memory_space<vmem>>) target(%dma_start3A_87 : memref<256x128xf32, #tpu.memory_space<hbm>>) target_semaphore(%run_scoped3A : memref<!tpu.dma_semaphore, #tpu.memory_space<semaphore_mem>>)
          %dma_wait3A_88 = arith.constant 0 : i32
          %dma_wait3A_89 = tpu.memref_slice %arg6[%mul3A_13, %dma_wait3A_88] : memref<800000x128xf32, #tpu.memory_space<hbm>> -> memref<256x128xf32, #tpu.memory_space<hbm>>
          %dma_wait3A_90 = arith.constant 0 : i32
          %dma_wait3A_91 = tpu.memref_slice %arg6[%mul3A_13, %dma_wait3A_90] : memref<800000x128xf32, #tpu.memory_space<hbm>> -> memref<256x128xf32, #tpu.memory_space<hbm>>
          tpu.wait_dma2 semaphore(%run_scoped3A : memref<!tpu.dma_semaphore, #tpu.memory_space<semaphore_mem>>) src(%arg12 : memref<256x128xf32, #tpu.memory_space<vmem>>) dst(%dma_wait3A_91 : memref<256x128xf32, #tpu.memory_space<hbm>>)
          tpu.yield
        }) : () -> ()
      } else {
      }
    }
    %scan3A_5 = arith.constant 98 : i32
    return
  }
}

module attributes {stable_mosaic.version = 14 : i64} {
  func.func @body(%arg0: i32, %arg1: memref<2000x32xf32, #tpu.memory_space<vmem>>, %arg2: memref<2000x128xf32, #tpu.memory_space<vmem>>, %arg3: memref<2000x128xf32, #tpu.memory_space<vmem>>, %arg4: memref<32x32xf32, #tpu.memory_space<vmem>>, %arg5: memref<1x32xf32, #tpu.memory_space<vmem>>, %arg6: memref<32x32xf32, #tpu.memory_space<vmem>>, %arg7: memref<1x32xf32, #tpu.memory_space<vmem>>, %arg8: memref<32x160xf32, #tpu.memory_space<vmem>>, %arg9: memref<32x160xf32, #tpu.memory_space<vmem>>, %arg10: memref<48x160xf32, #tpu.memory_space<vmem>>, %arg11: memref<48x160xf32, #tpu.memory_space<vmem>>, %arg12: memref<1x160xf32, #tpu.memory_space<vmem>>, %arg13: memref<160x128xf32, #tpu.memory_space<vmem>>, %arg14: memref<1x128xf32, #tpu.memory_space<vmem>>, %arg15: memref<48x128xf32, #tpu.memory_space<vmem>>, %arg16: memref<16x128xf32, #tpu.memory_space<vmem>>, %arg17: memref<2000x32xf32, #tpu.memory_space<vmem>>, %arg18: memref<2000x32xf32, #tpu.memory_space<vmem>>, %arg19: memref<2000x32xf32, #tpu.memory_space<vmem>>, %arg20: memref<2000x32xf32, #tpu.memory_space<vmem>>, %arg21: memref<2000x8xf32, #tpu.memory_space<vmem>>) attributes {dimension_semantics = [#tpu.dimension_semantics<arbitrary>], iteration_bounds = array<i64: 400>, scalar_prefetch = 0 : i64, scratch_operands = 0 : i64, tpu.core_type = #tpu.core_type<tc>, window_params = [{transform_indices = @transform_0, window_bounds = array<i64: 2000, 32>}, {transform_indices = @transform_1, window_bounds = array<i64: 2000, 128>}, {transform_indices = @transform_2, window_bounds = array<i64: 2000, 128>}, {pipeline_mode = #tpu.pipeline_mode<synchronous>, transform_indices = @transform_3, window_bounds = array<i64: 32, 32>}, {pipeline_mode = #tpu.pipeline_mode<synchronous>, transform_indices = @transform_4, window_bounds = array<i64: 1, 32>}, {pipeline_mode = #tpu.pipeline_mode<synchronous>, transform_indices = @transform_5, window_bounds = array<i64: 32, 32>}, {pipeline_mode = #tpu.pipeline_mode<synchronous>, transform_indices = @transform_6, window_bounds = array<i64: 1, 32>}, {pipeline_mode = #tpu.pipeline_mode<synchronous>, transform_indices = @transform_7, window_bounds = array<i64: 32, 160>}, {pipeline_mode = #tpu.pipeline_mode<synchronous>, transform_indices = @transform_8, window_bounds = array<i64: 32, 160>}, {pipeline_mode = #tpu.pipeline_mode<synchronous>, transform_indices = @transform_9, window_bounds = array<i64: 48, 160>}, {pipeline_mode = #tpu.pipeline_mode<synchronous>, transform_indices = @transform_10, window_bounds = array<i64: 48, 160>}, {pipeline_mode = #tpu.pipeline_mode<synchronous>, transform_indices = @transform_11, window_bounds = array<i64: 1, 160>}, {pipeline_mode = #tpu.pipeline_mode<synchronous>, transform_indices = @transform_12, window_bounds = array<i64: 160, 128>}, {pipeline_mode = #tpu.pipeline_mode<synchronous>, transform_indices = @transform_13, window_bounds = array<i64: 1, 128>}, {pipeline_mode = #tpu.pipeline_mode<synchronous>, transform_indices = @transform_14, window_bounds = array<i64: 48, 128>}, {pipeline_mode = #tpu.pipeline_mode<synchronous>, transform_indices = @transform_15, window_bounds = array<i64: 16, 128>}, {transform_indices = @transform_16, window_bounds = array<i64: 2000, 32>}, {transform_indices = @transform_17, window_bounds = array<i64: 2000, 32>}, {transform_indices = @transform_18, window_bounds = array<i64: 2000, 32>}, {transform_indices = @transform_19, window_bounds = array<i64: 2000, 32>}, {transform_indices = @transform_20, window_bounds = array<i64: 2000, 8>}]} {
    %get3A = arith.constant 0 : index
    %get3A_0 = arith.constant 0 : index
    %get3A_1 = vector.load %arg2[%get3A, %get3A_0] : memref<2000x128xf32, #tpu.memory_space<vmem>>, vector<2000x128xf32>
    %get3A_2 = arith.constant 0 : index
    %get3A_3 = arith.constant 0 : index
    %get3A_4 = vector.load %arg3[%get3A_2, %get3A_3] : memref<2000x128xf32, #tpu.memory_space<vmem>>, vector<2000x128xf32>
    %slice3A = vector.extract_strided_slice %get3A_4 {offsets = [0, 48], sizes = [2000, 8], strides = [1, 1]} : vector<2000x128xf32> to vector<2000x8xf32>
    %slice3A_5 = vector.extract_strided_slice %get3A_1 {offsets = [0, 48], sizes = [2000, 8], strides = [1, 1]} : vector<2000x128xf32> to vector<2000x8xf32>
    %sub3A = arith.subf %slice3A, %slice3A_5 : vector<2000x8xf32>
    %swap3A = arith.constant 0 : index
    %swap3A_6 = arith.constant 0 : index
    %swap3A_7 = vector.load %arg21[%swap3A, %swap3A_6] : memref<2000x8xf32, #tpu.memory_space<vmem>>, vector<2000x8xf32>
    tpu.vector_store %arg21[%swap3A, %swap3A_6], %sub3A {strides = array<i32>} : memref<2000x8xf32, #tpu.memory_space<vmem>>, vector<2000x8xf32>,
    %mul3A = arith.mulf %sub3A, %sub3A : vector<2000x8xf32>
    %reduce_sum3A = arith.constant dense<0.000000e+00> : vector<2000xf32>
    %reduce_sum3A_8 = vector.multi_reduction <add>, %mul3A, %reduce_sum3A [1] : vector<2000x8xf32> to vector<2000xf32>
    %broadcast_in_dim3A = vector.shape_cast %reduce_sum3A_8 : vector<2000xf32> to vector<2000x1xf32>
    %add3A = arith.constant 9.99999996E-13 : f32
    %add3A_9 = vector.broadcast %add3A : f32 to vector<2000x1xf32>
    %add3A_10 = arith.addf %broadcast_in_dim3A, %add3A_9 : vector<2000x1xf32>
    %sqrt3A = math.sqrt %add3A_10 : vector<2000x1xf32>
    %div3A = arith.constant 1.000000e+00 : f32
    %div3A_11 = vector.broadcast %div3A : f32 to vector<2000x1xf32>
    %div3A_12 = arith.divf %div3A_11, %sqrt3A : vector<2000x1xf32>
    %iota3A = tpu.iota {dimensions = array<i32: 1>} : vector<1x32xi32>
    %convert_element_type3A = arith.sitofp %iota3A : vector<1x32xi32> to vector<1x32xf32>
    %mul3A_13 = arith.constant 0.645161271 : f32
    %mul3A_14 = vector.broadcast %mul3A_13 : f32 to vector<1x32xf32>
    %mul3A_15 = arith.mulf %convert_element_type3A, %mul3A_14 : vector<1x32xf32>
    %sub3A_16 = vector.broadcast %sqrt3A : vector<2000x1xf32> to vector<2000x32xf32>
    %sub3A_17 = vector.broadcast %mul3A_15 : vector<1x32xf32> to vector<2000x32xf32>
    %sub3A_18 = arith.subf %sub3A_16, %sub3A_17 : vector<2000x32xf32>
    %integer_pow3A = arith.mulf %sub3A_18, %sub3A_18 : vector<2000x32xf32>
    %mul3A_19 = arith.constant -1.201250e+00 : f32
    %mul3A_20 = vector.broadcast %mul3A_19 : f32 to vector<2000x32xf32>
    %mul3A_21 = arith.mulf %mul3A_20, %integer_pow3A : vector<2000x32xf32>
    %exp3A = math.exp %mul3A_21 : vector<2000x32xf32>
    %get3A_22 = arith.constant 0 : index
    %get3A_23 = arith.constant 0 : index
    %get3A_24 = vector.load %arg4[%get3A_22, %get3A_23] : memref<32x32xf32, #tpu.memory_space<vmem>>, vector<32x32xf32>
    %dot_general3A = arith.constant dense<0.000000e+00> : vector<2000x32xf32>
    %dot_general3A_25 = tpu.matmul %exp3A, %get3A_24, %dot_general3A {dimension_numbers = #tpu.dot_dimension_numbers<[1], [0], [0], [1], [0, 0, 1, 1], [], []>, transpose_lhs_hint = false} : vector<2000x32xf32>, vector<32x32xf32>, vector<2000x32xf32> -> vector<2000x32xf32>
    %get3A_26 = arith.constant 0 : index
    %get3A_27 = arith.constant 0 : index
    %get3A_28 = vector.load %arg5[%get3A_26, %get3A_27] : memref<1x32xf32, #tpu.memory_space<vmem>>, vector<1x32xf32>
    %add3A_29 = vector.broadcast %get3A_28 : vector<1x32xf32> to vector<2000x32xf32>
    %add3A_30 = arith.addf %dot_general3A_25, %add3A_29 : vector<2000x32xf32>
    %max3A = arith.constant 0.000000e+00 : f32
    %max3A_31 = vector.broadcast %max3A : f32 to vector<2000x32xf32>
    %max3A_32 = arith.maximumf %add3A_30, %max3A_31 : vector<2000x32xf32>
    %get3A_33 = arith.constant 0 : index
    %get3A_34 = arith.constant 0 : index
    %get3A_35 = vector.load %arg6[%get3A_33, %get3A_34] : memref<32x32xf32, #tpu.memory_space<vmem>>, vector<32x32xf32>
    %dot_general3A_36 = arith.constant dense<0.000000e+00> : vector<2000x32xf32>
    %dot_general3A_37 = tpu.matmul %max3A_32, %get3A_35, %dot_general3A_36 {dimension_numbers = #tpu.dot_dimension_numbers<[1], [0], [0], [1], [0, 0, 1, 1], [], []>, transpose_lhs_hint = false} : vector<2000x32xf32>, vector<32x32xf32>, vector<2000x32xf32> -> vector<2000x32xf32>
    %get3A_38 = arith.constant 0 : index
    %get3A_39 = arith.constant 0 : index
    %get3A_40 = vector.load %arg7[%get3A_38, %get3A_39] : memref<1x32xf32, #tpu.memory_space<vmem>>, vector<1x32xf32>
    %add3A_41 = vector.broadcast %get3A_40 : vector<1x32xf32> to vector<2000x32xf32>
    %add3A_42 = arith.addf %dot_general3A_37, %add3A_41 : vector<2000x32xf32>
    %mul3A_43 = vector.broadcast %div3A_12 : vector<2000x1xf32> to vector<2000x8xf32>
    %mul3A_44 = arith.mulf %sub3A, %mul3A_43 : vector<2000x8xf32>
    %slice3A_45 = vector.extract_strided_slice %mul3A_44 {offsets = [0, 0], sizes = [2000, 1], strides = [1, 1]} : vector<2000x8xf32> to vector<2000x1xf32>
    %slice3A_46 = vector.extract_strided_slice %mul3A_44 {offsets = [0, 1], sizes = [2000, 1], strides = [1, 1]} : vector<2000x8xf32> to vector<2000x1xf32>
    %slice3A_47 = vector.extract_strided_slice %mul3A_44 {offsets = [0, 2], sizes = [2000, 1], strides = [1, 1]} : vector<2000x8xf32> to vector<2000x1xf32>
    %broadcast_in_dim3A_48 = arith.constant 1.000000e+00 : f32
    %broadcast_in_dim3A_49 = vector.broadcast %broadcast_in_dim3A_48 : f32 to vector<2000x1xf32>
    %mul3A_50 = arith.constant 1.73205078 : f32
    %mul3A_51 = vector.broadcast %mul3A_50 : f32 to vector<2000x1xf32>
    %mul3A_52 = arith.mulf %mul3A_51, %slice3A_45 : vector<2000x1xf32>
    %mul3A_53 = arith.constant 1.73205078 : f32
    %mul3A_54 = vector.broadcast %mul3A_53 : f32 to vector<2000x1xf32>
    %mul3A_55 = arith.mulf %mul3A_54, %slice3A_46 : vector<2000x1xf32>
    %mul3A_56 = arith.constant 1.73205078 : f32
    %mul3A_57 = vector.broadcast %mul3A_56 : f32 to vector<2000x1xf32>
    %mul3A_58 = arith.mulf %mul3A_57, %slice3A_47 : vector<2000x1xf32>
    %mul3A_59 = arith.constant 3.87298346 : f32
    %mul3A_60 = vector.broadcast %mul3A_59 : f32 to vector<2000x1xf32>
    %mul3A_61 = arith.mulf %mul3A_60, %slice3A_45 : vector<2000x1xf32>
    %mul3A_62 = arith.mulf %mul3A_61, %slice3A_46 : vector<2000x1xf32>
    %mul3A_63 = arith.constant 3.87298346 : f32
    %mul3A_64 = vector.broadcast %mul3A_63 : f32 to vector<2000x1xf32>
    %mul3A_65 = arith.mulf %mul3A_64, %slice3A_46 : vector<2000x1xf32>
    %mul3A_66 = arith.mulf %mul3A_65, %slice3A_47 : vector<2000x1xf32>
    %mul3A_67 = arith.constant 3.000000e+00 : f32
    %mul3A_68 = vector.broadcast %mul3A_67 : f32 to vector<2000x1xf32>
    %mul3A_69 = arith.mulf %mul3A_68, %slice3A_47 : vector<2000x1xf32>
    %mul3A_70 = arith.mulf %mul3A_69, %slice3A_47 : vector<2000x1xf32>
    %sub3A_71 = arith.constant 1.000000e+00 : f32
    %sub3A_72 = vector.broadcast %sub3A_71 : f32 to vector<2000x1xf32>
    %sub3A_73 = arith.subf %mul3A_70, %sub3A_72 : vector<2000x1xf32>
    %mul3A_74 = arith.constant 1.11803401 : f32
    %mul3A_75 = vector.broadcast %mul3A_74 : f32 to vector<2000x1xf32>
    %mul3A_76 = arith.mulf %mul3A_75, %sub3A_73 : vector<2000x1xf32>
    %mul3A_77 = arith.constant 3.87298346 : f32
    %mul3A_78 = vector.broadcast %mul3A_77 : f32 to vector<2000x1xf32>
    %mul3A_79 = arith.mulf %mul3A_78, %slice3A_45 : vector<2000x1xf32>
    %mul3A_80 = arith.mulf %mul3A_79, %slice3A_47 : vector<2000x1xf32>
    %mul3A_81 = arith.mulf %slice3A_45, %slice3A_45 : vector<2000x1xf32>
    %mul3A_82 = arith.mulf %slice3A_46, %slice3A_46 : vector<2000x1xf32>
    %sub3A_83 = arith.subf %mul3A_81, %mul3A_82 : vector<2000x1xf32>
    %mul3A_84 = arith.constant 1.93649173 : f32
    %mul3A_85 = vector.broadcast %mul3A_84 : f32 to vector<2000x1xf32>
    %mul3A_86 = arith.mulf %mul3A_85, %sub3A_83 : vector<2000x1xf32>
    %broadcast_in_dim3A_87 = arith.constant 0.000000e+00 : f32
    %broadcast_in_dim3A_88 = vector.broadcast %broadcast_in_dim3A_87 : f32 to vector<2000x7xf32>
    %concatenate3A = tpu.concatenate %broadcast_in_dim3A_49, %mul3A_52, %mul3A_55, %mul3A_58, %mul3A_62, %mul3A_66, %mul3A_76, %mul3A_80, %mul3A_86, %broadcast_in_dim3A_88 in 1 : vector<2000x1xf32>, vector<2000x1xf32>, vector<2000x1xf32>, vector<2000x1xf32>, vector<2000x1xf32>, vector<2000x1xf32>, vector<2000x1xf32>, vector<2000x1xf32>, vector<2000x1xf32>, vector<2000x7xf32> -> vector<2000x16xf32>
    %slice3A_89 = vector.extract_strided_slice %get3A_1 {offsets = [0, 0], sizes = [2000, 48], strides = [1, 1]} : vector<2000x128xf32> to vector<2000x48xf32>
    %get3A_90 = arith.constant 0 : index
    %get3A_91 = arith.constant 0 : index
    %get3A_92 = vector.load %arg8[%get3A_90, %get3A_91] : memref<32x160xf32, #tpu.memory_space<vmem>>, vector<32x160xf32>
    %dot_general3A_93 = arith.constant dense<0.000000e+00> : vector<2000x160xf32>
    %dot_general3A_94 = tpu.matmul %add3A_42, %get3A_92, %dot_general3A_93 {dimension_numbers = #tpu.dot_dimension_numbers<[1], [0], [0], [1], [0, 0, 1, 1], [], []>, transpose_lhs_hint = false} : vector<2000x32xf32>, vector<32x160xf32>, vector<2000x160xf32> -> vector<2000x160xf32>
    %get3A_95 = arith.constant 0 : index
    %get3A_96 = arith.constant 0 : index
    %get3A_97 = vector.load %arg1[%get3A_95, %get3A_96] : memref<2000x32xf32, #tpu.memory_space<vmem>>, vector<2000x32xf32>
    %get3A_98 = arith.constant 0 : index
    %get3A_99 = arith.constant 0 : index
    %get3A_100 = vector.load %arg9[%get3A_98, %get3A_99] : memref<32x160xf32, #tpu.memory_space<vmem>>, vector<32x160xf32>
    %dot_general3A_101 = arith.constant dense<0.000000e+00> : vector<2000x160xf32>
    %dot_general3A_102 = tpu.matmul %get3A_97, %get3A_100, %dot_general3A_101 {dimension_numbers = #tpu.dot_dimension_numbers<[1], [0], [0], [1], [0, 0, 1, 1], [], []>, transpose_lhs_hint = false} : vector<2000x32xf32>, vector<32x160xf32>, vector<2000x160xf32> -> vector<2000x160xf32>
    %add3A_103 = arith.addf %dot_general3A_94, %dot_general3A_102 : vector<2000x160xf32>
    %slice3A_104 = vector.extract_strided_slice %get3A_1 {offsets = [0, 0], sizes = [2000, 48], strides = [1, 1]} : vector<2000x128xf32> to vector<2000x48xf32>
    %get3A_105 = arith.constant 0 : index
    %get3A_106 = arith.constant 0 : index
    %get3A_107 = vector.load %arg10[%get3A_105, %get3A_106] : memref<48x160xf32, #tpu.memory_space<vmem>>, vector<48x160xf32>
    %dot_general3A_108 = arith.constant dense<0.000000e+00> : vector<2000x160xf32>
    %dot_general3A_109 = tpu.matmul %slice3A_104, %get3A_107, %dot_general3A_108 {dimension_numbers = #tpu.dot_dimension_numbers<[1], [0], [0], [1], [0, 0, 1, 1], [], []>, transpose_lhs_hint = false} : vector<2000x48xf32>, vector<48x160xf32>, vector<2000x160xf32> -> vector<2000x160xf32>
    %add3A_110 = arith.addf %add3A_103, %dot_general3A_109 : vector<2000x160xf32>
    %slice3A_111 = vector.extract_strided_slice %get3A_4 {offsets = [0, 0], sizes = [2000, 48], strides = [1, 1]} : vector<2000x128xf32> to vector<2000x48xf32>
    %get3A_112 = arith.constant 0 : index
    %get3A_113 = arith.constant 0 : index
    %get3A_114 = vector.load %arg11[%get3A_112, %get3A_113] : memref<48x160xf32, #tpu.memory_space<vmem>>, vector<48x160xf32>
    %dot_general3A_115 = arith.constant dense<0.000000e+00> : vector<2000x160xf32>
    %dot_general3A_116 = tpu.matmul %slice3A_111, %get3A_114, %dot_general3A_115 {dimension_numbers = #tpu.dot_dimension_numbers<[1], [0], [0], [1], [0, 0, 1, 1], [], []>, transpose_lhs_hint = false} : vector<2000x48xf32>, vector<48x160xf32>, vector<2000x160xf32> -> vector<2000x160xf32>
    %add3A_117 = arith.addf %add3A_110, %dot_general3A_116 : vector<2000x160xf32>
    %get3A_118 = arith.constant 0 : index
    %get3A_119 = arith.constant 0 : index
    %get3A_120 = vector.load %arg12[%get3A_118, %get3A_119] : memref<1x160xf32, #tpu.memory_space<vmem>>, vector<1x160xf32>
    %add3A_121 = vector.broadcast %get3A_120 : vector<1x160xf32> to vector<2000x160xf32>
    %add3A_122 = arith.addf %add3A_117, %add3A_121 : vector<2000x160xf32>
    %max3A_123 = arith.constant 0.000000e+00 : f32
    %max3A_124 = vector.broadcast %max3A_123 : f32 to vector<2000x160xf32>
    %max3A_125 = arith.maximumf %add3A_122, %max3A_124 : vector<2000x160xf32>
    %get3A_126 = arith.constant 0 : index
    %get3A_127 = arith.constant 0 : index
    %get3A_128 = vector.load %arg13[%get3A_126, %get3A_127] : memref<160x128xf32, #tpu.memory_space<vmem>>, vector<160x128xf32>
    %dot_general3A_129 = arith.constant dense<0.000000e+00> : vector<2000x128xf32>
    %dot_general3A_130 = tpu.matmul %max3A_125, %get3A_128, %dot_general3A_129 {dimension_numbers = #tpu.dot_dimension_numbers<[1], [0], [0], [1], [0, 0, 1, 1], [], []>, transpose_lhs_hint = false} : vector<2000x160xf32>, vector<160x128xf32>, vector<2000x128xf32> -> vector<2000x128xf32>
    %get3A_131 = arith.constant 0 : index
    %get3A_132 = arith.constant 0 : index
    %get3A_133 = vector.load %arg14[%get3A_131, %get3A_132] : memref<1x128xf32, #tpu.memory_space<vmem>>, vector<1x128xf32>
    %add3A_134 = vector.broadcast %get3A_133 : vector<1x128xf32> to vector<2000x128xf32>
    %add3A_135 = arith.addf %dot_general3A_130, %add3A_134 : vector<2000x128xf32>
    %get3A_136 = arith.constant 0 : index
    %get3A_137 = arith.constant 0 : index
    %get3A_138 = vector.load %arg15[%get3A_136, %get3A_137] : memref<48x128xf32, #tpu.memory_space<vmem>>, vector<48x128xf32>
    %dot_general3A_139 = arith.constant dense<0.000000e+00> : vector<2000x128xf32>
    %dot_general3A_140 = tpu.matmul %slice3A_89, %get3A_138, %dot_general3A_139 {dimension_numbers = #tpu.dot_dimension_numbers<[1], [0], [0], [1], [0, 0, 1, 1], [], []>, transpose_lhs_hint = false} : vector<2000x48xf32>, vector<48x128xf32>, vector<2000x128xf32> -> vector<2000x128xf32>
    %get3A_141 = arith.constant 0 : index
    %get3A_142 = arith.constant 0 : index
    %get3A_143 = vector.load %arg16[%get3A_141, %get3A_142] : memref<16x128xf32, #tpu.memory_space<vmem>>, vector<16x128xf32>
    %dot_general3A_144 = arith.constant dense<0.000000e+00> : vector<2000x128xf32>
    %dot_general3A_145 = tpu.matmul %concatenate3A, %get3A_143, %dot_general3A_144 {dimension_numbers = #tpu.dot_dimension_numbers<[1], [0], [0], [1], [0, 0, 1, 1], [], []>, transpose_lhs_hint = false} : vector<2000x16xf32>, vector<16x128xf32>, vector<2000x128xf32> -> vector<2000x128xf32>
    %add3A_146 = arith.addf %dot_general3A_140, %dot_general3A_145 : vector<2000x128xf32>
    %mul3A_147 = arith.mulf %add3A_146, %add3A_135 : vector<2000x128xf32>
    %slice3A_148 = vector.extract_strided_slice %mul3A_147 {offsets = [0, 0], sizes = [2000, 32], strides = [1, 1]} : vector<2000x128xf32> to vector<2000x32xf32>
    %swap3A_149 = arith.constant 0 : index
    %swap3A_150 = arith.constant 0 : index
    %swap3A_151 = vector.load %arg17[%swap3A_149, %swap3A_150] : memref<2000x32xf32, #tpu.memory_space<vmem>>, vector<2000x32xf32>
    tpu.vector_store %arg17[%swap3A_149, %swap3A_150], %slice3A_148 {strides = array<i32>} : memref<2000x32xf32, #tpu.memory_space<vmem>>, vector<2000x32xf32>,
    %slice3A_152 = vector.extract_strided_slice %mul3A_147 {offsets = [0, 32], sizes = [2000, 32], strides = [1, 1]} : vector<2000x128xf32> to vector<2000x32xf32>
    %swap3A_153 = arith.constant 0 : index
    %swap3A_154 = arith.constant 0 : index
    %swap3A_155 = vector.load %arg18[%swap3A_153, %swap3A_154] : memref<2000x32xf32, #tpu.memory_space<vmem>>, vector<2000x32xf32>
    tpu.vector_store %arg18[%swap3A_153, %swap3A_154], %slice3A_152 {strides = array<i32>} : memref<2000x32xf32, #tpu.memory_space<vmem>>, vector<2000x32xf32>,
    %slice3A_156 = vector.extract_strided_slice %mul3A_147 {offsets = [0, 64], sizes = [2000, 32], strides = [1, 1]} : vector<2000x128xf32> to vector<2000x32xf32>
    %swap3A_157 = arith.constant 0 : index
    %swap3A_158 = arith.constant 0 : index
    %swap3A_159 = vector.load %arg19[%swap3A_157, %swap3A_158] : memref<2000x32xf32, #tpu.memory_space<vmem>>, vector<2000x32xf32>
    tpu.vector_store %arg19[%swap3A_157, %swap3A_158], %slice3A_156 {strides = array<i32>} : memref<2000x32xf32, #tpu.memory_space<vmem>>, vector<2000x32xf32>,
    %slice3A_160 = vector.extract_strided_slice %mul3A_147 {offsets = [0, 96], sizes = [2000, 32], strides = [1, 1]} : vector<2000x128xf32> to vector<2000x32xf32>
    %swap3A_161 = arith.constant 0 : index
    %swap3A_162 = arith.constant 0 : index
    %swap3A_163 = vector.load %arg20[%swap3A_161, %swap3A_162] : memref<2000x32xf32, #tpu.memory_space<vmem>>, vector<2000x32xf32>
    tpu.vector_store %arg20[%swap3A_161, %swap3A_162], %slice3A_160 {strides = array<i32>} : memref<2000x32xf32, #tpu.memory_space<vmem>>, vector<2000x32xf32>,
    return
  }
  func.func @transform_0(%arg0: i32) -> (i32, i32) {
    %c0_i32 = arith.constant 0 : i32
    %c0_i32_0 = arith.constant 0 : i32
    return %arg0, %c0_i32 : i32, i32
  }
  func.func @transform_1(%arg0: i32) -> (i32, i32) {
    %c0_i32 = arith.constant 0 : i32
    %c0_i32_0 = arith.constant 0 : i32
    return %arg0, %c0_i32 : i32, i32
  }
  func.func @transform_2(%arg0: i32) -> (i32, i32) {
    %c0_i32 = arith.constant 0 : i32
    %c0_i32_0 = arith.constant 0 : i32
    return %arg0, %c0_i32 : i32, i32
  }
  func.func @transform_3(%arg0: i32) -> (i32, i32) {
    %c0_i32 = arith.constant 0 : i32
    %c0_i32_0 = arith.constant 0 : i32
    %c0_i32_1 = arith.constant 0 : i32
    return %c0_i32, %c0_i32_0 : i32, i32
  }
  func.func @transform_4(%arg0: i32) -> (i32, i32) {
    %c0_i32 = arith.constant 0 : i32
    %c0_i32_0 = arith.constant 0 : i32
    %c0_i32_1 = arith.constant 0 : i32
    return %c0_i32, %c0_i32_0 : i32, i32
  }
  func.func @transform_5(%arg0: i32) -> (i32, i32) {
    %c0_i32 = arith.constant 0 : i32
    %c0_i32_0 = arith.constant 0 : i32
    %c0_i32_1 = arith.constant 0 : i32
    return %c0_i32, %c0_i32_0 : i32, i32
  }
  func.func @transform_6(%arg0: i32) -> (i32, i32) {
    %c0_i32 = arith.constant 0 : i32
    %c0_i32_0 = arith.constant 0 : i32
    %c0_i32_1 = arith.constant 0 : i32
    return %c0_i32, %c0_i32_0 : i32, i32
  }
  func.func @transform_7(%arg0: i32) -> (i32, i32) {
    %c0_i32 = arith.constant 0 : i32
    %c0_i32_0 = arith.constant 0 : i32
    %c0_i32_1 = arith.constant 0 : i32
    return %c0_i32, %c0_i32_0 : i32, i32
  }
  func.func @transform_8(%arg0: i32) -> (i32, i32) {
    %c0_i32 = arith.constant 0 : i32
    %c0_i32_0 = arith.constant 0 : i32
    %c0_i32_1 = arith.constant 0 : i32
    return %c0_i32, %c0_i32_0 : i32, i32
  }
  func.func @transform_9(%arg0: i32) -> (i32, i32) {
    %c0_i32 = arith.constant 0 : i32
    %c0_i32_0 = arith.constant 0 : i32
    %c0_i32_1 = arith.constant 0 : i32
    return %c0_i32, %c0_i32_0 : i32, i32
  }
  func.func @transform_10(%arg0: i32) -> (i32, i32) {
    %c0_i32 = arith.constant 0 : i32
    %c0_i32_0 = arith.constant 0 : i32
    %c0_i32_1 = arith.constant 0 : i32
    return %c0_i32, %c0_i32_0 : i32, i32
  }
  func.func @transform_11(%arg0: i32) -> (i32, i32) {
    %c0_i32 = arith.constant 0 : i32
    %c0_i32_0 = arith.constant 0 : i32
    %c0_i32_1 = arith.constant 0 : i32
    return %c0_i32, %c0_i32_0 : i32, i32
  }
  func.func @transform_12(%arg0: i32) -> (i32, i32) {
    %c0_i32 = arith.constant 0 : i32
    %c0_i32_0 = arith.constant 0 : i32
    %c0_i32_1 = arith.constant 0 : i32
    return %c0_i32, %c0_i32_0 : i32, i32
  }
  func.func @transform_13(%arg0: i32) -> (i32, i32) {
    %c0_i32 = arith.constant 0 : i32
    %c0_i32_0 = arith.constant 0 : i32
    %c0_i32_1 = arith.constant 0 : i32
    return %c0_i32, %c0_i32_0 : i32, i32
  }
  func.func @transform_14(%arg0: i32) -> (i32, i32) {
    %c0_i32 = arith.constant 0 : i32
    %c0_i32_0 = arith.constant 0 : i32
    %c0_i32_1 = arith.constant 0 : i32
    return %c0_i32, %c0_i32_0 : i32, i32
  }
  func.func @transform_15(%arg0: i32) -> (i32, i32) {
    %c0_i32 = arith.constant 0 : i32
    %c0_i32_0 = arith.constant 0 : i32
    %c0_i32_1 = arith.constant 0 : i32
    return %c0_i32, %c0_i32_0 : i32, i32
  }
  func.func @transform_16(%arg0: i32) -> (i32, i32) {
    %c0_i32 = arith.constant 0 : i32
    %c0_i32_0 = arith.constant 0 : i32
    return %arg0, %c0_i32 : i32, i32
  }
  func.func @transform_17(%arg0: i32) -> (i32, i32) {
    %c0_i32 = arith.constant 0 : i32
    %c0_i32_0 = arith.constant 0 : i32
    return %arg0, %c0_i32 : i32, i32
  }
  func.func @transform_18(%arg0: i32) -> (i32, i32) {
    %c0_i32 = arith.constant 0 : i32
    %c0_i32_0 = arith.constant 0 : i32
    return %arg0, %c0_i32 : i32, i32
  }
  func.func @transform_19(%arg0: i32) -> (i32, i32) {
    %c0_i32 = arith.constant 0 : i32
    %c0_i32_0 = arith.constant 0 : i32
    return %arg0, %c0_i32 : i32, i32
  }
  func.func @transform_20(%arg0: i32) -> (i32, i32) {
    %c0_i32 = arith.constant 0 : i32
    %c0_i32_0 = arith.constant 0 : i32
    return %arg0, %c0_i32 : i32, i32
  }
}

module attributes {stable_mosaic.version = 14 : i64} {
  func.func @body(%arg0: i32, %arg1: memref<1000x32xf32, #tpu.memory_space<vmem>>, %arg2: memref<1000x32xf32, #tpu.memory_space<vmem>>, %arg3: memref<1000x32xf32, #tpu.memory_space<vmem>>, %arg4: memref<1000x32xf32, #tpu.memory_space<vmem>>, %arg5: memref<1000x48xf32, #tpu.memory_space<vmem>>, %arg6: memref<1000x128xf32, #tpu.memory_space<vmem>>, %arg7: memref<1000x48xf32, #tpu.memory_space<vmem>>) attributes {dimension_semantics = [#tpu.dimension_semantics<arbitrary>], iteration_bounds = array<i64: 50>, scalar_prefetch = 0 : i64, scratch_operands = 0 : i64, tpu.core_type = #tpu.core_type<tc>, window_params = [{transform_indices = @transform_0, window_bounds = array<i64: 1000, 32>}, {transform_indices = @transform_1, window_bounds = array<i64: 1000, 32>}, {transform_indices = @transform_2, window_bounds = array<i64: 1000, 32>}, {transform_indices = @transform_3, window_bounds = array<i64: 1000, 32>}, {transform_indices = @transform_4, window_bounds = array<i64: 1000, 48>}, {transform_indices = @transform_5, window_bounds = array<i64: 1000, 128>}, {transform_indices = @transform_6, window_bounds = array<i64: 1000, 48>}]} {
    %get3A = arith.constant 0 : index
    %get3A_0 = arith.constant 0 : index
    %get3A_1 = vector.load %arg1[%get3A, %get3A_0] : memref<1000x32xf32, #tpu.memory_space<vmem>>, vector<1000x32xf32>
    %get3A_2 = arith.constant 0 : index
    %get3A_3 = arith.constant 0 : index
    %get3A_4 = vector.load %arg2[%get3A_2, %get3A_3] : memref<1000x32xf32, #tpu.memory_space<vmem>>, vector<1000x32xf32>
    %get3A_5 = arith.constant 0 : index
    %get3A_6 = arith.constant 0 : index
    %get3A_7 = vector.load %arg3[%get3A_5, %get3A_6] : memref<1000x32xf32, #tpu.memory_space<vmem>>, vector<1000x32xf32>
    %get3A_8 = arith.constant 0 : index
    %get3A_9 = arith.constant 0 : index
    %get3A_10 = vector.load %arg4[%get3A_8, %get3A_9] : memref<1000x32xf32, #tpu.memory_space<vmem>>, vector<1000x32xf32>
    %concatenate3A = tpu.concatenate %get3A_1, %get3A_4, %get3A_7, %get3A_10 in 1 : vector<1000x32xf32>, vector<1000x32xf32>, vector<1000x32xf32>, vector<1000x32xf32> -> vector<1000x128xf32>
    %mul3A = arith.constant 2.500000e-01 : f32
    %mul3A_11 = vector.broadcast %mul3A : f32 to vector<1000x128xf32>
    %mul3A_12 = arith.mulf %concatenate3A, %mul3A_11 : vector<1000x128xf32>
    %reduce_sum3A = arith.constant dense<0.000000e+00> : vector<1000xf32>
    %reduce_sum3A_13 = vector.multi_reduction <add>, %mul3A_12, %reduce_sum3A [1] : vector<1000x128xf32> to vector<1000xf32>
    %broadcast_in_dim3A = vector.shape_cast %reduce_sum3A_13 : vector<1000xf32> to vector<1000x1xf32>
    %div3A = arith.constant 1.280000e+02 : f32
    %div3A_14 = vector.broadcast %div3A : f32 to vector<1000x1xf32>
    %div3A_15 = arith.divf %broadcast_in_dim3A, %div3A_14 : vector<1000x1xf32>
    %sub3A = vector.broadcast %div3A_15 : vector<1000x1xf32> to vector<1000x128xf32>
    %sub3A_16 = arith.subf %mul3A_12, %sub3A : vector<1000x128xf32>
    %integer_pow3A = arith.mulf %sub3A_16, %sub3A_16 : vector<1000x128xf32>
    %reduce_sum3A_17 = arith.constant dense<0.000000e+00> : vector<1000xf32>
    %reduce_sum3A_18 = vector.multi_reduction <add>, %integer_pow3A, %reduce_sum3A_17 [1] : vector<1000x128xf32> to vector<1000xf32>
    %broadcast_in_dim3A_19 = vector.shape_cast %reduce_sum3A_18 : vector<1000xf32> to vector<1000x1xf32>
    %div3A_20 = arith.constant 1.280000e+02 : f32
    %div3A_21 = vector.broadcast %div3A_20 : f32 to vector<1000x1xf32>
    %div3A_22 = arith.divf %broadcast_in_dim3A_19, %div3A_21 : vector<1000x1xf32>
    %sub3A_23 = vector.broadcast %div3A_15 : vector<1000x1xf32> to vector<1000x128xf32>
    %sub3A_24 = arith.subf %mul3A_12, %sub3A_23 : vector<1000x128xf32>
    %add3A = arith.constant 9.99999974E-6 : f32
    %add3A_25 = vector.broadcast %add3A : f32 to vector<1000x1xf32>
    %add3A_26 = arith.addf %div3A_22, %add3A_25 : vector<1000x1xf32>
    %rsqrt3A = math.rsqrt %add3A_26 : vector<1000x1xf32>
    %mul3A_27 = vector.broadcast %rsqrt3A : vector<1000x1xf32> to vector<1000x128xf32>
    %mul3A_28 = arith.mulf %sub3A_24, %mul3A_27 : vector<1000x128xf32>
    %get3A_29 = arith.constant 0 : index
    %get3A_30 = arith.constant 0 : index
    %get3A_31 = vector.load %arg5[%get3A_29, %get3A_30] : memref<1000x48xf32, #tpu.memory_space<vmem>>, vector<1000x48xf32>
    %broadcast_in_dim3A_32 = arith.constant 0.000000e+00 : f32
    %broadcast_in_dim3A_33 = vector.broadcast %broadcast_in_dim3A_32 : f32 to vector<1000x80xf32>
    %concatenate3A_34 = tpu.concatenate %get3A_31, %broadcast_in_dim3A_33 in 1 : vector<1000x48xf32>, vector<1000x80xf32> -> vector<1000x128xf32>
    %add3A_35 = arith.addf %concatenate3A_34, %mul3A_28 : vector<1000x128xf32>
    %swap3A = arith.constant 0 : index
    %swap3A_36 = arith.constant 0 : index
    %swap3A_37 = vector.load %arg6[%swap3A, %swap3A_36] : memref<1000x128xf32, #tpu.memory_space<vmem>>, vector<1000x128xf32>
    tpu.vector_store %arg6[%swap3A, %swap3A_36], %add3A_35 {strides = array<i32>} : memref<1000x128xf32, #tpu.memory_space<vmem>>, vector<1000x128xf32>,
    %slice3A = vector.extract_strided_slice %add3A_35 {offsets = [0, 0], sizes = [1000, 48], strides = [1, 1]} : vector<1000x128xf32> to vector<1000x48xf32>
    %swap3A_38 = arith.constant 0 : index
    %swap3A_39 = arith.constant 0 : index
    %swap3A_40 = vector.load %arg7[%swap3A_38, %swap3A_39] : memref<1000x48xf32, #tpu.memory_space<vmem>>, vector<1000x48xf32>
    tpu.vector_store %arg7[%swap3A_38, %swap3A_39], %slice3A {strides = array<i32>} : memref<1000x48xf32, #tpu.memory_space<vmem>>, vector<1000x48xf32>,
    return
  }
  func.func @transform_0(%arg0: i32) -> (i32, i32) {
    %c0_i32 = arith.constant 0 : i32
    %c0_i32_0 = arith.constant 0 : i32
    return %arg0, %c0_i32 : i32, i32
  }
  func.func @transform_1(%arg0: i32) -> (i32, i32) {
    %c0_i32 = arith.constant 0 : i32
    %c0_i32_0 = arith.constant 0 : i32
    return %arg0, %c0_i32 : i32, i32
  }
  func.func @transform_2(%arg0: i32) -> (i32, i32) {
    %c0_i32 = arith.constant 0 : i32
    %c0_i32_0 = arith.constant 0 : i32
    return %arg0, %c0_i32 : i32, i32
  }
  func.func @transform_3(%arg0: i32) -> (i32, i32) {
    %c0_i32 = arith.constant 0 : i32
    %c0_i32_0 = arith.constant 0 : i32
    return %arg0, %c0_i32 : i32, i32
  }
  func.func @transform_4(%arg0: i32) -> (i32, i32) {
    %c0_i32 = arith.constant 0 : i32
    %c0_i32_0 = arith.constant 0 : i32
    return %arg0, %c0_i32 : i32, i32
  }
  func.func @transform_5(%arg0: i32) -> (i32, i32) {
    %c0_i32 = arith.constant 0 : i32
    %c0_i32_0 = arith.constant 0 : i32
    return %arg0, %c0_i32 : i32, i32
  }
  func.func @transform_6(%arg0: i32) -> (i32, i32) {
    %c0_i32 = arith.constant 0 : i32
    %c0_i32_0 = arith.constant 0 : i32
    return %arg0, %c0_i32 : i32, i32
  }
}

module attributes {stable_mosaic.version = 14 : i64} {
  func.func @body(%arg0: i32, %arg1: memref<2000x8xf32, #tpu.memory_space<vmem>>, %arg2: memref<2000x32xf32, #tpu.memory_space<vmem>>, %arg3: memref<2000x128xf32, #tpu.memory_space<vmem>>, %arg4: memref<2000x128xf32, #tpu.memory_space<vmem>>, %arg5: memref<32x32xf32, #tpu.memory_space<vmem>>, %arg6: memref<1x32xf32, #tpu.memory_space<vmem>>, %arg7: memref<32x32xf32, #tpu.memory_space<vmem>>, %arg8: memref<1x32xf32, #tpu.memory_space<vmem>>, %arg9: memref<32x160xf32, #tpu.memory_space<vmem>>, %arg10: memref<32x160xf32, #tpu.memory_space<vmem>>, %arg11: memref<48x160xf32, #tpu.memory_space<vmem>>, %arg12: memref<48x160xf32, #tpu.memory_space<vmem>>, %arg13: memref<1x160xf32, #tpu.memory_space<vmem>>, %arg14: memref<160x224xf32, #tpu.memory_space<vmem>>, %arg15: memref<1x224xf32, #tpu.memory_space<vmem>>, %arg16: memref<128x224xf32, #tpu.memory_space<vmem>>, %arg17: memref<16x224xf32, #tpu.memory_space<vmem>>, %arg18: memref<2000x32xf32, #tpu.memory_space<vmem>>, %arg19: memref<2000x32xf32, #tpu.memory_space<vmem>>, %arg20: memref<2000x32xf32, #tpu.memory_space<vmem>>, %arg21: memref<2000x32xf32, #tpu.memory_space<vmem>>, %arg22: memref<2000x32xf32, #tpu.memory_space<vmem>>, %arg23: memref<2000x32xf32, #tpu.memory_space<vmem>>, %arg24: memref<2000x32xf32, #tpu.memory_space<vmem>>) attributes {dimension_semantics = [#tpu.dimension_semantics<arbitrary>], iteration_bounds = array<i64: 400>, scalar_prefetch = 0 : i64, scratch_operands = 0 : i64, tpu.core_type = #tpu.core_type<tc>, window_params = [{transform_indices = @transform_0, window_bounds = array<i64: 2000, 8>}, {transform_indices = @transform_1, window_bounds = array<i64: 2000, 32>}, {transform_indices = @transform_2, window_bounds = array<i64: 2000, 128>}, {transform_indices = @transform_3, window_bounds = array<i64: 2000, 128>}, {pipeline_mode = #tpu.pipeline_mode<synchronous>, transform_indices = @transform_4, window_bounds = array<i64: 32, 32>}, {pipeline_mode = #tpu.pipeline_mode<synchronous>, transform_indices = @transform_5, window_bounds = array<i64: 1, 32>}, {pipeline_mode = #tpu.pipeline_mode<synchronous>, transform_indices = @transform_6, window_bounds = array<i64: 32, 32>}, {pipeline_mode = #tpu.pipeline_mode<synchronous>, transform_indices = @transform_7, window_bounds = array<i64: 1, 32>}, {pipeline_mode = #tpu.pipeline_mode<synchronous>, transform_indices = @transform_8, window_bounds = array<i64: 32, 160>}, {pipeline_mode = #tpu.pipeline_mode<synchronous>, transform_indices = @transform_9, window_bounds = array<i64: 32, 160>}, {pipeline_mode = #tpu.pipeline_mode<synchronous>, transform_indices = @transform_10, window_bounds = array<i64: 48, 160>}, {pipeline_mode = #tpu.pipeline_mode<synchronous>, transform_indices = @transform_11, window_bounds = array<i64: 48, 160>}, {pipeline_mode = #tpu.pipeline_mode<synchronous>, transform_indices = @transform_12, window_bounds = array<i64: 1, 160>}, {pipeline_mode = #tpu.pipeline_mode<synchronous>, transform_indices = @transform_13, window_bounds = array<i64: 160, 224>}, {pipeline_mode = #tpu.pipeline_mode<synchronous>, transform_indices = @transform_14, window_bounds = array<i64: 1, 224>}, {pipeline_mode = #tpu.pipeline_mode<synchronous>, transform_indices = @transform_15, window_bounds = array<i64: 128, 224>}, {pipeline_mode = #tpu.pipeline_mode<synchronous>, transform_indices = @transform_16, window_bounds = array<i64: 16, 224>}, {transform_indices = @transform_17, window_bounds = array<i64: 2000, 32>}, {transform_indices = @transform_18, window_bounds = array<i64: 2000, 32>}, {transform_indices = @transform_19, window_bounds = array<i64: 2000, 32>}, {transform_indices = @transform_20, window_bounds = array<i64: 2000, 32>}, {transform_indices = @transform_21, window_bounds = array<i64: 2000, 32>}, {transform_indices = @transform_22, window_bounds = array<i64: 2000, 32>}, {transform_indices = @transform_23, window_bounds = array<i64: 2000, 32>}]} {
    %get3A = arith.constant 0 : index
    %get3A_0 = arith.constant 0 : index
    %get3A_1 = vector.load %arg3[%get3A, %get3A_0] : memref<2000x128xf32, #tpu.memory_space<vmem>>, vector<2000x128xf32>
    %get3A_2 = arith.constant 0 : index
    %get3A_3 = arith.constant 0 : index
    %get3A_4 = vector.load %arg4[%get3A_2, %get3A_3] : memref<2000x128xf32, #tpu.memory_space<vmem>>, vector<2000x128xf32>
    %get3A_5 = arith.constant 0 : index
    %get3A_6 = arith.constant 0 : index
    %get3A_7 = vector.load %arg1[%get3A_5, %get3A_6] : memref<2000x8xf32, #tpu.memory_space<vmem>>, vector<2000x8xf32>
    %mul3A = arith.mulf %get3A_7, %get3A_7 : vector<2000x8xf32>
    %reduce_sum3A = arith.constant dense<0.000000e+00> : vector<2000xf32>
    %reduce_sum3A_8 = vector.multi_reduction <add>, %mul3A, %reduce_sum3A [1] : vector<2000x8xf32> to vector<2000xf32>
    %broadcast_in_dim3A = vector.shape_cast %reduce_sum3A_8 : vector<2000xf32> to vector<2000x1xf32>
    %add3A = arith.constant 9.99999996E-13 : f32
    %add3A_9 = vector.broadcast %add3A : f32 to vector<2000x1xf32>
    %add3A_10 = arith.addf %broadcast_in_dim3A, %add3A_9 : vector<2000x1xf32>
    %sqrt3A = math.sqrt %add3A_10 : vector<2000x1xf32>
    %div3A = arith.constant 1.000000e+00 : f32
    %div3A_11 = vector.broadcast %div3A : f32 to vector<2000x1xf32>
    %div3A_12 = arith.divf %div3A_11, %sqrt3A : vector<2000x1xf32>
    %iota3A = tpu.iota {dimensions = array<i32: 1>} : vector<1x32xi32>
    %convert_element_type3A = arith.sitofp %iota3A : vector<1x32xi32> to vector<1x32xf32>
    %mul3A_13 = arith.constant 0.645161271 : f32
    %mul3A_14 = vector.broadcast %mul3A_13 : f32 to vector<1x32xf32>
    %mul3A_15 = arith.mulf %convert_element_type3A, %mul3A_14 : vector<1x32xf32>
    %sub3A = vector.broadcast %sqrt3A : vector<2000x1xf32> to vector<2000x32xf32>
    %sub3A_16 = vector.broadcast %mul3A_15 : vector<1x32xf32> to vector<2000x32xf32>
    %sub3A_17 = arith.subf %sub3A, %sub3A_16 : vector<2000x32xf32>
    %integer_pow3A = arith.mulf %sub3A_17, %sub3A_17 : vector<2000x32xf32>
    %mul3A_18 = arith.constant -1.201250e+00 : f32
    %mul3A_19 = vector.broadcast %mul3A_18 : f32 to vector<2000x32xf32>
    %mul3A_20 = arith.mulf %mul3A_19, %integer_pow3A : vector<2000x32xf32>
    %exp3A = math.exp %mul3A_20 : vector<2000x32xf32>
    %get3A_21 = arith.constant 0 : index
    %get3A_22 = arith.constant 0 : index
    %get3A_23 = vector.load %arg5[%get3A_21, %get3A_22] : memref<32x32xf32, #tpu.memory_space<vmem>>, vector<32x32xf32>
    %dot_general3A = arith.constant dense<0.000000e+00> : vector<2000x32xf32>
    %dot_general3A_24 = tpu.matmul %exp3A, %get3A_23, %dot_general3A {dimension_numbers = #tpu.dot_dimension_numbers<[1], [0], [0], [1], [0, 0, 1, 1], [], []>, transpose_lhs_hint = false} : vector<2000x32xf32>, vector<32x32xf32>, vector<2000x32xf32> -> vector<2000x32xf32>
    %get3A_25 = arith.constant 0 : index
    %get3A_26 = arith.constant 0 : index
    %get3A_27 = vector.load %arg6[%get3A_25, %get3A_26] : memref<1x32xf32, #tpu.memory_space<vmem>>, vector<1x32xf32>
    %add3A_28 = vector.broadcast %get3A_27 : vector<1x32xf32> to vector<2000x32xf32>
    %add3A_29 = arith.addf %dot_general3A_24, %add3A_28 : vector<2000x32xf32>
    %max3A = arith.constant 0.000000e+00 : f32
    %max3A_30 = vector.broadcast %max3A : f32 to vector<2000x32xf32>
    %max3A_31 = arith.maximumf %add3A_29, %max3A_30 : vector<2000x32xf32>
    %get3A_32 = arith.constant 0 : index
    %get3A_33 = arith.constant 0 : index
    %get3A_34 = vector.load %arg7[%get3A_32, %get3A_33] : memref<32x32xf32, #tpu.memory_space<vmem>>, vector<32x32xf32>
    %dot_general3A_35 = arith.constant dense<0.000000e+00> : vector<2000x32xf32>
    %dot_general3A_36 = tpu.matmul %max3A_31, %get3A_34, %dot_general3A_35 {dimension_numbers = #tpu.dot_dimension_numbers<[1], [0], [0], [1], [0, 0, 1, 1], [], []>, transpose_lhs_hint = false} : vector<2000x32xf32>, vector<32x32xf32>, vector<2000x32xf32> -> vector<2000x32xf32>
    %get3A_37 = arith.constant 0 : index
    %get3A_38 = arith.constant 0 : index
    %get3A_39 = vector.load %arg8[%get3A_37, %get3A_38] : memref<1x32xf32, #tpu.memory_space<vmem>>, vector<1x32xf32>
    %add3A_40 = vector.broadcast %get3A_39 : vector<1x32xf32> to vector<2000x32xf32>
    %add3A_41 = arith.addf %dot_general3A_36, %add3A_40 : vector<2000x32xf32>
    %mul3A_42 = vector.broadcast %div3A_12 : vector<2000x1xf32> to vector<2000x8xf32>
    %mul3A_43 = arith.mulf %get3A_7, %mul3A_42 : vector<2000x8xf32>
    %slice3A = vector.extract_strided_slice %mul3A_43 {offsets = [0, 0], sizes = [2000, 1], strides = [1, 1]} : vector<2000x8xf32> to vector<2000x1xf32>
    %slice3A_44 = vector.extract_strided_slice %mul3A_43 {offsets = [0, 1], sizes = [2000, 1], strides = [1, 1]} : vector<2000x8xf32> to vector<2000x1xf32>
    %slice3A_45 = vector.extract_strided_slice %mul3A_43 {offsets = [0, 2], sizes = [2000, 1], strides = [1, 1]} : vector<2000x8xf32> to vector<2000x1xf32>
    %broadcast_in_dim3A_46 = arith.constant 1.000000e+00 : f32
    %broadcast_in_dim3A_47 = vector.broadcast %broadcast_in_dim3A_46 : f32 to vector<2000x1xf32>
    %mul3A_48 = arith.constant 1.73205078 : f32
    %mul3A_49 = vector.broadcast %mul3A_48 : f32 to vector<2000x1xf32>
    %mul3A_50 = arith.mulf %mul3A_49, %slice3A : vector<2000x1xf32>
    %mul3A_51 = arith.constant 1.73205078 : f32
    %mul3A_52 = vector.broadcast %mul3A_51 : f32 to vector<2000x1xf32>
    %mul3A_53 = arith.mulf %mul3A_52, %slice3A_44 : vector<2000x1xf32>
    %mul3A_54 = arith.constant 1.73205078 : f32
    %mul3A_55 = vector.broadcast %mul3A_54 : f32 to vector<2000x1xf32>
    %mul3A_56 = arith.mulf %mul3A_55, %slice3A_45 : vector<2000x1xf32>
    %mul3A_57 = arith.constant 3.87298346 : f32
    %mul3A_58 = vector.broadcast %mul3A_57 : f32 to vector<2000x1xf32>
    %mul3A_59 = arith.mulf %mul3A_58, %slice3A : vector<2000x1xf32>
    %mul3A_60 = arith.mulf %mul3A_59, %slice3A_44 : vector<2000x1xf32>
    %mul3A_61 = arith.constant 3.87298346 : f32
    %mul3A_62 = vector.broadcast %mul3A_61 : f32 to vector<2000x1xf32>
    %mul3A_63 = arith.mulf %mul3A_62, %slice3A_44 : vector<2000x1xf32>
    %mul3A_64 = arith.mulf %mul3A_63, %slice3A_45 : vector<2000x1xf32>
    %mul3A_65 = arith.constant 3.000000e+00 : f32
    %mul3A_66 = vector.broadcast %mul3A_65 : f32 to vector<2000x1xf32>
    %mul3A_67 = arith.mulf %mul3A_66, %slice3A_45 : vector<2000x1xf32>
    %mul3A_68 = arith.mulf %mul3A_67, %slice3A_45 : vector<2000x1xf32>
    %sub3A_69 = arith.constant 1.000000e+00 : f32
    %sub3A_70 = vector.broadcast %sub3A_69 : f32 to vector<2000x1xf32>
    %sub3A_71 = arith.subf %mul3A_68, %sub3A_70 : vector<2000x1xf32>
    %mul3A_72 = arith.constant 1.11803401 : f32
    %mul3A_73 = vector.broadcast %mul3A_72 : f32 to vector<2000x1xf32>
    %mul3A_74 = arith.mulf %mul3A_73, %sub3A_71 : vector<2000x1xf32>
    %mul3A_75 = arith.constant 3.87298346 : f32
    %mul3A_76 = vector.broadcast %mul3A_75 : f32 to vector<2000x1xf32>
    %mul3A_77 = arith.mulf %mul3A_76, %slice3A : vector<2000x1xf32>
    %mul3A_78 = arith.mulf %mul3A_77, %slice3A_45 : vector<2000x1xf32>
    %mul3A_79 = arith.mulf %slice3A, %slice3A : vector<2000x1xf32>
    %mul3A_80 = arith.mulf %slice3A_44, %slice3A_44 : vector<2000x1xf32>
    %sub3A_81 = arith.subf %mul3A_79, %mul3A_80 : vector<2000x1xf32>
    %mul3A_82 = arith.constant 1.93649173 : f32
    %mul3A_83 = vector.broadcast %mul3A_82 : f32 to vector<2000x1xf32>
    %mul3A_84 = arith.mulf %mul3A_83, %sub3A_81 : vector<2000x1xf32>
    %broadcast_in_dim3A_85 = arith.constant 0.000000e+00 : f32
    %broadcast_in_dim3A_86 = vector.broadcast %broadcast_in_dim3A_85 : f32 to vector<2000x7xf32>
    %concatenate3A = tpu.concatenate %broadcast_in_dim3A_47, %mul3A_50, %mul3A_53, %mul3A_56, %mul3A_60, %mul3A_64, %mul3A_74, %mul3A_78, %mul3A_84, %broadcast_in_dim3A_86 in 1 : vector<2000x1xf32>, vector<2000x1xf32>, vector<2000x1xf32>, vector<2000x1xf32>, vector<2000x1xf32>, vector<2000x1xf32>, vector<2000x1xf32>, vector<2000x1xf32>, vector<2000x1xf32>, vector<2000x7xf32> -> vector<2000x16xf32>
    %get3A_87 = arith.constant 0 : index
    %get3A_88 = arith.constant 0 : index
    %get3A_89 = vector.load %arg9[%get3A_87, %get3A_88] : memref<32x160xf32, #tpu.memory_space<vmem>>, vector<32x160xf32>
    %dot_general3A_90 = arith.constant dense<0.000000e+00> : vector<2000x160xf32>
    %dot_general3A_91 = tpu.matmul %add3A_41, %get3A_89, %dot_general3A_90 {dimension_numbers = #tpu.dot_dimension_numbers<[1], [0], [0], [1], [0, 0, 1, 1], [], []>, transpose_lhs_hint = false} : vector<2000x32xf32>, vector<32x160xf32>, vector<2000x160xf32> -> vector<2000x160xf32>
    %get3A_92 = arith.constant 0 : index
    %get3A_93 = arith.constant 0 : index
    %get3A_94 = vector.load %arg2[%get3A_92, %get3A_93] : memref<2000x32xf32, #tpu.memory_space<vmem>>, vector<2000x32xf32>
    %get3A_95 = arith.constant 0 : index
    %get3A_96 = arith.constant 0 : index
    %get3A_97 = vector.load %arg10[%get3A_95, %get3A_96] : memref<32x160xf32, #tpu.memory_space<vmem>>, vector<32x160xf32>
    %dot_general3A_98 = arith.constant dense<0.000000e+00> : vector<2000x160xf32>
    %dot_general3A_99 = tpu.matmul %get3A_94, %get3A_97, %dot_general3A_98 {dimension_numbers = #tpu.dot_dimension_numbers<[1], [0], [0], [1], [0, 0, 1, 1], [], []>, transpose_lhs_hint = false} : vector<2000x32xf32>, vector<32x160xf32>, vector<2000x160xf32> -> vector<2000x160xf32>
    %add3A_100 = arith.addf %dot_general3A_91, %dot_general3A_99 : vector<2000x160xf32>
    %slice3A_101 = vector.extract_strided_slice %get3A_1 {offsets = [0, 0], sizes = [2000, 48], strides = [1, 1]} : vector<2000x128xf32> to vector<2000x48xf32>
    %get3A_102 = arith.constant 0 : index
    %get3A_103 = arith.constant 0 : index
    %get3A_104 = vector.load %arg11[%get3A_102, %get3A_103] : memref<48x160xf32, #tpu.memory_space<vmem>>, vector<48x160xf32>
    %dot_general3A_105 = arith.constant dense<0.000000e+00> : vector<2000x160xf32>
    %dot_general3A_106 = tpu.matmul %slice3A_101, %get3A_104, %dot_general3A_105 {dimension_numbers = #tpu.dot_dimension_numbers<[1], [0], [0], [1], [0, 0, 1, 1], [], []>, transpose_lhs_hint = false} : vector<2000x48xf32>, vector<48x160xf32>, vector<2000x160xf32> -> vector<2000x160xf32>
    %add3A_107 = arith.addf %add3A_100, %dot_general3A_106 : vector<2000x160xf32>
    %slice3A_108 = vector.extract_strided_slice %get3A_4 {offsets = [0, 0], sizes = [2000, 48], strides = [1, 1]} : vector<2000x128xf32> to vector<2000x48xf32>
    %get3A_109 = arith.constant 0 : index
    %get3A_110 = arith.constant 0 : index
    %get3A_111 = vector.load %arg12[%get3A_109, %get3A_110] : memref<48x160xf32, #tpu.memory_space<vmem>>, vector<48x160xf32>
    %dot_general3A_112 = arith.constant dense<0.000000e+00> : vector<2000x160xf32>
    %dot_general3A_113 = tpu.matmul %slice3A_108, %get3A_111, %dot_general3A_112 {dimension_numbers = #tpu.dot_dimension_numbers<[1], [0], [0], [1], [0, 0, 1, 1], [], []>, transpose_lhs_hint = false} : vector<2000x48xf32>, vector<48x160xf32>, vector<2000x160xf32> -> vector<2000x160xf32>
    %add3A_114 = arith.addf %add3A_107, %dot_general3A_113 : vector<2000x160xf32>
    %get3A_115 = arith.constant 0 : index
    %get3A_116 = arith.constant 0 : index
    %get3A_117 = vector.load %arg13[%get3A_115, %get3A_116] : memref<1x160xf32, #tpu.memory_space<vmem>>, vector<1x160xf32>
    %add3A_118 = vector.broadcast %get3A_117 : vector<1x160xf32> to vector<2000x160xf32>
    %add3A_119 = arith.addf %add3A_114, %add3A_118 : vector<2000x160xf32>
    %max3A_120 = arith.constant 0.000000e+00 : f32
    %max3A_121 = vector.broadcast %max3A_120 : f32 to vector<2000x160xf32>
    %max3A_122 = arith.maximumf %add3A_119, %max3A_121 : vector<2000x160xf32>
    %get3A_123 = arith.constant 0 : index
    %get3A_124 = arith.constant 0 : index
    %get3A_125 = vector.load %arg14[%get3A_123, %get3A_124] : memref<160x224xf32, #tpu.memory_space<vmem>>, vector<160x224xf32>
    %dot_general3A_126 = arith.constant dense<0.000000e+00> : vector<2000x224xf32>
    %dot_general3A_127 = tpu.matmul %max3A_122, %get3A_125, %dot_general3A_126 {dimension_numbers = #tpu.dot_dimension_numbers<[1], [0], [0], [1], [0, 0, 1, 1], [], []>, transpose_lhs_hint = false} : vector<2000x160xf32>, vector<160x224xf32>, vector<2000x224xf32> -> vector<2000x224xf32>
    %get3A_128 = arith.constant 0 : index
    %get3A_129 = arith.constant 0 : index
    %get3A_130 = vector.load %arg15[%get3A_128, %get3A_129] : memref<1x224xf32, #tpu.memory_space<vmem>>, vector<1x224xf32>
    %add3A_131 = vector.broadcast %get3A_130 : vector<1x224xf32> to vector<2000x224xf32>
    %add3A_132 = arith.addf %dot_general3A_127, %add3A_131 : vector<2000x224xf32>
    %get3A_133 = arith.constant 0 : index
    %get3A_134 = arith.constant 0 : index
    %get3A_135 = vector.load %arg16[%get3A_133, %get3A_134] : memref<128x224xf32, #tpu.memory_space<vmem>>, vector<128x224xf32>
    %dot_general3A_136 = arith.constant dense<0.000000e+00> : vector<2000x224xf32>
    %dot_general3A_137 = tpu.matmul %get3A_1, %get3A_135, %dot_general3A_136 {dimension_numbers = #tpu.dot_dimension_numbers<[1], [0], [0], [1], [0, 0, 1, 1], [], []>, transpose_lhs_hint = false} : vector<2000x128xf32>, vector<128x224xf32>, vector<2000x224xf32> -> vector<2000x224xf32>
    %get3A_138 = arith.constant 0 : index
    %get3A_139 = arith.constant 0 : index
    %get3A_140 = vector.load %arg17[%get3A_138, %get3A_139] : memref<16x224xf32, #tpu.memory_space<vmem>>, vector<16x224xf32>
    %dot_general3A_141 = arith.constant dense<0.000000e+00> : vector<2000x224xf32>
    %dot_general3A_142 = tpu.matmul %concatenate3A, %get3A_140, %dot_general3A_141 {dimension_numbers = #tpu.dot_dimension_numbers<[1], [0], [0], [1], [0, 0, 1, 1], [], []>, transpose_lhs_hint = false} : vector<2000x16xf32>, vector<16x224xf32>, vector<2000x224xf32> -> vector<2000x224xf32>
    %add3A_143 = arith.addf %dot_general3A_137, %dot_general3A_142 : vector<2000x224xf32>
    %mul3A_144 = arith.mulf %add3A_143, %add3A_132 : vector<2000x224xf32>
    %slice3A_145 = vector.extract_strided_slice %mul3A_144 {offsets = [0, 0], sizes = [2000, 32], strides = [1, 1]} : vector<2000x224xf32> to vector<2000x32xf32>
    %swap3A = arith.constant 0 : index
    %swap3A_146 = arith.constant 0 : index
    %swap3A_147 = vector.load %arg18[%swap3A, %swap3A_146] : memref<2000x32xf32, #tpu.memory_space<vmem>>, vector<2000x32xf32>
    tpu.vector_store %arg18[%swap3A, %swap3A_146], %slice3A_145 {strides = array<i32>} : memref<2000x32xf32, #tpu.memory_space<vmem>>, vector<2000x32xf32>,
    %slice3A_148 = vector.extract_strided_slice %mul3A_144 {offsets = [0, 32], sizes = [2000, 32], strides = [1, 1]} : vector<2000x224xf32> to vector<2000x32xf32>
    %swap3A_149 = arith.constant 0 : index
    %swap3A_150 = arith.constant 0 : index
    %swap3A_151 = vector.load %arg19[%swap3A_149, %swap3A_150] : memref<2000x32xf32, #tpu.memory_space<vmem>>, vector<2000x32xf32>
    tpu.vector_store %arg19[%swap3A_149, %swap3A_150], %slice3A_148 {strides = array<i32>} : memref<2000x32xf32, #tpu.memory_space<vmem>>, vector<2000x32xf32>,
    %slice3A_152 = vector.extract_strided_slice %mul3A_144 {offsets = [0, 64], sizes = [2000, 32], strides = [1, 1]} : vector<2000x224xf32> to vector<2000x32xf32>
    %swap3A_153 = arith.constant 0 : index
    %swap3A_154 = arith.constant 0 : index
    %swap3A_155 = vector.load %arg20[%swap3A_153, %swap3A_154] : memref<2000x32xf32, #tpu.memory_space<vmem>>, vector<2000x32xf32>
    tpu.vector_store %arg20[%swap3A_153, %swap3A_154], %slice3A_152 {strides = array<i32>} : memref<2000x32xf32, #tpu.memory_space<vmem>>, vector<2000x32xf32>,
    %slice3A_156 = vector.extract_strided_slice %mul3A_144 {offsets = [0, 96], sizes = [2000, 32], strides = [1, 1]} : vector<2000x224xf32> to vector<2000x32xf32>
    %swap3A_157 = arith.constant 0 : index
    %swap3A_158 = arith.constant 0 : index
    %swap3A_159 = vector.load %arg21[%swap3A_157, %swap3A_158] : memref<2000x32xf32, #tpu.memory_space<vmem>>, vector<2000x32xf32>
    tpu.vector_store %arg21[%swap3A_157, %swap3A_158], %slice3A_156 {strides = array<i32>} : memref<2000x32xf32, #tpu.memory_space<vmem>>, vector<2000x32xf32>,
    %slice3A_160 = vector.extract_strided_slice %mul3A_144 {offsets = [0, 128], sizes = [2000, 32], strides = [1, 1]} : vector<2000x224xf32> to vector<2000x32xf32>
    %swap3A_161 = arith.constant 0 : index
    %swap3A_162 = arith.constant 0 : index
    %swap3A_163 = vector.load %arg22[%swap3A_161, %swap3A_162] : memref<2000x32xf32, #tpu.memory_space<vmem>>, vector<2000x32xf32>
    tpu.vector_store %arg22[%swap3A_161, %swap3A_162], %slice3A_160 {strides = array<i32>} : memref<2000x32xf32, #tpu.memory_space<vmem>>, vector<2000x32xf32>,
    %slice3A_164 = vector.extract_strided_slice %mul3A_144 {offsets = [0, 160], sizes = [2000, 32], strides = [1, 1]} : vector<2000x224xf32> to vector<2000x32xf32>
    %swap3A_165 = arith.constant 0 : index
    %swap3A_166 = arith.constant 0 : index
    %swap3A_167 = vector.load %arg23[%swap3A_165, %swap3A_166] : memref<2000x32xf32, #tpu.memory_space<vmem>>, vector<2000x32xf32>
    tpu.vector_store %arg23[%swap3A_165, %swap3A_166], %slice3A_164 {strides = array<i32>} : memref<2000x32xf32, #tpu.memory_space<vmem>>, vector<2000x32xf32>,
    %slice3A_168 = vector.extract_strided_slice %mul3A_144 {offsets = [0, 192], sizes = [2000, 32], strides = [1, 1]} : vector<2000x224xf32> to vector<2000x32xf32>
    %swap3A_169 = arith.constant 0 : index
    %swap3A_170 = arith.constant 0 : index
    %swap3A_171 = vector.load %arg24[%swap3A_169, %swap3A_170] : memref<2000x32xf32, #tpu.memory_space<vmem>>, vector<2000x32xf32>
    tpu.vector_store %arg24[%swap3A_169, %swap3A_170], %slice3A_168 {strides = array<i32>} : memref<2000x32xf32, #tpu.memory_space<vmem>>, vector<2000x32xf32>,
    return
  }
  func.func @transform_0(%arg0: i32) -> (i32, i32) {
    %c0_i32 = arith.constant 0 : i32
    %c0_i32_0 = arith.constant 0 : i32
    return %arg0, %c0_i32 : i32, i32
  }
  func.func @transform_1(%arg0: i32) -> (i32, i32) {
    %c0_i32 = arith.constant 0 : i32
    %c0_i32_0 = arith.constant 0 : i32
    return %arg0, %c0_i32 : i32, i32
  }
  func.func @transform_2(%arg0: i32) -> (i32, i32) {
    %c0_i32 = arith.constant 0 : i32
    %c0_i32_0 = arith.constant 0 : i32
    return %arg0, %c0_i32 : i32, i32
  }
  func.func @transform_3(%arg0: i32) -> (i32, i32) {
    %c0_i32 = arith.constant 0 : i32
    %c0_i32_0 = arith.constant 0 : i32
    return %arg0, %c0_i32 : i32, i32
  }
  func.func @transform_4(%arg0: i32) -> (i32, i32) {
    %c0_i32 = arith.constant 0 : i32
    %c0_i32_0 = arith.constant 0 : i32
    %c0_i32_1 = arith.constant 0 : i32
    return %c0_i32, %c0_i32_0 : i32, i32
  }
  func.func @transform_5(%arg0: i32) -> (i32, i32) {
    %c0_i32 = arith.constant 0 : i32
    %c0_i32_0 = arith.constant 0 : i32
    %c0_i32_1 = arith.constant 0 : i32
    return %c0_i32, %c0_i32_0 : i32, i32
  }
  func.func @transform_6(%arg0: i32) -> (i32, i32) {
    %c0_i32 = arith.constant 0 : i32
    %c0_i32_0 = arith.constant 0 : i32
    %c0_i32_1 = arith.constant 0 : i32
    return %c0_i32, %c0_i32_0 : i32, i32
  }
  func.func @transform_7(%arg0: i32) -> (i32, i32) {
    %c0_i32 = arith.constant 0 : i32
    %c0_i32_0 = arith.constant 0 : i32
    %c0_i32_1 = arith.constant 0 : i32
    return %c0_i32, %c0_i32_0 : i32, i32
  }
  func.func @transform_8(%arg0: i32) -> (i32, i32) {
    %c0_i32 = arith.constant 0 : i32
    %c0_i32_0 = arith.constant 0 : i32
    %c0_i32_1 = arith.constant 0 : i32
    return %c0_i32, %c0_i32_0 : i32, i32
  }
  func.func @transform_9(%arg0: i32) -> (i32, i32) {
    %c0_i32 = arith.constant 0 : i32
    %c0_i32_0 = arith.constant 0 : i32
    %c0_i32_1 = arith.constant 0 : i32
    return %c0_i32, %c0_i32_0 : i32, i32
  }
  func.func @transform_10(%arg0: i32) -> (i32, i32) {
    %c0_i32 = arith.constant 0 : i32
    %c0_i32_0 = arith.constant 0 : i32
    %c0_i32_1 = arith.constant 0 : i32
    return %c0_i32, %c0_i32_0 : i32, i32
  }
  func.func @transform_11(%arg0: i32) -> (i32, i32) {
    %c0_i32 = arith.constant 0 : i32
    %c0_i32_0 = arith.constant 0 : i32
    %c0_i32_1 = arith.constant 0 : i32
    return %c0_i32, %c0_i32_0 : i32, i32
  }
  func.func @transform_12(%arg0: i32) -> (i32, i32) {
    %c0_i32 = arith.constant 0 : i32
    %c0_i32_0 = arith.constant 0 : i32
    %c0_i32_1 = arith.constant 0 : i32
    return %c0_i32, %c0_i32_0 : i32, i32
  }
  func.func @transform_13(%arg0: i32) -> (i32, i32) {
    %c0_i32 = arith.constant 0 : i32
    %c0_i32_0 = arith.constant 0 : i32
    %c0_i32_1 = arith.constant 0 : i32
    return %c0_i32, %c0_i32_0 : i32, i32
  }
  func.func @transform_14(%arg0: i32) -> (i32, i32) {
    %c0_i32 = arith.constant 0 : i32
    %c0_i32_0 = arith.constant 0 : i32
    %c0_i32_1 = arith.constant 0 : i32
    return %c0_i32, %c0_i32_0 : i32, i32
  }
  func.func @transform_15(%arg0: i32) -> (i32, i32) {
    %c0_i32 = arith.constant 0 : i32
    %c0_i32_0 = arith.constant 0 : i32
    %c0_i32_1 = arith.constant 0 : i32
    return %c0_i32, %c0_i32_0 : i32, i32
  }
  func.func @transform_16(%arg0: i32) -> (i32, i32) {
    %c0_i32 = arith.constant 0 : i32
    %c0_i32_0 = arith.constant 0 : i32
    %c0_i32_1 = arith.constant 0 : i32
    return %c0_i32, %c0_i32_0 : i32, i32
  }
  func.func @transform_17(%arg0: i32) -> (i32, i32) {
    %c0_i32 = arith.constant 0 : i32
    %c0_i32_0 = arith.constant 0 : i32
    return %arg0, %c0_i32 : i32, i32
  }
  func.func @transform_18(%arg0: i32) -> (i32, i32) {
    %c0_i32 = arith.constant 0 : i32
    %c0_i32_0 = arith.constant 0 : i32
    return %arg0, %c0_i32 : i32, i32
  }
  func.func @transform_19(%arg0: i32) -> (i32, i32) {
    %c0_i32 = arith.constant 0 : i32
    %c0_i32_0 = arith.constant 0 : i32
    return %arg0, %c0_i32 : i32, i32
  }
  func.func @transform_20(%arg0: i32) -> (i32, i32) {
    %c0_i32 = arith.constant 0 : i32
    %c0_i32_0 = arith.constant 0 : i32
    return %arg0, %c0_i32 : i32, i32
  }
  func.func @transform_21(%arg0: i32) -> (i32, i32) {
    %c0_i32 = arith.constant 0 : i32
    %c0_i32_0 = arith.constant 0 : i32
    return %arg0, %c0_i32 : i32, i32
  }
  func.func @transform_22(%arg0: i32) -> (i32, i32) {
    %c0_i32 = arith.constant 0 : i32
    %c0_i32_0 = arith.constant 0 : i32
    return %arg0, %c0_i32 : i32, i32
  }
  func.func @transform_23(%arg0: i32) -> (i32, i32) {
    %c0_i32 = arith.constant 0 : i32
    %c0_i32_0 = arith.constant 0 : i32
    return %arg0, %c0_i32 : i32, i32
  }
}

module attributes {stable_mosaic.version = 14 : i64} {
  func.func @body(%arg0: i32, %arg1: memref<1000x32xf32, #tpu.memory_space<vmem>>, %arg2: memref<1000x32xf32, #tpu.memory_space<vmem>>, %arg3: memref<1000x32xf32, #tpu.memory_space<vmem>>, %arg4: memref<1000x32xf32, #tpu.memory_space<vmem>>, %arg5: memref<1000x32xf32, #tpu.memory_space<vmem>>, %arg6: memref<1000x32xf32, #tpu.memory_space<vmem>>, %arg7: memref<1000x32xf32, #tpu.memory_space<vmem>>, %arg8: memref<1000x48xf32, #tpu.memory_space<vmem>>, %arg9: memref<48x48xf32, #tpu.memory_space<vmem>>, %arg10: memref<1x48xf32, #tpu.memory_space<vmem>>, %arg11: memref<48x48xf32, #tpu.memory_space<vmem>>, %arg12: memref<1x48xf32, #tpu.memory_space<vmem>>, %arg13: memref<1000x48xf32, #tpu.memory_space<vmem>>) attributes {dimension_semantics = [#tpu.dimension_semantics<arbitrary>], iteration_bounds = array<i64: 50>, scalar_prefetch = 0 : i64, scratch_operands = 0 : i64, tpu.core_type = #tpu.core_type<tc>, window_params = [{transform_indices = @transform_0, window_bounds = array<i64: 1000, 32>}, {transform_indices = @transform_1, window_bounds = array<i64: 1000, 32>}, {transform_indices = @transform_2, window_bounds = array<i64: 1000, 32>}, {transform_indices = @transform_3, window_bounds = array<i64: 1000, 32>}, {transform_indices = @transform_4, window_bounds = array<i64: 1000, 32>}, {transform_indices = @transform_5, window_bounds = array<i64: 1000, 32>}, {transform_indices = @transform_6, window_bounds = array<i64: 1000, 32>}, {transform_indices = @transform_7, window_bounds = array<i64: 1000, 48>}, {pipeline_mode = #tpu.pipeline_mode<synchronous>, transform_indices = @transform_8, window_bounds = array<i64: 48, 48>}, {pipeline_mode = #tpu.pipeline_mode<synchronous>, transform_indices = @transform_9, window_bounds = array<i64: 1, 48>}, {pipeline_mode = #tpu.pipeline_mode<synchronous>, transform_indices = @transform_10, window_bounds = array<i64: 48, 48>}, {pipeline_mode = #tpu.pipeline_mode<synchronous>, transform_indices = @transform_11, window_bounds = array<i64: 1, 48>}, {transform_indices = @transform_12, window_bounds = array<i64: 1000, 48>}]} {
    %get3A = arith.constant 0 : index
    %get3A_0 = arith.constant 0 : index
    %get3A_1 = vector.load %arg1[%get3A, %get3A_0] : memref<1000x32xf32, #tpu.memory_space<vmem>>, vector<1000x32xf32>
    %get3A_2 = arith.constant 0 : index
    %get3A_3 = arith.constant 0 : index
    %get3A_4 = vector.load %arg2[%get3A_2, %get3A_3] : memref<1000x32xf32, #tpu.memory_space<vmem>>, vector<1000x32xf32>
    %get3A_5 = arith.constant 0 : index
    %get3A_6 = arith.constant 0 : index
    %get3A_7 = vector.load %arg3[%get3A_5, %get3A_6] : memref<1000x32xf32, #tpu.memory_space<vmem>>, vector<1000x32xf32>
    %get3A_8 = arith.constant 0 : index
    %get3A_9 = arith.constant 0 : index
    %get3A_10 = vector.load %arg4[%get3A_8, %get3A_9] : memref<1000x32xf32, #tpu.memory_space<vmem>>, vector<1000x32xf32>
    %get3A_11 = arith.constant 0 : index
    %get3A_12 = arith.constant 0 : index
    %get3A_13 = vector.load %arg5[%get3A_11, %get3A_12] : memref<1000x32xf32, #tpu.memory_space<vmem>>, vector<1000x32xf32>
    %get3A_14 = arith.constant 0 : index
    %get3A_15 = arith.constant 0 : index
    %get3A_16 = vector.load %arg6[%get3A_14, %get3A_15] : memref<1000x32xf32, #tpu.memory_space<vmem>>, vector<1000x32xf32>
    %get3A_17 = arith.constant 0 : index
    %get3A_18 = arith.constant 0 : index
    %get3A_19 = vector.load %arg7[%get3A_17, %get3A_18] : memref<1000x32xf32, #tpu.memory_space<vmem>>, vector<1000x32xf32>
    %concatenate3A = tpu.concatenate %get3A_1, %get3A_4, %get3A_7, %get3A_10, %get3A_13, %get3A_16, %get3A_19 in 1 : vector<1000x32xf32>, vector<1000x32xf32>, vector<1000x32xf32>, vector<1000x32xf32>, vector<1000x32xf32>, vector<1000x32xf32>, vector<1000x32xf32> -> vector<1000x224xf32>
    %slice3A = vector.extract_strided_slice %concatenate3A {offsets = [0, 0], sizes = [1000, 208], strides = [1, 1]} : vector<1000x224xf32> to vector<1000x208xf32>
    %mul3A = arith.constant 2.500000e-01 : f32
    %mul3A_20 = vector.broadcast %mul3A : f32 to vector<1000x208xf32>
    %mul3A_21 = arith.mulf %slice3A, %mul3A_20 : vector<1000x208xf32>
    %reduce_sum3A = arith.constant dense<0.000000e+00> : vector<1000xf32>
    %reduce_sum3A_22 = vector.multi_reduction <add>, %mul3A_21, %reduce_sum3A [1] : vector<1000x208xf32> to vector<1000xf32>
    %broadcast_in_dim3A = vector.shape_cast %reduce_sum3A_22 : vector<1000xf32> to vector<1000x1xf32>
    %div3A = arith.constant 2.080000e+02 : f32
    %div3A_23 = vector.broadcast %div3A : f32 to vector<1000x1xf32>
    %div3A_24 = arith.divf %broadcast_in_dim3A, %div3A_23 : vector<1000x1xf32>
    %sub3A = vector.broadcast %div3A_24 : vector<1000x1xf32> to vector<1000x208xf32>
    %sub3A_25 = arith.subf %mul3A_21, %sub3A : vector<1000x208xf32>
    %integer_pow3A = arith.mulf %sub3A_25, %sub3A_25 : vector<1000x208xf32>
    %reduce_sum3A_26 = arith.constant dense<0.000000e+00> : vector<1000xf32>
    %reduce_sum3A_27 = vector.multi_reduction <add>, %integer_pow3A, %reduce_sum3A_26 [1] : vector<1000x208xf32> to vector<1000xf32>
    %broadcast_in_dim3A_28 = vector.shape_cast %reduce_sum3A_27 : vector<1000xf32> to vector<1000x1xf32>
    %div3A_29 = arith.constant 2.080000e+02 : f32
    %div3A_30 = vector.broadcast %div3A_29 : f32 to vector<1000x1xf32>
    %div3A_31 = arith.divf %broadcast_in_dim3A_28, %div3A_30 : vector<1000x1xf32>
    %sub3A_32 = vector.broadcast %div3A_24 : vector<1000x1xf32> to vector<1000x208xf32>
    %sub3A_33 = arith.subf %mul3A_21, %sub3A_32 : vector<1000x208xf32>
    %add3A = arith.constant 9.99999974E-6 : f32
    %add3A_34 = vector.broadcast %add3A : f32 to vector<1000x1xf32>
    %add3A_35 = arith.addf %div3A_31, %add3A_34 : vector<1000x1xf32>
    %rsqrt3A = math.rsqrt %add3A_35 : vector<1000x1xf32>
    %mul3A_36 = vector.broadcast %rsqrt3A : vector<1000x1xf32> to vector<1000x208xf32>
    %mul3A_37 = arith.mulf %sub3A_33, %mul3A_36 : vector<1000x208xf32>
    %get3A_38 = arith.constant 0 : index
    %get3A_39 = arith.constant 0 : index
    %get3A_40 = vector.load %arg8[%get3A_38, %get3A_39] : memref<1000x48xf32, #tpu.memory_space<vmem>>, vector<1000x48xf32>
    %slice3A_41 = vector.extract_strided_slice %mul3A_37 {offsets = [0, 0], sizes = [1000, 48], strides = [1, 1]} : vector<1000x208xf32> to vector<1000x48xf32>
    %add3A_42 = arith.addf %get3A_40, %slice3A_41 : vector<1000x48xf32>
    %get3A_43 = arith.constant 0 : index
    %get3A_44 = arith.constant 0 : index
    %get3A_45 = vector.load %arg9[%get3A_43, %get3A_44] : memref<48x48xf32, #tpu.memory_space<vmem>>, vector<48x48xf32>
    %dot_general3A = arith.constant dense<0.000000e+00> : vector<1000x48xf32>
    %dot_general3A_46 = tpu.matmul %add3A_42, %get3A_45, %dot_general3A {dimension_numbers = #tpu.dot_dimension_numbers<[1], [0], [0], [1], [0, 0, 1, 1], [], []>, transpose_lhs_hint = false} : vector<1000x48xf32>, vector<48x48xf32>, vector<1000x48xf32> -> vector<1000x48xf32>
    %get3A_47 = arith.constant 0 : index
    %get3A_48 = arith.constant 0 : index
    %get3A_49 = vector.load %arg10[%get3A_47, %get3A_48] : memref<1x48xf32, #tpu.memory_space<vmem>>, vector<1x48xf32>
    %add3A_50 = vector.broadcast %get3A_49 : vector<1x48xf32> to vector<1000x48xf32>
    %add3A_51 = arith.addf %dot_general3A_46, %add3A_50 : vector<1000x48xf32>
    %max3A = arith.constant 0.000000e+00 : f32
    %max3A_52 = vector.broadcast %max3A : f32 to vector<1000x48xf32>
    %max3A_53 = arith.maximumf %add3A_51, %max3A_52 : vector<1000x48xf32>
    %get3A_54 = arith.constant 0 : index
    %get3A_55 = arith.constant 0 : index
    %get3A_56 = vector.load %arg11[%get3A_54, %get3A_55] : memref<48x48xf32, #tpu.memory_space<vmem>>, vector<48x48xf32>
    %dot_general3A_57 = arith.constant dense<0.000000e+00> : vector<1000x48xf32>
    %dot_general3A_58 = tpu.matmul %max3A_53, %get3A_56, %dot_general3A_57 {dimension_numbers = #tpu.dot_dimension_numbers<[1], [0], [0], [1], [0, 0, 1, 1], [], []>, transpose_lhs_hint = false} : vector<1000x48xf32>, vector<48x48xf32>, vector<1000x48xf32> -> vector<1000x48xf32>
    %get3A_59 = arith.constant 0 : index
    %get3A_60 = arith.constant 0 : index
    %get3A_61 = vector.load %arg12[%get3A_59, %get3A_60] : memref<1x48xf32, #tpu.memory_space<vmem>>, vector<1x48xf32>
    %add3A_62 = vector.broadcast %get3A_61 : vector<1x48xf32> to vector<1000x48xf32>
    %add3A_63 = arith.addf %dot_general3A_58, %add3A_62 : vector<1000x48xf32>
    %swap3A = arith.constant 0 : index
    %swap3A_64 = arith.constant 0 : index
    %swap3A_65 = vector.load %arg13[%swap3A, %swap3A_64] : memref<1000x48xf32, #tpu.memory_space<vmem>>, vector<1000x48xf32>
    tpu.vector_store %arg13[%swap3A, %swap3A_64], %add3A_63 {strides = array<i32>} : memref<1000x48xf32, #tpu.memory_space<vmem>>, vector<1000x48xf32>,
    return
  }
  func.func @transform_0(%arg0: i32) -> (i32, i32) {
    %c0_i32 = arith.constant 0 : i32
    %c0_i32_0 = arith.constant 0 : i32
    return %arg0, %c0_i32 : i32, i32
  }
  func.func @transform_1(%arg0: i32) -> (i32, i32) {
    %c0_i32 = arith.constant 0 : i32
    %c0_i32_0 = arith.constant 0 : i32
    return %arg0, %c0_i32 : i32, i32
  }
  func.func @transform_2(%arg0: i32) -> (i32, i32) {
    %c0_i32 = arith.constant 0 : i32
    %c0_i32_0 = arith.constant 0 : i32
    return %arg0, %c0_i32 : i32, i32
  }
  func.func @transform_3(%arg0: i32) -> (i32, i32) {
    %c0_i32 = arith.constant 0 : i32
    %c0_i32_0 = arith.constant 0 : i32
    return %arg0, %c0_i32 : i32, i32
  }
  func.func @transform_4(%arg0: i32) -> (i32, i32) {
    %c0_i32 = arith.constant 0 : i32
    %c0_i32_0 = arith.constant 0 : i32
    return %arg0, %c0_i32 : i32, i32
  }
  func.func @transform_5(%arg0: i32) -> (i32, i32) {
    %c0_i32 = arith.constant 0 : i32
    %c0_i32_0 = arith.constant 0 : i32
    return %arg0, %c0_i32 : i32, i32
  }
  func.func @transform_6(%arg0: i32) -> (i32, i32) {
    %c0_i32 = arith.constant 0 : i32
    %c0_i32_0 = arith.constant 0 : i32
    return %arg0, %c0_i32 : i32, i32
  }
  func.func @transform_7(%arg0: i32) -> (i32, i32) {
    %c0_i32 = arith.constant 0 : i32
    %c0_i32_0 = arith.constant 0 : i32
    return %arg0, %c0_i32 : i32, i32
  }
  func.func @transform_8(%arg0: i32) -> (i32, i32) {
    %c0_i32 = arith.constant 0 : i32
    %c0_i32_0 = arith.constant 0 : i32
    %c0_i32_1 = arith.constant 0 : i32
    return %c0_i32, %c0_i32_0 : i32, i32
  }
  func.func @transform_9(%arg0: i32) -> (i32, i32) {
    %c0_i32 = arith.constant 0 : i32
    %c0_i32_0 = arith.constant 0 : i32
    %c0_i32_1 = arith.constant 0 : i32
    return %c0_i32, %c0_i32_0 : i32, i32
  }
  func.func @transform_10(%arg0: i32) -> (i32, i32) {
    %c0_i32 = arith.constant 0 : i32
    %c0_i32_0 = arith.constant 0 : i32
    %c0_i32_1 = arith.constant 0 : i32
    return %c0_i32, %c0_i32_0 : i32, i32
  }
  func.func @transform_11(%arg0: i32) -> (i32, i32) {
    %c0_i32 = arith.constant 0 : i32
    %c0_i32_0 = arith.constant 0 : i32
    %c0_i32_1 = arith.constant 0 : i32
    return %c0_i32, %c0_i32_0 : i32, i32
  }
  func.func @transform_12(%arg0: i32) -> (i32, i32) {
    %c0_i32 = arith.constant 0 : i32
    %c0_i32_0 = arith.constant 0 : i32
    return %arg0, %c0_i32 : i32, i32
  }
}

</mosaic_0001>

<sc_bundles>
// kernel: kernel.10.cloned.1.call-start
scs
__scs_entry_jumppad:
0x0: {  	(pc) =	sbr.rel $0x88, $3  }
0x1: {  	(tag) =	ssettag $0x0;
	lr =	simm.s32 $0x1  }
0x2: {  	[smem:$0x3F8B] =	sst lr;
	_ =	strace $0xD0000000  }
0x3: {  	_ = 	snop  }
0x4: {  	_ = 	snop  }
0x5: {  	_ = 	snop  }
0x6: {  	_ = 	snop  }
0x7: {  	_ = 	snop  }
__scs_overlays_trampoline_lowered:
0x8: {  	[smem:$0x3F9A] =	sst s0  }
0x9: {  	[smem:$0x3F9B] =	sst s1  }
0xa: {  	[smem:$0x3F9C] =	sst s2  }
0xb: {  	[smem:$0x3F9D] =	sst s3  }
0xc: {  	[smem:$0x3F9E] =	sst s4  }
0xd: {  	[smem:$0x3F9F] =	sst s5  }
0xe: {  	[smem:$0x3FA0] =	sst s6  }
0xf: {  	[smem:$0x3FA1] =	sst s7  }
0x10: {  	[smem:$0x3FA2] =	sst s8  }
0x11: {  	[smem:$0x3FA3] =	sst s9;
	s0 =	simm.s32 @!p0 $0x0  }
0x12: {  	s1 =	sld [smem:$0x3F89];
	s0 =	simm.s32 @p0 $0x1  }
0x13: {  	[smem:$0x3FA4] =	sst s0;
	s0 =	simm.s32 @!p1 $0x0  }
0x14: {  	s2 =	sld [smem:$0x3F88];
	s0 =	simm.s32 @p1 $0x1  }
0x15: {  	[smem:$0x3FA5] =	sst s0;
	s0 =	simm.s32 @!p2 $0x0  }
0x16: {  	s3 =	sld [smem:$0x3FDB];
	s0 =	simm.s32 @p2 $0x1  }
0x17: {  	s4 =	simm.s32 $0x1BF5;
	[smem:$0x3FA7] =	sst s0  }
0x18: {  	s0 =	sld [smem:$0x3F8A];
	_ =	swait.ge [sflag:s4], $0x0  }
0x19: {  	s7 =	sld [smem:$0x3F8B]  }
0x1a: {  	s8 =	sadd.s32 $0xFFFFE003, lr  }
0x1b: {  	s9 =	sadd.s32 $0xFFFFFEF7, lr;
	s5 =	simm.s32 $0xFFFFFFFF;
	p2 =	slt.u32 s8, $0xFFFFF086  }
0x1c: {  	p1 =	slt.u32 s9, $0xF7A;
	s5 =	simm.s32 @!p2 $0x0  }
0x1d: {  	s5 =	simm.s32 @p1 $0x1;
	p0 =	seq.s32 s7, s2  }
0x1e: {  	s7 =	smul.u32 @!p0 $0xF7A, s2;
	p2 =	seq.s32 @!p0 s5, $0x0  }
0x1f: {  	s9 =	smul.u32 $0xF7A, s1;
	s8 =	simm.s32 @!p0 $0x1BF5;
	p2 =	por !p2, p0  }
0x20: {  	[sflag:s8] =	ssyncset.s32 @!p0 $0xFFFFF086;
	s6 =	sadd.s32 @!p0 s3, s7;
	s7 =	simm.s32 @!p0 $0x108  }
0x21: {  	s3 =	sadd.s32 s3, s9;
	s6 =	sadd.s32 @!p0 $0x88, s6;
	s7 =	simm.s32 @p2 $0x1082  }
0x22: {  	[simem:s7], [sflag:s8] =	dma.local @!p0 [hbm:s6], $0xF7A  }
0x23: {  	s9 =	sor.u32 $0xD0000000, s2;
	s6 =	simm.s32 $0x108;
	_ =	swait.ge @!p0 [sflag:s8], $0x0  }
0x24: {  	s3 =	sadd.s32 $0x88, s3;
	s6 =	simm.s32 @!p1 $0x1082;
	[sflag:s4] =	ssyncset.s32 $0xFFFFF086  }
0x25: {  	[simem:s6], [sflag:s4] =	dma.local [hbm:s3], $0xF7A  }
0x26: {  	[smem:$0x3F8B] =	sst s1;
	(tag) =	ssettag s2;
	_ =	strace s9  }
0x27: {  	s1 =	sld [smem:$0x3F9B]  }
0x28: {  	s2 =	sld [smem:$0x3F9C]  }
0x29: {  	s4 =	sld [smem:$0x3F9E]  }
0x2a: {  	p0 =	seq.s32 s5, $0x0;
	s5 =	sld [smem:$0x3F9F]  }
0x2b: {  	s6 =	sld [smem:$0x3FA0]  }
0x2c: {  	s7 =	sld [smem:$0x3FA1]  }
0x2d: {  	s3 =	simm.s32 $0x108;
	s8 =	sld [smem:$0x3FA2]  }
0x2e: {  	s3 =	simm.s32 @!p0 $0x1082;
	s9 =	sld [smem:$0x3FA3]  }
0x2f: {  	lr =	sadd.s32 s0, s3;
	s0 =	sld [smem:$0x3F9A]  }
0x30: {  	s3 =	sld [smem:$0x3F9D]  }
0x31: {  	[smem:$0x3FA6] =	sst s10  }
0x32: {  	s10 =	sld [smem:$0x3FA4];
	_ =	sdelay $0x3  }
0x33: {  	p0 =	seq.s32 s10, $0x1;
	s10 =	sld [smem:$0x3FA6];
	_ =	sdelay $0x3  }
0x34: {  	[smem:$0x3FA6] =	sst s10  }
0x35: {  	s10 =	sld [smem:$0x3FA5];
	_ =	sdelay $0x3  }
0x36: {  	p1 =	seq.s32 s10, $0x1;
	s10 =	sld [smem:$0x3FA6];
	_ =	sdelay $0x3  }
0x37: {  	[smem:$0x3FA6] =	sst s10  }
0x38: {  	s10 =	sld [smem:$0x3FA7]  }
0x39: {  	_ = 	snop;
	(pc) =	sbr.ind lr, $3  }
0x3a: {  	_ = 	snop  }
0x3b: {  	_ = 	snop  }
0x3c: {  	p2 =	seq.s32 s10, $0x1;
	s10 =	sld [smem:$0x3FA6]  }
0x3d: {  	_ =	shalt  }
0x3e: {  	_ =	shalt  }
0x3f: {  	_ =	shalt  }
0x40: {  	_ =	shalt  }
0x41: {  	_ =	shalt  }
0x42: {  	_ =	shalt  }
0x43: {  	_ =	shalt  }
0x44: {  	_ =	shalt  }
0x45: {  	_ =	shalt  }
0x46: {  	_ =	shalt  }
0x47: {  	_ =	shalt  }
0x48: {  	_ =	shalt  }
0x49: {  	_ =	shalt  }
0x4a: {  	_ =	shalt  }
0x4b: {  	_ =	shalt  }
0x4c: {  	_ =	shalt  }
0x4d: {  	_ =	shalt  }
0x4e: {  	_ =	shalt  }
0x4f: {  	_ =	shalt  }
0x50: {  	_ =	shalt  }
0x51: {  	_ =	shalt  }
0x52: {  	_ =	shalt  }
0x53: {  	_ =	shalt  }
0x54: {  	_ =	shalt  }
0x55: {  	_ =	shalt  }
0x56: {  	_ =	shalt  }
0x57: {  	_ =	shalt  }
0x58: {  	_ =	shalt  }
0x59: {  	_ =	shalt  }
0x5a: {  	_ =	shalt  }
0x5b: {  	_ =	shalt  }
0x5c: {  	_ =	shalt  }
0x5d: {  	_ =	shalt  }
0x5e: {  	_ =	shalt  }
0x5f: {  	_ =	shalt  }
0x60: {  	_ =	shalt  }
0x61: {  	_ =	shalt  }
0x62: {  	_ =	shalt  }
0x63: {  	_ =	shalt  }
0x64: {  	_ =	shalt  }
0x65: {  	_ =	shalt  }
0x66: {  	_ =	shalt  }
0x67: {  	_ =	shalt  }
0x68: {  	_ =	shalt  }
0x69: {  	_ =	shalt  }
0x6a: {  	_ =	shalt  }
0x6b: {  	_ =	shalt  }
0x6c: {  	_ =	shalt  }
0x6d: {  	_ =	shalt  }
0x6e: {  	_ =	shalt  }
0x6f: {  	_ =	shalt  }
0x70: {  	_ =	shalt  }
0x71: {  	_ =	shalt  }
0x72: {  	_ =	shalt  }
0x73: {  	_ =	shalt  }
0x74: {  	_ =	shalt  }
0x75: {  	_ =	shalt  }
0x76: {  	_ =	shalt  }
0x77: {  	_ =	shalt  }
0x78: {  	_ =	shalt  }
0x79: {  	_ =	shalt  }
0x7a: {  	_ =	shalt  }
0x7b: {  	_ =	shalt  }
0x7c: {  	_ =	shalt  }
0x7d: {  	_ =	shalt  }
0x7e: {  	_ =	shalt  }
0x7f: {  	_ =	shalt  }
0x80: {  	_ =	shalt  }
0x81: {  	_ =	shalt  }
0x82: {  	_ =	shalt  }
0x83: {  	_ =	shalt  }
0x84: {  	_ =	shalt  }
0x85: {  	_ =	shalt  }
0x86: {  	_ =	shalt  }
0x87: {  	_ =	shalt  }
.Lfunc_end0:
.L_simem_size_0:
called_computation_lowered:
.L_overlay_start_0:
0x88: {  	s2 =	sld [smem:$0x3FD9]  }
0x89: {  	s3 =	sld [smem:$0x3FFE];
	_ =	sdelay $0x1  }
0x8a: {  	s1 =	srdreg.scid  }
0x8b: {  	s0 =	sand.u32 $0x1, s1  }
0x8c: {  	s16 =	sshll.u32 s0, $0xA;
	s2 =	sadd.s32 s3, s2  }
0x8d: {  	s2 =	sadd.s32 s2, s16  }
0x8e: {  	[smem:$0x3FB2] =	sst s2  }
0x8f: {  	_ = 	snop  }
0x90: {  	(tm) =	ssettm $0x1  }
0x91: {  	s17 =	sld [smem:$0x3FFB];
	_ =	sdelay $0x3  }
0x92: {  	_ =	strace s17  }
0x93: {  	s2 =	sld [smem:$0x3FFC];
	_ =	sdelay $0x3  }
0x94: {  	_ =	strace s2  }
0x95: {  	s2 =	sld [smem:$0x3FFD];
	_ =	sdelay $0x3  }
0x96: {  	_ =	strace s2  }
0x97: {  	_ =	strace $0x8FFFFFFF  }
0x98: {  	s18 =	sld [smem:$0x3FDB];
	_ =	sdelay $0x1  }
0x99: {  	s19 =	simm.s32 $_scs_section_size  }
0x9a: {  	s4 =	simm.s32 $_size__tile_overlayer_lowered;
	s5 =	simm.s32 $_tile_overlayer_lowered  }
0x9b: {  	s22 =	simm.s32 $0x1BFF;
	s21 =	sshll.u32 s5, $0x1;
	s2 =	sadd.s32 s19, s18  }
0x9c: {  	s6 =	simm.s32 $0x0;
	s20 =	sshll.u32 s4, $0x1;
	s4 =	sadd.s32 s21, s2  }
0x9d: {  	[timem:s6], [sflag:s22] =	dma.local [hbm:s4], s20  }
0x9e: {  	_ =	swait.ge [sflag:s22], s20  }
0x9f: {  	s3 =	ssub.s32 $0x0, s20;
	[sflag:s22] =	ssyncset.done $0x0  }
0xa0: {  	[sflag:s22] =	ssyncadd.s32 s3;
	_ =	sdelay $0x1  }
0xa1: {  	s23 =	simm.s32 $0x1B8B  }
0xa2: {  	_ =	swait.ge [sflag:s23], $0x1  }
0xa3: {  	[sflag:s23] =	ssyncset.done $0x0  }
0xa4: {  	s25 =	simm.s32 $0x1B8E;
	s24 =	sld [smem:$0x3FFE];
	[sflag:s23] =	ssyncadd.s32 $0xFFFFFFFF  }
0xa5: {  	s26 =	simm.s32 $execute0_lowered;
	[smem:$0x3FD2] =	sst s25  }
0xa6: {  	s4 =	sshll.u32 s26, $0x1;
	_ =	strace $0x80000046;
	[dreg:$0x1] =	wrdreg $0xFFFFFFFF  }
0xa7: {  	s28 =	simm.s32 $_size_execute0_lowered;
	s2 =	sadd.s32 s2, s4;
	[dreg:$0x0] =	wrdreg $0x0  }
0xa8: {  	s4 =	sshll.u32 s28, $0x1;
	[dreg:$0x2] =	wrdreg s2  }
0xa9: {  	[dreg:$0x3] =	wrdreg s4  }
0xaa: {  	[dreg:$0x4] =	wrdreg $0xC0  }
0xab: {  	_ =	task [dreg:s6], $0x5FFFF  }
0xac: {  	[dreg:$0x1] =	wrdreg $0xFFFFFFFF  }
0xad: {  	[dreg:$0x0] =	wrdreg $0x60  }
0xae: {  	[dreg:$0x2] =	wrdreg s24  }
0xaf: {  	[dreg:$0x3] =	wrdreg $0x9  }
0xb0: {  	_ =	task.clear_ibuf [dreg:s6], $0x4FFFF;
	_ =	strace $0x90000046  }
0xb1: {  	s29 =	simm.s32 $0x9;
	_ =	strace $0x80000048  }
0xb2: {  	_ =	swait.ge [sflag:s29], $0x1  }
0xb3: {  	[sflag:s29] =	ssyncadd.s32 $0xFFFFFFFF  }
0xb4: {  	_ =	strace $0x90000048  }
0xb5: {  	_ =	sfence  }
0xb6: {  	s30 =	sld [smem:$0x0];
	_ =	sdelay $0x2  }
0xb7: {  	s31 =	sshll.u32 s1, $0xD;
	s1 =	sshrl.u32 s1, $0x2  }
0xb8: {  	s3 =	sand.u32 $0x4000, s31;
	s1 =	sadd.s32 s1, s30  }
0xb9: {  	s0 =	sor.u32 s3, s0;
	s1 =	sshll.u32 s1, $0x11  }
0xba: {  	s0 =	sor.u32 s1, s0  }
0xbb: {  	s0 =	sadd.s32 $0x8F2B, s0  }
0xbc: {  	[sflag:s0] =	ssyncadd.remote.s32 $0x1  }
0xbd: {  	_ =	sfence.sel $0xFFFF  }
0xbe: {  	[dreg:$0x0] =	wrdreg $0xFFFFFFFF;
	(pc) =	sbr.abs _section_cstart, $3  }
0xbf: {  	[dreg:$0x1] =	wrdreg $0xFFFFFFFF  }
0xc0: {  	_ =	task.clear_ibuf [dreg:s6], $0x2FFFF;
	_ =	strace $0x9FFFFFFF  }
0xc1: {  	(tm) =	ssettm $0x7FFFFFFF  }
tec
execute0_lowered:
.L_overlay_start_1:
0x0: {  	(tag) =	ssettag $0x1  }
0x1: {  	s4 =	rddreg [dreg:$0x0]  }
0x2: {  	s0 =	rddreg [dreg:$0x1];
	s2 =	simm.s32 $0x0;
	s1 =	stileid.u32  }
0x3: {  	s3 =	srdreg.scid;
	[smem:$0x7FF] =	sst s2  }
0x4: {  	s5 =	sshll.u32 s1, $0x6;
	s9 =	sand.u32 $0x1, s3;
	s6 =	sshll.u32 s1, $0xD  }
0x5: {  	s3 =	sadd.s32 $0x1BEE00, s4;
	s10 =	sshll.u32 s1, $0x1;
	_ =	strace $0x80000047  }
0x6: {  	s5 =	sadd.s32 s5, s4;
	s7 =	ssub.s32 $0x2, s9;
	s8 =	sadd.s32 s6, s4  }
0x7: {  	s30 =	sshll.u32 s9, $0x5;
	s31 =	sshll.u32 s9, $0xC;
	s9 =	sor.u32 s9, s10  }
0x8: {  	s29 =	sshrl.u32 s7, $0x1;
	s6 =	sadd.s32 s30, s5;
	s8 =	sadd.s32 s31, s8  }
0x9: {  	s4 =	ssub.s32 s7, s29;
	s5 =	sadd.s32 $0x1FA00, s6;
	s6 =	sadd.s32 $0x7200, s6  }
0xa: {  	s7 =	sadd.s32 $0xEB7400, s8;
	s8 =	sadd.s32 $0x282400, s8;
	s4 =	smax.u32 s4, $0x1  }
.LBB2_1:
0xb: {  	p0 =	sgt.u32 s9, $0xC34  }
0xc: {  	s10 =	sadd.s32 @!p0 $0x0, s6;
	s11 =	simm.s32 @!p0 $0x0;
	p0 =	por p0, p0  }
0xd: {  	[tilespmem:s11], [sflag:$0x1] =	stream.linear.gather @!p0 [hbm4b:s10+s11], $0x80, $0x38;
	[tilespmem:$0x10200] =	vst v63  }
0xe: {  	s12 =	sadd.s32 @!p0 $0x0, s5;
	s13 =	simm.s32 @!p0 $0x100  }
0xf: {  	[tilespmem:s13], [sflag:$0x1] =	stream.linear.gather @!p0 [hbm4b:s12+s11], $0x80, $0x38;
	[tilespmem:$0x10200] =	vst v63  }
0x10: {  	s10 =	sadd.s32 @!p0 $0x10, s10;
	s14 =	simm.s32 @!p0 $0x80  }
0x11: {  	[tilespmem:s14], [sflag:$0x1] =	stream.linear.gather @!p0 [hbm4b:s10+s11], $0x80, $0x38;
	[tilespmem:$0x10200] =	vst v63  }
0x12: {  	s15 =	simm.s32 @!p0 $0x1;
	s10 =	sadd.s32 @!p0 $0x10, s12;
	s12 =	simm.s32 @!p0 $0x180  }
0x13: {  	[tilespmem:s12], [sflag:$0x1] =	stream.linear.gather @!p0 [hbm4b:s10+s11], $0x80, $0x38;
	[tilespmem:$0x10200] =	vst v63  }
0x14: {  	_ =	swait.ge @!p0 [sflag:s15], $0x80  }
0x15: {  	[sflag:s15] =	ssyncset.done @!p0 $0x0  }
0x16: {  	[sflag:s15] =	ssyncadd.s32 @!p0 $0xFFFFFF80  }
0x17: {  	_ =	swait.ge @!p0 [sflag:s15], $0x80  }
0x18: {  	[sflag:s15] =	ssyncset.done @!p0 $0x0  }
0x19: {  	[sflag:s15] =	ssyncadd.s32 @!p0 $0xFFFFFF80  }
0x1a: {  	_ =	swait.ge @!p0 [sflag:s15], $0x80  }
0x1b: {  	[sflag:s15] =	ssyncset.done @!p0 $0x0  }
0x1c: {  	[sflag:s15] =	ssyncadd.s32 @!p0 $0xFFFFFF80  }
0x1d: {  	_ =	swait.ge @!p0 [sflag:s15], $0x80  }
0x1e: {  	[sflag:s15] =	ssyncset.done @!p0 $0x0  }
0x1f: {  	s10 =	simm.s32 @!p0 $0x200;
	[sflag:s15] =	ssyncadd.s32 @!p0 $0xFFFFFF80  }
0x20: {  	[tilespmem:s10], [sflag:$0x1] =	stream.indirect.gather @!p0 [hbm4b:s3+s14], $0x80, s11, s14, $0xb8;
	[tilespmem:$0x10200] =	vst v63  }
0x21: {  	s17 =	simm.s32 @!p0 $0x8200  }
0x22: {  	[tilespmem:s17], [sflag:$0x1] =	stream.indirect.gather @!p0 [hbm4b:s3+s14], $0x80, s13, s14, $0xb8;
	[tilespmem:$0x10200] =	vst v63  }
0x23: {  	s13 =	simm.s32 @!p0 $0x4200  }
0x24: {  	[tilespmem:s13], [sflag:$0x1] =	stream.indirect.gather @!p0 [hbm4b:s3+s14], $0x80, s14, s14, $0xb8;
	[tilespmem:$0x10200] =	vst v63  }
0x25: {  	s13 =	simm.s32 @!p0 $0xC200  }
0x26: {  	[tilespmem:s13], [sflag:$0x1] =	stream.indirect.gather @!p0 [hbm4b:s3+s14], $0x80, s12, s14, $0xb8;
	[tilespmem:$0x10200] =	vst v63  }
0x27: {  	_ =	swait.ge @!p0 [sflag:s15], $0x4000  }
0x28: {  	[sflag:s15] =	ssyncset.done @!p0 $0x0  }
0x29: {  	[sflag:s15] =	ssyncadd.s32 @!p0 $0xFFFFC000  }
0x2a: {  	_ =	swait.ge @!p0 [sflag:s15], $0x4000  }
0x2b: {  	[sflag:s15] =	ssyncset.done @!p0 $0x0  }
0x2c: {  	[sflag:s15] =	ssyncadd.s32 @!p0 $0xFFFFC000  }
0x2d: {  	_ =	swait.ge @!p0 [sflag:s15], $0x4000  }
0x2e: {  	[sflag:s15] =	ssyncset.done @!p0 $0x0  }
0x2f: {  	[sflag:s15] =	ssyncadd.s32 @!p0 $0xFFFFC000  }
0x30: {  	_ =	swait.ge @!p0 [sflag:s15], $0x4000  }
0x31: {  	[sflag:s15] =	ssyncset.done @!p0 $0x0  }
0x32: {  	s13 =	simm.s32 @!p0 $0x3;
	[sflag:s15] =	ssyncadd.s32 @!p0 $0xFFFFC000  }
0x33: {  	[hbm4b:s8+s11] =	stream.linear.scatter @!p0 [tilespmem:s10], [sflag:$0x3], $0x8000, $0x38;
	[tilespmem:$0x10200] =	vst v63  }
0x34: {  	_ =	swait.ge @!p0 [sflag:s13], $0x8000  }
0x35: {  	s16 =	simm.s32 @!p0 $0x2;
	[sflag:s13] =	ssyncset.done @!p0 $0x0  }
0x36: {  	s14 =	simm.s32 $0x400;
	s12 =	simm.s32 $0x800;
	[sflag:s13] =	ssyncadd.s32 @!p0 $0xFFFF8000  }
0x37: {  	[hbm4b:s7+s11] =	stream.linear.scatter @!p0 [tilespmem:s17], [sflag:$0x2], $0x8000, $0x38;
	[tilespmem:$0x10200] =	vst v63  }
0x38: {  	s10 =	sadd.s32 $0x20000, s7;
	s13 =	sadd.s32 $0x20, s9;
	_ =	swait.ge @!p0 [sflag:s16], $0x8000  }
0x39: {  	s11 =	sadd.s32 $0x20000, s8;
	p2 =	sgt.u32 s13, $0xC34;
	[sflag:s16] =	ssyncset.done @!p0 $0x0  }
.LBB2_2:
0x3a: {  	s17 =	sadd.s32 @!p2 s14, s6;
	s15 =	simm.s32 @!p2 $0x0  }
0x3b: {  	[sflag:s16] =	ssyncadd.s32 @!p0 $0xFFFF8000;
	s18 =	smov.u32 s12;
	p0 =	por p2, p2  }
0x3c: {  	[tilespmem:s15], [sflag:$0x1] =	stream.linear.gather @!p0 [hbm4b:s17+s15], $0x80, $0x38;
	[tilespmem:$0x10200] =	vst v63  }
0x3d: {  	s14 =	sadd.s32 @!p0 s14, s5;
	s19 =	simm.s32 @!p0 $0x100;
	s16 =	sadd.s32 @!p0 $0x10, s17  }
0x3e: {  	[tilespmem:s19], [sflag:$0x1] =	stream.linear.gather @!p0 [hbm4b:s14+s15], $0x80, $0x38;
	[tilespmem:$0x10200] =	vst v63  }
0x3f: {  	s12 =	sadd.s32 $0x400, s12;
	s17 =	simm.s32 @!p0 $0x80;
	s14 =	sadd.s32 @!p0 $0x10, s14  }
0x40: {  	[tilespmem:s17], [sflag:$0x1] =	stream.linear.gather @!p0 [hbm4b:s16+s15], $0x80, $0x38;
	[tilespmem:$0x10200] =	vst v63  }
0x41: {  	p1 =	sne.s32 s12, $0x18800;
	s20 =	simm.s32 @!p0 $0x180;
	s16 =	simm.s32 @!p0 $0x1  }
0x42: {  	[tilespmem:s20], [sflag:$0x1] =	stream.linear.gather @!p0 [hbm4b:s14+s15], $0x80, $0x38;
	[tilespmem:$0x10200] =	vst v63  }
0x43: {  	s14 =	smov.u32 s18;
	_ =	swait.ge @!p0 [sflag:s16], $0x80  }
0x44: {  	[sflag:s16] =	ssyncset.done @!p0 $0x0  }
0x45: {  	[sflag:s16] =	ssyncadd.s32 @!p0 $0xFFFFFF80  }
0x46: {  	_ =	swait.ge @!p0 [sflag:s16], $0x80  }
0x47: {  	[sflag:s16] =	ssyncset.done @!p0 $0x0  }
0x48: {  	[sflag:s16] =	ssyncadd.s32 @!p0 $0xFFFFFF80  }
0x49: {  	_ =	swait.ge @!p0 [sflag:s16], $0x80  }
0x4a: {  	[sflag:s16] =	ssyncset.done @!p0 $0x0  }
0x4b: {  	[sflag:s16] =	ssyncadd.s32 @!p0 $0xFFFFFF80  }
0x4c: {  	_ =	swait.ge @!p0 [sflag:s16], $0x80  }
0x4d: {  	[sflag:s16] =	ssyncset.done @!p0 $0x0  }
0x4e: {  	s18 =	simm.s32 @!p0 $0x200;
	[sflag:s16] =	ssyncadd.s32 @!p0 $0xFFFFFF80  }
0x4f: {  	[tilespmem:s18], [sflag:$0x1] =	stream.indirect.gather @!p0 [hbm4b:s3+s17], $0x80, s15, s17, $0xb8;
	[tilespmem:$0x10200] =	vst v63  }
0x50: {  	s21 =	simm.s32 @!p0 $0x8200  }
0x51: {  	[tilespmem:s21], [sflag:$0x1] =	stream.indirect.gather @!p0 [hbm4b:s3+s17], $0x80, s19, s17, $0xb8;
	[tilespmem:$0x10200] =	vst v63  }
0x52: {  	s19 =	simm.s32 @!p0 $0x4200  }
0x53: {  	[tilespmem:s19], [sflag:$0x1] =	stream.indirect.gather @!p0 [hbm4b:s3+s17], $0x80, s17, s17, $0xb8;
	[tilespmem:$0x10200] =	vst v63  }
0x54: {  	s19 =	simm.s32 @!p0 $0xC200  }
0x55: {  	[tilespmem:s19], [sflag:$0x1] =	stream.indirect.gather @!p0 [hbm4b:s3+s17], $0x80, s20, s17, $0xb8;
	[tilespmem:$0x10200] =	vst v63  }
0x56: {  	_ =	swait.ge @!p0 [sflag:s16], $0x4000  }
0x57: {  	[sflag:s16] =	ssyncset.done @!p0 $0x0  }
0x58: {  	[sflag:s16] =	ssyncadd.s32 @!p0 $0xFFFFC000  }
0x59: {  	_ =	swait.ge @!p0 [sflag:s16], $0x4000  }
0x5a: {  	[sflag:s16] =	ssyncset.done @!p0 $0x0  }
0x5b: {  	[sflag:s16] =	ssyncadd.s32 @!p0 $0xFFFFC000  }
0x5c: {  	_ =	swait.ge @!p0 [sflag:s16], $0x4000  }
0x5d: {  	[sflag:s16] =	ssyncset.done @!p0 $0x0  }
0x5e: {  	[sflag:s16] =	ssyncadd.s32 @!p0 $0xFFFFC000  }
0x5f: {  	_ =	swait.ge @!p0 [sflag:s16], $0x4000  }
0x60: {  	[sflag:s16] =	ssyncset.done @!p0 $0x0  }
0x61: {  	[sflag:s16] =	ssyncadd.s32 @!p0 $0xFFFFC000;
	s16 =	simm.s32 @!p0 $0x3  }
0x62: {  	[hbm4b:s11+s15] =	stream.linear.scatter @!p0 [tilespmem:s18], [sflag:$0x3], $0x8000, $0x38;
	[tilespmem:$0x10200] =	vst v63  }
0x63: {  	_ =	swait.ge @!p0 [sflag:s16], $0x8000  }
.Ltmp0:
0x64: {  	[sflag:s16] =	ssyncset.done @!p0 $0x0;
	(pc) =	sbr.rel @p1 .LBB2_2-.Ltmp0, $4  }
0x65: {  	[sflag:s16] =	ssyncadd.s32 @!p0 $0xFFFF8000;
	s16 =	simm.s32 @!p0 $0x2  }
0x66: {  	[hbm4b:s10+s15] =	stream.linear.scatter @!p0 [tilespmem:s21], [sflag:$0x2], $0x8000, $0x38;
	[tilespmem:$0x10200] =	vst v63  }
0x67: {  	s13 =	sadd.s32 $0x20, s13;
	s11 =	sadd.s32 $0x20000, s11;
	_ =	swait.ge @!p0 [sflag:s16], $0x8000  }
0x68: {  	p2 =	sgt.u32 s13, $0xC34;
	s10 =	sadd.s32 $0x20000, s10;
	[sflag:s16] =	ssyncset.done @!p0 $0x0  }
0x69: {  	s12 =	sadd.s32 @!p2 s14, s6  }
0x6a: {  	s13 =	simm.s32 @!p2 $0x0;
	[sflag:s16] =	ssyncadd.s32 @!p0 $0xFFFF8000;
	p0 =	por p2, p2  }
0x6b: {  	[tilespmem:s13], [sflag:$0x1] =	stream.linear.gather @!p0 [hbm4b:s12+s13], $0x80, $0x38;
	[tilespmem:$0x10200] =	vst v63  }
0x6c: {  	s14 =	sadd.s32 @!p0 s14, s5;
	s15 =	simm.s32 @!p0 $0x100  }
0x6d: {  	[tilespmem:s15], [sflag:$0x1] =	stream.linear.gather @!p0 [hbm4b:s14+s13], $0x80, $0x38;
	[tilespmem:$0x10200] =	vst v63  }
0x6e: {  	s12 =	sadd.s32 @!p0 $0x10, s12;
	s16 =	simm.s32 @!p0 $0x80  }
0x6f: {  	[tilespmem:s16], [sflag:$0x1] =	stream.linear.gather @!p0 [hbm4b:s12+s13], $0x80, $0x38;
	[tilespmem:$0x10200] =	vst v63  }
0x70: {  	s17 =	simm.s32 @!p0 $0x1;
	s12 =	sadd.s32 @!p0 $0x10, s14;
	s14 =	simm.s32 @!p0 $0x180  }
0x71: {  	[tilespmem:s14], [sflag:$0x1] =	stream.linear.gather @!p0 [hbm4b:s12+s13], $0x80, $0x38;
	[tilespmem:$0x10200] =	vst v63  }
0x72: {  	_ =	swait.ge @!p0 [sflag:s17], $0x80  }
0x73: {  	[sflag:s17] =	ssyncset.done @!p0 $0x0  }
0x74: {  	[sflag:s17] =	ssyncadd.s32 @!p0 $0xFFFFFF80  }
0x75: {  	_ =	swait.ge @!p0 [sflag:s17], $0x80  }
0x76: {  	[sflag:s17] =	ssyncset.done @!p0 $0x0  }
0x77: {  	[sflag:s17] =	ssyncadd.s32 @!p0 $0xFFFFFF80  }
0x78: {  	_ =	swait.ge @!p0 [sflag:s17], $0x80  }
0x79: {  	[sflag:s17] =	ssyncset.done @!p0 $0x0  }
0x7a: {  	[sflag:s17] =	ssyncadd.s32 @!p0 $0xFFFFFF80  }
0x7b: {  	_ =	swait.ge @!p0 [sflag:s17], $0x80  }
0x7c: {  	[sflag:s17] =	ssyncset.done @!p0 $0x0  }
0x7d: {  	s12 =	simm.s32 @!p0 $0x200;
	[sflag:s17] =	ssyncadd.s32 @!p0 $0xFFFFFF80  }
0x7e: {  	[tilespmem:s12], [sflag:$0x1] =	stream.indirect.gather @!p0 [hbm4b:s3+s16], $0x80, s13, s16, $0xb8;
	[tilespmem:$0x10200] =	vst v63  }
0x7f: {  	s18 =	simm.s32 @!p0 $0x8200  }
0x80: {  	[tilespmem:s18], [sflag:$0x1] =	stream.indirect.gather @!p0 [hbm4b:s3+s16], $0x80, s15, s16, $0xb8;
	[tilespmem:$0x10200] =	vst v63  }
0x81: {  	s15 =	simm.s32 @!p0 $0x4200  }
0x82: {  	[tilespmem:s15], [sflag:$0x1] =	stream.indirect.gather @!p0 [hbm4b:s3+s16], $0x80, s16, s16, $0xb8;
	[tilespmem:$0x10200] =	vst v63  }
0x83: {  	s15 =	simm.s32 @!p0 $0xC200  }
0x84: {  	[tilespmem:s15], [sflag:$0x1] =	stream.indirect.gather @!p0 [hbm4b:s3+s16], $0x80, s14, s16, $0xb8;
	[tilespmem:$0x10200] =	vst v63  }
0x85: {  	_ =	swait.ge @!p0 [sflag:s17], $0x4000  }
0x86: {  	[sflag:s17] =	ssyncset.done @!p0 $0x0  }
0x87: {  	[sflag:s17] =	ssyncadd.s32 @!p0 $0xFFFFC000  }
0x88: {  	_ =	swait.ge @!p0 [sflag:s17], $0x4000  }
0x89: {  	[sflag:s17] =	ssyncset.done @!p0 $0x0  }
0x8a: {  	[sflag:s17] =	ssyncadd.s32 @!p0 $0xFFFFC000  }
0x8b: {  	_ =	swait.ge @!p0 [sflag:s17], $0x4000  }
0x8c: {  	[sflag:s17] =	ssyncset.done @!p0 $0x0  }
0x8d: {  	[sflag:s17] =	ssyncadd.s32 @!p0 $0xFFFFC000  }
0x8e: {  	_ =	swait.ge @!p0 [sflag:s17], $0x4000  }
0x8f: {  	[sflag:s17] =	ssyncset.done @!p0 $0x0  }
0x90: {  	s14 =	simm.s32 @!p0 $0x3;
	[sflag:s17] =	ssyncadd.s32 @!p0 $0xFFFFC000  }
0x91: {  	[hbm4b:s11+s13] =	stream.linear.scatter @!p0 [tilespmem:s12], [sflag:$0x3], $0x8000, $0x38;
	[tilespmem:$0x10200] =	vst v63  }
0x92: {  	s2 =	sadd.s32 $0x1, s2;
	_ =	swait.ge @!p0 [sflag:s14], $0x8000  }
0x93: {  	p1 =	sne.s32 s2, s4;
	[sflag:s14] =	ssyncset.done @!p0 $0x0  }
.Ltmp1:
0x94: {  	s11 =	simm.s32 @!p0 $0x2;
	[sflag:s14] =	ssyncadd.s32 @!p0 $0xFFFF8000;
	(pc) =	sbr.rel @p1 .LBB2_1-.Ltmp1, $4  }
0x95: {  	[hbm4b:s10+s13] =	stream.linear.scatter @!p0 [tilespmem:s18], [sflag:$0x2], $0x8000, $0x38;
	[tilespmem:$0x10200] =	vst v63  }
0x96: {  	_ =	swait.ge @!p0 [sflag:s11], $0x8000  }
0x97: {  	[sflag:s11] =	ssyncset.done @!p0 $0x0  }
0x98: {  	[sflag:s11] =	ssyncadd.s32 @!p0 $0xFFFF8000  }
0x99: {  	_ =	sfence.sel $0x180000  }
0x9a: {  	[bflag:$0x0] =	sbarrier.arrive $0xFFFF  }
0x9b: {  	p0 =	sne.s32 s1, $0x0;
	_ =	strace $0x90000047  }
0x9c: {  	s0 =	sadd.s32 @!p0 $0x100000, s0;
	[bflag:$0x2] =	sbarrier.arrive $0xFFFF  }
0x9d: {  	[sflag:s0] =	ssyncadd.tile.s32 @!p0 $0x1;
	_ =	shalt  }
.Lfunc_end2:
_tile_overlayer_lowered:
.L_overlay_start_2:
0x9e: {  	(tag) =	ssettag $0x2  }
0x9f: {  	s0 =	rddreg [dreg:$0x0];
	s2 =	stileid.u32  }
0xa0: {  	s1 =	rddreg [dreg:$0x1];
	p0 =	sne.s32 s2, $0x0  }
0xa1: {  	s3 =	rddreg [dreg:$0x2];
	[bflag:$0x3] =	sbarrier.arrive $0xFFFF;
	s2 =	simm.s32 @!p0 $0x1C02  }
0xa2: {  	[timem:s3], [sflag:s2] =	dma.local @!p0 [hbm:s0], s1  }
0xa3: {  	s0 =	simm.s32 @!p0 $0x2  }
0xa4: {  	_ =	swait.ge @!p0 [sflag:s0], s1  }
0xa5: {  	s1 =	ssub.s32 @!p0 $0x0, s1;
	[sflag:s0] =	ssyncset.done @!p0 $0x0  }
0xa6: {  	[sflag:s0] =	ssyncadd.s32 @!p0 s1  }
0xa7: {  	[bflag:$0x3] =	sbarrier.arrive $0xFFFF  }
0xa8: {  	_ =	shalt  }

// kernel: kernel.13.cloned.1.call-start
scs
__scs_entry_jumppad:
0x0: {  	(pc) =	sbr.rel $0x88, $3  }
0x1: {  	(tag) =	ssettag $0x0;
	lr =	simm.s32 $0x1  }
0x2: {  	[smem:$0x3F8B] =	sst lr;
	_ =	strace $0xD0000000  }
0x3: {  	_ = 	snop  }
0x4: {  	_ = 	snop  }
0x5: {  	_ = 	snop  }
0x6: {  	_ = 	snop  }
0x7: {  	_ = 	snop  }
__scs_overlays_trampoline_lowered:
0x8: {  	[smem:$0x3F9A] =	sst s0  }
0x9: {  	[smem:$0x3F9B] =	sst s1  }
0xa: {  	[smem:$0x3F9C] =	sst s2  }
0xb: {  	[smem:$0x3F9D] =	sst s3  }
0xc: {  	[smem:$0x3F9E] =	sst s4  }
0xd: {  	[smem:$0x3F9F] =	sst s5  }
0xe: {  	[smem:$0x3FA0] =	sst s6  }
0xf: {  	[smem:$0x3FA1] =	sst s7  }
0x10: {  	[smem:$0x3FA2] =	sst s8  }
0x11: {  	[smem:$0x3FA3] =	sst s9;
	s0 =	simm.s32 @!p0 $0x0  }
0x12: {  	s1 =	sld [smem:$0x3F89];
	s0 =	simm.s32 @p0 $0x1  }
0x13: {  	[smem:$0x3FA4] =	sst s0;
	s0 =	simm.s32 @!p1 $0x0  }
0x14: {  	s2 =	sld [smem:$0x3F88];
	s0 =	simm.s32 @p1 $0x1  }
0x15: {  	[smem:$0x3FA5] =	sst s0;
	s0 =	simm.s32 @!p2 $0x0  }
0x16: {  	s3 =	sld [smem:$0x3FDB];
	s0 =	simm.s32 @p2 $0x1  }
0x17: {  	s4 =	simm.s32 $0x1BF5;
	[smem:$0x3FA7] =	sst s0  }
0x18: {  	s0 =	sld [smem:$0x3F8A];
	_ =	swait.ge [sflag:s4], $0x0  }
0x19: {  	s7 =	sld [smem:$0x3F8B]  }
0x1a: {  	s8 =	sadd.s32 $0xFFFFE003, lr  }
0x1b: {  	s9 =	sadd.s32 $0xFFFFFEF7, lr;
	s5 =	simm.s32 $0xFFFFFFFF;
	p2 =	slt.u32 s8, $0xFFFFF086  }
0x1c: {  	p1 =	slt.u32 s9, $0xF7A;
	s5 =	simm.s32 @!p2 $0x0  }
0x1d: {  	s5 =	simm.s32 @p1 $0x1;
	p0 =	seq.s32 s7, s2  }
0x1e: {  	s7 =	smul.u32 @!p0 $0xF7A, s2;
	p2 =	seq.s32 @!p0 s5, $0x0  }
0x1f: {  	s9 =	smul.u32 $0xF7A, s1;
	s8 =	simm.s32 @!p0 $0x1BF5;
	p2 =	por !p2, p0  }
0x20: {  	[sflag:s8] =	ssyncset.s32 @!p0 $0xFFFFF086;
	s6 =	sadd.s32 @!p0 s3, s7;
	s7 =	simm.s32 @!p0 $0x108  }
0x21: {  	s3 =	sadd.s32 s3, s9;
	s6 =	sadd.s32 @!p0 $0x88, s6;
	s7 =	simm.s32 @p2 $0x1082  }
0x22: {  	[simem:s7], [sflag:s8] =	dma.local @!p0 [hbm:s6], $0xF7A  }
0x23: {  	s9 =	sor.u32 $0xD0000000, s2;
	s6 =	simm.s32 $0x108;
	_ =	swait.ge @!p0 [sflag:s8], $0x0  }
0x24: {  	s3 =	sadd.s32 $0x88, s3;
	s6 =	simm.s32 @!p1 $0x1082;
	[sflag:s4] =	ssyncset.s32 $0xFFFFF086  }
0x25: {  	[simem:s6], [sflag:s4] =	dma.local [hbm:s3], $0xF7A  }
0x26: {  	[smem:$0x3F8B] =	sst s1;
	(tag) =	ssettag s2;
	_ =	strace s9  }
0x27: {  	s1 =	sld [smem:$0x3F9B]  }
0x28: {  	s2 =	sld [smem:$0x3F9C]  }
0x29: {  	s4 =	sld [smem:$0x3F9E]  }
0x2a: {  	p0 =	seq.s32 s5, $0x0;
	s5 =	sld [smem:$0x3F9F]  }
0x2b: {  	s6 =	sld [smem:$0x3FA0]  }
0x2c: {  	s7 =	sld [smem:$0x3FA1]  }
0x2d: {  	s3 =	simm.s32 $0x108;
	s8 =	sld [smem:$0x3FA2]  }
0x2e: {  	s3 =	simm.s32 @!p0 $0x1082;
	s9 =	sld [smem:$0x3FA3]  }
0x2f: {  	lr =	sadd.s32 s0, s3;
	s0 =	sld [smem:$0x3F9A]  }
0x30: {  	s3 =	sld [smem:$0x3F9D]  }
0x31: {  	[smem:$0x3FA6] =	sst s10  }
0x32: {  	s10 =	sld [smem:$0x3FA4];
	_ =	sdelay $0x3  }
0x33: {  	p0 =	seq.s32 s10, $0x1;
	s10 =	sld [smem:$0x3FA6];
	_ =	sdelay $0x3  }
0x34: {  	[smem:$0x3FA6] =	sst s10  }
0x35: {  	s10 =	sld [smem:$0x3FA5];
	_ =	sdelay $0x3  }
0x36: {  	p1 =	seq.s32 s10, $0x1;
	s10 =	sld [smem:$0x3FA6];
	_ =	sdelay $0x3  }
0x37: {  	[smem:$0x3FA6] =	sst s10  }
0x38: {  	s10 =	sld [smem:$0x3FA7]  }
0x39: {  	_ = 	snop;
	(pc) =	sbr.ind lr, $3  }
0x3a: {  	_ = 	snop  }
0x3b: {  	_ = 	snop  }
0x3c: {  	p2 =	seq.s32 s10, $0x1;
	s10 =	sld [smem:$0x3FA6]  }
0x3d: {  	_ =	shalt  }
0x3e: {  	_ =	shalt  }
0x3f: {  	_ =	shalt  }
0x40: {  	_ =	shalt  }
0x41: {  	_ =	shalt  }
0x42: {  	_ =	shalt  }
0x43: {  	_ =	shalt  }
0x44: {  	_ =	shalt  }
0x45: {  	_ =	shalt  }
0x46: {  	_ =	shalt  }
0x47: {  	_ =	shalt  }
0x48: {  	_ =	shalt  }
0x49: {  	_ =	shalt  }
0x4a: {  	_ =	shalt  }
0x4b: {  	_ =	shalt  }
0x4c: {  	_ =	shalt  }
0x4d: {  	_ =	shalt  }
0x4e: {  	_ =	shalt  }
0x4f: {  	_ =	shalt  }
0x50: {  	_ =	shalt  }
0x51: {  	_ =	shalt  }
0x52: {  	_ =	shalt  }
0x53: {  	_ =	shalt  }
0x54: {  	_ =	shalt  }
0x55: {  	_ =	shalt  }
0x56: {  	_ =	shalt  }
0x57: {  	_ =	shalt  }
0x58: {  	_ =	shalt  }
0x59: {  	_ =	shalt  }
0x5a: {  	_ =	shalt  }
0x5b: {  	_ =	shalt  }
0x5c: {  	_ =	shalt  }
0x5d: {  	_ =	shalt  }
0x5e: {  	_ =	shalt  }
0x5f: {  	_ =	shalt  }
0x60: {  	_ =	shalt  }
0x61: {  	_ =	shalt  }
0x62: {  	_ =	shalt  }
0x63: {  	_ =	shalt  }
0x64: {  	_ =	shalt  }
0x65: {  	_ =	shalt  }
0x66: {  	_ =	shalt  }
0x67: {  	_ =	shalt  }
0x68: {  	_ =	shalt  }
0x69: {  	_ =	shalt  }
0x6a: {  	_ =	shalt  }
0x6b: {  	_ =	shalt  }
0x6c: {  	_ =	shalt  }
0x6d: {  	_ =	shalt  }
0x6e: {  	_ =	shalt  }
0x6f: {  	_ =	shalt  }
0x70: {  	_ =	shalt  }
0x71: {  	_ =	shalt  }
0x72: {  	_ =	shalt  }
0x73: {  	_ =	shalt  }
0x74: {  	_ =	shalt  }
0x75: {  	_ =	shalt  }
0x76: {  	_ =	shalt  }
0x77: {  	_ =	shalt  }
0x78: {  	_ =	shalt  }
0x79: {  	_ =	shalt  }
0x7a: {  	_ =	shalt  }
0x7b: {  	_ =	shalt  }
0x7c: {  	_ =	shalt  }
0x7d: {  	_ =	shalt  }
0x7e: {  	_ =	shalt  }
0x7f: {  	_ =	shalt  }
0x80: {  	_ =	shalt  }
0x81: {  	_ =	shalt  }
0x82: {  	_ =	shalt  }
0x83: {  	_ =	shalt  }
0x84: {  	_ =	shalt  }
0x85: {  	_ =	shalt  }
0x86: {  	_ =	shalt  }
0x87: {  	_ =	shalt  }
.Lfunc_end0:
.L_simem_size_0:
called_computation.1_lowered:
.L_overlay_start_0:
0x88: {  	s2 =	sld [smem:$0x3FD9]  }
0x89: {  	s3 =	sld [smem:$0x3FFE];
	_ =	sdelay $0x1  }
0x8a: {  	s1 =	srdreg.scid  }
0x8b: {  	s0 =	sand.u32 $0x1, s1  }
0x8c: {  	s17 =	sshll.u32 s0, $0xA;
	s2 =	sadd.s32 s3, s2  }
0x8d: {  	s2 =	sadd.s32 s2, s17  }
0x8e: {  	[smem:$0x3FB2] =	sst s2  }
0x8f: {  	_ = 	snop  }
0x90: {  	s2 =	sld [smem:$0x3FD0];
	(tm) =	ssettm $0x1  }
0x91: {  	s18 =	sld [smem:$0x3FFB];
	_ =	sdelay $0x3  }
0x92: {  	_ =	strace s18  }
0x93: {  	s3 =	sld [smem:$0x3FFC];
	_ =	sdelay $0x3  }
0x94: {  	_ =	strace s3  }
0x95: {  	s3 =	sld [smem:$0x3FFD];
	_ =	sdelay $0x3  }
0x96: {  	_ =	strace s3  }
0x97: {  	_ =	strace $0x8FFFFFFF  }
0x98: {  	s19 =	sld [smem:$0x3FDB];
	_ =	sdelay $0x1  }
0x99: {  	s4 =	simm.s32 $_scs_section_size  }
0x9a: {  	s5 =	simm.s32 $_size__tile_overlayer_lowered;
	s6 =	simm.s32 $_tile_overlayer_lowered  }
0x9b: {  	s22 =	simm.s32 $0x1BFF;
	s21 =	sshll.u32 s6, $0x1;
	s3 =	sadd.s32 s4, s19  }
0x9c: {  	s7 =	simm.s32 $0x0;
	s20 =	sshll.u32 s5, $0x1;
	s5 =	sadd.s32 s21, s3  }
0x9d: {  	[timem:s7], [sflag:s22] =	dma.local [hbm:s5], s20  }
0x9e: {  	_ =	swait.ge [sflag:s22], s20  }
0x9f: {  	s4 =	ssub.s32 $0x0, s20;
	[sflag:s22] =	ssyncset.done $0x0  }
0xa0: {  	[sflag:s22] =	ssyncadd.s32 s4;
	_ =	sdelay $0x1  }
0xa1: {  	s23 =	simm.s32 $0x1B8B  }
0xa2: {  	_ =	swait.ge [sflag:s23], $0x1  }
0xa3: {  	[sflag:s23] =	ssyncset.done $0x0  }
0xa4: {  	s25 =	simm.s32 $0x1B8E;
	s24 =	sld [smem:$0x3FFE];
	[sflag:s23] =	ssyncadd.s32 $0xFFFFFFFF  }
0xa5: {  	s26 =	simm.s32 $execute0_lowered;
	[smem:$0x3FD2] =	sst s25  }
0xa6: {  	s5 =	sshll.u32 s26, $0x1;
	_ =	strace $0x80000049;
	[dreg:$0x1] =	wrdreg $0xFFFFFFFF  }
0xa7: {  	s28 =	simm.s32 $_size_execute0_lowered;
	s3 =	sadd.s32 s3, s5;
	[dreg:$0x0] =	wrdreg $0x0  }
0xa8: {  	s5 =	sshll.u32 s28, $0x1;
	[dreg:$0x2] =	wrdreg s3  }
0xa9: {  	[dreg:$0x3] =	wrdreg s5  }
0xaa: {  	[dreg:$0x4] =	wrdreg $0xC0  }
0xab: {  	_ =	task [dreg:s7], $0x5FFFF  }
0xac: {  	[dreg:$0x1] =	wrdreg $0xFFFFFFFF  }
0xad: {  	[dreg:$0x0] =	wrdreg $0x60  }
0xae: {  	[dreg:$0x2] =	wrdreg s24  }
0xaf: {  	[dreg:$0x3] =	wrdreg s2  }
0xb0: {  	[dreg:$0x4] =	wrdreg $0x10800  }
0xb1: {  	[dreg:$0x5] =	wrdreg $0x9  }
0xb2: {  	_ =	task.clear_ibuf [dreg:s7], $0x6FFFF;
	_ =	strace $0x90000049  }
0xb3: {  	s29 =	simm.s32 $0x9;
	_ =	strace $0x8000004B  }
0xb4: {  	_ =	swait.ge [sflag:s29], $0x1  }
0xb5: {  	[sflag:s29] =	ssyncadd.s32 $0xFFFFFFFF  }
0xb6: {  	_ =	strace $0x9000004B  }
0xb7: {  	_ =	sfence  }
0xb8: {  	s30 =	sld [smem:$0x0];
	_ =	sdelay $0x2  }
0xb9: {  	s31 =	sshll.u32 s1, $0xD;
	s1 =	sshrl.u32 s1, $0x2  }
0xba: {  	s3 =	sand.u32 $0x4000, s31;
	s1 =	sadd.s32 s1, s30  }
0xbb: {  	s0 =	sor.u32 s3, s0;
	s1 =	sshll.u32 s1, $0x11  }
0xbc: {  	s0 =	sor.u32 s1, s0  }
0xbd: {  	s0 =	sadd.s32 $0x8F2B, s0  }
0xbe: {  	[sflag:s0] =	ssyncadd.remote.s32 $0x1  }
0xbf: {  	_ =	sfence.sel $0xFFFF  }
0xc0: {  	[dreg:$0x0] =	wrdreg $0xFFFFFFFF;
	(pc) =	sbr.abs _section_cstart, $3  }
0xc1: {  	[dreg:$0x1] =	wrdreg $0xFFFFFFFF  }
0xc2: {  	_ =	task.clear_ibuf [dreg:s7], $0x2FFFF;
	_ =	strace $0x9FFFFFFF  }
0xc3: {  	(tm) =	ssettm $0x7FFFFFFF  }
tec
execute0_lowered:
.L_overlay_start_1:
0x0: {  	(tag) =	ssettag $0x1  }
0x1: {  	s0 =	rddreg [dreg:$0x0]  }
0x2: {  	s7 =	rddreg [dreg:$0x1]  }
0x3: {  	s2 =	rddreg [dreg:$0x2];
	s3 =	simm.s32 $0x0;
	s1 =	stileid.u32  }
0x4: {  	s5 =	srdreg.scid;
	s22 =	simm.s32 $0x2;
	[smem:$0x7FF] =	sst s3  }
0x5: {  	s4 =	sshll.u32 s1, $0x9;
	s6 =	smul.u32 $0x18700, s1;
	s9 =	sand.u32 $0x1, s5  }
0x6: {  	p1 =	sne.s32 s1, $0xF;
	p2 =	seq.s32 s1, $0xF;
	s26 =	sadd.s32 $0x774B20, s0  }
0x7: {  	s23 =	sshll.u32 s1, $0x4;
	s29 =	sadd.s32 $0x743D20, s0;
	s31 =	sadd.s32 $0x7A5920, s0  }
0x8: {  	s15 =	sadd.s32 $0x7D6720, s0;
	_ =	strace $0x8000004A;
	s8 =	sadd.s32 s4, s0  }
0x9: {  	s5 =	ssub.s32 $0x2, s9;
	s12 =	sadd.s32 s23, s0;
	[dreg:$0x5] =	wrdreg s26  }
0xa: {  	p0 =	seq.s32 s9, $0x0;
	s4 =	simm.s32 @!p2 $0x0;
	[dreg:$0x7] =	wrdreg s29  }
0xb: {  	[dreg:$0x9] =	wrdreg s31;
	s10 =	sshrl.u32 s6, $0x3;
	s24 =	sshrl.u32 s5, $0x1  }
0xc: {  	p3 =	por !p0, !p1;
	s4 =	simm.s32 @p2 $0x1;
	p0 =	por !p0, !p2  }
0xd: {  	s17 =	sadd.s32 $0xFB800, s8;
	s18 =	sadd.s32 $0x1FA00, s12;
	s19 =	sadd.s32 $0x2721400, s8  }
0xe: {  	s6 =	sadd.s32 s6, s2;
	s20 =	sadd.s32 $0x2A2E800, s8;
	s21 =	sadd.s32 $0x408C00, s8  }
0xf: {  	s14 =	sadd.s32 s10, s0;
	s16 =	ssub.s32 s5, s24;
	[smem:$0x7F9] =	sst s4  }
0x10: {  	s4 =	simm.s32 @!p3 $0x0;
	p0 =	por !p0, !p0;
	s5 =	sadd.s32 $0x2DD20, s7  }
0x11: {  	s7 =	sadd.s32 s7, s10;
	s4 =	simm.s32 @p3 $0x1;
	s25 =	sadd.s32 $0x746E00, s14  }
0x12: {  	s28 =	sadd.s32 $0x716000, s14;
	[smem:$0x7FA] =	sst s4;
	s4 =	simm.s32 @!p0 $0x0  }
0x13: {  	[dreg:$0x4] =	wrdreg s25;
	s4 =	simm.s32 @p0 $0x1;
	p0 =	seq.s32 s9, $0x1  }
0x14: {  	s30 =	sadd.s32 $0x777C00, s14;
	[dreg:$0x6] =	wrdreg s28;
	s10 =	simm.s32 @!p0 $0x0  }
.Ltmp0:
0x15: {  	s10 =	simm.s32 @p0 $0x1;
	p0 =	por !p1, !p0;
	(pc) =	sbr.rel .LBB2_1-.Ltmp0, $4  }
0x16: {  	[dreg:$0x8] =	wrdreg s30;
	p5 =	por !p0, !p0;
	p0 =	sne.s32 s9, $0x0  }
0x17: {  	p2 =	por !p3, !p3;
	[smem:$0x7FB] =	sst s4;
	s0 =	simm.s32 @!p0 $0x0  }
0x18: {  	s14 =	sadd.s32 $0x7A8A00, s14;
	[smem:$0x7FC] =	sst s10;
	s0 =	simm.s32 @p0 $0x1  }
0x19: {  	s16 =	smax.u32 s16, $0x1;
	s4 =	sadd.s32 $0x16E900, s2;
	[smem:$0x7FD] =	sst s0  }
.LBB2_27:
0x1a: {  	[bflag:$0x0] =	sbarrier.arrive $0xFFFF  }
0x1b: {  	[hbm:s14], [sflag:s25] =	dma.local @p5 [spmem:s24], $0x30E0  }
0x1c: {  	_ =	swait.ge @p5 [sflag:s0], $0x30E0  }
0x1d: {  	[sflag:s0] =	ssyncset.done @p5 $0x0  }
0x1e: {  	[sflag:s0] =	ssyncadd.s32 @p5 $0xFFFFCF20  }
0x1f: {  	[hbm:s15], [sflag:s26] =	dma.local @p0 [spmem:s28], $0x3020  }
0x20: {  	_ =	swait.ge @p0 [sflag:s29], $0x3020  }
0x21: {  	s3 =	sadd.s32 $0x1, s3;
	[sflag:s29] =	ssyncset.done @p0 $0x0  }
0x22: {  	[sflag:s29] =	ssyncadd.s32 @p0 $0xFFFFCFE0;
	p0 =	sne.s32 s3, s16  }
.Ltmp1:
0x23: {  	_ = 	snop;
	(pc) =	sbr.rel @!p0 .LBB2_28-.Ltmp1, $2  }
0x24: {  	_ =	sdelay $0x1  }
0x25: {  	[bflag:$0x0] =	sbarrier.arrive $0xFFFF;
	_ =	sdelay $0x1  }
.LBB2_1:
.Ltmp2:
0x26: {  	(pc) =	sbr.rel @!p2 .LBB2_7-.Ltmp2, $3  }
0x27: {  	_ =	sdelay $0x1  }
0x28: {  	s0 =	sshll.u32 @p5 s1, $0x6;
	s8 =	sshll.u32 s1, $0x6  }
0x29: {  	s24 =	sshrl.u32 @p5 s6, $0x3;
	s25 =	sor.u32 @p5 $0x1C02, s0;
	s26 =	sor.u32 $0x1C02, s8  }
0x2a: {  	s0 =	sshrl.u32 s6, $0x3  }
0x2b: {  	[spmem:s0], [sflag:s26] =	dma.local [hbm:s7], $0x30E0  }
0x2c: {  	_ =	swait.ge [sflag:s22], $0x30E0  }
0x2d: {  	[sflag:s22] =	ssyncset.done $0x0  }
0x2e: {  	[sflag:s22] =	ssyncadd.s32 $0xFFFFCF20  }
0x2f: {  	[bflag:$0x0] =	sbarrier.arrive $0xFFFF  }
.Ltmp3:
0x30: {  	s31 =	sld [smem:$0x7FA];
	(pc) =	sbr.rel .LBB2_3-.Ltmp3, $3  }
0x31: {  	_ =	sdelay $0x1  }
0x32: {  	p3 =	seq.s32 s31, $0x1  }
0x33: {  	p0 =	por p3, p3  }
.LBB2_7:
0x34: {  	s0 =	sld [smem:$0x7FB];
	_ =	sdelay $0x2  }
0x35: {  	p0 =	seq.s32 s0, $0x1  }
.Ltmp4:
0x36: {  	_ = 	snop;
	(pc) =	sbr.rel @!p0 .LBB2_9-.Ltmp4, $1  }
0x37: {  	_ =	sdelay $0x3  }
0x38: {  	s0 =	sshrl.u32 s4, $0x3;
	s8 =	simm.s32 $0x1FC2  }
0x39: {  	[spmem:s0], [sflag:s8] =	dma.local [hbm:s5], $0x3020  }
0x3a: {  	_ =	swait.ge [sflag:s22], $0x3020  }
0x3b: {  	[sflag:s22] =	ssyncset.done $0x0  }
0x3c: {  	[sflag:s22] =	ssyncadd.s32 $0xFFFFCFE0  }
0x3d: {  	[bflag:$0x0] =	sbarrier.arrive $0xFFFF  }
.Ltmp5:
0x3e: {  	s31 =	sld [smem:$0x7FA];
	(pc) =	sbr.rel .LBB2_3-.Ltmp5, $3  }
0x3f: {  	_ =	sdelay $0x1  }
0x40: {  	p3 =	seq.s32 s31, $0x1  }
0x41: {  	p0 =	por p3, p3  }
.LBB2_9:
0x42: {  	[bflag:$0x0] =	sbarrier.arrive $0xFFFF  }
0x43: {  	s31 =	sld [smem:$0x7FD];
	_ =	sdelay $0x2  }
0x44: {  	p1 =	seq.s32 s31, $0x1  }
.Ltmp6:
0x45: {  	_ = 	snop;
	(pc) =	sbr.rel @p1 .LBB2_10-.Ltmp6, $2  }
0x46: {  	s0 =	sld [smem:$0x7F9];
	_ =	sdelay $0x2  }
0x47: {  	p3 =	por $0x0, $0x0;
	p0 =	seq.s32 s0, $0x1  }
.LBB2_3:
0x48: {  	s0 =	sadd.s32 $0x0, s1  }
0x49: {  	p1 =	sgt.u32 s0, $0x1869  }
0x4a: {  	s0 =	simm.s32 @!p1 $0x0;
	s8 =	simm.s32 @!p1 $0x80  }
0x4b: {  	[tilespmem:s8], [sflag:$0x1] =	stream.linear.gather @!p1 [hbm4b:s17+s0], $0x1000, $0x38;
	[tilespmem:$0x19720] =	vst v63  }
0x4c: {  	s9 =	simm.s32 @!p1 $0x1  }
0x4d: {  	[tilespmem:s0], [sflag:$0x1] =	stream.linear.gather @!p1 [hbm4b:s18+s0], $0x80, $0x38;
	[tilespmem:$0x19720] =	vst v63  }
0x4e: {  	p4 =	por p1, p1;
	_ =	swait.ge @!p1 [sflag:s9], $0x1000  }
0x4f: {  	[sflag:s9] =	ssyncset.done @!p4 $0x0  }
0x50: {  	[sflag:s9] =	ssyncadd.s32 @!p4 $0xFFFFF000  }
0x51: {  	_ =	swait.ge @!p4 [sflag:s9], $0x80  }
0x52: {  	[sflag:s9] =	ssyncset.done @!p4 $0x0  }
0x53: {  	s31 =	sadd.s32 $0x10, s1;
	[sflag:s9] =	ssyncadd.s32 @!p4 $0xFFFFFF80;
	s9 =	simm.s32 @!p4 $0x2  }
0x54: {  	[spmem:s2] =	stream.indirect.scatter.add.f32 @!p4 [tilespmem:s8], [sflag:$0x2], $0x20, s0, s8, $0xb8;
	[tilespmem:$0x19720] =	vst v63  }
0x55: {  	s23 =	simm.s32 $0x20;
	p6 =	sgt.u32 s31, $0x1869;
	_ =	swait.ge @!p4 [sflag:s9], $0x1000  }
0x56: {  	s0 =	sadd.s32 $0x100, s18;
	s8 =	sadd.s32 $0x2000, s17;
	[sflag:s9] =	ssyncset.done @!p4 $0x0  }
.LBB2_4:
0x57: {  	s12 =	simm.s32 @!p6 $0x0;
	s28 =	simm.s32 @!p6 $0x80;
	[sflag:s9] =	ssyncadd.s32 @!p4 $0xFFFFF000  }
0x58: {  	[tilespmem:s28], [sflag:$0x1] =	stream.linear.gather @!p6 [hbm4b:s8+s12], $0x1000, $0x38;
	[tilespmem:$0x19720] =	vst v63  }
0x59: {  	s9 =	simm.s32 @!p6 $0x1;
	s29 =	smov.u32 s23;
	s23 =	sadd.s32 $0x10, s23  }
0x5a: {  	[tilespmem:s12], [sflag:$0x1] =	stream.linear.gather @!p6 [hbm4b:s0+s12], $0x80, $0x38;
	[tilespmem:$0x19720] =	vst v63  }
0x5b: {  	p4 =	por p6, p6;
	p1 =	sne.s32 s23, $0x1870;
	_ =	swait.ge @!p6 [sflag:s9], $0x1000  }
0x5c: {  	[sflag:s9] =	ssyncset.done @!p4 $0x0  }
0x5d: {  	[sflag:s9] =	ssyncadd.s32 @!p4 $0xFFFFF000  }
0x5e: {  	_ =	swait.ge @!p4 [sflag:s9], $0x80  }
.Ltmp7:
0x5f: {  	[sflag:s9] =	ssyncset.done @!p4 $0x0;
	(pc) =	sbr.rel @p1 .LBB2_4-.Ltmp7, $4  }
0x60: {  	[sflag:s9] =	ssyncadd.s32 @!p4 $0xFFFFFF80;
	s9 =	simm.s32 @!p4 $0x2  }
0x61: {  	[spmem:s2] =	stream.indirect.scatter.add.f32 @!p4 [tilespmem:s28], [sflag:$0x2], $0x20, s12, s28, $0xb8;
	[tilespmem:$0x19720] =	vst v63  }
0x62: {  	s0 =	sadd.s32 $0x100, s0;
	s12 =	sadd.s32 s29, s1;
	_ =	swait.ge @!p4 [sflag:s9], $0x1000  }
0x63: {  	s8 =	sadd.s32 $0x2000, s8;
	p6 =	sgt.u32 s12, $0x1869;
	[sflag:s9] =	ssyncset.done @!p4 $0x0  }
0x64: {  	s12 =	simm.s32 @!p6 $0x0;
	s23 =	simm.s32 @!p6 $0x80;
	[sflag:s9] =	ssyncadd.s32 @!p4 $0xFFFFF000  }
0x65: {  	[tilespmem:s23], [sflag:$0x1] =	stream.linear.gather @!p6 [hbm4b:s8+s12], $0x1000, $0x38;
	[tilespmem:$0x19720] =	vst v63  }
0x66: {  	s8 =	simm.s32 @!p6 $0x1  }
0x67: {  	[tilespmem:s12], [sflag:$0x1] =	stream.linear.gather @!p6 [hbm4b:s0+s12], $0x80, $0x38;
	[tilespmem:$0x19720] =	vst v63  }
0x68: {  	p1 =	por p6, p6;
	_ =	swait.ge @!p6 [sflag:s8], $0x1000  }
0x69: {  	[sflag:s8] =	ssyncset.done @!p1 $0x0  }
0x6a: {  	[sflag:s8] =	ssyncadd.s32 @!p1 $0xFFFFF000  }
0x6b: {  	_ =	swait.ge @!p1 [sflag:s8], $0x80  }
0x6c: {  	[sflag:s8] =	ssyncset.done @!p1 $0x0  }
0x6d: {  	s0 =	simm.s32 @!p1 $0x2;
	[sflag:s8] =	ssyncadd.s32 @!p1 $0xFFFFFF80  }
0x6e: {  	[spmem:s2] =	stream.indirect.scatter.add.f32 @!p1 [tilespmem:s23], [sflag:$0x2], $0x20, s12, s23, $0xb8;
	[tilespmem:$0x19720] =	vst v63  }
.Ltmp8:
0x6f: {  	_ =	swait.ge @!p1 [sflag:s0], $0x1000;
	(pc) =	sbr.rel @!p2 .LBB2_12-.Ltmp8, $3  }
0x70: {  	[sflag:s0] =	ssyncset.done @!p1 $0x0  }
0x71: {  	[sflag:s0] =	ssyncadd.s32 @!p1 $0xFFFFF000  }
0x72: {  	[bflag:$0x0] =	sbarrier.arrive $0xFFFF;
	_ =	sdelay $0x1  }
0x73: {  	s0 =	sshrl.u32 s6, $0x3;
	s8 =	rddreg [dreg:$0x4]  }
0x74: {  	[hbm:s8], [sflag:s26] =	dma.local [spmem:s0], $0x30E0  }
.Ltmp9:
0x75: {  	_ = 	snop;
	(pc) =	sbr.rel @p3 .LBB2_13-.Ltmp9, $4  }
.Ltmp10:
0x76: {  	_ = 	snop;
	(pc) =	sbr.rel @!p3 .LBB2_11-.Ltmp10, $4  }
0x77: {  	_ =	swait.ge [sflag:s22], $0x30E0  }
0x78: {  	[sflag:s22] =	ssyncset.done $0x0  }
0x79: {  	[sflag:s22] =	ssyncadd.s32 $0xFFFFCF20  }
0x7a: {  	_ = 	snop  }
.LBB2_12:
.Ltmp11:
0x7b: {  	(pc) =	sbr.rel @!p3 .LBB2_11-.Ltmp11, $1  }
0x7c: {  	_ =	sdelay $0x3  }
.LBB2_13:
0x7d: {  	s0 =	sshrl.u32 s4, $0x3;
	s8 =	rddreg [dreg:$0x5]  }
0x7e: {  	[hbm:s8], [sflag:s26] =	dma.local [spmem:s0], $0x3020  }
0x7f: {  	_ =	swait.ge [sflag:s22], $0x3020  }
0x80: {  	[sflag:s22] =	ssyncset.done $0x0  }
0x81: {  	[sflag:s22] =	ssyncadd.s32 $0xFFFFCFE0  }
.Ltmp12:
0x82: {  	[bflag:$0x0] =	sbarrier.arrive $0xFFFF;
	(pc) =	sbr.rel .LBB2_14-.Ltmp12, $2  }
0x83: {  	s31 =	sld [smem:$0x7FC];
	_ =	sdelay $0x2  }
0x84: {  	p3 =	por $0x1, $0x1;
	p4 =	seq.s32 s31, $0x1  }
.LBB2_10:
0x85: {  	[bflag:$0x0] =	sbarrier.arrive $0xFFFF  }
0x86: {  	s0 =	sld [smem:$0x7F9];
	_ =	sdelay $0x2  }
0x87: {  	p0 =	seq.s32 s0, $0x1  }
.LBB2_11:
0x88: {  	[bflag:$0x0] =	sbarrier.arrive $0xFFFF;
	s0 =	simm.s32 @p5 $0x2  }
0x89: {  	[spmem:s24], [sflag:s25] =	dma.local @p5 [hbm:s7], $0x30E0  }
0x8a: {  	_ =	swait.ge @p5 [sflag:s0], $0x30E0  }
0x8b: {  	s31 =	sld [smem:$0x7FC];
	_ =	sdelay $0x1  }
0x8c: {  	p4 =	por @p5 $0x1, $0x1;
	p3 =	por @p5 $0x0, $0x0;
	p1 =	por $0x0, $0x0  }
0x8d: {  	p3 =	por @!p5 p1, p1;
	[sflag:s0] =	ssyncset.done @p5 $0x0;
	p1 =	seq.s32 s31, $0x1  }
0x8e: {  	[sflag:s0] =	ssyncadd.s32 @p5 $0xFFFFCF20;
	p4 =	por @!p5 p1, p1  }
.LBB2_14:
0x8f: {  	p0 =	por !p0, !p4  }
0x90: {  	p0 =	por !p0, !p0  }
0x91: {  	s0 =	sshll.u32 @p0 s1, $0x6  }
0x92: {  	s28 =	sshrl.u32 @p0 s4, $0x3;
	s26 =	sor.u32 @p0 $0x1C02, s0;
	s0 =	simm.s32 @p0 $0x2  }
0x93: {  	[spmem:s28], [sflag:s26] =	dma.local @p0 [hbm:s5], $0x3020  }
.Ltmp13:
0x94: {  	_ =	swait.ge @p0 [sflag:s0], $0x3020;
	(pc) =	sbr.rel @!p4 .LBB2_18-.Ltmp13, $4  }
0x95: {  	[sflag:s0] =	ssyncset.done @p0 $0x0  }
0x96: {  	s8 =	simm.s32 @!p4 $0x0;
	[sflag:s0] =	ssyncadd.s32 @p0 $0xFFFFCFE0  }
0x97: {  	s8 =	simm.s32 @p4 $0x1;
	[bflag:$0x0] =	sbarrier.arrive $0xFFFF  }
0x98: {  	[smem:$0x7F8] =	sst s8  }
0x99: {  	s8 =	sadd.s32 $0x0, s1  }
0x9a: {  	p1 =	sgt.u32 s8, $0x1869  }
0x9b: {  	s8 =	simm.s32 @!p1 $0x0;
	s12 =	simm.s32 @!p1 $0x80  }
0x9c: {  	[tilespmem:s12], [sflag:$0x1] =	stream.linear.gather @!p1 [hbm4b:s19+s8], $0x1000, $0x38;
	[tilespmem:$0x19720] =	vst v63  }
0x9d: {  	s9 =	simm.s32 @!p1 $0x1  }
0x9e: {  	[tilespmem:s8], [sflag:$0x1] =	stream.linear.gather @!p1 [hbm4b:s18+s8], $0x80, $0x38;
	[tilespmem:$0x19720] =	vst v63  }
0x9f: {  	p6 =	por p1, p1;
	_ =	swait.ge @!p1 [sflag:s9], $0x1000  }
0xa0: {  	[sflag:s9] =	ssyncset.done @!p6 $0x0  }
0xa1: {  	[sflag:s9] =	ssyncadd.s32 @!p6 $0xFFFFF000  }
0xa2: {  	_ =	swait.ge @!p6 [sflag:s9], $0x80  }
0xa3: {  	[sflag:s9] =	ssyncset.done @!p6 $0x0  }
0xa4: {  	s23 =	simm.s32 $0x20;
	[sflag:s9] =	ssyncadd.s32 @!p6 $0xFFFFFF80;
	s9 =	simm.s32 @!p6 $0x2  }
0xa5: {  	[spmem:s2] =	stream.indirect.scatter.add.f32 @!p6 [tilespmem:s12], [sflag:$0x2], $0x20, s8, s12, $0xb8;
	[tilespmem:$0x19720] =	vst v63  }
0xa6: {  	s31 =	sadd.s32 $0x10, s1;
	s29 =	sadd.s32 $0x100, s18;
	_ =	swait.ge @!p6 [sflag:s9], $0x1000  }
0xa7: {  	p1 =	sgt.u32 s31, $0x1869;
	s8 =	sadd.s32 $0x2000, s19;
	[sflag:s9] =	ssyncset.done @!p6 $0x0  }
.LBB2_16:
0xa8: {  	s12 =	simm.s32 @!p1 $0x0;
	s30 =	simm.s32 @!p1 $0x80;
	[sflag:s9] =	ssyncadd.s32 @!p6 $0xFFFFF000  }
0xa9: {  	[tilespmem:s30], [sflag:$0x1] =	stream.linear.gather @!p1 [hbm4b:s8+s12], $0x1000, $0x38;
	[tilespmem:$0x19720] =	vst v63  }
0xaa: {  	s9 =	simm.s32 @!p1 $0x1;
	s31 =	smov.u32 s23;
	s23 =	sadd.s32 $0x10, s23  }
0xab: {  	[tilespmem:s12], [sflag:$0x1] =	stream.linear.gather @!p1 [hbm4b:s29+s12], $0x80, $0x38;
	[tilespmem:$0x19720] =	vst v63  }
0xac: {  	p6 =	por p1, p1;
	p4 =	sne.s32 s23, $0x1870;
	_ =	swait.ge @!p1 [sflag:s9], $0x1000  }
0xad: {  	[sflag:s9] =	ssyncset.done @!p6 $0x0  }
0xae: {  	[sflag:s9] =	ssyncadd.s32 @!p6 $0xFFFFF000  }
0xaf: {  	_ =	swait.ge @!p6 [sflag:s9], $0x80  }
.Ltmp14:
0xb0: {  	[sflag:s9] =	ssyncset.done @!p6 $0x0;
	(pc) =	sbr.rel @p4 .LBB2_16-.Ltmp14, $4  }
0xb1: {  	[sflag:s9] =	ssyncadd.s32 @!p6 $0xFFFFFF80;
	s9 =	simm.s32 @!p6 $0x2  }
0xb2: {  	[spmem:s2] =	stream.indirect.scatter.add.f32 @!p6 [tilespmem:s30], [sflag:$0x2], $0x20, s12, s30, $0xb8;
	[tilespmem:$0x19720] =	vst v63  }
0xb3: {  	s29 =	sadd.s32 $0x100, s29;
	s12 =	sadd.s32 s31, s1;
	_ =	swait.ge @!p6 [sflag:s9], $0x1000  }
0xb4: {  	s8 =	sadd.s32 $0x2000, s8;
	p1 =	sgt.u32 s12, $0x1869;
	[sflag:s9] =	ssyncset.done @!p6 $0x0  }
0xb5: {  	s12 =	simm.s32 @!p1 $0x0;
	s23 =	simm.s32 @!p1 $0x80;
	[sflag:s9] =	ssyncadd.s32 @!p6 $0xFFFFF000  }
0xb6: {  	[tilespmem:s23], [sflag:$0x1] =	stream.linear.gather @!p1 [hbm4b:s8+s12], $0x1000, $0x38;
	[tilespmem:$0x19720] =	vst v63  }
0xb7: {  	s8 =	simm.s32 @!p1 $0x1  }
0xb8: {  	[tilespmem:s12], [sflag:$0x1] =	stream.linear.gather @!p1 [hbm4b:s29+s12], $0x80, $0x38;
	[tilespmem:$0x19720] =	vst v63  }
0xb9: {  	_ =	swait.ge @!p1 [sflag:s8], $0x1000;
	p1 =	por p1, p1  }
0xba: {  	[sflag:s8] =	ssyncset.done @!p1 $0x0  }
0xbb: {  	[sflag:s8] =	ssyncadd.s32 @!p1 $0xFFFFF000  }
0xbc: {  	_ =	swait.ge @!p1 [sflag:s8], $0x80  }
0xbd: {  	[sflag:s8] =	ssyncset.done @!p1 $0x0  }
0xbe: {  	[sflag:s8] =	ssyncadd.s32 @!p1 $0xFFFFFF80;
	s8 =	simm.s32 @!p1 $0x2  }
0xbf: {  	[spmem:s2] =	stream.indirect.scatter.add.f32 @!p1 [tilespmem:s23], [sflag:$0x2], $0x20, s12, s23, $0xb8;
	[tilespmem:$0x19720] =	vst v63  }
0xc0: {  	_ =	swait.ge @!p1 [sflag:s8], $0x1000  }
0xc1: {  	s31 =	sld [smem:$0x7F8];
	_ =	sdelay $0x1  }
0xc2: {  	[sflag:s8] =	ssyncset.done @!p1 $0x0  }
0xc3: {  	[sflag:s8] =	ssyncadd.s32 @!p1 $0xFFFFF000;
	p4 =	seq.s32 s31, $0x1  }
.LBB2_18:
0xc4: {  	[bflag:$0x0] =	sbarrier.arrive $0xFFFF  }
0xc5: {  	s8 =	rddreg [dreg:$0x6]  }
0xc6: {  	[hbm:s8], [sflag:s25] =	dma.local @p5 [spmem:s24], $0x30E0  }
0xc7: {  	s8 =	simm.s32 @p5 $0x2  }
0xc8: {  	_ =	swait.ge @p5 [sflag:s8], $0x30E0  }
0xc9: {  	[sflag:s8] =	ssyncset.done @p5 $0x0  }
0xca: {  	[sflag:s8] =	ssyncadd.s32 @p5 $0xFFFFCF20;
	s8 =	rddreg [dreg:$0x7]  }
0xcb: {  	[hbm:s8], [sflag:s26] =	dma.local @p0 [spmem:s28], $0x3020  }
0xcc: {  	_ =	swait.ge @p0 [sflag:s0], $0x3020  }
0xcd: {  	[sflag:s0] =	ssyncset.done @p0 $0x0  }
0xce: {  	s8 =	simm.s32 @p2 $0x2;
	[sflag:s0] =	ssyncadd.s32 @p0 $0xFFFFCFE0;
	s0 =	sshll.u32 @p2 s1, $0x6  }
0xcf: {  	[bflag:$0x0] =	sbarrier.arrive $0xFFFF;
	s31 =	sor.u32 @p2 $0x1C02, s0;
	s0 =	sshrl.u32 @p2 s6, $0x3  }
0xd0: {  	[spmem:s0], [sflag:s31] =	dma.local @p2 [hbm:s7], $0x30E0  }
0xd1: {  	_ =	swait.ge @p2 [sflag:s8], $0x30E0  }
0xd2: {  	s9 =	sshll.u32 @p3 s1, $0x6;
	s30 =	sshrl.u32 @p3 s4, $0x3;
	[sflag:s8] =	ssyncset.done @p2 $0x0  }
0xd3: {  	s29 =	sor.u32 @p3 $0x1C02, s9;
	[sflag:s8] =	ssyncadd.s32 @p2 $0xFFFFCF20;
	s8 =	simm.s32 @p3 $0x2  }
0xd4: {  	[spmem:s30], [sflag:s29] =	dma.local @p3 [hbm:s5], $0x3020  }
0xd5: {  	_ =	swait.ge @p3 [sflag:s8], $0x3020  }
0xd6: {  	[sflag:s8] =	ssyncset.done @p3 $0x0  }
0xd7: {  	[sflag:s8] =	ssyncadd.s32 @p3 $0xFFFFCFE0  }
0xd8: {  	[bflag:$0x0] =	sbarrier.arrive $0xFFFF  }
0xd9: {  	s23 =	sld [smem:$0x7FD];
	_ =	sdelay $0x2  }
0xda: {  	p1 =	seq.s32 s23, $0x1  }
.Ltmp15:
0xdb: {  	_ = 	snop;
	(pc) =	sbr.rel @p1 .LBB2_19-.Ltmp15, $1  }
0xdc: {  	_ =	sdelay $0x3  }
0xdd: {  	s8 =	sadd.s32 $0x0, s1  }
0xde: {  	p1 =	sgt.u32 s8, $0x1869  }
0xdf: {  	s9 =	simm.s32 @!p1 $0x0;
	s23 =	simm.s32 @!p1 $0x80  }
0xe0: {  	[tilespmem:s23], [sflag:$0x1] =	stream.linear.gather @!p1 [hbm4b:s20+s9], $0x1000, $0x38;
	[tilespmem:$0x19720] =	vst v63  }
0xe1: {  	s12 =	simm.s32 @!p1 $0x1  }
0xe2: {  	[tilespmem:s9], [sflag:$0x1] =	stream.linear.gather @!p1 [hbm4b:s18+s9], $0x80, $0x38;
	[tilespmem:$0x19720] =	vst v63  }
0xe3: {  	p6 =	por p1, p1;
	_ =	swait.ge @!p1 [sflag:s12], $0x1000  }
0xe4: {  	[sflag:s12] =	ssyncset.done @!p6 $0x0  }
0xe5: {  	[sflag:s12] =	ssyncadd.s32 @!p6 $0xFFFFF000  }
0xe6: {  	_ =	swait.ge @!p6 [sflag:s12], $0x80  }
0xe7: {  	[sflag:s12] =	ssyncset.done @!p6 $0x0  }
0xe8: {  	s13 =	sadd.s32 $0x10, s1;
	[sflag:s12] =	ssyncadd.s32 @!p6 $0xFFFFFF80;
	s12 =	simm.s32 @!p6 $0x2  }
0xe9: {  	[spmem:s2] =	stream.indirect.scatter.add.f32 @!p6 [tilespmem:s23], [sflag:$0x2], $0x20, s9, s23, $0xb8;
	[tilespmem:$0x19720] =	vst v63  }
0xea: {  	s8 =	simm.s32 $0x20;
	p1 =	sgt.u32 s13, $0x1869;
	_ =	swait.ge @!p6 [sflag:s12], $0x1000  }
0xeb: {  	s23 =	sadd.s32 $0x100, s18;
	s9 =	sadd.s32 $0x2000, s20;
	[sflag:s12] =	ssyncset.done @!p6 $0x0  }
.LBB2_21:
0xec: {  	s10 =	simm.s32 @!p1 $0x0;
	s11 =	simm.s32 @!p1 $0x80;
	[sflag:s12] =	ssyncadd.s32 @!p6 $0xFFFFF000  }
0xed: {  	[tilespmem:s11], [sflag:$0x1] =	stream.linear.gather @!p1 [hbm4b:s9+s10], $0x1000, $0x38;
	[tilespmem:$0x19720] =	vst v63  }
0xee: {  	s12 =	simm.s32 @!p1 $0x1;
	s13 =	smov.u32 s8;
	s8 =	sadd.s32 $0x10, s8  }
0xef: {  	[tilespmem:s10], [sflag:$0x1] =	stream.linear.gather @!p1 [hbm4b:s23+s10], $0x80, $0x38;
	[tilespmem:$0x19720] =	vst v63  }
0xf0: {  	p6 =	por p1, p1;
	p4 =	sne.s32 s8, $0x1870;
	_ =	swait.ge @!p1 [sflag:s12], $0x1000  }
0xf1: {  	[sflag:s12] =	ssyncset.done @!p6 $0x0  }
0xf2: {  	[sflag:s12] =	ssyncadd.s32 @!p6 $0xFFFFF000  }
0xf3: {  	_ =	swait.ge @!p6 [sflag:s12], $0x80  }
.Ltmp16:
0xf4: {  	[sflag:s12] =	ssyncset.done @!p6 $0x0;
	(pc) =	sbr.rel @p4 .LBB2_21-.Ltmp16, $4  }
0xf5: {  	[sflag:s12] =	ssyncadd.s32 @!p6 $0xFFFFFF80;
	s12 =	simm.s32 @!p6 $0x2  }
0xf6: {  	[spmem:s2] =	stream.indirect.scatter.add.f32 @!p6 [tilespmem:s11], [sflag:$0x2], $0x20, s10, s11, $0xb8;
	[tilespmem:$0x19720] =	vst v63  }
0xf7: {  	s23 =	sadd.s32 $0x100, s23;
	s10 =	sadd.s32 s13, s1;
	_ =	swait.ge @!p6 [sflag:s12], $0x1000  }
0xf8: {  	s9 =	sadd.s32 $0x2000, s9;
	p1 =	sgt.u32 s10, $0x1869;
	[sflag:s12] =	ssyncset.done @!p6 $0x0  }
0xf9: {  	s8 =	simm.s32 @!p1 $0x0;
	s10 =	simm.s32 @!p1 $0x80;
	[sflag:s12] =	ssyncadd.s32 @!p6 $0xFFFFF000  }
0xfa: {  	[tilespmem:s10], [sflag:$0x1] =	stream.linear.gather @!p1 [hbm4b:s9+s8], $0x1000, $0x38;
	[tilespmem:$0x19720] =	vst v63  }
0xfb: {  	s9 =	simm.s32 @!p1 $0x1  }
0xfc: {  	[tilespmem:s8], [sflag:$0x1] =	stream.linear.gather @!p1 [hbm4b:s23+s8], $0x80, $0x38;
	[tilespmem:$0x19720] =	vst v63  }
0xfd: {  	_ =	swait.ge @!p1 [sflag:s9], $0x1000;
	p1 =	por p1, p1  }
0xfe: {  	[sflag:s9] =	ssyncset.done @!p1 $0x0  }
0xff: {  	[sflag:s9] =	ssyncadd.s32 @!p1 $0xFFFFF000  }
0x100: {  	_ =	swait.ge @!p1 [sflag:s9], $0x80  }
0x101: {  	[sflag:s9] =	ssyncset.done @!p1 $0x0  }
0x102: {  	[sflag:s9] =	ssyncadd.s32 @!p1 $0xFFFFFF80;
	s9 =	simm.s32 @!p1 $0x2  }
0x103: {  	[spmem:s2] =	stream.indirect.scatter.add.f32 @!p1 [tilespmem:s10], [sflag:$0x2], $0x20, s8, s10, $0xb8;
	[tilespmem:$0x19720] =	vst v63  }
0x104: {  	_ =	swait.ge @!p1 [sflag:s9], $0x1000  }
0x105: {  	[sflag:s9] =	ssyncset.done @!p1 $0x0  }
0x106: {  	[sflag:s9] =	ssyncadd.s32 @!p1 $0xFFFFF000  }
0x107: {  	[bflag:$0x0] =	sbarrier.arrive $0xFFFF  }
0x108: {  	s8 =	rddreg [dreg:$0x8]  }
0x109: {  	[hbm:s8], [sflag:s31] =	dma.local @p2 [spmem:s0], $0x30E0  }
0x10a: {  	s0 =	simm.s32 @p2 $0x2  }
.Ltmp17:
0x10b: {  	_ =	swait.ge @p2 [sflag:s0], $0x30E0;
	(pc) =	sbr.rel .LBB2_23-.Ltmp17, $3  }
0x10c: {  	s31 =	sld [smem:$0x7F8];
	_ =	sdelay $0x1  }
0x10d: {  	[sflag:s0] =	ssyncset.done @p2 $0x0  }
0x10e: {  	[sflag:s0] =	ssyncadd.s32 @p2 $0xFFFFCF20;
	p4 =	seq.s32 s31, $0x1  }
.LBB2_19:
0x10f: {  	[bflag:$0x0] =	sbarrier.arrive $0xFFFF  }
.LBB2_23:
0x110: {  	s0 =	rddreg [dreg:$0x9]  }
0x111: {  	[hbm:s0], [sflag:s29] =	dma.local @p3 [spmem:s30], $0x3020  }
0x112: {  	s0 =	simm.s32 @p3 $0x2  }
0x113: {  	_ =	swait.ge @p3 [sflag:s0], $0x3020  }
0x114: {  	[sflag:s0] =	ssyncset.done @p3 $0x0  }
0x115: {  	[sflag:s0] =	ssyncadd.s32 @p3 $0xFFFFCFE0  }
0x116: {  	s0 =	simm.s32 @p5 $0x2;
	[bflag:$0x0] =	sbarrier.arrive $0xFFFF  }
0x117: {  	[spmem:s24], [sflag:s25] =	dma.local @p5 [hbm:s7], $0x30E0  }
0x118: {  	_ =	swait.ge @p5 [sflag:s0], $0x30E0  }
0x119: {  	[sflag:s0] =	ssyncset.done @p5 $0x0  }
0x11a: {  	s29 =	simm.s32 @p0 $0x2;
	[sflag:s0] =	ssyncadd.s32 @p5 $0xFFFFCF20  }
0x11b: {  	[spmem:s28], [sflag:s26] =	dma.local @p0 [hbm:s5], $0x3020  }
.Ltmp18:
0x11c: {  	_ =	swait.ge @p0 [sflag:s29], $0x3020;
	(pc) =	sbr.rel @!p4 .LBB2_27-.Ltmp18, $3  }
0x11d: {  	[sflag:s29] =	ssyncset.done @p0 $0x0  }
0x11e: {  	[sflag:s29] =	ssyncadd.s32 @p0 $0xFFFFCFE0  }
0x11f: {  	[bflag:$0x0] =	sbarrier.arrive $0xFFFF;
	_ =	sdelay $0x1  }
0x120: {  	s8 =	sadd.s32 $0x0, s1  }
0x121: {  	p1 =	sgt.u32 s8, $0x1869  }
0x122: {  	s9 =	simm.s32 @!p1 $0x0;
	s10 =	simm.s32 @!p1 $0x80  }
0x123: {  	[tilespmem:s10], [sflag:$0x1] =	stream.linear.gather @!p1 [hbm4b:s21+s9], $0x1000, $0x38;
	[tilespmem:$0x19720] =	vst v63  }
0x124: {  	s11 =	simm.s32 @!p1 $0x1  }
0x125: {  	[tilespmem:s9], [sflag:$0x1] =	stream.linear.gather @!p1 [hbm4b:s18+s9], $0x80, $0x38;
	[tilespmem:$0x19720] =	vst v63  }
0x126: {  	p3 =	por p1, p1;
	_ =	swait.ge @!p1 [sflag:s11], $0x1000  }
0x127: {  	[sflag:s11] =	ssyncset.done @!p3 $0x0  }
0x128: {  	[sflag:s11] =	ssyncadd.s32 @!p3 $0xFFFFF000  }
0x129: {  	_ =	swait.ge @!p3 [sflag:s11], $0x80  }
0x12a: {  	[sflag:s11] =	ssyncset.done @!p3 $0x0  }
0x12b: {  	s31 =	sadd.s32 $0x10, s1;
	s12 =	simm.s32 @!p3 $0x2;
	[sflag:s11] =	ssyncadd.s32 @!p3 $0xFFFFFF80  }
0x12c: {  	[spmem:s2] =	stream.indirect.scatter.add.f32 @!p3 [tilespmem:s10], [sflag:$0x2], $0x20, s9, s10, $0xb8;
	[tilespmem:$0x19720] =	vst v63  }
0x12d: {  	s23 =	sadd.s32 $0x100, s18;
	s8 =	simm.s32 $0x20;
	_ =	swait.ge @!p3 [sflag:s12], $0x1000  }
0x12e: {  	p1 =	sgt.u32 s31, $0x1869;
	s9 =	sadd.s32 $0x2000, s21;
	[sflag:s12] =	ssyncset.done @!p3 $0x0  }
.LBB2_25:
0x12f: {  	s10 =	simm.s32 @!p1 $0x0;
	s11 =	simm.s32 @!p1 $0x80;
	[sflag:s12] =	ssyncadd.s32 @!p3 $0xFFFFF000  }
0x130: {  	[tilespmem:s11], [sflag:$0x1] =	stream.linear.gather @!p1 [hbm4b:s9+s10], $0x1000, $0x38;
	[tilespmem:$0x19720] =	vst v63  }
0x131: {  	s12 =	simm.s32 @!p1 $0x1;
	s13 =	smov.u32 s8;
	s8 =	sadd.s32 $0x10, s8  }
0x132: {  	[tilespmem:s10], [sflag:$0x1] =	stream.linear.gather @!p1 [hbm4b:s23+s10], $0x80, $0x38;
	[tilespmem:$0x19720] =	vst v63  }
0x133: {  	p3 =	por p1, p1;
	p4 =	sne.s32 s8, $0x1870;
	_ =	swait.ge @!p1 [sflag:s12], $0x1000  }
0x134: {  	[sflag:s12] =	ssyncset.done @!p3 $0x0  }
0x135: {  	[sflag:s12] =	ssyncadd.s32 @!p3 $0xFFFFF000  }
0x136: {  	_ =	swait.ge @!p3 [sflag:s12], $0x80  }
.Ltmp19:
0x137: {  	[sflag:s12] =	ssyncset.done @!p3 $0x0;
	(pc) =	sbr.rel @p4 .LBB2_25-.Ltmp19, $4  }
0x138: {  	[sflag:s12] =	ssyncadd.s32 @!p3 $0xFFFFFF80;
	s12 =	simm.s32 @!p3 $0x2  }
0x139: {  	[spmem:s2] =	stream.indirect.scatter.add.f32 @!p3 [tilespmem:s11], [sflag:$0x2], $0x20, s10, s11, $0xb8;
	[tilespmem:$0x19720] =	vst v63  }
0x13a: {  	s23 =	sadd.s32 $0x100, s23;
	s10 =	sadd.s32 s13, s1;
	_ =	swait.ge @!p3 [sflag:s12], $0x1000  }
0x13b: {  	s9 =	sadd.s32 $0x2000, s9;
	p1 =	sgt.u32 s10, $0x1869;
	[sflag:s12] =	ssyncset.done @!p3 $0x0  }
0x13c: {  	s8 =	simm.s32 @!p1 $0x0;
	s10 =	simm.s32 @!p1 $0x80;
	[sflag:s12] =	ssyncadd.s32 @!p3 $0xFFFFF000  }
0x13d: {  	[tilespmem:s10], [sflag:$0x1] =	stream.linear.gather @!p1 [hbm4b:s9+s8], $0x1000, $0x38;
	[tilespmem:$0x19720] =	vst v63  }
0x13e: {  	s9 =	simm.s32 @!p1 $0x1  }
0x13f: {  	[tilespmem:s8], [sflag:$0x1] =	stream.linear.gather @!p1 [hbm4b:s23+s8], $0x80, $0x38;
	[tilespmem:$0x19720] =	vst v63  }
0x140: {  	_ =	swait.ge @!p1 [sflag:s9], $0x1000;
	p1 =	por p1, p1  }
0x141: {  	[sflag:s9] =	ssyncset.done @!p1 $0x0  }
0x142: {  	[sflag:s9] =	ssyncadd.s32 @!p1 $0xFFFFF000  }
0x143: {  	_ =	swait.ge @!p1 [sflag:s9], $0x80  }
0x144: {  	[sflag:s9] =	ssyncset.done @!p1 $0x0  }
.Ltmp20:
0x145: {  	[sflag:s9] =	ssyncadd.s32 @!p1 $0xFFFFFF80;
	s9 =	simm.s32 @!p1 $0x2;
	(pc) =	sbr.rel .LBB2_27-.Ltmp20, $4  }
0x146: {  	[spmem:s2] =	stream.indirect.scatter.add.f32 @!p1 [tilespmem:s10], [sflag:$0x2], $0x20, s8, s10, $0xb8;
	[tilespmem:$0x19720] =	vst v63  }
0x147: {  	_ =	swait.ge @!p1 [sflag:s9], $0x1000  }
0x148: {  	[sflag:s9] =	ssyncset.done @!p1 $0x0  }
0x149: {  	[sflag:s9] =	ssyncadd.s32 @!p1 $0xFFFFF000  }
.LBB2_28:
0x14a: {  	_ =	sfence.sel $0x180000  }
0x14b: {  	[bflag:$0x0] =	sbarrier.arrive $0xFFFF  }
0x14c: {  	_ =	strace $0x9000004A  }
0x14d: {  	[bflag:$0x2] =	sbarrier.arrive $0xFFFF  }
0x14e: {  	p0 =	sne.s32 s1, $0x0;
	s0 =	rddreg [dreg:$0x3]  }
0x14f: {  	s0 =	sadd.s32 @!p0 $0x100000, s0  }
0x150: {  	[sflag:s0] =	ssyncadd.tile.s32 @!p0 $0x1;
	_ =	shalt  }
.Lfunc_end2:
_tile_overlayer_lowered:
.L_overlay_start_2:
0x151: {  	(tag) =	ssettag $0x2  }
0x152: {  	s0 =	rddreg [dreg:$0x0];
	s2 =	stileid.u32  }
0x153: {  	s1 =	rddreg [dreg:$0x1];
	p0 =	sne.s32 s2, $0x0  }
0x154: {  	s3 =	rddreg [dreg:$0x2];
	[bflag:$0x3] =	sbarrier.arrive $0xFFFF;
	s2 =	simm.s32 @!p0 $0x1C02  }
0x155: {  	[timem:s3], [sflag:s2] =	dma.local @!p0 [hbm:s0], s1  }
0x156: {  	s0 =	simm.s32 @!p0 $0x2  }
0x157: {  	_ =	swait.ge @!p0 [sflag:s0], s1  }
0x158: {  	s1 =	ssub.s32 @!p0 $0x0, s1;
	[sflag:s0] =	ssyncset.done @!p0 $0x0  }
0x159: {  	[sflag:s0] =	ssyncadd.s32 @!p0 s1  }
0x15a: {  	[bflag:$0x3] =	sbarrier.arrive $0xFFFF  }
0x15b: {  	_ =	shalt  }

// kernel: kernel.16.cloned.1.call-start
scs
__scs_entry_jumppad:
0x0: {  	(pc) =	sbr.rel $0x88, $3  }
0x1: {  	(tag) =	ssettag $0x0;
	lr =	simm.s32 $0x1  }
0x2: {  	[smem:$0x3F8B] =	sst lr;
	_ =	strace $0xD0000000  }
0x3: {  	_ = 	snop  }
0x4: {  	_ = 	snop  }
0x5: {  	_ = 	snop  }
0x6: {  	_ = 	snop  }
0x7: {  	_ = 	snop  }
__scs_overlays_trampoline_lowered:
0x8: {  	[smem:$0x3F9A] =	sst s0  }
0x9: {  	[smem:$0x3F9B] =	sst s1  }
0xa: {  	[smem:$0x3F9C] =	sst s2  }
0xb: {  	[smem:$0x3F9D] =	sst s3  }
0xc: {  	[smem:$0x3F9E] =	sst s4  }
0xd: {  	[smem:$0x3F9F] =	sst s5  }
0xe: {  	[smem:$0x3FA0] =	sst s6  }
0xf: {  	[smem:$0x3FA1] =	sst s7  }
0x10: {  	[smem:$0x3FA2] =	sst s8  }
0x11: {  	[smem:$0x3FA3] =	sst s9;
	s0 =	simm.s32 @!p0 $0x0  }
0x12: {  	s1 =	sld [smem:$0x3F89];
	s0 =	simm.s32 @p0 $0x1  }
0x13: {  	[smem:$0x3FA4] =	sst s0;
	s0 =	simm.s32 @!p1 $0x0  }
0x14: {  	s2 =	sld [smem:$0x3F88];
	s0 =	simm.s32 @p1 $0x1  }
0x15: {  	[smem:$0x3FA5] =	sst s0;
	s0 =	simm.s32 @!p2 $0x0  }
0x16: {  	s3 =	sld [smem:$0x3FDB];
	s0 =	simm.s32 @p2 $0x1  }
0x17: {  	s4 =	simm.s32 $0x1BF5;
	[smem:$0x3FA7] =	sst s0  }
0x18: {  	s0 =	sld [smem:$0x3F8A];
	_ =	swait.ge [sflag:s4], $0x0  }
0x19: {  	s7 =	sld [smem:$0x3F8B]  }
0x1a: {  	s8 =	sadd.s32 $0xFFFFE003, lr  }
0x1b: {  	s9 =	sadd.s32 $0xFFFFFEF7, lr;
	s5 =	simm.s32 $0xFFFFFFFF;
	p2 =	slt.u32 s8, $0xFFFFF086  }
0x1c: {  	p1 =	slt.u32 s9, $0xF7A;
	s5 =	simm.s32 @!p2 $0x0  }
0x1d: {  	s5 =	simm.s32 @p1 $0x1;
	p0 =	seq.s32 s7, s2  }
0x1e: {  	s7 =	smul.u32 @!p0 $0xF7A, s2;
	p2 =	seq.s32 @!p0 s5, $0x0  }
0x1f: {  	s9 =	smul.u32 $0xF7A, s1;
	s8 =	simm.s32 @!p0 $0x1BF5;
	p2 =	por !p2, p0  }
0x20: {  	[sflag:s8] =	ssyncset.s32 @!p0 $0xFFFFF086;
	s6 =	sadd.s32 @!p0 s3, s7;
	s7 =	simm.s32 @!p0 $0x108  }
0x21: {  	s3 =	sadd.s32 s3, s9;
	s6 =	sadd.s32 @!p0 $0x88, s6;
	s7 =	simm.s32 @p2 $0x1082  }
0x22: {  	[simem:s7], [sflag:s8] =	dma.local @!p0 [hbm:s6], $0xF7A  }
0x23: {  	s9 =	sor.u32 $0xD0000000, s2;
	s6 =	simm.s32 $0x108;
	_ =	swait.ge @!p0 [sflag:s8], $0x0  }
0x24: {  	s3 =	sadd.s32 $0x88, s3;
	s6 =	simm.s32 @!p1 $0x1082;
	[sflag:s4] =	ssyncset.s32 $0xFFFFF086  }
0x25: {  	[simem:s6], [sflag:s4] =	dma.local [hbm:s3], $0xF7A  }
0x26: {  	[smem:$0x3F8B] =	sst s1;
	(tag) =	ssettag s2;
	_ =	strace s9  }
0x27: {  	s1 =	sld [smem:$0x3F9B]  }
0x28: {  	s2 =	sld [smem:$0x3F9C]  }
0x29: {  	s4 =	sld [smem:$0x3F9E]  }
0x2a: {  	p0 =	seq.s32 s5, $0x0;
	s5 =	sld [smem:$0x3F9F]  }
0x2b: {  	s6 =	sld [smem:$0x3FA0]  }
0x2c: {  	s7 =	sld [smem:$0x3FA1]  }
0x2d: {  	s3 =	simm.s32 $0x108;
	s8 =	sld [smem:$0x3FA2]  }
0x2e: {  	s3 =	simm.s32 @!p0 $0x1082;
	s9 =	sld [smem:$0x3FA3]  }
0x2f: {  	lr =	sadd.s32 s0, s3;
	s0 =	sld [smem:$0x3F9A]  }
0x30: {  	s3 =	sld [smem:$0x3F9D]  }
0x31: {  	[smem:$0x3FA6] =	sst s10  }
0x32: {  	s10 =	sld [smem:$0x3FA4];
	_ =	sdelay $0x3  }
0x33: {  	p0 =	seq.s32 s10, $0x1;
	s10 =	sld [smem:$0x3FA6];
	_ =	sdelay $0x3  }
0x34: {  	[smem:$0x3FA6] =	sst s10  }
0x35: {  	s10 =	sld [smem:$0x3FA5];
	_ =	sdelay $0x3  }
0x36: {  	p1 =	seq.s32 s10, $0x1;
	s10 =	sld [smem:$0x3FA6];
	_ =	sdelay $0x3  }
0x37: {  	[smem:$0x3FA6] =	sst s10  }
0x38: {  	s10 =	sld [smem:$0x3FA7]  }
0x39: {  	_ = 	snop;
	(pc) =	sbr.ind lr, $3  }
0x3a: {  	_ = 	snop  }
0x3b: {  	_ = 	snop  }
0x3c: {  	p2 =	seq.s32 s10, $0x1;
	s10 =	sld [smem:$0x3FA6]  }
0x3d: {  	_ =	shalt  }
0x3e: {  	_ =	shalt  }
0x3f: {  	_ =	shalt  }
0x40: {  	_ =	shalt  }
0x41: {  	_ =	shalt  }
0x42: {  	_ =	shalt  }
0x43: {  	_ =	shalt  }
0x44: {  	_ =	shalt  }
0x45: {  	_ =	shalt  }
0x46: {  	_ =	shalt  }
0x47: {  	_ =	shalt  }
0x48: {  	_ =	shalt  }
0x49: {  	_ =	shalt  }
0x4a: {  	_ =	shalt  }
0x4b: {  	_ =	shalt  }
0x4c: {  	_ =	shalt  }
0x4d: {  	_ =	shalt  }
0x4e: {  	_ =	shalt  }
0x4f: {  	_ =	shalt  }
0x50: {  	_ =	shalt  }
0x51: {  	_ =	shalt  }
0x52: {  	_ =	shalt  }
0x53: {  	_ =	shalt  }
0x54: {  	_ =	shalt  }
0x55: {  	_ =	shalt  }
0x56: {  	_ =	shalt  }
0x57: {  	_ =	shalt  }
0x58: {  	_ =	shalt  }
0x59: {  	_ =	shalt  }
0x5a: {  	_ =	shalt  }
0x5b: {  	_ =	shalt  }
0x5c: {  	_ =	shalt  }
0x5d: {  	_ =	shalt  }
0x5e: {  	_ =	shalt  }
0x5f: {  	_ =	shalt  }
0x60: {  	_ =	shalt  }
0x61: {  	_ =	shalt  }
0x62: {  	_ =	shalt  }
0x63: {  	_ =	shalt  }
0x64: {  	_ =	shalt  }
0x65: {  	_ =	shalt  }
0x66: {  	_ =	shalt  }
0x67: {  	_ =	shalt  }
0x68: {  	_ =	shalt  }
0x69: {  	_ =	shalt  }
0x6a: {  	_ =	shalt  }
0x6b: {  	_ =	shalt  }
0x6c: {  	_ =	shalt  }
0x6d: {  	_ =	shalt  }
0x6e: {  	_ =	shalt  }
0x6f: {  	_ =	shalt  }
0x70: {  	_ =	shalt  }
0x71: {  	_ =	shalt  }
0x72: {  	_ =	shalt  }
0x73: {  	_ =	shalt  }
0x74: {  	_ =	shalt  }
0x75: {  	_ =	shalt  }
0x76: {  	_ =	shalt  }
0x77: {  	_ =	shalt  }
0x78: {  	_ =	shalt  }
0x79: {  	_ =	shalt  }
0x7a: {  	_ =	shalt  }
0x7b: {  	_ =	shalt  }
0x7c: {  	_ =	shalt  }
0x7d: {  	_ =	shalt  }
0x7e: {  	_ =	shalt  }
0x7f: {  	_ =	shalt  }
0x80: {  	_ =	shalt  }
0x81: {  	_ =	shalt  }
0x82: {  	_ =	shalt  }
0x83: {  	_ =	shalt  }
0x84: {  	_ =	shalt  }
0x85: {  	_ =	shalt  }
0x86: {  	_ =	shalt  }
0x87: {  	_ =	shalt  }
.Lfunc_end0:
.L_simem_size_0:
called_computation.2_lowered:
.L_overlay_start_0:
0x88: {  	s2 =	sld [smem:$0x3FD9]  }
0x89: {  	s3 =	sld [smem:$0x3FFE];
	_ =	sdelay $0x1  }
0x8a: {  	s1 =	srdreg.scid  }
0x8b: {  	s0 =	sand.u32 $0x1, s1  }
0x8c: {  	s16 =	sshll.u32 s0, $0xA;
	s2 =	sadd.s32 s3, s2  }
0x8d: {  	s2 =	sadd.s32 s2, s16  }
0x8e: {  	[smem:$0x3FB2] =	sst s2  }
0x8f: {  	_ = 	snop  }
0x90: {  	(tm) =	ssettm $0x1  }
0x91: {  	s17 =	sld [smem:$0x3FFB];
	_ =	sdelay $0x3  }
0x92: {  	_ =	strace s17  }
0x93: {  	s2 =	sld [smem:$0x3FFC];
	_ =	sdelay $0x3  }
0x94: {  	_ =	strace s2  }
0x95: {  	s2 =	sld [smem:$0x3FFD];
	_ =	sdelay $0x3  }
0x96: {  	_ =	strace s2  }
0x97: {  	_ =	strace $0x8FFFFFFF  }
0x98: {  	s18 =	sld [smem:$0x3FDB];
	_ =	sdelay $0x1  }
0x99: {  	s19 =	simm.s32 $_scs_section_size  }
0x9a: {  	s4 =	simm.s32 $_size__tile_overlayer_lowered;
	s5 =	simm.s32 $_tile_overlayer_lowered  }
0x9b: {  	s22 =	simm.s32 $0x1BFF;
	s21 =	sshll.u32 s5, $0x1;
	s2 =	sadd.s32 s19, s18  }
0x9c: {  	s6 =	simm.s32 $0x0;
	s20 =	sshll.u32 s4, $0x1;
	s4 =	sadd.s32 s21, s2  }
0x9d: {  	[timem:s6], [sflag:s22] =	dma.local [hbm:s4], s20  }
0x9e: {  	_ =	swait.ge [sflag:s22], s20  }
0x9f: {  	s3 =	ssub.s32 $0x0, s20;
	[sflag:s22] =	ssyncset.done $0x0  }
0xa0: {  	[sflag:s22] =	ssyncadd.s32 s3;
	_ =	sdelay $0x1  }
0xa1: {  	s23 =	simm.s32 $0x1B8B  }
0xa2: {  	_ =	swait.ge [sflag:s23], $0x1  }
0xa3: {  	[sflag:s23] =	ssyncset.done $0x0  }
0xa4: {  	s25 =	simm.s32 $0x1B8E;
	s24 =	sld [smem:$0x3FFE];
	[sflag:s23] =	ssyncadd.s32 $0xFFFFFFFF  }
0xa5: {  	s26 =	simm.s32 $execute0_lowered;
	[smem:$0x3FD2] =	sst s25  }
0xa6: {  	s4 =	sshll.u32 s26, $0x1;
	_ =	strace $0x8000004C;
	[dreg:$0x1] =	wrdreg $0xFFFFFFFF  }
0xa7: {  	s28 =	simm.s32 $_size_execute0_lowered;
	s2 =	sadd.s32 s2, s4;
	[dreg:$0x0] =	wrdreg $0x0  }
0xa8: {  	s4 =	sshll.u32 s28, $0x1;
	[dreg:$0x2] =	wrdreg s2  }
0xa9: {  	[dreg:$0x3] =	wrdreg s4  }
0xaa: {  	[dreg:$0x4] =	wrdreg $0xC0  }
0xab: {  	_ =	task [dreg:s6], $0x5FFFF  }
0xac: {  	[dreg:$0x1] =	wrdreg $0xFFFFFFFF  }
0xad: {  	[dreg:$0x0] =	wrdreg $0x60  }
0xae: {  	[dreg:$0x2] =	wrdreg s24  }
0xaf: {  	[dreg:$0x3] =	wrdreg $0x9  }
0xb0: {  	_ =	task.clear_ibuf [dreg:s6], $0x4FFFF;
	_ =	strace $0x9000004C  }
0xb1: {  	s29 =	simm.s32 $0x9;
	_ =	strace $0x8000004E  }
0xb2: {  	_ =	swait.ge [sflag:s29], $0x1  }
0xb3: {  	[sflag:s29] =	ssyncadd.s32 $0xFFFFFFFF  }
0xb4: {  	_ =	strace $0x9000004E  }
0xb5: {  	_ =	sfence  }
0xb6: {  	s30 =	sld [smem:$0x0];
	_ =	sdelay $0x2  }
0xb7: {  	s31 =	sshll.u32 s1, $0xD;
	s1 =	sshrl.u32 s1, $0x2  }
0xb8: {  	s3 =	sand.u32 $0x4000, s31;
	s1 =	sadd.s32 s1, s30  }
0xb9: {  	s0 =	sor.u32 s3, s0;
	s1 =	sshll.u32 s1, $0x11  }
0xba: {  	s0 =	sor.u32 s1, s0  }
0xbb: {  	s0 =	sadd.s32 $0x8F2B, s0  }
0xbc: {  	[sflag:s0] =	ssyncadd.remote.s32 $0x1  }
0xbd: {  	_ =	sfence.sel $0xFFFF  }
0xbe: {  	[dreg:$0x0] =	wrdreg $0xFFFFFFFF;
	(pc) =	sbr.abs _section_cstart, $3  }
0xbf: {  	[dreg:$0x1] =	wrdreg $0xFFFFFFFF  }
0xc0: {  	_ =	task.clear_ibuf [dreg:s6], $0x2FFFF;
	_ =	strace $0x9FFFFFFF  }
0xc1: {  	(tm) =	ssettm $0x7FFFFFFF  }
tec
execute0_lowered:
.L_overlay_start_1:
0x0: {  	(tag) =	ssettag $0x1  }
0x1: {  	s4 =	rddreg [dreg:$0x0]  }
0x2: {  	s0 =	rddreg [dreg:$0x1];
	s2 =	simm.s32 $0x0;
	s1 =	stileid.u32  }
0x3: {  	s3 =	srdreg.scid;
	[smem:$0x7FF] =	sst s2  }
0x4: {  	s5 =	sshll.u32 s1, $0x6;
	s9 =	sand.u32 $0x1, s3;
	s6 =	sshll.u32 s1, $0xD  }
0x5: {  	s3 =	sadd.s32 $0x409000, s4;
	s10 =	sshll.u32 s1, $0x1;
	_ =	strace $0x8000004D  }
0x6: {  	s5 =	sadd.s32 s5, s4;
	s7 =	ssub.s32 $0x2, s9;
	s8 =	sadd.s32 s6, s4  }
0x7: {  	s30 =	sshll.u32 s9, $0x5;
	s31 =	sshll.u32 s9, $0xC;
	s9 =	sor.u32 s9, s10  }
0x8: {  	s29 =	sshrl.u32 s7, $0x1;
	s6 =	sadd.s32 s30, s5;
	s8 =	sadd.s32 s31, s8  }
0x9: {  	s4 =	ssub.s32 s7, s29;
	s5 =	sadd.s32 $0x1FA00, s6;
	s6 =	sadd.s32 $0x7200, s6  }
0xa: {  	s7 =	sadd.s32 $0x2721400, s8;
	s8 =	sadd.s32 $0x58FC00, s8;
	s4 =	smax.u32 s4, $0x1  }
.LBB2_1:
0xb: {  	p0 =	sgt.u32 s9, $0xC34  }
0xc: {  	s10 =	sadd.s32 @!p0 $0x0, s6;
	s11 =	simm.s32 @!p0 $0x0;
	p0 =	por p0, p0  }
0xd: {  	[tilespmem:s11], [sflag:$0x1] =	stream.linear.gather @!p0 [hbm4b:s10+s11], $0x80, $0x38;
	[tilespmem:$0x10200] =	vst v63  }
0xe: {  	s12 =	sadd.s32 @!p0 $0x0, s5;
	s13 =	simm.s32 @!p0 $0x100  }
0xf: {  	[tilespmem:s13], [sflag:$0x1] =	stream.linear.gather @!p0 [hbm4b:s12+s11], $0x80, $0x38;
	[tilespmem:$0x10200] =	vst v63  }
0x10: {  	s10 =	sadd.s32 @!p0 $0x10, s10;
	s14 =	simm.s32 @!p0 $0x80  }
0x11: {  	[tilespmem:s14], [sflag:$0x1] =	stream.linear.gather @!p0 [hbm4b:s10+s11], $0x80, $0x38;
	[tilespmem:$0x10200] =	vst v63  }
0x12: {  	s15 =	simm.s32 @!p0 $0x1;
	s10 =	sadd.s32 @!p0 $0x10, s12;
	s12 =	simm.s32 @!p0 $0x180  }
0x13: {  	[tilespmem:s12], [sflag:$0x1] =	stream.linear.gather @!p0 [hbm4b:s10+s11], $0x80, $0x38;
	[tilespmem:$0x10200] =	vst v63  }
0x14: {  	_ =	swait.ge @!p0 [sflag:s15], $0x80  }
0x15: {  	[sflag:s15] =	ssyncset.done @!p0 $0x0  }
0x16: {  	[sflag:s15] =	ssyncadd.s32 @!p0 $0xFFFFFF80  }
0x17: {  	_ =	swait.ge @!p0 [sflag:s15], $0x80  }
0x18: {  	[sflag:s15] =	ssyncset.done @!p0 $0x0  }
0x19: {  	[sflag:s15] =	ssyncadd.s32 @!p0 $0xFFFFFF80  }
0x1a: {  	_ =	swait.ge @!p0 [sflag:s15], $0x80  }
0x1b: {  	[sflag:s15] =	ssyncset.done @!p0 $0x0  }
0x1c: {  	[sflag:s15] =	ssyncadd.s32 @!p0 $0xFFFFFF80  }
0x1d: {  	_ =	swait.ge @!p0 [sflag:s15], $0x80  }
0x1e: {  	[sflag:s15] =	ssyncset.done @!p0 $0x0  }
0x1f: {  	s10 =	simm.s32 @!p0 $0x200;
	[sflag:s15] =	ssyncadd.s32 @!p0 $0xFFFFFF80  }
0x20: {  	[tilespmem:s10], [sflag:$0x1] =	stream.indirect.gather @!p0 [hbm4b:s3+s14], $0x80, s11, s14, $0xb8;
	[tilespmem:$0x10200] =	vst v63  }
0x21: {  	s17 =	simm.s32 @!p0 $0x8200  }
0x22: {  	[tilespmem:s17], [sflag:$0x1] =	stream.indirect.gather @!p0 [hbm4b:s3+s14], $0x80, s13, s14, $0xb8;
	[tilespmem:$0x10200] =	vst v63  }
0x23: {  	s13 =	simm.s32 @!p0 $0x4200  }
0x24: {  	[tilespmem:s13], [sflag:$0x1] =	stream.indirect.gather @!p0 [hbm4b:s3+s14], $0x80, s14, s14, $0xb8;
	[tilespmem:$0x10200] =	vst v63  }
0x25: {  	s13 =	simm.s32 @!p0 $0xC200  }
0x26: {  	[tilespmem:s13], [sflag:$0x1] =	stream.indirect.gather @!p0 [hbm4b:s3+s14], $0x80, s12, s14, $0xb8;
	[tilespmem:$0x10200] =	vst v63  }
0x27: {  	_ =	swait.ge @!p0 [sflag:s15], $0x4000  }
0x28: {  	[sflag:s15] =	ssyncset.done @!p0 $0x0  }
0x29: {  	[sflag:s15] =	ssyncadd.s32 @!p0 $0xFFFFC000  }
0x2a: {  	_ =	swait.ge @!p0 [sflag:s15], $0x4000  }
0x2b: {  	[sflag:s15] =	ssyncset.done @!p0 $0x0  }
0x2c: {  	[sflag:s15] =	ssyncadd.s32 @!p0 $0xFFFFC000  }
0x2d: {  	_ =	swait.ge @!p0 [sflag:s15], $0x4000  }
0x2e: {  	[sflag:s15] =	ssyncset.done @!p0 $0x0  }
0x2f: {  	[sflag:s15] =	ssyncadd.s32 @!p0 $0xFFFFC000  }
0x30: {  	_ =	swait.ge @!p0 [sflag:s15], $0x4000  }
0x31: {  	[sflag:s15] =	ssyncset.done @!p0 $0x0  }
0x32: {  	s13 =	simm.s32 @!p0 $0x3;
	[sflag:s15] =	ssyncadd.s32 @!p0 $0xFFFFC000  }
0x33: {  	[hbm4b:s8+s11] =	stream.linear.scatter @!p0 [tilespmem:s10], [sflag:$0x3], $0x8000, $0x38;
	[tilespmem:$0x10200] =	vst v63  }
0x34: {  	_ =	swait.ge @!p0 [sflag:s13], $0x8000  }
0x35: {  	s16 =	simm.s32 @!p0 $0x2;
	[sflag:s13] =	ssyncset.done @!p0 $0x0  }
0x36: {  	s14 =	simm.s32 $0x400;
	s12 =	simm.s32 $0x800;
	[sflag:s13] =	ssyncadd.s32 @!p0 $0xFFFF8000  }
0x37: {  	[hbm4b:s7+s11] =	stream.linear.scatter @!p0 [tilespmem:s17], [sflag:$0x2], $0x8000, $0x38;
	[tilespmem:$0x10200] =	vst v63  }
0x38: {  	s10 =	sadd.s32 $0x20000, s7;
	s13 =	sadd.s32 $0x20, s9;
	_ =	swait.ge @!p0 [sflag:s16], $0x8000  }
0x39: {  	s11 =	sadd.s32 $0x20000, s8;
	p2 =	sgt.u32 s13, $0xC34;
	[sflag:s16] =	ssyncset.done @!p0 $0x0  }
.LBB2_2:
0x3a: {  	s17 =	sadd.s32 @!p2 s14, s6;
	s15 =	simm.s32 @!p2 $0x0  }
0x3b: {  	[sflag:s16] =	ssyncadd.s32 @!p0 $0xFFFF8000;
	s18 =	smov.u32 s12;
	p0 =	por p2, p2  }
0x3c: {  	[tilespmem:s15], [sflag:$0x1] =	stream.linear.gather @!p0 [hbm4b:s17+s15], $0x80, $0x38;
	[tilespmem:$0x10200] =	vst v63  }
0x3d: {  	s14 =	sadd.s32 @!p0 s14, s5;
	s19 =	simm.s32 @!p0 $0x100;
	s16 =	sadd.s32 @!p0 $0x10, s17  }
0x3e: {  	[tilespmem:s19], [sflag:$0x1] =	stream.linear.gather @!p0 [hbm4b:s14+s15], $0x80, $0x38;
	[tilespmem:$0x10200] =	vst v63  }
0x3f: {  	s12 =	sadd.s32 $0x400, s12;
	s17 =	simm.s32 @!p0 $0x80;
	s14 =	sadd.s32 @!p0 $0x10, s14  }
0x40: {  	[tilespmem:s17], [sflag:$0x1] =	stream.linear.gather @!p0 [hbm4b:s16+s15], $0x80, $0x38;
	[tilespmem:$0x10200] =	vst v63  }
0x41: {  	p1 =	sne.s32 s12, $0x18800;
	s20 =	simm.s32 @!p0 $0x180;
	s16 =	simm.s32 @!p0 $0x1  }
0x42: {  	[tilespmem:s20], [sflag:$0x1] =	stream.linear.gather @!p0 [hbm4b:s14+s15], $0x80, $0x38;
	[tilespmem:$0x10200] =	vst v63  }
0x43: {  	s14 =	smov.u32 s18;
	_ =	swait.ge @!p0 [sflag:s16], $0x80  }
0x44: {  	[sflag:s16] =	ssyncset.done @!p0 $0x0  }
0x45: {  	[sflag:s16] =	ssyncadd.s32 @!p0 $0xFFFFFF80  }
0x46: {  	_ =	swait.ge @!p0 [sflag:s16], $0x80  }
0x47: {  	[sflag:s16] =	ssyncset.done @!p0 $0x0  }
0x48: {  	[sflag:s16] =	ssyncadd.s32 @!p0 $0xFFFFFF80  }
0x49: {  	_ =	swait.ge @!p0 [sflag:s16], $0x80  }
0x4a: {  	[sflag:s16] =	ssyncset.done @!p0 $0x0  }
0x4b: {  	[sflag:s16] =	ssyncadd.s32 @!p0 $0xFFFFFF80  }
0x4c: {  	_ =	swait.ge @!p0 [sflag:s16], $0x80  }
0x4d: {  	[sflag:s16] =	ssyncset.done @!p0 $0x0  }
0x4e: {  	s18 =	simm.s32 @!p0 $0x200;
	[sflag:s16] =	ssyncadd.s32 @!p0 $0xFFFFFF80  }
0x4f: {  	[tilespmem:s18], [sflag:$0x1] =	stream.indirect.gather @!p0 [hbm4b:s3+s17], $0x80, s15, s17, $0xb8;
	[tilespmem:$0x10200] =	vst v63  }
0x50: {  	s21 =	simm.s32 @!p0 $0x8200  }
0x51: {  	[tilespmem:s21], [sflag:$0x1] =	stream.indirect.gather @!p0 [hbm4b:s3+s17], $0x80, s19, s17, $0xb8;
	[tilespmem:$0x10200] =	vst v63  }
0x52: {  	s19 =	simm.s32 @!p0 $0x4200  }
0x53: {  	[tilespmem:s19], [sflag:$0x1] =	stream.indirect.gather @!p0 [hbm4b:s3+s17], $0x80, s17, s17, $0xb8;
	[tilespmem:$0x10200] =	vst v63  }
0x54: {  	s19 =	simm.s32 @!p0 $0xC200  }
0x55: {  	[tilespmem:s19], [sflag:$0x1] =	stream.indirect.gather @!p0 [hbm4b:s3+s17], $0x80, s20, s17, $0xb8;
	[tilespmem:$0x10200] =	vst v63  }
0x56: {  	_ =	swait.ge @!p0 [sflag:s16], $0x4000  }
0x57: {  	[sflag:s16] =	ssyncset.done @!p0 $0x0  }
0x58: {  	[sflag:s16] =	ssyncadd.s32 @!p0 $0xFFFFC000  }
0x59: {  	_ =	swait.ge @!p0 [sflag:s16], $0x4000  }
0x5a: {  	[sflag:s16] =	ssyncset.done @!p0 $0x0  }
0x5b: {  	[sflag:s16] =	ssyncadd.s32 @!p0 $0xFFFFC000  }
0x5c: {  	_ =	swait.ge @!p0 [sflag:s16], $0x4000  }
0x5d: {  	[sflag:s16] =	ssyncset.done @!p0 $0x0  }
0x5e: {  	[sflag:s16] =	ssyncadd.s32 @!p0 $0xFFFFC000  }
0x5f: {  	_ =	swait.ge @!p0 [sflag:s16], $0x4000  }
0x60: {  	[sflag:s16] =	ssyncset.done @!p0 $0x0  }
0x61: {  	[sflag:s16] =	ssyncadd.s32 @!p0 $0xFFFFC000;
	s16 =	simm.s32 @!p0 $0x3  }
0x62: {  	[hbm4b:s11+s15] =	stream.linear.scatter @!p0 [tilespmem:s18], [sflag:$0x3], $0x8000, $0x38;
	[tilespmem:$0x10200] =	vst v63  }
0x63: {  	_ =	swait.ge @!p0 [sflag:s16], $0x8000  }
.Ltmp0:
0x64: {  	[sflag:s16] =	ssyncset.done @!p0 $0x0;
	(pc) =	sbr.rel @p1 .LBB2_2-.Ltmp0, $4  }
0x65: {  	[sflag:s16] =	ssyncadd.s32 @!p0 $0xFFFF8000;
	s16 =	simm.s32 @!p0 $0x2  }
0x66: {  	[hbm4b:s10+s15] =	stream.linear.scatter @!p0 [tilespmem:s21], [sflag:$0x2], $0x8000, $0x38;
	[tilespmem:$0x10200] =	vst v63  }
0x67: {  	s13 =	sadd.s32 $0x20, s13;
	s11 =	sadd.s32 $0x20000, s11;
	_ =	swait.ge @!p0 [sflag:s16], $0x8000  }
0x68: {  	p2 =	sgt.u32 s13, $0xC34;
	s10 =	sadd.s32 $0x20000, s10;
	[sflag:s16] =	ssyncset.done @!p0 $0x0  }
0x69: {  	s12 =	sadd.s32 @!p2 s14, s6  }
0x6a: {  	s13 =	simm.s32 @!p2 $0x0;
	[sflag:s16] =	ssyncadd.s32 @!p0 $0xFFFF8000;
	p0 =	por p2, p2  }
0x6b: {  	[tilespmem:s13], [sflag:$0x1] =	stream.linear.gather @!p0 [hbm4b:s12+s13], $0x80, $0x38;
	[tilespmem:$0x10200] =	vst v63  }
0x6c: {  	s14 =	sadd.s32 @!p0 s14, s5;
	s15 =	simm.s32 @!p0 $0x100  }
0x6d: {  	[tilespmem:s15], [sflag:$0x1] =	stream.linear.gather @!p0 [hbm4b:s14+s13], $0x80, $0x38;
	[tilespmem:$0x10200] =	vst v63  }
0x6e: {  	s12 =	sadd.s32 @!p0 $0x10, s12;
	s16 =	simm.s32 @!p0 $0x80  }
0x6f: {  	[tilespmem:s16], [sflag:$0x1] =	stream.linear.gather @!p0 [hbm4b:s12+s13], $0x80, $0x38;
	[tilespmem:$0x10200] =	vst v63  }
0x70: {  	s17 =	simm.s32 @!p0 $0x1;
	s12 =	sadd.s32 @!p0 $0x10, s14;
	s14 =	simm.s32 @!p0 $0x180  }
0x71: {  	[tilespmem:s14], [sflag:$0x1] =	stream.linear.gather @!p0 [hbm4b:s12+s13], $0x80, $0x38;
	[tilespmem:$0x10200] =	vst v63  }
0x72: {  	_ =	swait.ge @!p0 [sflag:s17], $0x80  }
0x73: {  	[sflag:s17] =	ssyncset.done @!p0 $0x0  }
0x74: {  	[sflag:s17] =	ssyncadd.s32 @!p0 $0xFFFFFF80  }
0x75: {  	_ =	swait.ge @!p0 [sflag:s17], $0x80  }
0x76: {  	[sflag:s17] =	ssyncset.done @!p0 $0x0  }
0x77: {  	[sflag:s17] =	ssyncadd.s32 @!p0 $0xFFFFFF80  }
0x78: {  	_ =	swait.ge @!p0 [sflag:s17], $0x80  }
0x79: {  	[sflag:s17] =	ssyncset.done @!p0 $0x0  }
0x7a: {  	[sflag:s17] =	ssyncadd.s32 @!p0 $0xFFFFFF80  }
0x7b: {  	_ =	swait.ge @!p0 [sflag:s17], $0x80  }
0x7c: {  	[sflag:s17] =	ssyncset.done @!p0 $0x0  }
0x7d: {  	s12 =	simm.s32 @!p0 $0x200;
	[sflag:s17] =	ssyncadd.s32 @!p0 $0xFFFFFF80  }
0x7e: {  	[tilespmem:s12], [sflag:$0x1] =	stream.indirect.gather @!p0 [hbm4b:s3+s16], $0x80, s13, s16, $0xb8;
	[tilespmem:$0x10200] =	vst v63  }
0x7f: {  	s18 =	simm.s32 @!p0 $0x8200  }
0x80: {  	[tilespmem:s18], [sflag:$0x1] =	stream.indirect.gather @!p0 [hbm4b:s3+s16], $0x80, s15, s16, $0xb8;
	[tilespmem:$0x10200] =	vst v63  }
0x81: {  	s15 =	simm.s32 @!p0 $0x4200  }
0x82: {  	[tilespmem:s15], [sflag:$0x1] =	stream.indirect.gather @!p0 [hbm4b:s3+s16], $0x80, s16, s16, $0xb8;
	[tilespmem:$0x10200] =	vst v63  }
0x83: {  	s15 =	simm.s32 @!p0 $0xC200  }
0x84: {  	[tilespmem:s15], [sflag:$0x1] =	stream.indirect.gather @!p0 [hbm4b:s3+s16], $0x80, s14, s16, $0xb8;
	[tilespmem:$0x10200] =	vst v63  }
0x85: {  	_ =	swait.ge @!p0 [sflag:s17], $0x4000  }
0x86: {  	[sflag:s17] =	ssyncset.done @!p0 $0x0  }
0x87: {  	[sflag:s17] =	ssyncadd.s32 @!p0 $0xFFFFC000  }
0x88: {  	_ =	swait.ge @!p0 [sflag:s17], $0x4000  }
0x89: {  	[sflag:s17] =	ssyncset.done @!p0 $0x0  }
0x8a: {  	[sflag:s17] =	ssyncadd.s32 @!p0 $0xFFFFC000  }
0x8b: {  	_ =	swait.ge @!p0 [sflag:s17], $0x4000  }
0x8c: {  	[sflag:s17] =	ssyncset.done @!p0 $0x0  }
0x8d: {  	[sflag:s17] =	ssyncadd.s32 @!p0 $0xFFFFC000  }
0x8e: {  	_ =	swait.ge @!p0 [sflag:s17], $0x4000  }
0x8f: {  	[sflag:s17] =	ssyncset.done @!p0 $0x0  }
0x90: {  	s14 =	simm.s32 @!p0 $0x3;
	[sflag:s17] =	ssyncadd.s32 @!p0 $0xFFFFC000  }
0x91: {  	[hbm4b:s11+s13] =	stream.linear.scatter @!p0 [tilespmem:s12], [sflag:$0x3], $0x8000, $0x38;
	[tilespmem:$0x10200] =	vst v63  }
0x92: {  	s2 =	sadd.s32 $0x1, s2;
	_ =	swait.ge @!p0 [sflag:s14], $0x8000  }
0x93: {  	p1 =	sne.s32 s2, s4;
	[sflag:s14] =	ssyncset.done @!p0 $0x0  }
.Ltmp1:
0x94: {  	s11 =	simm.s32 @!p0 $0x2;
	[sflag:s14] =	ssyncadd.s32 @!p0 $0xFFFF8000;
	(pc) =	sbr.rel @p1 .LBB2_1-.Ltmp1, $4  }
0x95: {  	[hbm4b:s10+s13] =	stream.linear.scatter @!p0 [tilespmem:s18], [sflag:$0x2], $0x8000, $0x38;
	[tilespmem:$0x10200] =	vst v63  }
0x96: {  	_ =	swait.ge @!p0 [sflag:s11], $0x8000  }
0x97: {  	[sflag:s11] =	ssyncset.done @!p0 $0x0  }
0x98: {  	[sflag:s11] =	ssyncadd.s32 @!p0 $0xFFFF8000  }
0x99: {  	_ =	sfence.sel $0x180000  }
0x9a: {  	[bflag:$0x0] =	sbarrier.arrive $0xFFFF  }
0x9b: {  	p0 =	sne.s32 s1, $0x0;
	_ =	strace $0x9000004D  }
0x9c: {  	s0 =	sadd.s32 @!p0 $0x100000, s0;
	[bflag:$0x2] =	sbarrier.arrive $0xFFFF  }
0x9d: {  	[sflag:s0] =	ssyncadd.tile.s32 @!p0 $0x1;
	_ =	shalt  }
.Lfunc_end2:
_tile_overlayer_lowered:
.L_overlay_start_2:
0x9e: {  	(tag) =	ssettag $0x2  }
0x9f: {  	s0 =	rddreg [dreg:$0x0];
	s2 =	stileid.u32  }
0xa0: {  	s1 =	rddreg [dreg:$0x1];
	p0 =	sne.s32 s2, $0x0  }
0xa1: {  	s3 =	rddreg [dreg:$0x2];
	[bflag:$0x3] =	sbarrier.arrive $0xFFFF;
	s2 =	simm.s32 @!p0 $0x1C02  }
0xa2: {  	[timem:s3], [sflag:s2] =	dma.local @!p0 [hbm:s0], s1  }
0xa3: {  	s0 =	simm.s32 @!p0 $0x2  }
0xa4: {  	_ =	swait.ge @!p0 [sflag:s0], s1  }
0xa5: {  	s1 =	ssub.s32 @!p0 $0x0, s1;
	[sflag:s0] =	ssyncset.done @!p0 $0x0  }
0xa6: {  	[sflag:s0] =	ssyncadd.s32 @!p0 s1  }
0xa7: {  	[bflag:$0x3] =	sbarrier.arrive $0xFFFF  }
0xa8: {  	_ =	shalt  }

// kernel: kernel.19.cloned.1.call-start
scs
__scs_entry_jumppad:
0x0: {  	(pc) =	sbr.rel $0x88, $3  }
0x1: {  	(tag) =	ssettag $0x0;
	lr =	simm.s32 $0x1  }
0x2: {  	[smem:$0x3F8B] =	sst lr;
	_ =	strace $0xD0000000  }
0x3: {  	_ = 	snop  }
0x4: {  	_ = 	snop  }
0x5: {  	_ = 	snop  }
0x6: {  	_ = 	snop  }
0x7: {  	_ = 	snop  }
__scs_overlays_trampoline_lowered:
0x8: {  	[smem:$0x3F9A] =	sst s0  }
0x9: {  	[smem:$0x3F9B] =	sst s1  }
0xa: {  	[smem:$0x3F9C] =	sst s2  }
0xb: {  	[smem:$0x3F9D] =	sst s3  }
0xc: {  	[smem:$0x3F9E] =	sst s4  }
0xd: {  	[smem:$0x3F9F] =	sst s5  }
0xe: {  	[smem:$0x3FA0] =	sst s6  }
0xf: {  	[smem:$0x3FA1] =	sst s7  }
0x10: {  	[smem:$0x3FA2] =	sst s8  }
0x11: {  	[smem:$0x3FA3] =	sst s9;
	s0 =	simm.s32 @!p0 $0x0  }
0x12: {  	s1 =	sld [smem:$0x3F89];
	s0 =	simm.s32 @p0 $0x1  }
0x13: {  	[smem:$0x3FA4] =	sst s0;
	s0 =	simm.s32 @!p1 $0x0  }
0x14: {  	s2 =	sld [smem:$0x3F88];
	s0 =	simm.s32 @p1 $0x1  }
0x15: {  	[smem:$0x3FA5] =	sst s0;
	s0 =	simm.s32 @!p2 $0x0  }
0x16: {  	s3 =	sld [smem:$0x3FDB];
	s0 =	simm.s32 @p2 $0x1  }
0x17: {  	s4 =	simm.s32 $0x1BF5;
	[smem:$0x3FA7] =	sst s0  }
0x18: {  	s0 =	sld [smem:$0x3F8A];
	_ =	swait.ge [sflag:s4], $0x0  }
0x19: {  	s7 =	sld [smem:$0x3F8B]  }
0x1a: {  	s8 =	sadd.s32 $0xFFFFE003, lr  }
0x1b: {  	s9 =	sadd.s32 $0xFFFFFEF7, lr;
	s5 =	simm.s32 $0xFFFFFFFF;
	p2 =	slt.u32 s8, $0xFFFFF086  }
0x1c: {  	p1 =	slt.u32 s9, $0xF7A;
	s5 =	simm.s32 @!p2 $0x0  }
0x1d: {  	s5 =	simm.s32 @p1 $0x1;
	p0 =	seq.s32 s7, s2  }
0x1e: {  	s7 =	smul.u32 @!p0 $0xF7A, s2;
	p2 =	seq.s32 @!p0 s5, $0x0  }
0x1f: {  	s9 =	smul.u32 $0xF7A, s1;
	s8 =	simm.s32 @!p0 $0x1BF5;
	p2 =	por !p2, p0  }
0x20: {  	[sflag:s8] =	ssyncset.s32 @!p0 $0xFFFFF086;
	s6 =	sadd.s32 @!p0 s3, s7;
	s7 =	simm.s32 @!p0 $0x108  }
0x21: {  	s3 =	sadd.s32 s3, s9;
	s6 =	sadd.s32 @!p0 $0x88, s6;
	s7 =	simm.s32 @p2 $0x1082  }
0x22: {  	[simem:s7], [sflag:s8] =	dma.local @!p0 [hbm:s6], $0xF7A  }
0x23: {  	s9 =	sor.u32 $0xD0000000, s2;
	s6 =	simm.s32 $0x108;
	_ =	swait.ge @!p0 [sflag:s8], $0x0  }
0x24: {  	s3 =	sadd.s32 $0x88, s3;
	s6 =	simm.s32 @!p1 $0x1082;
	[sflag:s4] =	ssyncset.s32 $0xFFFFF086  }
0x25: {  	[simem:s6], [sflag:s4] =	dma.local [hbm:s3], $0xF7A  }
0x26: {  	[smem:$0x3F8B] =	sst s1;
	(tag) =	ssettag s2;
	_ =	strace s9  }
0x27: {  	s1 =	sld [smem:$0x3F9B]  }
0x28: {  	s2 =	sld [smem:$0x3F9C]  }
0x29: {  	s4 =	sld [smem:$0x3F9E]  }
0x2a: {  	p0 =	seq.s32 s5, $0x0;
	s5 =	sld [smem:$0x3F9F]  }
0x2b: {  	s6 =	sld [smem:$0x3FA0]  }
0x2c: {  	s7 =	sld [smem:$0x3FA1]  }
0x2d: {  	s3 =	simm.s32 $0x108;
	s8 =	sld [smem:$0x3FA2]  }
0x2e: {  	s3 =	simm.s32 @!p0 $0x1082;
	s9 =	sld [smem:$0x3FA3]  }
0x2f: {  	lr =	sadd.s32 s0, s3;
	s0 =	sld [smem:$0x3F9A]  }
0x30: {  	s3 =	sld [smem:$0x3F9D]  }
0x31: {  	[smem:$0x3FA6] =	sst s10  }
0x32: {  	s10 =	sld [smem:$0x3FA4];
	_ =	sdelay $0x3  }
0x33: {  	p0 =	seq.s32 s10, $0x1;
	s10 =	sld [smem:$0x3FA6];
	_ =	sdelay $0x3  }
0x34: {  	[smem:$0x3FA6] =	sst s10  }
0x35: {  	s10 =	sld [smem:$0x3FA5];
	_ =	sdelay $0x3  }
0x36: {  	p1 =	seq.s32 s10, $0x1;
	s10 =	sld [smem:$0x3FA6];
	_ =	sdelay $0x3  }
0x37: {  	[smem:$0x3FA6] =	sst s10  }
0x38: {  	s10 =	sld [smem:$0x3FA7]  }
0x39: {  	_ = 	snop;
	(pc) =	sbr.ind lr, $3  }
0x3a: {  	_ = 	snop  }
0x3b: {  	_ = 	snop  }
0x3c: {  	p2 =	seq.s32 s10, $0x1;
	s10 =	sld [smem:$0x3FA6]  }
0x3d: {  	_ =	shalt  }
0x3e: {  	_ =	shalt  }
0x3f: {  	_ =	shalt  }
0x40: {  	_ =	shalt  }
0x41: {  	_ =	shalt  }
0x42: {  	_ =	shalt  }
0x43: {  	_ =	shalt  }
0x44: {  	_ =	shalt  }
0x45: {  	_ =	shalt  }
0x46: {  	_ =	shalt  }
0x47: {  	_ =	shalt  }
0x48: {  	_ =	shalt  }
0x49: {  	_ =	shalt  }
0x4a: {  	_ =	shalt  }
0x4b: {  	_ =	shalt  }
0x4c: {  	_ =	shalt  }
0x4d: {  	_ =	shalt  }
0x4e: {  	_ =	shalt  }
0x4f: {  	_ =	shalt  }
0x50: {  	_ =	shalt  }
0x51: {  	_ =	shalt  }
0x52: {  	_ =	shalt  }
0x53: {  	_ =	shalt  }
0x54: {  	_ =	shalt  }
0x55: {  	_ =	shalt  }
0x56: {  	_ =	shalt  }
0x57: {  	_ =	shalt  }
0x58: {  	_ =	shalt  }
0x59: {  	_ =	shalt  }
0x5a: {  	_ =	shalt  }
0x5b: {  	_ =	shalt  }
0x5c: {  	_ =	shalt  }
0x5d: {  	_ =	shalt  }
0x5e: {  	_ =	shalt  }
0x5f: {  	_ =	shalt  }
0x60: {  	_ =	shalt  }
0x61: {  	_ =	shalt  }
0x62: {  	_ =	shalt  }
0x63: {  	_ =	shalt  }
0x64: {  	_ =	shalt  }
0x65: {  	_ =	shalt  }
0x66: {  	_ =	shalt  }
0x67: {  	_ =	shalt  }
0x68: {  	_ =	shalt  }
0x69: {  	_ =	shalt  }
0x6a: {  	_ =	shalt  }
0x6b: {  	_ =	shalt  }
0x6c: {  	_ =	shalt  }
0x6d: {  	_ =	shalt  }
0x6e: {  	_ =	shalt  }
0x6f: {  	_ =	shalt  }
0x70: {  	_ =	shalt  }
0x71: {  	_ =	shalt  }
0x72: {  	_ =	shalt  }
0x73: {  	_ =	shalt  }
0x74: {  	_ =	shalt  }
0x75: {  	_ =	shalt  }
0x76: {  	_ =	shalt  }
0x77: {  	_ =	shalt  }
0x78: {  	_ =	shalt  }
0x79: {  	_ =	shalt  }
0x7a: {  	_ =	shalt  }
0x7b: {  	_ =	shalt  }
0x7c: {  	_ =	shalt  }
0x7d: {  	_ =	shalt  }
0x7e: {  	_ =	shalt  }
0x7f: {  	_ =	shalt  }
0x80: {  	_ =	shalt  }
0x81: {  	_ =	shalt  }
0x82: {  	_ =	shalt  }
0x83: {  	_ =	shalt  }
0x84: {  	_ =	shalt  }
0x85: {  	_ =	shalt  }
0x86: {  	_ =	shalt  }
0x87: {  	_ =	shalt  }
.Lfunc_end0:
.L_simem_size_0:
called_computation.3_lowered:
.L_overlay_start_0:
0x88: {  	s2 =	sld [smem:$0x3FD9]  }
0x89: {  	s3 =	sld [smem:$0x3FFE];
	_ =	sdelay $0x1  }
0x8a: {  	s1 =	srdreg.scid  }
0x8b: {  	s0 =	sand.u32 $0x1, s1  }
0x8c: {  	s17 =	sshll.u32 s0, $0xA;
	s2 =	sadd.s32 s3, s2  }
0x8d: {  	s2 =	sadd.s32 s2, s17  }
0x8e: {  	[smem:$0x3FB2] =	sst s2  }
0x8f: {  	_ = 	snop  }
0x90: {  	s2 =	sld [smem:$0x3FD0];
	(tm) =	ssettm $0x1  }
0x91: {  	s18 =	sld [smem:$0x3FFB];
	_ =	sdelay $0x3  }
0x92: {  	_ =	strace s18  }
0x93: {  	s3 =	sld [smem:$0x3FFC];
	_ =	sdelay $0x3  }
0x94: {  	_ =	strace s3  }
0x95: {  	s3 =	sld [smem:$0x3FFD];
	_ =	sdelay $0x3  }
0x96: {  	_ =	strace s3  }
0x97: {  	_ =	strace $0x8FFFFFFF  }
0x98: {  	s19 =	sld [smem:$0x3FDB];
	_ =	sdelay $0x1  }
0x99: {  	s4 =	simm.s32 $_scs_section_size  }
0x9a: {  	s5 =	simm.s32 $_size__tile_overlayer_lowered;
	s6 =	simm.s32 $_tile_overlayer_lowered  }
0x9b: {  	s22 =	simm.s32 $0x1BFF;
	s21 =	sshll.u32 s6, $0x1;
	s3 =	sadd.s32 s4, s19  }
0x9c: {  	s7 =	simm.s32 $0x0;
	s20 =	sshll.u32 s5, $0x1;
	s5 =	sadd.s32 s21, s3  }
0x9d: {  	[timem:s7], [sflag:s22] =	dma.local [hbm:s5], s20  }
0x9e: {  	_ =	swait.ge [sflag:s22], s20  }
0x9f: {  	s4 =	ssub.s32 $0x0, s20;
	[sflag:s22] =	ssyncset.done $0x0  }
0xa0: {  	[sflag:s22] =	ssyncadd.s32 s4;
	_ =	sdelay $0x1  }
0xa1: {  	s23 =	simm.s32 $0x1B8B  }
0xa2: {  	_ =	swait.ge [sflag:s23], $0x1  }
0xa3: {  	[sflag:s23] =	ssyncset.done $0x0  }
0xa4: {  	s25 =	simm.s32 $0x1B8E;
	s24 =	sld [smem:$0x3FFE];
	[sflag:s23] =	ssyncadd.s32 $0xFFFFFFFF  }
0xa5: {  	s26 =	simm.s32 $execute0_lowered;
	[smem:$0x3FD2] =	sst s25  }
0xa6: {  	s5 =	sshll.u32 s26, $0x1;
	_ =	strace $0x8000004F;
	[dreg:$0x1] =	wrdreg $0xFFFFFFFF  }
0xa7: {  	s28 =	simm.s32 $_size_execute0_lowered;
	s3 =	sadd.s32 s3, s5;
	[dreg:$0x0] =	wrdreg $0x0  }
0xa8: {  	s5 =	sshll.u32 s28, $0x1;
	[dreg:$0x2] =	wrdreg s3  }
0xa9: {  	[dreg:$0x3] =	wrdreg s5  }
0xaa: {  	[dreg:$0x4] =	wrdreg $0xC0  }
0xab: {  	_ =	task [dreg:s7], $0x5FFFF  }
0xac: {  	[dreg:$0x1] =	wrdreg $0xFFFFFFFF  }
0xad: {  	[dreg:$0x0] =	wrdreg $0x60  }
0xae: {  	[dreg:$0x2] =	wrdreg s24  }
0xaf: {  	[dreg:$0x3] =	wrdreg s2  }
0xb0: {  	[dreg:$0x4] =	wrdreg $0x10800  }
0xb1: {  	[dreg:$0x5] =	wrdreg $0x9  }
0xb2: {  	_ =	task.clear_ibuf [dreg:s7], $0x6FFFF;
	_ =	strace $0x9000004F  }
0xb3: {  	s29 =	simm.s32 $0x9;
	_ =	strace $0x80000051  }
0xb4: {  	_ =	swait.ge [sflag:s29], $0x1  }
0xb5: {  	[sflag:s29] =	ssyncadd.s32 $0xFFFFFFFF  }
0xb6: {  	_ =	strace $0x90000051  }
0xb7: {  	_ =	sfence  }
0xb8: {  	s30 =	sld [smem:$0x0];
	_ =	sdelay $0x2  }
0xb9: {  	s31 =	sshll.u32 s1, $0xD;
	s1 =	sshrl.u32 s1, $0x2  }
0xba: {  	s3 =	sand.u32 $0x4000, s31;
	s1 =	sadd.s32 s1, s30  }
0xbb: {  	s0 =	sor.u32 s3, s0;
	s1 =	sshll.u32 s1, $0x11  }
0xbc: {  	s0 =	sor.u32 s1, s0  }
0xbd: {  	s0 =	sadd.s32 $0x8F2B, s0  }
0xbe: {  	[sflag:s0] =	ssyncadd.remote.s32 $0x1  }
0xbf: {  	_ =	sfence.sel $0xFFFF  }
0xc0: {  	[dreg:$0x0] =	wrdreg $0xFFFFFFFF;
	(pc) =	sbr.abs _section_cstart, $3  }
0xc1: {  	[dreg:$0x1] =	wrdreg $0xFFFFFFFF  }
0xc2: {  	_ =	task.clear_ibuf [dreg:s7], $0x2FFFF;
	_ =	strace $0x9FFFFFFF  }
0xc3: {  	(tm) =	ssettm $0x7FFFFFFF  }
tec
execute0_lowered:
.L_overlay_start_1:
0x0: {  	(tag) =	ssettag $0x1  }
0x1: {  	s0 =	rddreg [dreg:$0x0]  }
0x2: {  	s5 =	rddreg [dreg:$0x1]  }
0x3: {  	s2 =	rddreg [dreg:$0x2];
	s3 =	simm.s32 $0x0;
	s1 =	stileid.u32  }
0x4: {  	s8 =	srdreg.scid;
	[smem:$0x7FF] =	sst s3;
	s4 =	sshll.u32 s1, $0x9  }
0x5: {  	s6 =	smul.u32 $0x18700, s1;
	s20 =	sshll.u32 s1, $0x4;
	s12 =	sand.u32 $0x1, s8  }
0x6: {  	p0 =	sne.s32 s1, $0xF;
	p3 =	seq.s32 s1, $0xF;
	s24 =	sadd.s32 $0x3A4120, s0  }
0x7: {  	s26 =	sadd.s32 $0x373320, s0;
	_ =	strace $0x80000050;
	[dreg:$0x5] =	wrdreg s24  }
0x8: {  	s15 =	sadd.s32 $0x3D4F20, s0;
	s17 =	sadd.s32 $0x405D20, s0;
	[dreg:$0x7] =	wrdreg s26  }
0x9: {  	s19 =	sadd.s32 $0x436B20, s0;
	s31 =	sadd.s32 $0x16E900, s2;
	[dreg:$0x9] =	wrdreg s15  }
0xa: {  	s7 =	sadd.s32 s4, s0;
	s9 =	sadd.s32 s20, s0;
	[dreg:$0xb] =	wrdreg s17  }
0xb: {  	s21 =	ssub.s32 $0x2, s12;
	p2 =	seq.s32 s12, $0x0;
	[dreg:$0xd] =	wrdreg s19  }
0xc: {  	s10 =	sshrl.u32 s6, $0x3;
	s22 =	sshrl.u32 s21, $0x1;
	p1 =	por !p2, !p0  }
0xd: {  	p2 =	por !p2, !p3;
	s24 =	sadd.s32 $0x57F5400, s7;
	s26 =	sadd.s32 $0x5E0FC00, s7  }
0xe: {  	s29 =	sadd.s32 $0x642A400, s7;
	s13 =	sadd.s32 s10, s0;
	[dreg:$0x13] =	wrdreg s24  }
0xf: {  	s14 =	ssub.s32 s21, s22;
	s21 =	sadd.s32 $0x467920, s0;
	[dreg:$0x15] =	wrdreg s26  }
0x10: {  	s4 =	simm.s32 @!p1 $0x0;
	s0 =	sadd.s32 $0x498720, s0;
	[dreg:$0xf] =	wrdreg s21  }
0x11: {  	s30 =	sadd.s32 $0x6737800, s7;
	s4 =	simm.s32 @p1 $0x1;
	[dreg:$0x11] =	wrdreg s0  }
0x12: {  	s28 =	sadd.s32 $0x611D000, s7;
	s23 =	sadd.s32 $0x376400, s13;
	[smem:$0x7F9] =	sst s4  }
0x13: {  	p2 =	por !p2, !p2;
	s25 =	sadd.s32 $0x345600, s13;
	[dreg:$0x4] =	wrdreg s23  }
0x14: {  	p1 =	por !p1, !p1;
	s11 =	sadd.s32 $0x3A7200, s13;
	[dreg:$0x6] =	wrdreg s25  }
0x15: {  	s8 =	simm.s32 @!p2 $0x0;
	s16 =	sadd.s32 $0x3D8000, s13;
	[dreg:$0x8] =	wrdreg s11  }
0x16: {  	s18 =	sadd.s32 $0x408E00, s13;
	s20 =	sadd.s32 $0x439C00, s13;
	[dreg:$0xa] =	wrdreg s16  }
0x17: {  	s22 =	sadd.s32 $0x46AA00, s13;
	s4 =	simm.s32 @!p3 $0x0;
	[dreg:$0xc] =	wrdreg s18  }
0x18: {  	s8 =	simm.s32 @p2 $0x1;
	s11 =	sadd.s32 s5, s10;
	[dreg:$0xe] =	wrdreg s20  }
0x19: {  	p2 =	seq.s32 s12, $0x1;
	[dreg:$0x10] =	wrdreg s22;
	s23 =	smax.u32 s14, $0x1  }
0x1a: {  	s22 =	sadd.s32 $0x1FA00, s9;
	s25 =	sadd.s32 $0x5B02800, s7;
	[smem:$0x7FB] =	sst s8  }
0x1b: {  	s4 =	simm.s32 @p3 $0x1;
	p0 =	por !p0, !p2;
	[dreg:$0x12] =	wrdreg s23  }
.Ltmp0:
0x1c: {  	[smem:$0x7FA] =	sst s4;
	s4 =	sadd.s32 $0x2DD20, s5;
	(pc) =	sbr.rel .LBB2_1-.Ltmp0, $4  }
0x1d: {  	s5 =	simm.s32 @!p2 $0x0;
	p5 =	por !p0, !p0;
	p0 =	sne.s32 s12, $0x0  }
0x1e: {  	[dreg:$0x14] =	wrdreg s25;
	s5 =	simm.s32 @p2 $0x1;
	s0 =	simm.s32 @!p0 $0x0  }
0x1f: {  	s8 =	sadd.s32 s6, s2;
	[smem:$0x7FC] =	sst s5;
	s0 =	simm.s32 @p0 $0x1  }
0x20: {  	s25 =	sadd.s32 $0x38200, s7;
	[smem:$0x7FD] =	sst s0;
	s0 =	simm.s32 $0x2  }
.LBB2_37:
0x21: {  	[bflag:$0x0] =	sbarrier.arrive $0xFFFF  }
.LBB2_41:
0x22: {  	s5 =	rddreg [dreg:$0x11]  }
0x23: {  	[hbm:s5], [sflag:s19] =	dma.local @p2 [spmem:s7], $0x3020  }
0x24: {  	s5 =	simm.s32 @p2 $0x2  }
0x25: {  	_ =	swait.ge @p2 [sflag:s5], $0x3020  }
0x26: {  	s3 =	sadd.s32 $0x1, s3;
	s26 =	rddreg [dreg:$0x12]  }
0x27: {  	p0 =	sne.s32 s3, s26  }
.Ltmp1:
0x28: {  	_ = 	snop;
	(pc) =	sbr.rel @!p0 .LBB2_42-.Ltmp1, $3  }
0x29: {  	[sflag:s5] =	ssyncset.done @p2 $0x0  }
0x2a: {  	[sflag:s5] =	ssyncadd.s32 @p2 $0xFFFFCFE0  }
0x2b: {  	[bflag:$0x0] =	sbarrier.arrive $0xFFFF;
	_ =	sdelay $0x1  }
.LBB2_1:
.Ltmp2:
0x2c: {  	(pc) =	sbr.rel @!p1 .LBB2_7-.Ltmp2, $3  }
0x2d: {  	_ =	sdelay $0x1  }
0x2e: {  	s6 =	sshll.u32 @p5 s1, $0x6;
	s7 =	sshll.u32 s1, $0x6  }
0x2f: {  	s5 =	sshrl.u32 @p5 s8, $0x3;
	s6 =	sor.u32 @p5 $0x1C02, s6;
	s7 =	sor.u32 $0x1C02, s7  }
0x30: {  	s9 =	sshrl.u32 s8, $0x3  }
0x31: {  	[spmem:s9], [sflag:s7] =	dma.local [hbm:s11], $0x30E0  }
0x32: {  	_ =	swait.ge [sflag:s0], $0x30E0  }
0x33: {  	[sflag:s0] =	ssyncset.done $0x0  }
0x34: {  	[sflag:s0] =	ssyncadd.s32 $0xFFFFCF20  }
0x35: {  	[bflag:$0x0] =	sbarrier.arrive $0xFFFF  }
.Ltmp3:
0x36: {  	s26 =	sld [smem:$0x7F9];
	(pc) =	sbr.rel .LBB2_3-.Ltmp3, $3  }
0x37: {  	_ =	sdelay $0x1  }
0x38: {  	p2 =	seq.s32 s26, $0x1  }
0x39: {  	p3 =	por p2, p2  }
.LBB2_7:
0x3a: {  	s9 =	sld [smem:$0x7FB];
	_ =	sdelay $0x2  }
0x3b: {  	p0 =	seq.s32 s9, $0x1  }
.Ltmp4:
0x3c: {  	_ = 	snop;
	(pc) =	sbr.rel @!p0 .LBB2_9-.Ltmp4, $1  }
0x3d: {  	_ =	sdelay $0x3  }
0x3e: {  	s9 =	sshrl.u32 s31, $0x3;
	s10 =	simm.s32 $0x1FC2  }
0x3f: {  	[spmem:s9], [sflag:s10] =	dma.local [hbm:s4], $0x3020  }
0x40: {  	_ =	swait.ge [sflag:s0], $0x3020  }
0x41: {  	[sflag:s0] =	ssyncset.done $0x0  }
0x42: {  	[sflag:s0] =	ssyncadd.s32 $0xFFFFCFE0  }
0x43: {  	[bflag:$0x0] =	sbarrier.arrive $0xFFFF  }
.Ltmp5:
0x44: {  	s26 =	sld [smem:$0x7F9];
	(pc) =	sbr.rel .LBB2_3-.Ltmp5, $3  }
0x45: {  	_ =	sdelay $0x1  }
0x46: {  	p2 =	seq.s32 s26, $0x1  }
0x47: {  	p3 =	por p2, p2  }
.LBB2_9:
0x48: {  	[bflag:$0x0] =	sbarrier.arrive $0xFFFF  }
0x49: {  	s26 =	sld [smem:$0x7FD];
	_ =	sdelay $0x2  }
0x4a: {  	p0 =	seq.s32 s26, $0x1  }
.Ltmp6:
0x4b: {  	_ = 	snop;
	(pc) =	sbr.rel @p0 .LBB2_10-.Ltmp6, $2  }
0x4c: {  	s9 =	sld [smem:$0x7FA];
	_ =	sdelay $0x2  }
0x4d: {  	p2 =	por $0x0, $0x0;
	p3 =	seq.s32 s9, $0x1  }
.LBB2_3:
0x4e: {  	s9 =	sadd.s32 $0x0, s1  }
0x4f: {  	p0 =	sgt.u32 s9, $0x1869  }
0x50: {  	s9 =	simm.s32 @!p0 $0x0;
	s12 =	simm.s32 @!p0 $0x80  }
0x51: {  	[tilespmem:s12], [sflag:$0x1] =	stream.linear.gather @!p0 [hbm4b:s25+s9], $0x1000, $0x38;
	[tilespmem:$0x19720] =	vst v63  }
0x52: {  	s13 =	simm.s32 @!p0 $0x1  }
0x53: {  	[tilespmem:s9], [sflag:$0x1] =	stream.linear.gather @!p0 [hbm4b:s22+s9], $0x80, $0x38;
	[tilespmem:$0x19720] =	vst v63  }
0x54: {  	p4 =	por p0, p0;
	_ =	swait.ge @!p0 [sflag:s13], $0x1000  }
0x55: {  	[sflag:s13] =	ssyncset.done @!p4 $0x0  }
0x56: {  	[sflag:s13] =	ssyncadd.s32 @!p4 $0xFFFFF000  }
0x57: {  	_ =	swait.ge @!p4 [sflag:s13], $0x80  }
0x58: {  	[sflag:s13] =	ssyncset.done @!p4 $0x0  }
0x59: {  	s26 =	sadd.s32 $0x10, s1;
	[sflag:s13] =	ssyncadd.s32 @!p4 $0xFFFFFF80;
	s13 =	simm.s32 @!p4 $0x2  }
0x5a: {  	[spmem:s2] =	stream.indirect.scatter.add.f32 @!p4 [tilespmem:s12], [sflag:$0x2], $0x20, s9, s12, $0xb8;
	[tilespmem:$0x19720] =	vst v63  }
0x5b: {  	s10 =	simm.s32 $0x20;
	p0 =	sgt.u32 s26, $0x1869;
	_ =	swait.ge @!p4 [sflag:s13], $0x1000  }
0x5c: {  	s9 =	sadd.s32 $0x100, s22;
	s12 =	sadd.s32 $0x2000, s25;
	[sflag:s13] =	ssyncset.done @!p4 $0x0  }
.LBB2_4:
0x5d: {  	s14 =	simm.s32 @!p0 $0x0;
	s15 =	simm.s32 @!p0 $0x80;
	[sflag:s13] =	ssyncadd.s32 @!p4 $0xFFFFF000  }
0x5e: {  	[tilespmem:s15], [sflag:$0x1] =	stream.linear.gather @!p0 [hbm4b:s12+s14], $0x1000, $0x38;
	[tilespmem:$0x19720] =	vst v63  }
0x5f: {  	s13 =	simm.s32 @!p0 $0x1;
	s16 =	smov.u32 s10;
	s10 =	sadd.s32 $0x10, s10  }
0x60: {  	[tilespmem:s14], [sflag:$0x1] =	stream.linear.gather @!p0 [hbm4b:s9+s14], $0x80, $0x38;
	[tilespmem:$0x19720] =	vst v63  }
0x61: {  	p4 =	por p0, p0;
	p6 =	sne.s32 s10, $0x1870;
	_ =	swait.ge @!p0 [sflag:s13], $0x1000  }
0x62: {  	[sflag:s13] =	ssyncset.done @!p4 $0x0  }
0x63: {  	[sflag:s13] =	ssyncadd.s32 @!p4 $0xFFFFF000  }
0x64: {  	_ =	swait.ge @!p4 [sflag:s13], $0x80  }
.Ltmp7:
0x65: {  	[sflag:s13] =	ssyncset.done @!p4 $0x0;
	(pc) =	sbr.rel @p6 .LBB2_4-.Ltmp7, $4  }
0x66: {  	[sflag:s13] =	ssyncadd.s32 @!p4 $0xFFFFFF80;
	s13 =	simm.s32 @!p4 $0x2  }
0x67: {  	[spmem:s2] =	stream.indirect.scatter.add.f32 @!p4 [tilespmem:s15], [sflag:$0x2], $0x20, s14, s15, $0xb8;
	[tilespmem:$0x19720] =	vst v63  }
0x68: {  	s9 =	sadd.s32 $0x100, s9;
	s14 =	sadd.s32 s16, s1;
	_ =	swait.ge @!p4 [sflag:s13], $0x1000  }
0x69: {  	s12 =	sadd.s32 $0x2000, s12;
	p0 =	sgt.u32 s14, $0x1869;
	[sflag:s13] =	ssyncset.done @!p4 $0x0  }
0x6a: {  	s10 =	simm.s32 @!p0 $0x0;
	s14 =	simm.s32 @!p0 $0x80;
	[sflag:s13] =	ssyncadd.s32 @!p4 $0xFFFFF000  }
0x6b: {  	[tilespmem:s14], [sflag:$0x1] =	stream.linear.gather @!p0 [hbm4b:s12+s10], $0x1000, $0x38;
	[tilespmem:$0x19720] =	vst v63  }
0x6c: {  	s12 =	simm.s32 @!p0 $0x1  }
0x6d: {  	[tilespmem:s10], [sflag:$0x1] =	stream.linear.gather @!p0 [hbm4b:s9+s10], $0x80, $0x38;
	[tilespmem:$0x19720] =	vst v63  }
0x6e: {  	_ =	swait.ge @!p0 [sflag:s12], $0x1000;
	p0 =	por p0, p0  }
0x6f: {  	[sflag:s12] =	ssyncset.done @!p0 $0x0  }
0x70: {  	[sflag:s12] =	ssyncadd.s32 @!p0 $0xFFFFF000  }
0x71: {  	_ =	swait.ge @!p0 [sflag:s12], $0x80  }
0x72: {  	[sflag:s12] =	ssyncset.done @!p0 $0x0  }
0x73: {  	s9 =	simm.s32 @!p0 $0x2;
	[sflag:s12] =	ssyncadd.s32 @!p0 $0xFFFFFF80  }
0x74: {  	[spmem:s2] =	stream.indirect.scatter.add.f32 @!p0 [tilespmem:s14], [sflag:$0x2], $0x20, s10, s14, $0xb8;
	[tilespmem:$0x19720] =	vst v63  }
.Ltmp8:
0x75: {  	_ =	swait.ge @!p0 [sflag:s9], $0x1000;
	(pc) =	sbr.rel @!p1 .LBB2_12-.Ltmp8, $3  }
0x76: {  	[sflag:s9] =	ssyncset.done @!p0 $0x0  }
0x77: {  	[sflag:s9] =	ssyncadd.s32 @!p0 $0xFFFFF000  }
0x78: {  	[bflag:$0x0] =	sbarrier.arrive $0xFFFF;
	_ =	sdelay $0x1  }
0x79: {  	s9 =	sshrl.u32 s8, $0x3;
	s10 =	rddreg [dreg:$0x4]  }
0x7a: {  	[hbm:s10], [sflag:s7] =	dma.local [spmem:s9], $0x30E0  }
.Ltmp9:
0x7b: {  	_ = 	snop;
	(pc) =	sbr.rel @p2 .LBB2_13-.Ltmp9, $4  }
.Ltmp10:
0x7c: {  	_ = 	snop;
	(pc) =	sbr.rel @!p2 .LBB2_11-.Ltmp10, $4  }
0x7d: {  	_ =	swait.ge [sflag:s0], $0x30E0  }
0x7e: {  	[sflag:s0] =	ssyncset.done $0x0  }
0x7f: {  	[sflag:s0] =	ssyncadd.s32 $0xFFFFCF20  }
0x80: {  	_ = 	snop  }
.LBB2_12:
.Ltmp11:
0x81: {  	(pc) =	sbr.rel @!p2 .LBB2_11-.Ltmp11, $1  }
0x82: {  	_ =	sdelay $0x3  }
.LBB2_13:
0x83: {  	s9 =	sshrl.u32 s31, $0x3;
	s10 =	rddreg [dreg:$0x5]  }
0x84: {  	[hbm:s10], [sflag:s7] =	dma.local [spmem:s9], $0x3020  }
0x85: {  	_ =	swait.ge [sflag:s0], $0x3020  }
0x86: {  	[sflag:s0] =	ssyncset.done $0x0  }
0x87: {  	[sflag:s0] =	ssyncadd.s32 $0xFFFFCFE0  }
.Ltmp12:
0x88: {  	[bflag:$0x0] =	sbarrier.arrive $0xFFFF;
	(pc) =	sbr.rel .LBB2_14-.Ltmp12, $2  }
0x89: {  	s26 =	sld [smem:$0x7FC];
	_ =	sdelay $0x2  }
0x8a: {  	p2 =	por $0x1, $0x1;
	p4 =	seq.s32 s26, $0x1  }
.LBB2_10:
0x8b: {  	[bflag:$0x0] =	sbarrier.arrive $0xFFFF  }
0x8c: {  	s7 =	sld [smem:$0x7FA];
	_ =	sdelay $0x2  }
0x8d: {  	p3 =	seq.s32 s7, $0x1  }
.LBB2_11:
0x8e: {  	[bflag:$0x0] =	sbarrier.arrive $0xFFFF;
	s7 =	simm.s32 @p5 $0x2  }
0x8f: {  	[spmem:s5], [sflag:s6] =	dma.local @p5 [hbm:s11], $0x30E0  }
0x90: {  	_ =	swait.ge @p5 [sflag:s7], $0x30E0  }
0x91: {  	s26 =	sld [smem:$0x7FC];
	_ =	sdelay $0x1  }
0x92: {  	p4 =	por @p5 $0x1, $0x1;
	p2 =	por @p5 $0x0, $0x0;
	p0 =	por $0x0, $0x0  }
0x93: {  	p2 =	por @!p5 p0, p0;
	[sflag:s7] =	ssyncset.done @p5 $0x0;
	p0 =	seq.s32 s26, $0x1  }
0x94: {  	[sflag:s7] =	ssyncadd.s32 @p5 $0xFFFFCF20;
	p4 =	por @!p5 p0, p0  }
.LBB2_14:
0x95: {  	p0 =	por !p3, !p4  }
0x96: {  	p3 =	por !p0, !p0  }
0x97: {  	s7 =	sshll.u32 @p3 s1, $0x6  }
0x98: {  	s15 =	sshrl.u32 @p3 s31, $0x3;
	s10 =	sor.u32 @p3 $0x1C02, s7;
	s7 =	simm.s32 @p3 $0x2  }
0x99: {  	[spmem:s15], [sflag:s10] =	dma.local @p3 [hbm:s4], $0x3020  }
.Ltmp13:
0x9a: {  	_ =	swait.ge @p3 [sflag:s7], $0x3020;
	(pc) =	sbr.rel @!p4 .LBB2_18-.Ltmp13, $4  }
0x9b: {  	[sflag:s7] =	ssyncset.done @p3 $0x0  }
0x9c: {  	s9 =	simm.s32 @!p4 $0x0;
	[sflag:s7] =	ssyncadd.s32 @p3 $0xFFFFCFE0  }
0x9d: {  	s9 =	simm.s32 @p4 $0x1;
	[bflag:$0x0] =	sbarrier.arrive $0xFFFF  }
0x9e: {  	[smem:$0x7F8] =	sst s9  }
0x9f: {  	s9 =	sadd.s32 $0x0, s1  }
0xa0: {  	p0 =	sgt.u32 s9, $0x1869  }
0xa1: {  	s16 =	rddreg [dreg:$0x13];
	s9 =	simm.s32 @!p0 $0x0;
	s13 =	simm.s32 @!p0 $0x80  }
0xa2: {  	[tilespmem:s13], [sflag:$0x1] =	stream.linear.gather @!p0 [hbm4b:s16+s9], $0x1000, $0x38;
	[tilespmem:$0x19720] =	vst v63  }
0xa3: {  	s14 =	simm.s32 @!p0 $0x1  }
0xa4: {  	[tilespmem:s9], [sflag:$0x1] =	stream.linear.gather @!p0 [hbm4b:s22+s9], $0x80, $0x38;
	[tilespmem:$0x19720] =	vst v63  }
0xa5: {  	_ =	swait.ge @!p0 [sflag:s14], $0x1000;
	p0 =	por p0, p0  }
0xa6: {  	[sflag:s14] =	ssyncset.done @!p0 $0x0  }
0xa7: {  	[sflag:s14] =	ssyncadd.s32 @!p0 $0xFFFFF000  }
0xa8: {  	_ =	swait.ge @!p0 [sflag:s14], $0x80  }
0xa9: {  	[sflag:s14] =	ssyncset.done @!p0 $0x0  }
0xaa: {  	s26 =	sadd.s32 $0x10, s1;
	[sflag:s14] =	ssyncadd.s32 @!p0 $0xFFFFFF80;
	s14 =	simm.s32 @!p0 $0x2  }
0xab: {  	[spmem:s2] =	stream.indirect.scatter.add.f32 @!p0 [tilespmem:s13], [sflag:$0x2], $0x20, s9, s13, $0xb8;
	[tilespmem:$0x19720] =	vst v63  }
0xac: {  	s12 =	simm.s32 $0x20;
	p6 =	sgt.u32 s26, $0x1869;
	_ =	swait.ge @!p0 [sflag:s14], $0x1000  }
0xad: {  	s9 =	sadd.s32 $0x100, s22;
	s13 =	sadd.s32 $0x2000, s16;
	[sflag:s14] =	ssyncset.done @!p0 $0x0  }
.LBB2_16:
0xae: {  	s16 =	simm.s32 @!p6 $0x0;
	s17 =	simm.s32 @!p6 $0x80;
	[sflag:s14] =	ssyncadd.s32 @!p0 $0xFFFFF000  }
0xaf: {  	[tilespmem:s17], [sflag:$0x1] =	stream.linear.gather @!p6 [hbm4b:s13+s16], $0x1000, $0x38;
	[tilespmem:$0x19720] =	vst v63  }
0xb0: {  	s14 =	simm.s32 @!p6 $0x1;
	s18 =	smov.u32 s12;
	s12 =	sadd.s32 $0x10, s12  }
0xb1: {  	[tilespmem:s16], [sflag:$0x1] =	stream.linear.gather @!p6 [hbm4b:s9+s16], $0x80, $0x38;
	[tilespmem:$0x19720] =	vst v63  }
0xb2: {  	p0 =	por p6, p6;
	p4 =	sne.s32 s12, $0x1870;
	_ =	swait.ge @!p6 [sflag:s14], $0x1000  }
0xb3: {  	[sflag:s14] =	ssyncset.done @!p0 $0x0  }
0xb4: {  	[sflag:s14] =	ssyncadd.s32 @!p0 $0xFFFFF000  }
0xb5: {  	_ =	swait.ge @!p0 [sflag:s14], $0x80  }
.Ltmp14:
0xb6: {  	[sflag:s14] =	ssyncset.done @!p0 $0x0;
	(pc) =	sbr.rel @p4 .LBB2_16-.Ltmp14, $4  }
0xb7: {  	[sflag:s14] =	ssyncadd.s32 @!p0 $0xFFFFFF80;
	s14 =	simm.s32 @!p0 $0x2  }
0xb8: {  	[spmem:s2] =	stream.indirect.scatter.add.f32 @!p0 [tilespmem:s17], [sflag:$0x2], $0x20, s16, s17, $0xb8;
	[tilespmem:$0x19720] =	vst v63  }
0xb9: {  	s9 =	sadd.s32 $0x100, s9;
	s16 =	sadd.s32 s18, s1;
	_ =	swait.ge @!p0 [sflag:s14], $0x1000  }
0xba: {  	s13 =	sadd.s32 $0x2000, s13;
	p6 =	sgt.u32 s16, $0x1869;
	[sflag:s14] =	ssyncset.done @!p0 $0x0  }
0xbb: {  	s12 =	simm.s32 @!p6 $0x0;
	s16 =	simm.s32 @!p6 $0x80;
	[sflag:s14] =	ssyncadd.s32 @!p0 $0xFFFFF000  }
0xbc: {  	[tilespmem:s16], [sflag:$0x1] =	stream.linear.gather @!p6 [hbm4b:s13+s12], $0x1000, $0x38;
	[tilespmem:$0x19720] =	vst v63  }
0xbd: {  	s13 =	simm.s32 @!p6 $0x1  }
0xbe: {  	[tilespmem:s12], [sflag:$0x1] =	stream.linear.gather @!p6 [hbm4b:s9+s12], $0x80, $0x38;
	[tilespmem:$0x19720] =	vst v63  }
0xbf: {  	p0 =	por p6, p6;
	_ =	swait.ge @!p6 [sflag:s13], $0x1000  }
0xc0: {  	[sflag:s13] =	ssyncset.done @!p0 $0x0  }
0xc1: {  	[sflag:s13] =	ssyncadd.s32 @!p0 $0xFFFFF000  }
0xc2: {  	_ =	swait.ge @!p0 [sflag:s13], $0x80  }
0xc3: {  	[sflag:s13] =	ssyncset.done @!p0 $0x0  }
0xc4: {  	s9 =	simm.s32 @!p0 $0x2;
	[sflag:s13] =	ssyncadd.s32 @!p0 $0xFFFFFF80  }
0xc5: {  	[spmem:s2] =	stream.indirect.scatter.add.f32 @!p0 [tilespmem:s16], [sflag:$0x2], $0x20, s12, s16, $0xb8;
	[tilespmem:$0x19720] =	vst v63  }
0xc6: {  	_ =	swait.ge @!p0 [sflag:s9], $0x1000  }
0xc7: {  	s26 =	sld [smem:$0x7F8];
	_ =	sdelay $0x1  }
0xc8: {  	[sflag:s9] =	ssyncset.done @!p0 $0x0  }
0xc9: {  	[sflag:s9] =	ssyncadd.s32 @!p0 $0xFFFFF000;
	p4 =	seq.s32 s26, $0x1  }
.LBB2_18:
0xca: {  	[bflag:$0x0] =	sbarrier.arrive $0xFFFF  }
0xcb: {  	s9 =	rddreg [dreg:$0x6]  }
0xcc: {  	[hbm:s9], [sflag:s6] =	dma.local @p5 [spmem:s5], $0x30E0  }
0xcd: {  	s9 =	simm.s32 @p5 $0x2  }
0xce: {  	_ =	swait.ge @p5 [sflag:s9], $0x30E0  }
0xcf: {  	[sflag:s9] =	ssyncset.done @p5 $0x0  }
0xd0: {  	[sflag:s9] =	ssyncadd.s32 @p5 $0xFFFFCF20;
	s9 =	rddreg [dreg:$0x7]  }
0xd1: {  	[hbm:s9], [sflag:s10] =	dma.local @p3 [spmem:s15], $0x3020  }
0xd2: {  	_ =	swait.ge @p3 [sflag:s7], $0x3020  }
0xd3: {  	[sflag:s7] =	ssyncset.done @p3 $0x0  }
0xd4: {  	s12 =	sshrl.u32 @p1 s8, $0x3;
	[sflag:s7] =	ssyncadd.s32 @p3 $0xFFFFCFE0;
	s7 =	sshll.u32 @p1 s1, $0x6  }
0xd5: {  	[bflag:$0x0] =	sbarrier.arrive $0xFFFF;
	s9 =	sor.u32 @p1 $0x1C02, s7;
	s7 =	simm.s32 @p1 $0x2  }
0xd6: {  	[spmem:s12], [sflag:s9] =	dma.local @p1 [hbm:s11], $0x30E0  }
0xd7: {  	s13 =	sshll.u32 @p2 s1, $0x6;
	_ =	swait.ge @p1 [sflag:s7], $0x30E0  }
0xd8: {  	s19 =	sor.u32 @p2 $0x1C02, s13;
	[sflag:s7] =	ssyncset.done @p1 $0x0  }
0xd9: {  	s13 =	simm.s32 @p2 $0x2;
	[sflag:s7] =	ssyncadd.s32 @p1 $0xFFFFCF20;
	s7 =	sshrl.u32 @p2 s31, $0x3  }
0xda: {  	[spmem:s7], [sflag:s19] =	dma.local @p2 [hbm:s4], $0x3020  }
0xdb: {  	_ =	swait.ge @p2 [sflag:s13], $0x3020  }
0xdc: {  	[sflag:s13] =	ssyncset.done @p2 $0x0  }
0xdd: {  	[sflag:s13] =	ssyncadd.s32 @p2 $0xFFFFCFE0  }
0xde: {  	[bflag:$0x0] =	sbarrier.arrive $0xFFFF  }
0xdf: {  	s26 =	sld [smem:$0x7FD];
	_ =	sdelay $0x2  }
0xe0: {  	p0 =	seq.s32 s26, $0x1  }
.Ltmp15:
0xe1: {  	_ = 	snop;
	(pc) =	sbr.rel @p0 .LBB2_19-.Ltmp15, $1  }
0xe2: {  	_ =	sdelay $0x3  }
0xe3: {  	s13 =	sadd.s32 $0x0, s1  }
0xe4: {  	p0 =	sgt.u32 s13, $0x1869  }
0xe5: {  	s18 =	rddreg [dreg:$0x14];
	s13 =	simm.s32 @!p0 $0x0;
	s16 =	simm.s32 @!p0 $0x80  }
0xe6: {  	[tilespmem:s16], [sflag:$0x1] =	stream.linear.gather @!p0 [hbm4b:s18+s13], $0x1000, $0x38;
	[tilespmem:$0x19720] =	vst v63  }
0xe7: {  	s17 =	simm.s32 @!p0 $0x1  }
0xe8: {  	[tilespmem:s13], [sflag:$0x1] =	stream.linear.gather @!p0 [hbm4b:s22+s13], $0x80, $0x38;
	[tilespmem:$0x19720] =	vst v63  }
0xe9: {  	_ =	swait.ge @!p0 [sflag:s17], $0x1000;
	p0 =	por p0, p0  }
0xea: {  	[sflag:s17] =	ssyncset.done @!p0 $0x0  }
0xeb: {  	[sflag:s17] =	ssyncadd.s32 @!p0 $0xFFFFF000  }
0xec: {  	_ =	swait.ge @!p0 [sflag:s17], $0x80  }
0xed: {  	[sflag:s17] =	ssyncset.done @!p0 $0x0  }
0xee: {  	s26 =	sadd.s32 $0x10, s1;
	[sflag:s17] =	ssyncadd.s32 @!p0 $0xFFFFFF80;
	s17 =	simm.s32 @!p0 $0x2  }
0xef: {  	[spmem:s2] =	stream.indirect.scatter.add.f32 @!p0 [tilespmem:s16], [sflag:$0x2], $0x20, s13, s16, $0xb8;
	[tilespmem:$0x19720] =	vst v63  }
0xf0: {  	s14 =	simm.s32 $0x20;
	p6 =	sgt.u32 s26, $0x1869;
	_ =	swait.ge @!p0 [sflag:s17], $0x1000  }
0xf1: {  	s13 =	sadd.s32 $0x100, s22;
	s16 =	sadd.s32 $0x2000, s18;
	[sflag:s17] =	ssyncset.done @!p0 $0x0  }
.LBB2_21:
0xf2: {  	s18 =	simm.s32 @!p6 $0x0;
	s20 =	simm.s32 @!p6 $0x80;
	[sflag:s17] =	ssyncadd.s32 @!p0 $0xFFFFF000  }
0xf3: {  	[tilespmem:s20], [sflag:$0x1] =	stream.linear.gather @!p6 [hbm4b:s16+s18], $0x1000, $0x38;
	[tilespmem:$0x19720] =	vst v63  }
0xf4: {  	s17 =	simm.s32 @!p6 $0x1;
	s21 =	smov.u32 s14;
	s14 =	sadd.s32 $0x10, s14  }
0xf5: {  	[tilespmem:s18], [sflag:$0x1] =	stream.linear.gather @!p6 [hbm4b:s13+s18], $0x80, $0x38;
	[tilespmem:$0x19720] =	vst v63  }
0xf6: {  	p0 =	por p6, p6;
	p4 =	sne.s32 s14, $0x1870;
	_ =	swait.ge @!p6 [sflag:s17], $0x1000  }
0xf7: {  	[sflag:s17] =	ssyncset.done @!p0 $0x0  }
0xf8: {  	[sflag:s17] =	ssyncadd.s32 @!p0 $0xFFFFF000  }
0xf9: {  	_ =	swait.ge @!p0 [sflag:s17], $0x80  }
.Ltmp16:
0xfa: {  	[sflag:s17] =	ssyncset.done @!p0 $0x0;
	(pc) =	sbr.rel @p4 .LBB2_21-.Ltmp16, $4  }
0xfb: {  	[sflag:s17] =	ssyncadd.s32 @!p0 $0xFFFFFF80;
	s17 =	simm.s32 @!p0 $0x2  }
0xfc: {  	[spmem:s2] =	stream.indirect.scatter.add.f32 @!p0 [tilespmem:s20], [sflag:$0x2], $0x20, s18, s20, $0xb8;
	[tilespmem:$0x19720] =	vst v63  }
0xfd: {  	s13 =	sadd.s32 $0x100, s13;
	s18 =	sadd.s32 s21, s1;
	_ =	swait.ge @!p0 [sflag:s17], $0x1000  }
0xfe: {  	s16 =	sadd.s32 $0x2000, s16;
	p6 =	sgt.u32 s18, $0x1869;
	[sflag:s17] =	ssyncset.done @!p0 $0x0  }
0xff: {  	s14 =	simm.s32 @!p6 $0x0;
	s18 =	simm.s32 @!p6 $0x80;
	[sflag:s17] =	ssyncadd.s32 @!p0 $0xFFFFF000  }
0x100: {  	[tilespmem:s18], [sflag:$0x1] =	stream.linear.gather @!p6 [hbm4b:s16+s14], $0x1000, $0x38;
	[tilespmem:$0x19720] =	vst v63  }
0x101: {  	s16 =	simm.s32 @!p6 $0x1  }
0x102: {  	[tilespmem:s14], [sflag:$0x1] =	stream.linear.gather @!p6 [hbm4b:s13+s14], $0x80, $0x38;
	[tilespmem:$0x19720] =	vst v63  }
0x103: {  	p0 =	por p6, p6;
	_ =	swait.ge @!p6 [sflag:s16], $0x1000  }
0x104: {  	[sflag:s16] =	ssyncset.done @!p0 $0x0  }
0x105: {  	[sflag:s16] =	ssyncadd.s32 @!p0 $0xFFFFF000  }
0x106: {  	_ =	swait.ge @!p0 [sflag:s16], $0x80  }
0x107: {  	[sflag:s16] =	ssyncset.done @!p0 $0x0  }
0x108: {  	s13 =	simm.s32 @!p0 $0x2;
	[sflag:s16] =	ssyncadd.s32 @!p0 $0xFFFFFF80  }
0x109: {  	[spmem:s2] =	stream.indirect.scatter.add.f32 @!p0 [tilespmem:s18], [sflag:$0x2], $0x20, s14, s18, $0xb8;
	[tilespmem:$0x19720] =	vst v63  }
0x10a: {  	_ =	swait.ge @!p0 [sflag:s13], $0x1000  }
0x10b: {  	[sflag:s13] =	ssyncset.done @!p0 $0x0  }
0x10c: {  	[sflag:s13] =	ssyncadd.s32 @!p0 $0xFFFFF000  }
0x10d: {  	[bflag:$0x0] =	sbarrier.arrive $0xFFFF  }
0x10e: {  	s13 =	rddreg [dreg:$0x8]  }
0x10f: {  	[hbm:s13], [sflag:s9] =	dma.local @p1 [spmem:s12], $0x30E0  }
0x110: {  	s13 =	simm.s32 @p1 $0x2  }
.Ltmp17:
0x111: {  	_ =	swait.ge @p1 [sflag:s13], $0x30E0;
	(pc) =	sbr.rel .LBB2_23-.Ltmp17, $3  }
0x112: {  	s26 =	sld [smem:$0x7F8];
	_ =	sdelay $0x1  }
0x113: {  	[sflag:s13] =	ssyncset.done @p1 $0x0  }
0x114: {  	[sflag:s13] =	ssyncadd.s32 @p1 $0xFFFFCF20;
	p4 =	seq.s32 s26, $0x1  }
.LBB2_19:
0x115: {  	[bflag:$0x0] =	sbarrier.arrive $0xFFFF  }
.LBB2_23:
0x116: {  	s13 =	rddreg [dreg:$0x9]  }
0x117: {  	[hbm:s13], [sflag:s19] =	dma.local @p2 [spmem:s7], $0x3020  }
0x118: {  	s13 =	simm.s32 @p2 $0x2  }
0x119: {  	_ =	swait.ge @p2 [sflag:s13], $0x3020  }
0x11a: {  	[sflag:s13] =	ssyncset.done @p2 $0x0  }
0x11b: {  	[sflag:s13] =	ssyncadd.s32 @p2 $0xFFFFCFE0  }
0x11c: {  	s14 =	simm.s32 @p5 $0x2;
	[bflag:$0x0] =	sbarrier.arrive $0xFFFF  }
0x11d: {  	[spmem:s5], [sflag:s6] =	dma.local @p5 [hbm:s11], $0x30E0  }
0x11e: {  	_ =	swait.ge @p5 [sflag:s14], $0x30E0  }
0x11f: {  	[sflag:s14] =	ssyncset.done @p5 $0x0  }
0x120: {  	s16 =	simm.s32 @p3 $0x2;
	[sflag:s14] =	ssyncadd.s32 @p5 $0xFFFFCF20  }
0x121: {  	[spmem:s15], [sflag:s10] =	dma.local @p3 [hbm:s4], $0x3020  }
.Ltmp18:
0x122: {  	_ =	swait.ge @p3 [sflag:s16], $0x3020;
	(pc) =	sbr.rel @!p4 .LBB2_27-.Ltmp18, $3  }
0x123: {  	[sflag:s16] =	ssyncset.done @p3 $0x0  }
0x124: {  	[sflag:s16] =	ssyncadd.s32 @p3 $0xFFFFCFE0  }
0x125: {  	[bflag:$0x0] =	sbarrier.arrive $0xFFFF;
	_ =	sdelay $0x1  }
0x126: {  	s17 =	sadd.s32 $0x0, s1  }
0x127: {  	p0 =	sgt.u32 s17, $0x1869  }
0x128: {  	s23 =	rddreg [dreg:$0x15];
	s17 =	simm.s32 @!p0 $0x0;
	s20 =	simm.s32 @!p0 $0x80  }
0x129: {  	[tilespmem:s20], [sflag:$0x1] =	stream.linear.gather @!p0 [hbm4b:s23+s17], $0x1000, $0x38;
	[tilespmem:$0x19720] =	vst v63  }
0x12a: {  	s21 =	simm.s32 @!p0 $0x1  }
0x12b: {  	[tilespmem:s17], [sflag:$0x1] =	stream.linear.gather @!p0 [hbm4b:s22+s17], $0x80, $0x38;
	[tilespmem:$0x19720] =	vst v63  }
0x12c: {  	_ =	swait.ge @!p0 [sflag:s21], $0x1000;
	p0 =	por p0, p0  }
0x12d: {  	[sflag:s21] =	ssyncset.done @!p0 $0x0  }
0x12e: {  	[sflag:s21] =	ssyncadd.s32 @!p0 $0xFFFFF000  }
0x12f: {  	_ =	swait.ge @!p0 [sflag:s21], $0x80  }
0x130: {  	[sflag:s21] =	ssyncset.done @!p0 $0x0  }
0x131: {  	s26 =	sadd.s32 $0x10, s1;
	[sflag:s21] =	ssyncadd.s32 @!p0 $0xFFFFFF80;
	s21 =	simm.s32 @!p0 $0x2  }
0x132: {  	[spmem:s2] =	stream.indirect.scatter.add.f32 @!p0 [tilespmem:s20], [sflag:$0x2], $0x20, s17, s20, $0xb8;
	[tilespmem:$0x19720] =	vst v63  }
0x133: {  	s18 =	simm.s32 $0x20;
	p6 =	sgt.u32 s26, $0x1869;
	_ =	swait.ge @!p0 [sflag:s21], $0x1000  }
0x134: {  	s17 =	sadd.s32 $0x100, s22;
	s20 =	sadd.s32 $0x2000, s23;
	[sflag:s21] =	ssyncset.done @!p0 $0x0  }
.LBB2_25:
0x135: {  	s23 =	simm.s32 @!p6 $0x0;
	s24 =	simm.s32 @!p6 $0x80;
	[sflag:s21] =	ssyncadd.s32 @!p0 $0xFFFFF000  }
0x136: {  	[tilespmem:s24], [sflag:$0x1] =	stream.linear.gather @!p6 [hbm4b:s20+s23], $0x1000, $0x38;
	[tilespmem:$0x19720] =	vst v63  }
0x137: {  	s21 =	simm.s32 @!p6 $0x1;
	s26 =	smov.u32 s18;
	s18 =	sadd.s32 $0x10, s18  }
0x138: {  	[tilespmem:s23], [sflag:$0x1] =	stream.linear.gather @!p6 [hbm4b:s17+s23], $0x80, $0x38;
	[tilespmem:$0x19720] =	vst v63  }
0x139: {  	p0 =	por p6, p6;
	p4 =	sne.s32 s18, $0x1870;
	_ =	swait.ge @!p6 [sflag:s21], $0x1000  }
0x13a: {  	[sflag:s21] =	ssyncset.done @!p0 $0x0  }
0x13b: {  	[sflag:s21] =	ssyncadd.s32 @!p0 $0xFFFFF000  }
0x13c: {  	_ =	swait.ge @!p0 [sflag:s21], $0x80  }
.Ltmp19:
0x13d: {  	[sflag:s21] =	ssyncset.done @!p0 $0x0;
	(pc) =	sbr.rel @p4 .LBB2_25-.Ltmp19, $4  }
0x13e: {  	[sflag:s21] =	ssyncadd.s32 @!p0 $0xFFFFFF80;
	s21 =	simm.s32 @!p0 $0x2  }
0x13f: {  	[spmem:s2] =	stream.indirect.scatter.add.f32 @!p0 [tilespmem:s24], [sflag:$0x2], $0x20, s23, s24, $0xb8;
	[tilespmem:$0x19720] =	vst v63  }
0x140: {  	s17 =	sadd.s32 $0x100, s17;
	s23 =	sadd.s32 s26, s1;
	_ =	swait.ge @!p0 [sflag:s21], $0x1000  }
0x141: {  	s20 =	sadd.s32 $0x2000, s20;
	p6 =	sgt.u32 s23, $0x1869;
	[sflag:s21] =	ssyncset.done @!p0 $0x0  }
0x142: {  	s18 =	simm.s32 @!p6 $0x0;
	s23 =	simm.s32 @!p6 $0x80;
	[sflag:s21] =	ssyncadd.s32 @!p0 $0xFFFFF000  }
0x143: {  	[tilespmem:s23], [sflag:$0x1] =	stream.linear.gather @!p6 [hbm4b:s20+s18], $0x1000, $0x38;
	[tilespmem:$0x19720] =	vst v63  }
0x144: {  	s20 =	simm.s32 @!p6 $0x1  }
0x145: {  	[tilespmem:s18], [sflag:$0x1] =	stream.linear.gather @!p6 [hbm4b:s17+s18], $0x80, $0x38;
	[tilespmem:$0x19720] =	vst v63  }
0x146: {  	p0 =	por p6, p6;
	_ =	swait.ge @!p6 [sflag:s20], $0x1000  }
0x147: {  	[sflag:s20] =	ssyncset.done @!p0 $0x0  }
0x148: {  	[sflag:s20] =	ssyncadd.s32 @!p0 $0xFFFFF000  }
0x149: {  	_ =	swait.ge @!p0 [sflag:s20], $0x80  }
0x14a: {  	[sflag:s20] =	ssyncset.done @!p0 $0x0  }
0x14b: {  	s17 =	simm.s32 @!p0 $0x2;
	[sflag:s20] =	ssyncadd.s32 @!p0 $0xFFFFFF80  }
0x14c: {  	[spmem:s2] =	stream.indirect.scatter.add.f32 @!p0 [tilespmem:s23], [sflag:$0x2], $0x20, s18, s23, $0xb8;
	[tilespmem:$0x19720] =	vst v63  }
0x14d: {  	_ =	swait.ge @!p0 [sflag:s17], $0x1000  }
0x14e: {  	s26 =	sld [smem:$0x7F8];
	_ =	sdelay $0x1  }
0x14f: {  	[sflag:s17] =	ssyncset.done @!p0 $0x0  }
0x150: {  	[sflag:s17] =	ssyncadd.s32 @!p0 $0xFFFFF000;
	p4 =	seq.s32 s26, $0x1  }
.LBB2_27:
0x151: {  	[bflag:$0x0] =	sbarrier.arrive $0xFFFF  }
0x152: {  	s17 =	rddreg [dreg:$0xa]  }
0x153: {  	[hbm:s17], [sflag:s6] =	dma.local @p5 [spmem:s5], $0x30E0  }
0x154: {  	_ =	swait.ge @p5 [sflag:s14], $0x30E0  }
0x155: {  	[sflag:s14] =	ssyncset.done @p5 $0x0  }
0x156: {  	[sflag:s14] =	ssyncadd.s32 @p5 $0xFFFFCF20;
	s14 =	rddreg [dreg:$0xb]  }
0x157: {  	[hbm:s14], [sflag:s10] =	dma.local @p3 [spmem:s15], $0x3020  }
0x158: {  	_ =	swait.ge @p3 [sflag:s16], $0x3020  }
0x159: {  	[sflag:s16] =	ssyncset.done @p3 $0x0  }
0x15a: {  	[sflag:s16] =	ssyncadd.s32 @p3 $0xFFFFCFE0  }
0x15b: {  	s14 =	simm.s32 @p1 $0x2;
	[bflag:$0x0] =	sbarrier.arrive $0xFFFF  }
0x15c: {  	[spmem:s12], [sflag:s9] =	dma.local @p1 [hbm:s11], $0x30E0  }
0x15d: {  	_ =	swait.ge @p1 [sflag:s14], $0x30E0  }
0x15e: {  	[sflag:s14] =	ssyncset.done @p1 $0x0  }
0x15f: {  	[sflag:s14] =	ssyncadd.s32 @p1 $0xFFFFCF20  }
0x160: {  	[spmem:s7], [sflag:s19] =	dma.local @p2 [hbm:s4], $0x3020  }
0x161: {  	_ =	swait.ge @p2 [sflag:s13], $0x3020  }
0x162: {  	[sflag:s13] =	ssyncset.done @p2 $0x0  }
0x163: {  	[sflag:s13] =	ssyncadd.s32 @p2 $0xFFFFCFE0  }
0x164: {  	[bflag:$0x0] =	sbarrier.arrive $0xFFFF  }
0x165: {  	s26 =	sld [smem:$0x7FD];
	_ =	sdelay $0x2  }
0x166: {  	p0 =	seq.s32 s26, $0x1  }
.Ltmp20:
0x167: {  	_ = 	snop;
	(pc) =	sbr.rel @p0 .LBB2_28-.Ltmp20, $1  }
0x168: {  	_ =	sdelay $0x3  }
0x169: {  	s13 =	sadd.s32 $0x0, s1  }
0x16a: {  	p0 =	sgt.u32 s13, $0x1869  }
0x16b: {  	s13 =	simm.s32 @!p0 $0x0;
	s16 =	simm.s32 @!p0 $0x80  }
0x16c: {  	[tilespmem:s16], [sflag:$0x1] =	stream.linear.gather @!p0 [hbm4b:s28+s13], $0x1000, $0x38;
	[tilespmem:$0x19720] =	vst v63  }
0x16d: {  	s17 =	simm.s32 @!p0 $0x1  }
0x16e: {  	[tilespmem:s13], [sflag:$0x1] =	stream.linear.gather @!p0 [hbm4b:s22+s13], $0x80, $0x38;
	[tilespmem:$0x19720] =	vst v63  }
0x16f: {  	_ =	swait.ge @!p0 [sflag:s17], $0x1000;
	p0 =	por p0, p0  }
0x170: {  	[sflag:s17] =	ssyncset.done @!p0 $0x0  }
0x171: {  	[sflag:s17] =	ssyncadd.s32 @!p0 $0xFFFFF000  }
0x172: {  	_ =	swait.ge @!p0 [sflag:s17], $0x80  }
0x173: {  	[sflag:s17] =	ssyncset.done @!p0 $0x0  }
0x174: {  	s26 =	sadd.s32 $0x10, s1;
	[sflag:s17] =	ssyncadd.s32 @!p0 $0xFFFFFF80;
	s17 =	simm.s32 @!p0 $0x2  }
0x175: {  	[spmem:s2] =	stream.indirect.scatter.add.f32 @!p0 [tilespmem:s16], [sflag:$0x2], $0x20, s13, s16, $0xb8;
	[tilespmem:$0x19720] =	vst v63  }
0x176: {  	s14 =	simm.s32 $0x20;
	p6 =	sgt.u32 s26, $0x1869;
	_ =	swait.ge @!p0 [sflag:s17], $0x1000  }
0x177: {  	s13 =	sadd.s32 $0x100, s22;
	s16 =	sadd.s32 $0x2000, s28;
	[sflag:s17] =	ssyncset.done @!p0 $0x0  }
.LBB2_30:
0x178: {  	s18 =	simm.s32 @!p6 $0x0;
	s20 =	simm.s32 @!p6 $0x80;
	[sflag:s17] =	ssyncadd.s32 @!p0 $0xFFFFF000  }
0x179: {  	[tilespmem:s20], [sflag:$0x1] =	stream.linear.gather @!p6 [hbm4b:s16+s18], $0x1000, $0x38;
	[tilespmem:$0x19720] =	vst v63  }
0x17a: {  	s17 =	simm.s32 @!p6 $0x1;
	s21 =	smov.u32 s14;
	s14 =	sadd.s32 $0x10, s14  }
0x17b: {  	[tilespmem:s18], [sflag:$0x1] =	stream.linear.gather @!p6 [hbm4b:s13+s18], $0x80, $0x38;
	[tilespmem:$0x19720] =	vst v63  }
0x17c: {  	p0 =	por p6, p6;
	p4 =	sne.s32 s14, $0x1870;
	_ =	swait.ge @!p6 [sflag:s17], $0x1000  }
0x17d: {  	[sflag:s17] =	ssyncset.done @!p0 $0x0  }
0x17e: {  	[sflag:s17] =	ssyncadd.s32 @!p0 $0xFFFFF000  }
0x17f: {  	_ =	swait.ge @!p0 [sflag:s17], $0x80  }
.Ltmp21:
0x180: {  	[sflag:s17] =	ssyncset.done @!p0 $0x0;
	(pc) =	sbr.rel @p4 .LBB2_30-.Ltmp21, $4  }
0x181: {  	[sflag:s17] =	ssyncadd.s32 @!p0 $0xFFFFFF80;
	s17 =	simm.s32 @!p0 $0x2  }
0x182: {  	[spmem:s2] =	stream.indirect.scatter.add.f32 @!p0 [tilespmem:s20], [sflag:$0x2], $0x20, s18, s20, $0xb8;
	[tilespmem:$0x19720] =	vst v63  }
0x183: {  	s13 =	sadd.s32 $0x100, s13;
	s18 =	sadd.s32 s21, s1;
	_ =	swait.ge @!p0 [sflag:s17], $0x1000  }
0x184: {  	s16 =	sadd.s32 $0x2000, s16;
	p6 =	sgt.u32 s18, $0x1869;
	[sflag:s17] =	ssyncset.done @!p0 $0x0  }
0x185: {  	s14 =	simm.s32 @!p6 $0x0;
	s18 =	simm.s32 @!p6 $0x80;
	[sflag:s17] =	ssyncadd.s32 @!p0 $0xFFFFF000  }
0x186: {  	[tilespmem:s18], [sflag:$0x1] =	stream.linear.gather @!p6 [hbm4b:s16+s14], $0x1000, $0x38;
	[tilespmem:$0x19720] =	vst v63  }
0x187: {  	s16 =	simm.s32 @!p6 $0x1  }
0x188: {  	[tilespmem:s14], [sflag:$0x1] =	stream.linear.gather @!p6 [hbm4b:s13+s14], $0x80, $0x38;
	[tilespmem:$0x19720] =	vst v63  }
0x189: {  	p0 =	por p6, p6;
	_ =	swait.ge @!p6 [sflag:s16], $0x1000  }
0x18a: {  	[sflag:s16] =	ssyncset.done @!p0 $0x0  }
0x18b: {  	[sflag:s16] =	ssyncadd.s32 @!p0 $0xFFFFF000  }
0x18c: {  	_ =	swait.ge @!p0 [sflag:s16], $0x80  }
0x18d: {  	[sflag:s16] =	ssyncset.done @!p0 $0x0  }
0x18e: {  	s13 =	simm.s32 @!p0 $0x2;
	[sflag:s16] =	ssyncadd.s32 @!p0 $0xFFFFFF80  }
0x18f: {  	[spmem:s2] =	stream.indirect.scatter.add.f32 @!p0 [tilespmem:s18], [sflag:$0x2], $0x20, s14, s18, $0xb8;
	[tilespmem:$0x19720] =	vst v63  }
0x190: {  	_ =	swait.ge @!p0 [sflag:s13], $0x1000  }
0x191: {  	[sflag:s13] =	ssyncset.done @!p0 $0x0  }
0x192: {  	[sflag:s13] =	ssyncadd.s32 @!p0 $0xFFFFF000  }
0x193: {  	[bflag:$0x0] =	sbarrier.arrive $0xFFFF  }
0x194: {  	s13 =	rddreg [dreg:$0xc]  }
0x195: {  	[hbm:s13], [sflag:s9] =	dma.local @p1 [spmem:s12], $0x30E0  }
0x196: {  	s13 =	simm.s32 @p1 $0x2  }
.Ltmp22:
0x197: {  	_ =	swait.ge @p1 [sflag:s13], $0x30E0;
	(pc) =	sbr.rel .LBB2_32-.Ltmp22, $3  }
0x198: {  	s26 =	sld [smem:$0x7F8];
	_ =	sdelay $0x1  }
0x199: {  	[sflag:s13] =	ssyncset.done @p1 $0x0  }
0x19a: {  	[sflag:s13] =	ssyncadd.s32 @p1 $0xFFFFCF20;
	p4 =	seq.s32 s26, $0x1  }
.LBB2_28:
0x19b: {  	[bflag:$0x0] =	sbarrier.arrive $0xFFFF  }
.LBB2_32:
0x19c: {  	s13 =	rddreg [dreg:$0xd]  }
0x19d: {  	[hbm:s13], [sflag:s19] =	dma.local @p2 [spmem:s7], $0x3020  }
0x19e: {  	s13 =	simm.s32 @p2 $0x2  }
0x19f: {  	_ =	swait.ge @p2 [sflag:s13], $0x3020  }
0x1a0: {  	[sflag:s13] =	ssyncset.done @p2 $0x0  }
0x1a1: {  	[sflag:s13] =	ssyncadd.s32 @p2 $0xFFFFCFE0  }
0x1a2: {  	s14 =	simm.s32 @p5 $0x2;
	[bflag:$0x0] =	sbarrier.arrive $0xFFFF  }
0x1a3: {  	[spmem:s5], [sflag:s6] =	dma.local @p5 [hbm:s11], $0x30E0  }
0x1a4: {  	_ =	swait.ge @p5 [sflag:s14], $0x30E0  }
0x1a5: {  	[sflag:s14] =	ssyncset.done @p5 $0x0  }
0x1a6: {  	s16 =	simm.s32 @p3 $0x2;
	[sflag:s14] =	ssyncadd.s32 @p5 $0xFFFFCF20  }
0x1a7: {  	[spmem:s15], [sflag:s10] =	dma.local @p3 [hbm:s4], $0x3020  }
.Ltmp23:
0x1a8: {  	_ =	swait.ge @p3 [sflag:s16], $0x3020;
	(pc) =	sbr.rel @!p4 .LBB2_36-.Ltmp23, $3  }
0x1a9: {  	[sflag:s16] =	ssyncset.done @p3 $0x0  }
0x1aa: {  	[sflag:s16] =	ssyncadd.s32 @p3 $0xFFFFCFE0  }
0x1ab: {  	[bflag:$0x0] =	sbarrier.arrive $0xFFFF;
	_ =	sdelay $0x1  }
0x1ac: {  	s17 =	sadd.s32 $0x0, s1  }
0x1ad: {  	p0 =	sgt.u32 s17, $0x1869  }
0x1ae: {  	s17 =	simm.s32 @!p0 $0x0;
	s20 =	simm.s32 @!p0 $0x80  }
0x1af: {  	[tilespmem:s20], [sflag:$0x1] =	stream.linear.gather @!p0 [hbm4b:s29+s17], $0x1000, $0x38;
	[tilespmem:$0x19720] =	vst v63  }
0x1b0: {  	s21 =	simm.s32 @!p0 $0x1  }
0x1b1: {  	[tilespmem:s17], [sflag:$0x1] =	stream.linear.gather @!p0 [hbm4b:s22+s17], $0x80, $0x38;
	[tilespmem:$0x19720] =	vst v63  }
0x1b2: {  	_ =	swait.ge @!p0 [sflag:s21], $0x1000;
	p0 =	por p0, p0  }
0x1b3: {  	[sflag:s21] =	ssyncset.done @!p0 $0x0  }
0x1b4: {  	[sflag:s21] =	ssyncadd.s32 @!p0 $0xFFFFF000  }
0x1b5: {  	_ =	swait.ge @!p0 [sflag:s21], $0x80  }
0x1b6: {  	[sflag:s21] =	ssyncset.done @!p0 $0x0  }
0x1b7: {  	s26 =	sadd.s32 $0x10, s1;
	[sflag:s21] =	ssyncadd.s32 @!p0 $0xFFFFFF80;
	s21 =	simm.s32 @!p0 $0x2  }
0x1b8: {  	[spmem:s2] =	stream.indirect.scatter.add.f32 @!p0 [tilespmem:s20], [sflag:$0x2], $0x20, s17, s20, $0xb8;
	[tilespmem:$0x19720] =	vst v63  }
0x1b9: {  	s18 =	simm.s32 $0x20;
	p4 =	sgt.u32 s26, $0x1869;
	_ =	swait.ge @!p0 [sflag:s21], $0x1000  }
0x1ba: {  	s17 =	sadd.s32 $0x100, s22;
	s20 =	sadd.s32 $0x2000, s29;
	[sflag:s21] =	ssyncset.done @!p0 $0x0  }
.LBB2_34:
0x1bb: {  	s23 =	simm.s32 @!p4 $0x0;
	s24 =	simm.s32 @!p4 $0x80;
	[sflag:s21] =	ssyncadd.s32 @!p0 $0xFFFFF000  }
0x1bc: {  	[tilespmem:s24], [sflag:$0x1] =	stream.linear.gather @!p4 [hbm4b:s20+s23], $0x1000, $0x38;
	[tilespmem:$0x19720] =	vst v63  }
0x1bd: {  	s21 =	simm.s32 @!p4 $0x1;
	s26 =	smov.u32 s18;
	s18 =	sadd.s32 $0x10, s18  }
0x1be: {  	[tilespmem:s23], [sflag:$0x1] =	stream.linear.gather @!p4 [hbm4b:s17+s23], $0x80, $0x38;
	[tilespmem:$0x19720] =	vst v63  }
0x1bf: {  	p0 =	por p4, p4;
	p6 =	sne.s32 s18, $0x1870;
	_ =	swait.ge @!p4 [sflag:s21], $0x1000  }
0x1c0: {  	[sflag:s21] =	ssyncset.done @!p0 $0x0  }
0x1c1: {  	[sflag:s21] =	ssyncadd.s32 @!p0 $0xFFFFF000  }
0x1c2: {  	_ =	swait.ge @!p0 [sflag:s21], $0x80  }
.Ltmp24:
0x1c3: {  	[sflag:s21] =	ssyncset.done @!p0 $0x0;
	(pc) =	sbr.rel @p6 .LBB2_34-.Ltmp24, $4  }
0x1c4: {  	[sflag:s21] =	ssyncadd.s32 @!p0 $0xFFFFFF80;
	s21 =	simm.s32 @!p0 $0x2  }
0x1c5: {  	[spmem:s2] =	stream.indirect.scatter.add.f32 @!p0 [tilespmem:s24], [sflag:$0x2], $0x20, s23, s24, $0xb8;
	[tilespmem:$0x19720] =	vst v63  }
0x1c6: {  	s17 =	sadd.s32 $0x100, s17;
	s23 =	sadd.s32 s26, s1;
	_ =	swait.ge @!p0 [sflag:s21], $0x1000  }
0x1c7: {  	s20 =	sadd.s32 $0x2000, s20;
	p4 =	sgt.u32 s23, $0x1869;
	[sflag:s21] =	ssyncset.done @!p0 $0x0  }
0x1c8: {  	s18 =	simm.s32 @!p4 $0x0;
	s23 =	simm.s32 @!p4 $0x80;
	[sflag:s21] =	ssyncadd.s32 @!p0 $0xFFFFF000  }
0x1c9: {  	[tilespmem:s23], [sflag:$0x1] =	stream.linear.gather @!p4 [hbm4b:s20+s18], $0x1000, $0x38;
	[tilespmem:$0x19720] =	vst v63  }
0x1ca: {  	s20 =	simm.s32 @!p4 $0x1  }
0x1cb: {  	[tilespmem:s18], [sflag:$0x1] =	stream.linear.gather @!p4 [hbm4b:s17+s18], $0x80, $0x38;
	[tilespmem:$0x19720] =	vst v63  }
0x1cc: {  	p0 =	por p4, p4;
	_ =	swait.ge @!p4 [sflag:s20], $0x1000  }
0x1cd: {  	[sflag:s20] =	ssyncset.done @!p0 $0x0  }
0x1ce: {  	[sflag:s20] =	ssyncadd.s32 @!p0 $0xFFFFF000  }
0x1cf: {  	_ =	swait.ge @!p0 [sflag:s20], $0x80  }
0x1d0: {  	[sflag:s20] =	ssyncset.done @!p0 $0x0  }
0x1d1: {  	s17 =	simm.s32 @!p0 $0x2;
	[sflag:s20] =	ssyncadd.s32 @!p0 $0xFFFFFF80  }
0x1d2: {  	[spmem:s2] =	stream.indirect.scatter.add.f32 @!p0 [tilespmem:s23], [sflag:$0x2], $0x20, s18, s23, $0xb8;
	[tilespmem:$0x19720] =	vst v63  }
0x1d3: {  	_ =	swait.ge @!p0 [sflag:s17], $0x1000  }
0x1d4: {  	[sflag:s17] =	ssyncset.done @!p0 $0x0  }
0x1d5: {  	[sflag:s17] =	ssyncadd.s32 @!p0 $0xFFFFF000  }
.LBB2_36:
0x1d6: {  	[bflag:$0x0] =	sbarrier.arrive $0xFFFF  }
0x1d7: {  	s17 =	rddreg [dreg:$0xe]  }
0x1d8: {  	[hbm:s17], [sflag:s6] =	dma.local @p5 [spmem:s5], $0x30E0  }
0x1d9: {  	_ =	swait.ge @p5 [sflag:s14], $0x30E0  }
0x1da: {  	[sflag:s14] =	ssyncset.done @p5 $0x0  }
0x1db: {  	s5 =	rddreg [dreg:$0xf];
	[sflag:s14] =	ssyncadd.s32 @p5 $0xFFFFCF20  }
0x1dc: {  	[hbm:s5], [sflag:s10] =	dma.local @p3 [spmem:s15], $0x3020  }
0x1dd: {  	_ =	swait.ge @p3 [sflag:s16], $0x3020  }
0x1de: {  	[sflag:s16] =	ssyncset.done @p3 $0x0  }
0x1df: {  	[sflag:s16] =	ssyncadd.s32 @p3 $0xFFFFCFE0  }
0x1e0: {  	s5 =	simm.s32 @p1 $0x2;
	[bflag:$0x0] =	sbarrier.arrive $0xFFFF  }
0x1e1: {  	[spmem:s12], [sflag:s9] =	dma.local @p1 [hbm:s11], $0x30E0  }
0x1e2: {  	_ =	swait.ge @p1 [sflag:s5], $0x30E0  }
0x1e3: {  	[sflag:s5] =	ssyncset.done @p1 $0x0  }
0x1e4: {  	[sflag:s5] =	ssyncadd.s32 @p1 $0xFFFFCF20  }
0x1e5: {  	[spmem:s7], [sflag:s19] =	dma.local @p2 [hbm:s4], $0x3020  }
0x1e6: {  	_ =	swait.ge @p2 [sflag:s13], $0x3020  }
0x1e7: {  	[sflag:s13] =	ssyncset.done @p2 $0x0  }
0x1e8: {  	[sflag:s13] =	ssyncadd.s32 @p2 $0xFFFFCFE0  }
0x1e9: {  	[bflag:$0x0] =	sbarrier.arrive $0xFFFF  }
0x1ea: {  	s26 =	sld [smem:$0x7FD];
	_ =	sdelay $0x2  }
0x1eb: {  	p0 =	seq.s32 s26, $0x1  }
.Ltmp25:
0x1ec: {  	_ = 	snop;
	(pc) =	sbr.rel @p0 .LBB2_37-.Ltmp25, $1  }
0x1ed: {  	_ =	sdelay $0x3  }
0x1ee: {  	s5 =	sadd.s32 $0x0, s1  }
0x1ef: {  	p0 =	sgt.u32 s5, $0x1869  }
0x1f0: {  	s5 =	simm.s32 @!p0 $0x0;
	s10 =	simm.s32 @!p0 $0x80  }
0x1f1: {  	[tilespmem:s10], [sflag:$0x1] =	stream.linear.gather @!p0 [hbm4b:s30+s5], $0x1000, $0x38;
	[tilespmem:$0x19720] =	vst v63  }
0x1f2: {  	s13 =	simm.s32 @!p0 $0x1  }
0x1f3: {  	[tilespmem:s5], [sflag:$0x1] =	stream.linear.gather @!p0 [hbm4b:s22+s5], $0x80, $0x38;
	[tilespmem:$0x19720] =	vst v63  }
0x1f4: {  	_ =	swait.ge @!p0 [sflag:s13], $0x1000;
	p0 =	por p0, p0  }
0x1f5: {  	[sflag:s13] =	ssyncset.done @!p0 $0x0  }
0x1f6: {  	[sflag:s13] =	ssyncadd.s32 @!p0 $0xFFFFF000  }
0x1f7: {  	_ =	swait.ge @!p0 [sflag:s13], $0x80  }
0x1f8: {  	[sflag:s13] =	ssyncset.done @!p0 $0x0  }
0x1f9: {  	s26 =	sadd.s32 $0x10, s1;
	[sflag:s13] =	ssyncadd.s32 @!p0 $0xFFFFFF80;
	s13 =	simm.s32 @!p0 $0x2  }
0x1fa: {  	[spmem:s2] =	stream.indirect.scatter.add.f32 @!p0 [tilespmem:s10], [sflag:$0x2], $0x20, s5, s10, $0xb8;
	[tilespmem:$0x19720] =	vst v63  }
0x1fb: {  	s6 =	simm.s32 $0x20;
	p3 =	sgt.u32 s26, $0x1869;
	_ =	swait.ge @!p0 [sflag:s13], $0x1000  }
0x1fc: {  	s5 =	sadd.s32 $0x100, s22;
	s10 =	sadd.s32 $0x2000, s30;
	[sflag:s13] =	ssyncset.done @!p0 $0x0  }
.LBB2_39:
0x1fd: {  	s14 =	simm.s32 @!p3 $0x0;
	s15 =	simm.s32 @!p3 $0x80;
	[sflag:s13] =	ssyncadd.s32 @!p0 $0xFFFFF000  }
0x1fe: {  	[tilespmem:s15], [sflag:$0x1] =	stream.linear.gather @!p3 [hbm4b:s10+s14], $0x1000, $0x38;
	[tilespmem:$0x19720] =	vst v63  }
0x1ff: {  	s13 =	simm.s32 @!p3 $0x1;
	s16 =	smov.u32 s6;
	s6 =	sadd.s32 $0x10, s6  }
0x200: {  	[tilespmem:s14], [sflag:$0x1] =	stream.linear.gather @!p3 [hbm4b:s5+s14], $0x80, $0x38;
	[tilespmem:$0x19720] =	vst v63  }
0x201: {  	p0 =	por p3, p3;
	p4 =	sne.s32 s6, $0x1870;
	_ =	swait.ge @!p3 [sflag:s13], $0x1000  }
0x202: {  	[sflag:s13] =	ssyncset.done @!p0 $0x0  }
0x203: {  	[sflag:s13] =	ssyncadd.s32 @!p0 $0xFFFFF000  }
0x204: {  	_ =	swait.ge @!p0 [sflag:s13], $0x80  }
.Ltmp26:
0x205: {  	[sflag:s13] =	ssyncset.done @!p0 $0x0;
	(pc) =	sbr.rel @p4 .LBB2_39-.Ltmp26, $4  }
0x206: {  	[sflag:s13] =	ssyncadd.s32 @!p0 $0xFFFFFF80;
	s13 =	simm.s32 @!p0 $0x2  }
0x207: {  	[spmem:s2] =	stream.indirect.scatter.add.f32 @!p0 [tilespmem:s15], [sflag:$0x2], $0x20, s14, s15, $0xb8;
	[tilespmem:$0x19720] =	vst v63  }
0x208: {  	s5 =	sadd.s32 $0x100, s5;
	s14 =	sadd.s32 s16, s1;
	_ =	swait.ge @!p0 [sflag:s13], $0x1000  }
0x209: {  	s10 =	sadd.s32 $0x2000, s10;
	p3 =	sgt.u32 s14, $0x1869;
	[sflag:s13] =	ssyncset.done @!p0 $0x0  }
0x20a: {  	s6 =	simm.s32 @!p3 $0x0;
	s14 =	simm.s32 @!p3 $0x80;
	[sflag:s13] =	ssyncadd.s32 @!p0 $0xFFFFF000  }
0x20b: {  	[tilespmem:s14], [sflag:$0x1] =	stream.linear.gather @!p3 [hbm4b:s10+s6], $0x1000, $0x38;
	[tilespmem:$0x19720] =	vst v63  }
0x20c: {  	s10 =	simm.s32 @!p3 $0x1  }
0x20d: {  	[tilespmem:s6], [sflag:$0x1] =	stream.linear.gather @!p3 [hbm4b:s5+s6], $0x80, $0x38;
	[tilespmem:$0x19720] =	vst v63  }
0x20e: {  	p0 =	por p3, p3;
	_ =	swait.ge @!p3 [sflag:s10], $0x1000  }
0x20f: {  	[sflag:s10] =	ssyncset.done @!p0 $0x0  }
0x210: {  	[sflag:s10] =	ssyncadd.s32 @!p0 $0xFFFFF000  }
0x211: {  	_ =	swait.ge @!p0 [sflag:s10], $0x80  }
0x212: {  	[sflag:s10] =	ssyncset.done @!p0 $0x0  }
0x213: {  	s5 =	simm.s32 @!p0 $0x2;
	[sflag:s10] =	ssyncadd.s32 @!p0 $0xFFFFFF80  }
0x214: {  	[spmem:s2] =	stream.indirect.scatter.add.f32 @!p0 [tilespmem:s14], [sflag:$0x2], $0x20, s6, s14, $0xb8;
	[tilespmem:$0x19720] =	vst v63  }
0x215: {  	_ =	swait.ge @!p0 [sflag:s5], $0x1000  }
0x216: {  	[sflag:s5] =	ssyncset.done @!p0 $0x0  }
0x217: {  	[sflag:s5] =	ssyncadd.s32 @!p0 $0xFFFFF000  }
0x218: {  	[bflag:$0x0] =	sbarrier.arrive $0xFFFF  }
0x219: {  	s5 =	rddreg [dreg:$0x10]  }
0x21a: {  	[hbm:s5], [sflag:s9] =	dma.local @p1 [spmem:s12], $0x30E0  }
.Ltmp27:
0x21b: {  	_ = 	snop;
	(pc) =	sbr.rel .LBB2_41-.Ltmp27, $4  }
0x21c: {  	s5 =	simm.s32 @p1 $0x2  }
0x21d: {  	_ =	swait.ge @p1 [sflag:s5], $0x30E0  }
0x21e: {  	[sflag:s5] =	ssyncset.done @p1 $0x0  }
0x21f: {  	[sflag:s5] =	ssyncadd.s32 @p1 $0xFFFFCF20  }
.LBB2_42:
0x220: {  	_ =	sfence.sel $0x180000  }
0x221: {  	[bflag:$0x0] =	sbarrier.arrive $0xFFFF  }
0x222: {  	_ =	strace $0x90000050  }
0x223: {  	[bflag:$0x2] =	sbarrier.arrive $0xFFFF  }
0x224: {  	p0 =	sne.s32 s1, $0x0;
	s0 =	rddreg [dreg:$0x3]  }
0x225: {  	s0 =	sadd.s32 @!p0 $0x100000, s0  }
0x226: {  	[sflag:s0] =	ssyncadd.tile.s32 @!p0 $0x1;
	_ =	shalt  }
.Lfunc_end2:
_tile_overlayer_lowered:
.L_overlay_start_2:
0x227: {  	(tag) =	ssettag $0x2  }
0x228: {  	s0 =	rddreg [dreg:$0x0];
	s2 =	stileid.u32  }
0x229: {  	s1 =	rddreg [dreg:$0x1];
	p0 =	sne.s32 s2, $0x0  }
0x22a: {  	s3 =	rddreg [dreg:$0x2];
	[bflag:$0x3] =	sbarrier.arrive $0xFFFF;
	s2 =	simm.s32 @!p0 $0x1C02  }
0x22b: {  	[timem:s3], [sflag:s2] =	dma.local @!p0 [hbm:s0], s1  }
0x22c: {  	s0 =	simm.s32 @!p0 $0x2  }
0x22d: {  	_ =	swait.ge @!p0 [sflag:s0], s1  }
0x22e: {  	s1 =	ssub.s32 @!p0 $0x0, s1;
	[sflag:s0] =	ssyncset.done @!p0 $0x0  }
0x22f: {  	[sflag:s0] =	ssyncadd.s32 @!p0 s1  }
0x230: {  	[bflag:$0x3] =	sbarrier.arrive $0xFFFF  }
0x231: {  	_ =	shalt  }

</sc_bundles>
